<compile_context>
chip_gen: v7x
topology: tpu7x:2x2x1
jax: 0.10.2.dev20260603
libtpu: 0.0.44.dev20260713+nightly
codegen_flags: <defaults>
</compile_context>

<pallas_src>
import jax
import jax.numpy as jnp
from jax import lax
from jax.experimental import pallas as pl
from jax.experimental.pallas import tpu as pltpu
from jax.experimental.pallas import tpu_sc as plsc

_H = 768
_F = 1536
_E = 8
_T = 2048
_P = 2 * _T
_BM = 256
_PPAD = _P + _E * _BM
_NB = _PPAD // _BM

_NC = 2
_NS = 16
_NW = _NC * _NS
_L = 16

_HW = _H // 2
_RPW = _PPAD // _NW
_GCH = 64
_TPW = _T // _NW
_TCH = 16


def _router_body(x_ref, gwt_ref, topi_ref, topw_ref, xp_ref):
    x = x_ref[...]
    gwt = gwt_ref[...]
    logits = jnp.dot(x, gwt, preferred_element_type=jnp.float32)
    iota = lax.broadcasted_iota(jnp.int32, logits.shape, 1)
    m1 = jnp.max(logits, axis=1, keepdims=True)
    i1 = jnp.min(jnp.where(logits == m1, iota, _E), axis=1, keepdims=True)
    l2 = jnp.where(iota == i1, -jnp.inf, logits)
    m2 = jnp.max(l2, axis=1, keepdims=True)
    i2 = jnp.min(jnp.where(l2 == m2, iota, _E), axis=1, keepdims=True)
    t = jnp.exp(m2 - m1)
    wa = 1.0 / (1.0 + t)
    wb = t / (1.0 + t)
    topi_ref[...] = jnp.concatenate([i1, i2], axis=1)
    topw_ref[...] = jnp.concatenate([wa, wb], axis=1)
    xb = x.astype(jnp.bfloat16)
    plo = lax.bitcast_convert_type(xb[:, :_HW], jnp.uint16).astype(jnp.uint32)
    phi = lax.bitcast_convert_type(xb[:, _HW:], jnp.uint16).astype(jnp.uint32)
    xp_ref[...] = pltpu.bitcast((phi << 16) | plo, jnp.int32)


def _gemm_body(be_ref, xs_ref, w1_ref, w2_ref, ys_ref):
    xi = pltpu.bitcast(xs_ref[...], jnp.uint32)
    lo = lax.bitcast_convert_type((xi & 0xFFFF).astype(jnp.uint16),
                                  jnp.bfloat16)
    hi = lax.bitcast_convert_type((xi >> 16).astype(jnp.uint16),
                                  jnp.bfloat16)
    xb = jnp.concatenate([lo, hi], axis=1)
    dn = (((1,), (1,)), ((), ()))
    h = lax.dot_general(xb, w1_ref[0].astype(jnp.bfloat16), dn,
                        preferred_element_type=jnp.float32)
    h = (h * jax.nn.sigmoid(h)).astype(jnp.bfloat16)
    o = lax.dot_general(h, w2_ref[0].astype(jnp.bfloat16), dn,
                        preferred_element_type=jnp.float32)
    ys_ref[...] = o


_SC_MESH = plsc.VectorSubcoreMesh(core_axis_name="c", subcore_axis_name="s")


def _dispatch_body(x_hbm, pe_hbm, po_hbm, xs_hbm, idx_e, idx_o, rows_v,
                   gs, se0, se1):
    wid = lax.axis_index("s") * _NC + lax.axis_index("c")
    tb = wid * _TPW
    pltpu.sync_copy(pe_hbm.at[pl.ds(tb, _TPW)], idx_e)
    pltpu.sync_copy(po_hbm.at[pl.ds(tb, _TPW)], idx_o)
    g = pltpu.async_copy(x_hbm.at[pl.ds(tb, _TPW)], rows_v, gs)
    g.wait()
    s0 = pltpu.async_copy(rows_v, xs_hbm.at[idx_e], se0)
    s1 = pltpu.async_copy(rows_v, xs_hbm.at[idx_o], se1)
    s0.wait()
    s1.wait()


def _weighted_pair_add(rows, out, wv, poff, n_tok):
    def tok(t, carry):
        wa = wv[poff + 2 * t, :]
        wb = wv[poff + 2 * t + 1, :]
        for j in range(_H // _L):
            sl = pl.ds(j * _L, _L)
            out[t, sl] = wa * rows[2 * t, sl] + wb * rows[2 * t + 1, sl]
        return carry

    lax.fori_loop(0, n_tok, tok, 0)


def _combine_body(ys_hbm, pos_hbm, wsp_hbm, out_hbm, idx_v, wv_v,
                  rows0, rows1, out0, out1, gs0, gs1, ss0, ss1):
    wid = lax.axis_index("s") * _NC + lax.axis_index("c")
    tbase = wid * _TPW
    pltpu.sync_copy(pos_hbm.at[pl.ds(2 * tbase, 2 * _TPW)], idx_v)
    pltpu.sync_copy(wsp_hbm.at[pl.ds(2 * tbase, 2 * _TPW)], wv_v)
    rows = [rows0, rows1]
    outs = [out0, out1]
    gsems = [gs0, gs1]
    ssems = [ss0, ss1]
    nch = _TPW // _TCH
    gathers = {}
    stores = {}
    for c in range(2):
        gathers[c] = pltpu.async_copy(
            ys_hbm.at[idx_v.at[pl.ds(c * 2 * _TCH, 2 * _TCH)]],
            rows[c], gsems[c])
    for c in range(nch):
        b = c % 2
        gathers[c].wait()
        if c >= 2:
            stores[c - 2].wait()
        _weighted_pair_add(rows[b], outs[b], wv_v, c * 2 * _TCH, _TCH)
        stores[c] = pltpu.async_copy(
            outs[b], out_hbm.at[pl.ds(tbase + c * _TCH, _TCH)], ssems[b])
        if c + 2 < nch:
            gathers[c + 2] = pltpu.async_copy(
                ys_hbm.at[idx_v.at[pl.ds((c + 2) * 2 * _TCH, 2 * _TCH)]],
                rows[b], gsems[b])
    stores[nch - 2].wait()
    stores[nch - 1].wait()


_sc_dispatch = pl.kernel(
    _dispatch_body,
    out_type=jax.ShapeDtypeStruct((_PPAD, _HW), jnp.int32),
    mesh=_SC_MESH,
    scratch_types=[
        pltpu.VMEM((_TPW,), jnp.int32),
        pltpu.VMEM((_TPW,), jnp.int32),
        pltpu.VMEM((_TPW, _HW), jnp.int32),
        pltpu.SemaphoreType.DMA,
        pltpu.SemaphoreType.DMA,
        pltpu.SemaphoreType.DMA,
    ],
)


_sc_combine = pl.kernel(
    _combine_body,
    out_type=jax.ShapeDtypeStruct((_T, _H), jnp.float32),
    mesh=_SC_MESH,
    scratch_types=[
        pltpu.VMEM((2 * _TPW,), jnp.int32),
        pltpu.VMEM((2 * _TPW, _L), jnp.float32),
        pltpu.VMEM((2 * _TCH, _H), jnp.float32),
        pltpu.VMEM((2 * _TCH, _H), jnp.float32),
        pltpu.VMEM((_TCH, _H), jnp.float32),
        pltpu.VMEM((_TCH, _H), jnp.float32),
        pltpu.SemaphoreType.DMA,
        pltpu.SemaphoreType.DMA,
        pltpu.SemaphoreType.DMA,
        pltpu.SemaphoreType.DMA,
    ],
)


def kernel(hidden_states, gate_w, w1, w2):
    bsz, seqlen, hd = hidden_states.shape
    x2 = hidden_states.reshape(-1, hd)
    gwt = gate_w.T

    topi, topw, xp = pl.pallas_call(
        _router_body,
        out_shape=[
            jax.ShapeDtypeStruct((_T, 2), jnp.int32),
            jax.ShapeDtypeStruct((_T, 2), jnp.float32),
            jax.ShapeDtypeStruct((_T, _HW), jnp.int32),
        ],
    )(x2, gwt)

    e = topi.reshape(_P)
    wflat = topw.reshape(_P)
    onehot = (e[:, None] == jnp.arange(_E)[None, :]).astype(jnp.int32)
    cum = jnp.cumsum(onehot, axis=0)
    counts = cum[-1]
    rank = jnp.sum(onehot * cum, axis=1) - 1
    padded_counts = ((counts + _BM - 1) // _BM) * _BM
    padded_off = jnp.concatenate(
        [jnp.zeros((1,), jnp.int32), jnp.cumsum(padded_counts)[:-1]])
    pos = jnp.sum(onehot * padded_off[None, :], axis=1) + rank
    pos2 = pos.reshape(_T, 2)
    wsplat = jnp.broadcast_to(wflat[:, None], (_P, _L))
    block_expert = jnp.minimum(
        jnp.searchsorted(jnp.cumsum(padded_counts),
                         jnp.arange(_NB) * _BM, side='right'),
        _E - 1).astype(jnp.int32)

    xs = _sc_dispatch(xp, pos2[:, 0], pos2[:, 1])

    ys = pl.pallas_call(
        _gemm_body,
        grid_spec=pltpu.PrefetchScalarGridSpec(
            num_scalar_prefetch=1,
            grid=(_NB,),
            in_specs=[
                pl.BlockSpec((_BM, _HW), lambda b, be: (b, 0)),
                pl.BlockSpec((1, _F, _H), lambda b, be: (be[b], 0, 0)),
                pl.BlockSpec((1, _H, _F), lambda b, be: (be[b], 0, 0)),
            ],
            out_specs=pl.BlockSpec((_BM, _H), lambda b, be: (b, 0)),
        ),
        out_shape=jax.ShapeDtypeStruct((_PPAD, _H), jnp.float32),
    )(block_expert, xs, w1, w2)

    out = _sc_combine(ys, pos, wsplat)
    return out.reshape(bsz, seqlen, hd)

# --- scband reference (transcript-rebuilt; emitter-appended) ---
"""Pipeline reference for scband-traceable-phimoe-sparse-moe-block-86328842649607 (READ-ONLY COPY).

The authoritative reference and input builder live on the scoring server;
editing this copy changes nothing except your own understanding.
"""

import jax, jax.numpy as jnp
import numpy as np

HIDDEN = 768
FFN = 1536
E = 8
TOPK = 2
B = 1
S = 2048


def setup_inputs(seed: int = 0) -> dict:
    key = jax.random.key(seed)
    k1, k2, k3, k4 = jax.random.split(key, 4)
    hidden_states = jax.random.normal(k1, (B, S, HIDDEN), dtype=jnp.float32)
    # gate: Conv2d(hidden, E, 1x1, bias=False) == linear with weight [E, HIDDEN]
    gate_w = jax.random.normal(k2, (E, HIDDEN), dtype=jnp.float32) * 0.02
    # each expert: Conv2d(hidden, ffn, 1x1) -> SiLU -> Conv2d(ffn, hidden, 1x1)
    w1 = jax.random.normal(k3, (E, FFN, HIDDEN), dtype=jnp.float32) * 0.02
    w2 = jax.random.normal(k4, (E, HIDDEN, FFN), dtype=jnp.float32) * 0.02
    return {"hidden_states": hidden_states, "gate_w": gate_w, "w1": w1, "w2": w2}


def reference(hidden_states, gate_w, w1, w2):
    # faithful translation of TraceablePhimoeSparseMoeBlock.forward_nomask
    bsz, seqlen, hd = hidden_states.shape
    x = hidden_states.reshape(-1, hd)  # [B*S, hidden]
    # 1x1 conv gate == matmul
    router_logits = x @ gate_w.T  # [B*S, E]
    routing_weights = jax.nn.softmax(router_logits, axis=-1)
    topk_weights, topk_indices = jax.lax.top_k(routing_weights, TOPK)
    topk_weights = topk_weights / jnp.sum(topk_weights, axis=-1, keepdims=True)
    final_hidden_states = jnp.zeros((bsz * seqlen, hd), dtype=hidden_states.dtype)
    for expert_idx in range(E):
        expert_weights = jnp.sum(
            jnp.where(topk_indices == expert_idx, topk_weights, jnp.zeros_like(topk_weights)),
            axis=-1,
        )  # [B*S]
        h = jax.nn.silu(x @ w1[expert_idx].T) @ w2[expert_idx].T  # [B*S, hidden]
        expert_out = h * expert_weights[:, None]
        final_hidden_states = final_hidden_states + expert_out
    return final_hidden_states.reshape(bsz, seqlen, hd)

if __name__ == "__main__":
    import jax
    _d = setup_inputs()
    print(jax.jit(kernel)(*tuple(_d.values())))

</pallas_src>

<mosaic_0001>
#map = affine_map<(d0, d1) -> (0, 0)>
#map1 = affine_map<(d0, d1) -> (0)>
module attributes {stable_mosaic.version = 14 : i64} {
  func.func @_combine_body(%arg0: i32, %arg1: i32, %arg2: memref<6144x768xf32, #tpu.memory_space<hbm>>, %arg3: memref<4096xi32, #tpu.memory_space<hbm>>, %arg4: memref<4096x16xf32, #tpu.memory_space<hbm>>, %arg5: memref<2048x768xf32, #tpu.memory_space<hbm>>, %arg6: memref<128xi32, #tpu.memory_space<vmem>>, %arg7: memref<128x16xf32, #tpu.memory_space<vmem>>, %arg8: memref<32x768xf32, #tpu.memory_space<vmem>>, %arg9: memref<32x768xf32, #tpu.memory_space<vmem>>, %arg10: memref<16x768xf32, #tpu.memory_space<vmem>>, %arg11: memref<16x768xf32, #tpu.memory_space<vmem>>, %arg12: memref<!tpu.dma_semaphore, #tpu.memory_space<semaphore_mem>>, %arg13: memref<!tpu.dma_semaphore, #tpu.memory_space<semaphore_mem>>, %arg14: memref<!tpu.dma_semaphore, #tpu.memory_space<semaphore_mem>>, %arg15: memref<!tpu.dma_semaphore, #tpu.memory_space<semaphore_mem>>) attributes {dimension_semantics = [#tpu.dimension_semantics<core_parallel>, #tpu.dimension_semantics<subcore_parallel>], iteration_bounds = array<i64: 2, 16>, scalar_prefetch = 0 : i64, scratch_operands = 10 : i64, tpu.core_type = #tpu.core_type<sc_vector_subcore>, window_params = [{transform_indices = #map}, {transform_indices = #map1}, {transform_indices = #map}, {transform_indices = #map}]} {
    %mul3A = arith.constant 2 : i32
    %mul3A_0 = arith.muli %arg1, %mul3A : i32
    %add3A = arith.addi %mul3A_0, %arg0 : i32
    %mul3A_1 = arith.constant 64 : i32
    %mul3A_2 = arith.muli %add3A, %mul3A_1 : i32
    %mul3A_3 = arith.constant 2 : i32
    %mul3A_4 = arith.muli %mul3A_3, %mul3A_2 : i32
    "tpu.region"() ({
      %run_scoped3A = tpu.sem_alloc : memref<!tpu.dma_semaphore, #tpu.memory_space<semaphore_mem>>
      %dma_start3A_108 = tpu.memref_slice %arg3[%mul3A_4] : memref<4096xi32, #tpu.memory_space<hbm>> -> memref<128xi32, #tpu.memory_space<hbm>>
      %dma_start3A_109 = tpu.memref_slice %arg3[%mul3A_4] : memref<4096xi32, #tpu.memory_space<hbm>> -> memref<128xi32, #tpu.memory_space<hbm>>
      tpu.enqueue_dma source(%dma_start3A_109 : memref<128xi32, #tpu.memory_space<hbm>>) target(%arg6 : memref<128xi32, #tpu.memory_space<vmem>>) target_semaphore(%run_scoped3A : memref<!tpu.dma_semaphore, #tpu.memory_space<semaphore_mem>>)
      %dma_wait3A_110 = tpu.memref_slice %arg3[%mul3A_4] : memref<4096xi32, #tpu.memory_space<hbm>> -> memref<128xi32, #tpu.memory_space<hbm>>
      %dma_wait3A_111 = tpu.memref_slice %arg3[%mul3A_4] : memref<4096xi32, #tpu.memory_space<hbm>> -> memref<128xi32, #tpu.memory_space<hbm>>
      tpu.wait_dma2 semaphore(%run_scoped3A : memref<!tpu.dma_semaphore, #tpu.memory_space<semaphore_mem>>) src(%dma_wait3A_111 : memref<128xi32, #tpu.memory_space<hbm>>) dst(%arg6 : memref<128xi32, #tpu.memory_space<vmem>>)
      tpu.yield
    }) : () -> ()
    %mul3A_5 = arith.constant 2 : i32
    %mul3A_6 = arith.muli %mul3A_5, %mul3A_2 : i32
    "tpu.region"() ({
      %run_scoped3A = tpu.sem_alloc : memref<!tpu.dma_semaphore, #tpu.memory_space<semaphore_mem>>
      %dma_start3A_108 = arith.constant 0 : i32
      %dma_start3A_109 = tpu.memref_slice %arg4[%mul3A_6, %dma_start3A_108] : memref<4096x16xf32, #tpu.memory_space<hbm>> -> memref<128x16xf32, #tpu.memory_space<hbm>>
      %dma_start3A_110 = arith.constant 0 : i32
      %dma_start3A_111 = tpu.memref_slice %arg4[%mul3A_6, %dma_start3A_110] : memref<4096x16xf32, #tpu.memory_space<hbm>> -> memref<128x16xf32, #tpu.memory_space<hbm>>
      tpu.enqueue_dma source(%dma_start3A_111 : memref<128x16xf32, #tpu.memory_space<hbm>>) target(%arg7 : memref<128x16xf32, #tpu.memory_space<vmem>>) target_semaphore(%run_scoped3A : memref<!tpu.dma_semaphore, #tpu.memory_space<semaphore_mem>>)
      %dma_wait3A_112 = arith.constant 0 : i32
      %dma_wait3A_113 = tpu.memref_slice %arg4[%mul3A_6, %dma_wait3A_112] : memref<4096x16xf32, #tpu.memory_space<hbm>> -> memref<128x16xf32, #tpu.memory_space<hbm>>
      %dma_wait3A_114 = arith.constant 0 : i32
      %dma_wait3A_115 = tpu.memref_slice %arg4[%mul3A_6, %dma_wait3A_114] : memref<4096x16xf32, #tpu.memory_space<hbm>> -> memref<128x16xf32, #tpu.memory_space<hbm>>
      tpu.wait_dma2 semaphore(%run_scoped3A : memref<!tpu.dma_semaphore, #tpu.memory_space<semaphore_mem>>) src(%dma_wait3A_115 : memref<128x16xf32, #tpu.memory_space<hbm>>) dst(%arg7 : memref<128x16xf32, #tpu.memory_space<vmem>>)
      tpu.yield
    }) : () -> ()
    %dma_start3A = arith.constant 0 : i32
    %dma_start3A_7 = tpu.memref_slice %arg6[%dma_start3A] : memref<128xi32, #tpu.memory_space<vmem>> -> memref<32xi32, #tpu.memory_space<vmem>>
    %dma_start3A_8 = arith.constant 0 : i32
    %dma_start3A_9 = arith.constant 0 : i32
    %dma_start3A_10 = tpu.memref_slice %arg2[%dma_start3A_8, %dma_start3A_9] : memref<6144x768xf32, #tpu.memory_space<hbm>> -> memref<6144x768xf32, #tpu.memory_space<hbm>>
    tpu.enqueue_indirect_dma source(%dma_start3A_10 : memref<6144x768xf32, #tpu.memory_space<hbm>>) target(%arg8 : memref<32x768xf32, #tpu.memory_space<vmem>>) offsets(%dma_start3A_7 : memref<32xi32, #tpu.memory_space<vmem>>) semaphore(%arg12 : memref<!tpu.dma_semaphore, #tpu.memory_space<semaphore_mem>>)
    %dma_start3A_11 = arith.constant 32 : i32
    %dma_start3A_12 = tpu.memref_slice %arg6[%dma_start3A_11] : memref<128xi32, #tpu.memory_space<vmem>> -> memref<32xi32, #tpu.memory_space<vmem>>
    %dma_start3A_13 = arith.constant 0 : i32
    %dma_start3A_14 = arith.constant 0 : i32
    %dma_start3A_15 = tpu.memref_slice %arg2[%dma_start3A_13, %dma_start3A_14] : memref<6144x768xf32, #tpu.memory_space<hbm>> -> memref<6144x768xf32, #tpu.memory_space<hbm>>
    tpu.enqueue_indirect_dma source(%dma_start3A_15 : memref<6144x768xf32, #tpu.memory_space<hbm>>) target(%arg9 : memref<32x768xf32, #tpu.memory_space<vmem>>) offsets(%dma_start3A_12 : memref<32xi32, #tpu.memory_space<vmem>>) semaphore(%arg13 : memref<!tpu.dma_semaphore, #tpu.memory_space<semaphore_mem>>)
    %dma_wait3A = arith.constant 0 : i32
    %dma_wait3A_16 = tpu.memref_slice %arg6[%dma_wait3A] : memref<128xi32, #tpu.memory_space<vmem>> -> memref<32xi32, #tpu.memory_space<vmem>>
    %dma_wait3A_17 = arith.constant 0 : i32
    %dma_wait3A_18 = arith.constant 0 : i32
    %dma_wait3A_19 = tpu.memref_slice %arg2[%dma_wait3A_17, %dma_wait3A_18] : memref<6144x768xf32, #tpu.memory_space<hbm>> -> memref<6144x768xf32, #tpu.memory_space<hbm>>
    tpu.wait_indirect_dma semaphore(%arg12 : memref<!tpu.dma_semaphore, #tpu.memory_space<semaphore_mem>>) src(%dma_wait3A_19 : memref<6144x768xf32, #tpu.memory_space<hbm>>) dst(%arg8 : memref<32x768xf32, #tpu.memory_space<vmem>>)
    %scan3A = arith.constant 0 : i32
    %scan3A_20 = arith.constant 0 : i32
    %scan3A_21 = arith.constant 16 : i32
    %scan3A_22 = arith.addi %scan3A_20, %scan3A_21 : i32
    %scan3A_23 = arith.constant 1 : i32
    scf.for %scan3A_108 = %scan3A_20 to %scan3A_22 step %scan3A_23  : i32 {
      %mul3A_109 = arith.constant 2 : i32
      %mul3A_110 = arith.muli %mul3A_109, %scan3A_108 : i32
      %add3A_111 = arith.constant 0 : i32
      %add3A_112 = arith.addi %add3A_111, %mul3A_110 : i32
      %get3A = arith.index_cast %add3A_112 : i32 to index
      %get3A_113 = arith.constant 0 : index
      %get3A_114 = tpu.vector_load %arg7[%get3A, %get3A_113] {strides = array<i32>} : memref<128x16xf32, #tpu.memory_space<vmem>>, vector<1x16xf32>,
      %get3A_115 = vector.shape_cast %get3A_114 : vector<1x16xf32> to vector<16xf32>
      %mul3A_116 = arith.constant 2 : i32
      %mul3A_117 = arith.muli %mul3A_116, %scan3A_108 : i32
      %add3A_118 = arith.constant 0 : i32
      %add3A_119 = arith.addi %add3A_118, %mul3A_117 : i32
      %add3A_120 = arith.constant 1 : i32
      %add3A_121 = arith.addi %add3A_119, %add3A_120 : i32
      %get3A_122 = arith.index_cast %add3A_121 : i32 to index
      %get3A_123 = arith.constant 0 : index
      %get3A_124 = tpu.vector_load %arg7[%get3A_122, %get3A_123] {strides = array<i32>} : memref<128x16xf32, #tpu.memory_space<vmem>>, vector<1x16xf32>,
      %get3A_125 = vector.shape_cast %get3A_124 : vector<1x16xf32> to vector<16xf32>
      %mul3A_126 = arith.constant 2 : i32
      %mul3A_127 = arith.muli %mul3A_126, %scan3A_108 : i32
      %get3A_128 = arith.index_cast %mul3A_127 : i32 to index
      %get3A_129 = arith.constant 0 : index
      %get3A_130 = tpu.vector_load %arg8[%get3A_128, %get3A_129] {strides = array<i32>} : memref<32x768xf32, #tpu.memory_space<vmem>>, vector<1x16xf32>,
      %get3A_131 = vector.shape_cast %get3A_130 : vector<1x16xf32> to vector<16xf32>
      %mul3A_132 = arith.mulf %get3A_115, %get3A_131 : vector<16xf32>
      %mul3A_133 = arith.constant 2 : i32
      %mul3A_134 = arith.muli %mul3A_133, %scan3A_108 : i32
      %add3A_135 = arith.constant 1 : i32
      %add3A_136 = arith.addi %mul3A_134, %add3A_135 : i32
      %get3A_137 = arith.index_cast %add3A_136 : i32 to index
      %get3A_138 = arith.constant 0 : index
      %get3A_139 = tpu.vector_load %arg8[%get3A_137, %get3A_138] {strides = array<i32>} : memref<32x768xf32, #tpu.memory_space<vmem>>, vector<1x16xf32>,
      %get3A_140 = vector.shape_cast %get3A_139 : vector<1x16xf32> to vector<16xf32>
      %mul3A_141 = arith.mulf %get3A_125, %get3A_140 : vector<16xf32>
      %add3A_142 = arith.addf %mul3A_132, %mul3A_141 : vector<16xf32>
      %swap3A = arith.index_cast %scan3A_108 : i32 to index
      %swap3A_143 = arith.constant 0 : index
      %swap3A_144 = tpu.vector_load %arg10[%swap3A, %swap3A_143] {strides = array<i32>} : memref<16x768xf32, #tpu.memory_space<vmem>>, vector<1x16xf32>,
      %swap3A_145 = vector.shape_cast %swap3A_144 : vector<1x16xf32> to vector<16xf32>
      %swap3A_146 = vector.shape_cast %add3A_142 : vector<16xf32> to vector<1x16xf32>
      tpu.vector_store %arg10[%swap3A, %swap3A_143], %swap3A_146 {strides = array<i32>} : memref<16x768xf32, #tpu.memory_space<vmem>>, vector<1x16xf32>,
      %mul3A_147 = arith.constant 2 : i32
      %mul3A_148 = arith.muli %mul3A_147, %scan3A_108 : i32
      %get3A_149 = arith.index_cast %mul3A_148 : i32 to index
      %get3A_150 = arith.constant 16 : index
      %get3A_151 = tpu.vector_load %arg8[%get3A_149, %get3A_150] {strides = array<i32>} : memref<32x768xf32, #tpu.memory_space<vmem>>, vector<1x16xf32>,
      %get3A_152 = vector.shape_cast %get3A_151 : vector<1x16xf32> to vector<16xf32>
      %mul3A_153 = arith.mulf %get3A_115, %get3A_152 : vector<16xf32>
      %mul3A_154 = arith.constant 2 : i32
      %mul3A_155 = arith.muli %mul3A_154, %scan3A_108 : i32
      %add3A_156 = arith.constant 1 : i32
      %add3A_157 = arith.addi %mul3A_155, %add3A_156 : i32
      %get3A_158 = arith.index_cast %add3A_157 : i32 to index
      %get3A_159 = arith.constant 16 : index
      %get3A_160 = tpu.vector_load %arg8[%get3A_158, %get3A_159] {strides = array<i32>} : memref<32x768xf32, #tpu.memory_space<vmem>>, vector<1x16xf32>,
      %get3A_161 = vector.shape_cast %get3A_160 : vector<1x16xf32> to vector<16xf32>
      %mul3A_162 = arith.mulf %get3A_125, %get3A_161 : vector<16xf32>
      %add3A_163 = arith.addf %mul3A_153, %mul3A_162 : vector<16xf32>
      %swap3A_164 = arith.index_cast %scan3A_108 : i32 to index
      %swap3A_165 = arith.constant 16 : index
      %swap3A_166 = tpu.vector_load %arg10[%swap3A_164, %swap3A_165] {strides = array<i32>} : memref<16x768xf32, #tpu.memory_space<vmem>>, vector<1x16xf32>,
      %swap3A_167 = vector.shape_cast %swap3A_166 : vector<1x16xf32> to vector<16xf32>
      %swap3A_168 = vector.shape_cast %add3A_163 : vector<16xf32> to vector<1x16xf32>
      tpu.vector_store %arg10[%swap3A_164, %swap3A_165], %swap3A_168 {strides = array<i32>} : memref<16x768xf32, #tpu.memory_space<vmem>>, vector<1x16xf32>,
      %mul3A_169 = arith.constant 2 : i32
      %mul3A_170 = arith.muli %mul3A_169, %scan3A_108 : i32
      %get3A_171 = arith.index_cast %mul3A_170 : i32 to index
      %get3A_172 = arith.constant 32 : index
      %get3A_173 = tpu.vector_load %arg8[%get3A_171, %get3A_172] {strides = array<i32>} : memref<32x768xf32, #tpu.memory_space<vmem>>, vector<1x16xf32>,
      %get3A_174 = vector.shape_cast %get3A_173 : vector<1x16xf32> to vector<16xf32>
      %mul3A_175 = arith.mulf %get3A_115, %get3A_174 : vector<16xf32>
      %mul3A_176 = arith.constant 2 : i32
      %mul3A_177 = arith.muli %mul3A_176, %scan3A_108 : i32
      %add3A_178 = arith.constant 1 : i32
      %add3A_179 = arith.addi %mul3A_177, %add3A_178 : i32
      %get3A_180 = arith.index_cast %add3A_179 : i32 to index
      %get3A_181 = arith.constant 32 : index
      %get3A_182 = tpu.vector_load %arg8[%get3A_180, %get3A_181] {strides = array<i32>} : memref<32x768xf32, #tpu.memory_space<vmem>>, vector<1x16xf32>,
      %get3A_183 = vector.shape_cast %get3A_182 : vector<1x16xf32> to vector<16xf32>
      %mul3A_184 = arith.mulf %get3A_125, %get3A_183 : vector<16xf32>
      %add3A_185 = arith.addf %mul3A_175, %mul3A_184 : vector<16xf32>
      %swap3A_186 = arith.index_cast %scan3A_108 : i32 to index
      %swap3A_187 = arith.constant 32 : index
      %swap3A_188 = tpu.vector_load %arg10[%swap3A_186, %swap3A_187] {strides = array<i32>} : memref<16x768xf32, #tpu.memory_space<vmem>>, vector<1x16xf32>,
      %swap3A_189 = vector.shape_cast %swap3A_188 : vector<1x16xf32> to vector<16xf32>
      %swap3A_190 = vector.shape_cast %add3A_185 : vector<16xf32> to vector<1x16xf32>
      tpu.vector_store %arg10[%swap3A_186, %swap3A_187], %swap3A_190 {strides = array<i32>} : memref<16x768xf32, #tpu.memory_space<vmem>>, vector<1x16xf32>,
      %mul3A_191 = arith.constant 2 : i32
      %mul3A_192 = arith.muli %mul3A_191, %scan3A_108 : i32
      %get3A_193 = arith.index_cast %mul3A_192 : i32 to index
      %get3A_194 = arith.constant 48 : index
      %get3A_195 = tpu.vector_load %arg8[%get3A_193, %get3A_194] {strides = array<i32>} : memref<32x768xf32, #tpu.memory_space<vmem>>, vector<1x16xf32>,
      %get3A_196 = vector.shape_cast %get3A_195 : vector<1x16xf32> to vector<16xf32>
      %mul3A_197 = arith.mulf %get3A_115, %get3A_196 : vector<16xf32>
      %mul3A_198 = arith.constant 2 : i32
      %mul3A_199 = arith.muli %mul3A_198, %scan3A_108 : i32
      %add3A_200 = arith.constant 1 : i32
      %add3A_201 = arith.addi %mul3A_199, %add3A_200 : i32
      %get3A_202 = arith.index_cast %add3A_201 : i32 to index
      %get3A_203 = arith.constant 48 : index
      %get3A_204 = tpu.vector_load %arg8[%get3A_202, %get3A_203] {strides = array<i32>} : memref<32x768xf32, #tpu.memory_space<vmem>>, vector<1x16xf32>,
      %get3A_205 = vector.shape_cast %get3A_204 : vector<1x16xf32> to vector<16xf32>
      %mul3A_206 = arith.mulf %get3A_125, %get3A_205 : vector<16xf32>
      %add3A_207 = arith.addf %mul3A_197, %mul3A_206 : vector<16xf32>
      %swap3A_208 = arith.index_cast %scan3A_108 : i32 to index
      %swap3A_209 = arith.constant 48 : index
      %swap3A_210 = tpu.vector_load %arg10[%swap3A_208, %swap3A_209] {strides = array<i32>} : memref<16x768xf32, #tpu.memory_space<vmem>>, vector<1x16xf32>,
      %swap3A_211 = vector.shape_cast %swap3A_210 : vector<1x16xf32> to vector<16xf32>
      %swap3A_212 = vector.shape_cast %add3A_207 : vector<16xf32> to vector<1x16xf32>
      tpu.vector_store %arg10[%swap3A_208, %swap3A_209], %swap3A_212 {strides = array<i32>} : memref<16x768xf32, #tpu.memory_space<vmem>>, vector<1x16xf32>,
      %mul3A_213 = arith.constant 2 : i32
      %mul3A_214 = arith.muli %mul3A_213, %scan3A_108 : i32
      %get3A_215 = arith.index_cast %mul3A_214 : i32 to index
      %get3A_216 = arith.constant 64 : index
      %get3A_217 = tpu.vector_load %arg8[%get3A_215, %get3A_216] {strides = array<i32>} : memref<32x768xf32, #tpu.memory_space<vmem>>, vector<1x16xf32>,
      %get3A_218 = vector.shape_cast %get3A_217 : vector<1x16xf32> to vector<16xf32>
      %mul3A_219 = arith.mulf %get3A_115, %get3A_218 : vector<16xf32>
      %mul3A_220 = arith.constant 2 : i32
      %mul3A_221 = arith.muli %mul3A_220, %scan3A_108 : i32
      %add3A_222 = arith.constant 1 : i32
      %add3A_223 = arith.addi %mul3A_221, %add3A_222 : i32
      %get3A_224 = arith.index_cast %add3A_223 : i32 to index
      %get3A_225 = arith.constant 64 : index
      %get3A_226 = tpu.vector_load %arg8[%get3A_224, %get3A_225] {strides = array<i32>} : memref<32x768xf32, #tpu.memory_space<vmem>>, vector<1x16xf32>,
      %get3A_227 = vector.shape_cast %get3A_226 : vector<1x16xf32> to vector<16xf32>
      %mul3A_228 = arith.mulf %get3A_125, %get3A_227 : vector<16xf32>
      %add3A_229 = arith.addf %mul3A_219, %mul3A_228 : vector<16xf32>
      %swap3A_230 = arith.index_cast %scan3A_108 : i32 to index
      %swap3A_231 = arith.constant 64 : index
      %swap3A_232 = tpu.vector_load %arg10[%swap3A_230, %swap3A_231] {strides = array<i32>} : memref<16x768xf32, #tpu.memory_space<vmem>>, vector<1x16xf32>,
      %swap3A_233 = vector.shape_cast %swap3A_232 : vector<1x16xf32> to vector<16xf32>
      %swap3A_234 = vector.shape_cast %add3A_229 : vector<16xf32> to vector<1x16xf32>
      tpu.vector_store %arg10[%swap3A_230, %swap3A_231], %swap3A_234 {strides = array<i32>} : memref<16x768xf32, #tpu.memory_space<vmem>>, vector<1x16xf32>,
      %mul3A_235 = arith.constant 2 : i32
      %mul3A_236 = arith.muli %mul3A_235, %scan3A_108 : i32
      %get3A_237 = arith.index_cast %mul3A_236 : i32 to index
      %get3A_238 = arith.constant 80 : index
      %get3A_239 = tpu.vector_load %arg8[%get3A_237, %get3A_238] {strides = array<i32>} : memref<32x768xf32, #tpu.memory_space<vmem>>, vector<1x16xf32>,
      %get3A_240 = vector.shape_cast %get3A_239 : vector<1x16xf32> to vector<16xf32>
      %mul3A_241 = arith.mulf %get3A_115, %get3A_240 : vector<16xf32>
      %mul3A_242 = arith.constant 2 : i32
      %mul3A_243 = arith.muli %mul3A_242, %scan3A_108 : i32
      %add3A_244 = arith.constant 1 : i32
      %add3A_245 = arith.addi %mul3A_243, %add3A_244 : i32
      %get3A_246 = arith.index_cast %add3A_245 : i32 to index
      %get3A_247 = arith.constant 80 : index
      %get3A_248 = tpu.vector_load %arg8[%get3A_246, %get3A_247] {strides = array<i32>} : memref<32x768xf32, #tpu.memory_space<vmem>>, vector<1x16xf32>,
      %get3A_249 = vector.shape_cast %get3A_248 : vector<1x16xf32> to vector<16xf32>
      %mul3A_250 = arith.mulf %get3A_125, %get3A_249 : vector<16xf32>
      %add3A_251 = arith.addf %mul3A_241, %mul3A_250 : vector<16xf32>
      %swap3A_252 = arith.index_cast %scan3A_108 : i32 to index
      %swap3A_253 = arith.constant 80 : index
      %swap3A_254 = tpu.vector_load %arg10[%swap3A_252, %swap3A_253] {strides = array<i32>} : memref<16x768xf32, #tpu.memory_space<vmem>>, vector<1x16xf32>,
      %swap3A_255 = vector.shape_cast %swap3A_254 : vector<1x16xf32> to vector<16xf32>
      %swap3A_256 = vector.shape_cast %add3A_251 : vector<16xf32> to vector<1x16xf32>
      tpu.vector_store %arg10[%swap3A_252, %swap3A_253], %swap3A_256 {strides = array<i32>} : memref<16x768xf32, #tpu.memory_space<vmem>>, vector<1x16xf32>,
      %mul3A_257 = arith.constant 2 : i32
      %mul3A_258 = arith.muli %mul3A_257, %scan3A_108 : i32
      %get3A_259 = arith.index_cast %mul3A_258 : i32 to index
      %get3A_260 = arith.constant 96 : index
      %get3A_261 = tpu.vector_load %arg8[%get3A_259, %get3A_260] {strides = array<i32>} : memref<32x768xf32, #tpu.memory_space<vmem>>, vector<1x16xf32>,
      %get3A_262 = vector.shape_cast %get3A_261 : vector<1x16xf32> to vector<16xf32>
      %mul3A_263 = arith.mulf %get3A_115, %get3A_262 : vector<16xf32>
      %mul3A_264 = arith.constant 2 : i32
      %mul3A_265 = arith.muli %mul3A_264, %scan3A_108 : i32
      %add3A_266 = arith.constant 1 : i32
      %add3A_267 = arith.addi %mul3A_265, %add3A_266 : i32
      %get3A_268 = arith.index_cast %add3A_267 : i32 to index
      %get3A_269 = arith.constant 96 : index
      %get3A_270 = tpu.vector_load %arg8[%get3A_268, %get3A_269] {strides = array<i32>} : memref<32x768xf32, #tpu.memory_space<vmem>>, vector<1x16xf32>,
      %get3A_271 = vector.shape_cast %get3A_270 : vector<1x16xf32> to vector<16xf32>
      %mul3A_272 = arith.mulf %get3A_125, %get3A_271 : vector<16xf32>
      %add3A_273 = arith.addf %mul3A_263, %mul3A_272 : vector<16xf32>
      %swap3A_274 = arith.index_cast %scan3A_108 : i32 to index
      %swap3A_275 = arith.constant 96 : index
      %swap3A_276 = tpu.vector_load %arg10[%swap3A_274, %swap3A_275] {strides = array<i32>} : memref<16x768xf32, #tpu.memory_space<vmem>>, vector<1x16xf32>,
      %swap3A_277 = vector.shape_cast %swap3A_276 : vector<1x16xf32> to vector<16xf32>
      %swap3A_278 = vector.shape_cast %add3A_273 : vector<16xf32> to vector<1x16xf32>
      tpu.vector_store %arg10[%swap3A_274, %swap3A_275], %swap3A_278 {strides = array<i32>} : memref<16x768xf32, #tpu.memory_space<vmem>>, vector<1x16xf32>,
      %mul3A_279 = arith.constant 2 : i32
      %mul3A_280 = arith.muli %mul3A_279, %scan3A_108 : i32
      %get3A_281 = arith.index_cast %mul3A_280 : i32 to index
      %get3A_282 = arith.constant 112 : index
      %get3A_283 = tpu.vector_load %arg8[%get3A_281, %get3A_282] {strides = array<i32>} : memref<32x768xf32, #tpu.memory_space<vmem>>, vector<1x16xf32>,
      %get3A_284 = vector.shape_cast %get3A_283 : vector<1x16xf32> to vector<16xf32>
      %mul3A_285 = arith.mulf %get3A_115, %get3A_284 : vector<16xf32>
      %mul3A_286 = arith.constant 2 : i32
      %mul3A_287 = arith.muli %mul3A_286, %scan3A_108 : i32
      %add3A_288 = arith.constant 1 : i32
      %add3A_289 = arith.addi %mul3A_287, %add3A_288 : i32
      %get3A_290 = arith.index_cast %add3A_289 : i32 to index
      %get3A_291 = arith.constant 112 : index
      %get3A_292 = tpu.vector_load %arg8[%get3A_290, %get3A_291] {strides = array<i32>} : memref<32x768xf32, #tpu.memory_space<vmem>>, vector<1x16xf32>,
      %get3A_293 = vector.shape_cast %get3A_292 : vector<1x16xf32> to vector<16xf32>
      %mul3A_294 = arith.mulf %get3A_125, %get3A_293 : vector<16xf32>
      %add3A_295 = arith.addf %mul3A_285, %mul3A_294 : vector<16xf32>
      %swap3A_296 = arith.index_cast %scan3A_108 : i32 to index
      %swap3A_297 = arith.constant 112 : index
      %swap3A_298 = tpu.vector_load %arg10[%swap3A_296, %swap3A_297] {strides = array<i32>} : memref<16x768xf32, #tpu.memory_space<vmem>>, vector<1x16xf32>,
      %swap3A_299 = vector.shape_cast %swap3A_298 : vector<1x16xf32> to vector<16xf32>
      %swap3A_300 = vector.shape_cast %add3A_295 : vector<16xf32> to vector<1x16xf32>
      tpu.vector_store %arg10[%swap3A_296, %swap3A_297], %swap3A_300 {strides = array<i32>} : memref<16x768xf32, #tpu.memory_space<vmem>>, vector<1x16xf32>,
      %mul3A_301 = arith.constant 2 : i32
      %mul3A_302 = arith.muli %mul3A_301, %scan3A_108 : i32
      %get3A_303 = arith.index_cast %mul3A_302 : i32 to index
      %get3A_304 = arith.constant 128 : index
      %get3A_305 = tpu.vector_load %arg8[%get3A_303, %get3A_304] {strides = array<i32>} : memref<32x768xf32, #tpu.memory_space<vmem>>, vector<1x16xf32>,
      %get3A_306 = vector.shape_cast %get3A_305 : vector<1x16xf32> to vector<16xf32>
      %mul3A_307 = arith.mulf %get3A_115, %get3A_306 : vector<16xf32>
      %mul3A_308 = arith.constant 2 : i32
      %mul3A_309 = arith.muli %mul3A_308, %scan3A_108 : i32
      %add3A_310 = arith.constant 1 : i32
      %add3A_311 = arith.addi %mul3A_309, %add3A_310 : i32
      %get3A_312 = arith.index_cast %add3A_311 : i32 to index
      %get3A_313 = arith.constant 128 : index
      %get3A_314 = tpu.vector_load %arg8[%get3A_312, %get3A_313] {strides = array<i32>} : memref<32x768xf32, #tpu.memory_space<vmem>>, vector<1x16xf32>,
      %get3A_315 = vector.shape_cast %get3A_314 : vector<1x16xf32> to vector<16xf32>
      %mul3A_316 = arith.mulf %get3A_125, %get3A_315 : vector<16xf32>
      %add3A_317 = arith.addf %mul3A_307, %mul3A_316 : vector<16xf32>
      %swap3A_318 = arith.index_cast %scan3A_108 : i32 to index
      %swap3A_319 = arith.constant 128 : index
      %swap3A_320 = tpu.vector_load %arg10[%swap3A_318, %swap3A_319] {strides = array<i32>} : memref<16x768xf32, #tpu.memory_space<vmem>>, vector<1x16xf32>,
      %swap3A_321 = vector.shape_cast %swap3A_320 : vector<1x16xf32> to vector<16xf32>
      %swap3A_322 = vector.shape_cast %add3A_317 : vector<16xf32> to vector<1x16xf32>
      tpu.vector_store %arg10[%swap3A_318, %swap3A_319], %swap3A_322 {strides = array<i32>} : memref<16x768xf32, #tpu.memory_space<vmem>>, vector<1x16xf32>,
      %mul3A_323 = arith.constant 2 : i32
      %mul3A_324 = arith.muli %mul3A_323, %scan3A_108 : i32
      %get3A_325 = arith.index_cast %mul3A_324 : i32 to index
      %get3A_326 = arith.constant 144 : index
      %get3A_327 = tpu.vector_load %arg8[%get3A_325, %get3A_326] {strides = array<i32>} : memref<32x768xf32, #tpu.memory_space<vmem>>, vector<1x16xf32>,
      %get3A_328 = vector.shape_cast %get3A_327 : vector<1x16xf32> to vector<16xf32>
      %mul3A_329 = arith.mulf %get3A_115, %get3A_328 : vector<16xf32>
      %mul3A_330 = arith.constant 2 : i32
      %mul3A_331 = arith.muli %mul3A_330, %scan3A_108 : i32
      %add3A_332 = arith.constant 1 : i32
      %add3A_333 = arith.addi %mul3A_331, %add3A_332 : i32
      %get3A_334 = arith.index_cast %add3A_333 : i32 to index
      %get3A_335 = arith.constant 144 : index
      %get3A_336 = tpu.vector_load %arg8[%get3A_334, %get3A_335] {strides = array<i32>} : memref<32x768xf32, #tpu.memory_space<vmem>>, vector<1x16xf32>,
      %get3A_337 = vector.shape_cast %get3A_336 : vector<1x16xf32> to vector<16xf32>
      %mul3A_338 = arith.mulf %get3A_125, %get3A_337 : vector<16xf32>
      %add3A_339 = arith.addf %mul3A_329, %mul3A_338 : vector<16xf32>
      %swap3A_340 = arith.index_cast %scan3A_108 : i32 to index
      %swap3A_341 = arith.constant 144 : index
      %swap3A_342 = tpu.vector_load %arg10[%swap3A_340, %swap3A_341] {strides = array<i32>} : memref<16x768xf32, #tpu.memory_space<vmem>>, vector<1x16xf32>,
      %swap3A_343 = vector.shape_cast %swap3A_342 : vector<1x16xf32> to vector<16xf32>
      %swap3A_344 = vector.shape_cast %add3A_339 : vector<16xf32> to vector<1x16xf32>
      tpu.vector_store %arg10[%swap3A_340, %swap3A_341], %swap3A_344 {strides = array<i32>} : memref<16x768xf32, #tpu.memory_space<vmem>>, vector<1x16xf32>,
      %mul3A_345 = arith.constant 2 : i32
      %mul3A_346 = arith.muli %mul3A_345, %scan3A_108 : i32
      %get3A_347 = arith.index_cast %mul3A_346 : i32 to index
      %get3A_348 = arith.constant 160 : index
      %get3A_349 = tpu.vector_load %arg8[%get3A_347, %get3A_348] {strides = array<i32>} : memref<32x768xf32, #tpu.memory_space<vmem>>, vector<1x16xf32>,
      %get3A_350 = vector.shape_cast %get3A_349 : vector<1x16xf32> to vector<16xf32>
      %mul3A_351 = arith.mulf %get3A_115, %get3A_350 : vector<16xf32>
      %mul3A_352 = arith.constant 2 : i32
      %mul3A_353 = arith.muli %mul3A_352, %scan3A_108 : i32
      %add3A_354 = arith.constant 1 : i32
      %add3A_355 = arith.addi %mul3A_353, %add3A_354 : i32
      %get3A_356 = arith.index_cast %add3A_355 : i32 to index
      %get3A_357 = arith.constant 160 : index
      %get3A_358 = tpu.vector_load %arg8[%get3A_356, %get3A_357] {strides = array<i32>} : memref<32x768xf32, #tpu.memory_space<vmem>>, vector<1x16xf32>,
      %get3A_359 = vector.shape_cast %get3A_358 : vector<1x16xf32> to vector<16xf32>
      %mul3A_360 = arith.mulf %get3A_125, %get3A_359 : vector<16xf32>
      %add3A_361 = arith.addf %mul3A_351, %mul3A_360 : vector<16xf32>
      %swap3A_362 = arith.index_cast %scan3A_108 : i32 to index
      %swap3A_363 = arith.constant 160 : index
      %swap3A_364 = tpu.vector_load %arg10[%swap3A_362, %swap3A_363] {strides = array<i32>} : memref<16x768xf32, #tpu.memory_space<vmem>>, vector<1x16xf32>,
      %swap3A_365 = vector.shape_cast %swap3A_364 : vector<1x16xf32> to vector<16xf32>
      %swap3A_366 = vector.shape_cast %add3A_361 : vector<16xf32> to vector<1x16xf32>
      tpu.vector_store %arg10[%swap3A_362, %swap3A_363], %swap3A_366 {strides = array<i32>} : memref<16x768xf32, #tpu.memory_space<vmem>>, vector<1x16xf32>,
      %mul3A_367 = arith.constant 2 : i32
      %mul3A_368 = arith.muli %mul3A_367, %scan3A_108 : i32
      %get3A_369 = arith.index_cast %mul3A_368 : i32 to index
      %get3A_370 = arith.constant 176 : index
      %get3A_371 = tpu.vector_load %arg8[%get3A_369, %get3A_370] {strides = array<i32>} : memref<32x768xf32, #tpu.memory_space<vmem>>, vector<1x16xf32>,
      %get3A_372 = vector.shape_cast %get3A_371 : vector<1x16xf32> to vector<16xf32>
      %mul3A_373 = arith.mulf %get3A_115, %get3A_372 : vector<16xf32>
      %mul3A_374 = arith.constant 2 : i32
      %mul3A_375 = arith.muli %mul3A_374, %scan3A_108 : i32
      %add3A_376 = arith.constant 1 : i32
      %add3A_377 = arith.addi %mul3A_375, %add3A_376 : i32
      %get3A_378 = arith.index_cast %add3A_377 : i32 to index
      %get3A_379 = arith.constant 176 : index
      %get3A_380 = tpu.vector_load %arg8[%get3A_378, %get3A_379] {strides = array<i32>} : memref<32x768xf32, #tpu.memory_space<vmem>>, vector<1x16xf32>,
      %get3A_381 = vector.shape_cast %get3A_380 : vector<1x16xf32> to vector<16xf32>
      %mul3A_382 = arith.mulf %get3A_125, %get3A_381 : vector<16xf32>
      %add3A_383 = arith.addf %mul3A_373, %mul3A_382 : vector<16xf32>
      %swap3A_384 = arith.index_cast %scan3A_108 : i32 to index
      %swap3A_385 = arith.constant 176 : index
      %swap3A_386 = tpu.vector_load %arg10[%swap3A_384, %swap3A_385] {strides = array<i32>} : memref<16x768xf32, #tpu.memory_space<vmem>>, vector<1x16xf32>,
      %swap3A_387 = vector.shape_cast %swap3A_386 : vector<1x16xf32> to vector<16xf32>
      %swap3A_388 = vector.shape_cast %add3A_383 : vector<16xf32> to vector<1x16xf32>
      tpu.vector_store %arg10[%swap3A_384, %swap3A_385], %swap3A_388 {strides = array<i32>} : memref<16x768xf32, #tpu.memory_space<vmem>>, vector<1x16xf32>,
      %mul3A_389 = arith.constant 2 : i32
      %mul3A_390 = arith.muli %mul3A_389, %scan3A_108 : i32
      %get3A_391 = arith.index_cast %mul3A_390 : i32 to index
      %get3A_392 = arith.constant 192 : index
      %get3A_393 = tpu.vector_load %arg8[%get3A_391, %get3A_392] {strides = array<i32>} : memref<32x768xf32, #tpu.memory_space<vmem>>, vector<1x16xf32>,
      %get3A_394 = vector.shape_cast %get3A_393 : vector<1x16xf32> to vector<16xf32>
      %mul3A_395 = arith.mulf %get3A_115, %get3A_394 : vector<16xf32>
      %mul3A_396 = arith.constant 2 : i32
      %mul3A_397 = arith.muli %mul3A_396, %scan3A_108 : i32
      %add3A_398 = arith.constant 1 : i32
      %add3A_399 = arith.addi %mul3A_397, %add3A_398 : i32
      %get3A_400 = arith.index_cast %add3A_399 : i32 to index
      %get3A_401 = arith.constant 192 : index
      %get3A_402 = tpu.vector_load %arg8[%get3A_400, %get3A_401] {strides = array<i32>} : memref<32x768xf32, #tpu.memory_space<vmem>>, vector<1x16xf32>,
      %get3A_403 = vector.shape_cast %get3A_402 : vector<1x16xf32> to vector<16xf32>
      %mul3A_404 = arith.mulf %get3A_125, %get3A_403 : vector<16xf32>
      %add3A_405 = arith.addf %mul3A_395, %mul3A_404 : vector<16xf32>
      %swap3A_406 = arith.index_cast %scan3A_108 : i32 to index
      %swap3A_407 = arith.constant 192 : index
      %swap3A_408 = tpu.vector_load %arg10[%swap3A_406, %swap3A_407] {strides = array<i32>} : memref<16x768xf32, #tpu.memory_space<vmem>>, vector<1x16xf32>,
      %swap3A_409 = vector.shape_cast %swap3A_408 : vector<1x16xf32> to vector<16xf32>
      %swap3A_410 = vector.shape_cast %add3A_405 : vector<16xf32> to vector<1x16xf32>
      tpu.vector_store %arg10[%swap3A_406, %swap3A_407], %swap3A_410 {strides = array<i32>} : memref<16x768xf32, #tpu.memory_space<vmem>>, vector<1x16xf32>,
      %mul3A_411 = arith.constant 2 : i32
      %mul3A_412 = arith.muli %mul3A_411, %scan3A_108 : i32
      %get3A_413 = arith.index_cast %mul3A_412 : i32 to index
      %get3A_414 = arith.constant 208 : index
      %get3A_415 = tpu.vector_load %arg8[%get3A_413, %get3A_414] {strides = array<i32>} : memref<32x768xf32, #tpu.memory_space<vmem>>, vector<1x16xf32>,
      %get3A_416 = vector.shape_cast %get3A_415 : vector<1x16xf32> to vector<16xf32>
      %mul3A_417 = arith.mulf %get3A_115, %get3A_416 : vector<16xf32>
      %mul3A_418 = arith.constant 2 : i32
      %mul3A_419 = arith.muli %mul3A_418, %scan3A_108 : i32
      %add3A_420 = arith.constant 1 : i32
      %add3A_421 = arith.addi %mul3A_419, %add3A_420 : i32
      %get3A_422 = arith.index_cast %add3A_421 : i32 to index
      %get3A_423 = arith.constant 208 : index
      %get3A_424 = tpu.vector_load %arg8[%get3A_422, %get3A_423] {strides = array<i32>} : memref<32x768xf32, #tpu.memory_space<vmem>>, vector<1x16xf32>,
      %get3A_425 = vector.shape_cast %get3A_424 : vector<1x16xf32> to vector<16xf32>
      %mul3A_426 = arith.mulf %get3A_125, %get3A_425 : vector<16xf32>
      %add3A_427 = arith.addf %mul3A_417, %mul3A_426 : vector<16xf32>
      %swap3A_428 = arith.index_cast %scan3A_108 : i32 to index
      %swap3A_429 = arith.constant 208 : index
      %swap3A_430 = tpu.vector_load %arg10[%swap3A_428, %swap3A_429] {strides = array<i32>} : memref<16x768xf32, #tpu.memory_space<vmem>>, vector<1x16xf32>,
      %swap3A_431 = vector.shape_cast %swap3A_430 : vector<1x16xf32> to vector<16xf32>
      %swap3A_432 = vector.shape_cast %add3A_427 : vector<16xf32> to vector<1x16xf32>
      tpu.vector_store %arg10[%swap3A_428, %swap3A_429], %swap3A_432 {strides = array<i32>} : memref<16x768xf32, #tpu.memory_space<vmem>>, vector<1x16xf32>,
      %mul3A_433 = arith.constant 2 : i32
      %mul3A_434 = arith.muli %mul3A_433, %scan3A_108 : i32
      %get3A_435 = arith.index_cast %mul3A_434 : i32 to index
      %get3A_436 = arith.constant 224 : index
      %get3A_437 = tpu.vector_load %arg8[%get3A_435, %get3A_436] {strides = array<i32>} : memref<32x768xf32, #tpu.memory_space<vmem>>, vector<1x16xf32>,
      %get3A_438 = vector.shape_cast %get3A_437 : vector<1x16xf32> to vector<16xf32>
      %mul3A_439 = arith.mulf %get3A_115, %get3A_438 : vector<16xf32>
      %mul3A_440 = arith.constant 2 : i32
      %mul3A_441 = arith.muli %mul3A_440, %scan3A_108 : i32
      %add3A_442 = arith.constant 1 : i32
      %add3A_443 = arith.addi %mul3A_441, %add3A_442 : i32
      %get3A_444 = arith.index_cast %add3A_443 : i32 to index
      %get3A_445 = arith.constant 224 : index
      %get3A_446 = tpu.vector_load %arg8[%get3A_444, %get3A_445] {strides = array<i32>} : memref<32x768xf32, #tpu.memory_space<vmem>>, vector<1x16xf32>,
      %get3A_447 = vector.shape_cast %get3A_446 : vector<1x16xf32> to vector<16xf32>
      %mul3A_448 = arith.mulf %get3A_125, %get3A_447 : vector<16xf32>
      %add3A_449 = arith.addf %mul3A_439, %mul3A_448 : vector<16xf32>
      %swap3A_450 = arith.index_cast %scan3A_108 : i32 to index
      %swap3A_451 = arith.constant 224 : index
      %swap3A_452 = tpu.vector_load %arg10[%swap3A_450, %swap3A_451] {strides = array<i32>} : memref<16x768xf32, #tpu.memory_space<vmem>>, vector<1x16xf32>,
      %swap3A_453 = vector.shape_cast %swap3A_452 : vector<1x16xf32> to vector<16xf32>
      %swap3A_454 = vector.shape_cast %add3A_449 : vector<16xf32> to vector<1x16xf32>
      tpu.vector_store %arg10[%swap3A_450, %swap3A_451], %swap3A_454 {strides = array<i32>} : memref<16x768xf32, #tpu.memory_space<vmem>>, vector<1x16xf32>,
      %mul3A_455 = arith.constant 2 : i32
      %mul3A_456 = arith.muli %mul3A_455, %scan3A_108 : i32
      %get3A_457 = arith.index_cast %mul3A_456 : i32 to index
      %get3A_458 = arith.constant 240 : index
      %get3A_459 = tpu.vector_load %arg8[%get3A_457, %get3A_458] {strides = array<i32>} : memref<32x768xf32, #tpu.memory_space<vmem>>, vector<1x16xf32>,
      %get3A_460 = vector.shape_cast %get3A_459 : vector<1x16xf32> to vector<16xf32>
      %mul3A_461 = arith.mulf %get3A_115, %get3A_460 : vector<16xf32>
      %mul3A_462 = arith.constant 2 : i32
      %mul3A_463 = arith.muli %mul3A_462, %scan3A_108 : i32
      %add3A_464 = arith.constant 1 : i32
      %add3A_465 = arith.addi %mul3A_463, %add3A_464 : i32
      %get3A_466 = arith.index_cast %add3A_465 : i32 to index
      %get3A_467 = arith.constant 240 : index
      %get3A_468 = tpu.vector_load %arg8[%get3A_466, %get3A_467] {strides = array<i32>} : memref<32x768xf32, #tpu.memory_space<vmem>>, vector<1x16xf32>,
      %get3A_469 = vector.shape_cast %get3A_468 : vector<1x16xf32> to vector<16xf32>
      %mul3A_470 = arith.mulf %get3A_125, %get3A_469 : vector<16xf32>
      %add3A_471 = arith.addf %mul3A_461, %mul3A_470 : vector<16xf32>
      %swap3A_472 = arith.index_cast %scan3A_108 : i32 to index
      %swap3A_473 = arith.constant 240 : index
      %swap3A_474 = tpu.vector_load %arg10[%swap3A_472, %swap3A_473] {strides = array<i32>} : memref<16x768xf32, #tpu.memory_space<vmem>>, vector<1x16xf32>,
      %swap3A_475 = vector.shape_cast %swap3A_474 : vector<1x16xf32> to vector<16xf32>
      %swap3A_476 = vector.shape_cast %add3A_471 : vector<16xf32> to vector<1x16xf32>
      tpu.vector_store %arg10[%swap3A_472, %swap3A_473], %swap3A_476 {strides = array<i32>} : memref<16x768xf32, #tpu.memory_space<vmem>>, vector<1x16xf32>,
      %mul3A_477 = arith.constant 2 : i32
      %mul3A_478 = arith.muli %mul3A_477, %scan3A_108 : i32
      %get3A_479 = arith.index_cast %mul3A_478 : i32 to index
      %get3A_480 = arith.constant 256 : index
      %get3A_481 = tpu.vector_load %arg8[%get3A_479, %get3A_480] {strides = array<i32>} : memref<32x768xf32, #tpu.memory_space<vmem>>, vector<1x16xf32>,
      %get3A_482 = vector.shape_cast %get3A_481 : vector<1x16xf32> to vector<16xf32>
      %mul3A_483 = arith.mulf %get3A_115, %get3A_482 : vector<16xf32>
      %mul3A_484 = arith.constant 2 : i32
      %mul3A_485 = arith.muli %mul3A_484, %scan3A_108 : i32
      %add3A_486 = arith.constant 1 : i32
      %add3A_487 = arith.addi %mul3A_485, %add3A_486 : i32
      %get3A_488 = arith.index_cast %add3A_487 : i32 to index
      %get3A_489 = arith.constant 256 : index
      %get3A_490 = tpu.vector_load %arg8[%get3A_488, %get3A_489] {strides = array<i32>} : memref<32x768xf32, #tpu.memory_space<vmem>>, vector<1x16xf32>,
      %get3A_491 = vector.shape_cast %get3A_490 : vector<1x16xf32> to vector<16xf32>
      %mul3A_492 = arith.mulf %get3A_125, %get3A_491 : vector<16xf32>
      %add3A_493 = arith.addf %mul3A_483, %mul3A_492 : vector<16xf32>
      %swap3A_494 = arith.index_cast %scan3A_108 : i32 to index
      %swap3A_495 = arith.constant 256 : index
      %swap3A_496 = tpu.vector_load %arg10[%swap3A_494, %swap3A_495] {strides = array<i32>} : memref<16x768xf32, #tpu.memory_space<vmem>>, vector<1x16xf32>,
      %swap3A_497 = vector.shape_cast %swap3A_496 : vector<1x16xf32> to vector<16xf32>
      %swap3A_498 = vector.shape_cast %add3A_493 : vector<16xf32> to vector<1x16xf32>
      tpu.vector_store %arg10[%swap3A_494, %swap3A_495], %swap3A_498 {strides = array<i32>} : memref<16x768xf32, #tpu.memory_space<vmem>>, vector<1x16xf32>,
      %mul3A_499 = arith.constant 2 : i32
      %mul3A_500 = arith.muli %mul3A_499, %scan3A_108 : i32
      %get3A_501 = arith.index_cast %mul3A_500 : i32 to index
      %get3A_502 = arith.constant 272 : index
      %get3A_503 = tpu.vector_load %arg8[%get3A_501, %get3A_502] {strides = array<i32>} : memref<32x768xf32, #tpu.memory_space<vmem>>, vector<1x16xf32>,
      %get3A_504 = vector.shape_cast %get3A_503 : vector<1x16xf32> to vector<16xf32>
      %mul3A_505 = arith.mulf %get3A_115, %get3A_504 : vector<16xf32>
      %mul3A_506 = arith.constant 2 : i32
      %mul3A_507 = arith.muli %mul3A_506, %scan3A_108 : i32
      %add3A_508 = arith.constant 1 : i32
      %add3A_509 = arith.addi %mul3A_507, %add3A_508 : i32
      %get3A_510 = arith.index_cast %add3A_509 : i32 to index
      %get3A_511 = arith.constant 272 : index
      %get3A_512 = tpu.vector_load %arg8[%get3A_510, %get3A_511] {strides = array<i32>} : memref<32x768xf32, #tpu.memory_space<vmem>>, vector<1x16xf32>,
      %get3A_513 = vector.shape_cast %get3A_512 : vector<1x16xf32> to vector<16xf32>
      %mul3A_514 = arith.mulf %get3A_125, %get3A_513 : vector<16xf32>
      %add3A_515 = arith.addf %mul3A_505, %mul3A_514 : vector<16xf32>
      %swap3A_516 = arith.index_cast %scan3A_108 : i32 to index
      %swap3A_517 = arith.constant 272 : index
      %swap3A_518 = tpu.vector_load %arg10[%swap3A_516, %swap3A_517] {strides = array<i32>} : memref<16x768xf32, #tpu.memory_space<vmem>>, vector<1x16xf32>,
      %swap3A_519 = vector.shape_cast %swap3A_518 : vector<1x16xf32> to vector<16xf32>
      %swap3A_520 = vector.shape_cast %add3A_515 : vector<16xf32> to vector<1x16xf32>
      tpu.vector_store %arg10[%swap3A_516, %swap3A_517], %swap3A_520 {strides = array<i32>} : memref<16x768xf32, #tpu.memory_space<vmem>>, vector<1x16xf32>,
      %mul3A_521 = arith.constant 2 : i32
      %mul3A_522 = arith.muli %mul3A_521, %scan3A_108 : i32
      %get3A_523 = arith.index_cast %mul3A_522 : i32 to index
      %get3A_524 = arith.constant 288 : index
      %get3A_525 = tpu.vector_load %arg8[%get3A_523, %get3A_524] {strides = array<i32>} : memref<32x768xf32, #tpu.memory_space<vmem>>, vector<1x16xf32>,
      %get3A_526 = vector.shape_cast %get3A_525 : vector<1x16xf32> to vector<16xf32>
      %mul3A_527 = arith.mulf %get3A_115, %get3A_526 : vector<16xf32>
      %mul3A_528 = arith.constant 2 : i32
      %mul3A_529 = arith.muli %mul3A_528, %scan3A_108 : i32
      %add3A_530 = arith.constant 1 : i32
      %add3A_531 = arith.addi %mul3A_529, %add3A_530 : i32
      %get3A_532 = arith.index_cast %add3A_531 : i32 to index
      %get3A_533 = arith.constant 288 : index
      %get3A_534 = tpu.vector_load %arg8[%get3A_532, %get3A_533] {strides = array<i32>} : memref<32x768xf32, #tpu.memory_space<vmem>>, vector<1x16xf32>,
      %get3A_535 = vector.shape_cast %get3A_534 : vector<1x16xf32> to vector<16xf32>
      %mul3A_536 = arith.mulf %get3A_125, %get3A_535 : vector<16xf32>
      %add3A_537 = arith.addf %mul3A_527, %mul3A_536 : vector<16xf32>
      %swap3A_538 = arith.index_cast %scan3A_108 : i32 to index
      %swap3A_539 = arith.constant 288 : index
      %swap3A_540 = tpu.vector_load %arg10[%swap3A_538, %swap3A_539] {strides = array<i32>} : memref<16x768xf32, #tpu.memory_space<vmem>>, vector<1x16xf32>,
      %swap3A_541 = vector.shape_cast %swap3A_540 : vector<1x16xf32> to vector<16xf32>
      %swap3A_542 = vector.shape_cast %add3A_537 : vector<16xf32> to vector<1x16xf32>
      tpu.vector_store %arg10[%swap3A_538, %swap3A_539], %swap3A_542 {strides = array<i32>} : memref<16x768xf32, #tpu.memory_space<vmem>>, vector<1x16xf32>,
      %mul3A_543 = arith.constant 2 : i32
      %mul3A_544 = arith.muli %mul3A_543, %scan3A_108 : i32
      %get3A_545 = arith.index_cast %mul3A_544 : i32 to index
      %get3A_546 = arith.constant 304 : index
      %get3A_547 = tpu.vector_load %arg8[%get3A_545, %get3A_546] {strides = array<i32>} : memref<32x768xf32, #tpu.memory_space<vmem>>, vector<1x16xf32>,
      %get3A_548 = vector.shape_cast %get3A_547 : vector<1x16xf32> to vector<16xf32>
      %mul3A_549 = arith.mulf %get3A_115, %get3A_548 : vector<16xf32>
      %mul3A_550 = arith.constant 2 : i32
      %mul3A_551 = arith.muli %mul3A_550, %scan3A_108 : i32
      %add3A_552 = arith.constant 1 : i32
      %add3A_553 = arith.addi %mul3A_551, %add3A_552 : i32
      %get3A_554 = arith.index_cast %add3A_553 : i32 to index
      %get3A_555 = arith.constant 304 : index
      %get3A_556 = tpu.vector_load %arg8[%get3A_554, %get3A_555] {strides = array<i32>} : memref<32x768xf32, #tpu.memory_space<vmem>>, vector<1x16xf32>,
      %get3A_557 = vector.shape_cast %get3A_556 : vector<1x16xf32> to vector<16xf32>
      %mul3A_558 = arith.mulf %get3A_125, %get3A_557 : vector<16xf32>
      %add3A_559 = arith.addf %mul3A_549, %mul3A_558 : vector<16xf32>
      %swap3A_560 = arith.index_cast %scan3A_108 : i32 to index
      %swap3A_561 = arith.constant 304 : index
      %swap3A_562 = tpu.vector_load %arg10[%swap3A_560, %swap3A_561] {strides = array<i32>} : memref<16x768xf32, #tpu.memory_space<vmem>>, vector<1x16xf32>,
      %swap3A_563 = vector.shape_cast %swap3A_562 : vector<1x16xf32> to vector<16xf32>
      %swap3A_564 = vector.shape_cast %add3A_559 : vector<16xf32> to vector<1x16xf32>
      tpu.vector_store %arg10[%swap3A_560, %swap3A_561], %swap3A_564 {strides = array<i32>} : memref<16x768xf32, #tpu.memory_space<vmem>>, vector<1x16xf32>,
      %mul3A_565 = arith.constant 2 : i32
      %mul3A_566 = arith.muli %mul3A_565, %scan3A_108 : i32
      %get3A_567 = arith.index_cast %mul3A_566 : i32 to index
      %get3A_568 = arith.constant 320 : index
      %get3A_569 = tpu.vector_load %arg8[%get3A_567, %get3A_568] {strides = array<i32>} : memref<32x768xf32, #tpu.memory_space<vmem>>, vector<1x16xf32>,
      %get3A_570 = vector.shape_cast %get3A_569 : vector<1x16xf32> to vector<16xf32>
      %mul3A_571 = arith.mulf %get3A_115, %get3A_570 : vector<16xf32>
      %mul3A_572 = arith.constant 2 : i32
      %mul3A_573 = arith.muli %mul3A_572, %scan3A_108 : i32
      %add3A_574 = arith.constant 1 : i32
      %add3A_575 = arith.addi %mul3A_573, %add3A_574 : i32
      %get3A_576 = arith.index_cast %add3A_575 : i32 to index
      %get3A_577 = arith.constant 320 : index
      %get3A_578 = tpu.vector_load %arg8[%get3A_576, %get3A_577] {strides = array<i32>} : memref<32x768xf32, #tpu.memory_space<vmem>>, vector<1x16xf32>,
      %get3A_579 = vector.shape_cast %get3A_578 : vector<1x16xf32> to vector<16xf32>
      %mul3A_580 = arith.mulf %get3A_125, %get3A_579 : vector<16xf32>
      %add3A_581 = arith.addf %mul3A_571, %mul3A_580 : vector<16xf32>
      %swap3A_582 = arith.index_cast %scan3A_108 : i32 to index
      %swap3A_583 = arith.constant 320 : index
      %swap3A_584 = tpu.vector_load %arg10[%swap3A_582, %swap3A_583] {strides = array<i32>} : memref<16x768xf32, #tpu.memory_space<vmem>>, vector<1x16xf32>,
      %swap3A_585 = vector.shape_cast %swap3A_584 : vector<1x16xf32> to vector<16xf32>
      %swap3A_586 = vector.shape_cast %add3A_581 : vector<16xf32> to vector<1x16xf32>
      tpu.vector_store %arg10[%swap3A_582, %swap3A_583], %swap3A_586 {strides = array<i32>} : memref<16x768xf32, #tpu.memory_space<vmem>>, vector<1x16xf32>,
      %mul3A_587 = arith.constant 2 : i32
      %mul3A_588 = arith.muli %mul3A_587, %scan3A_108 : i32
      %get3A_589 = arith.index_cast %mul3A_588 : i32 to index
      %get3A_590 = arith.constant 336 : index
      %get3A_591 = tpu.vector_load %arg8[%get3A_589, %get3A_590] {strides = array<i32>} : memref<32x768xf32, #tpu.memory_space<vmem>>, vector<1x16xf32>,
      %get3A_592 = vector.shape_cast %get3A_591 : vector<1x16xf32> to vector<16xf32>
      %mul3A_593 = arith.mulf %get3A_115, %get3A_592 : vector<16xf32>
      %mul3A_594 = arith.constant 2 : i32
      %mul3A_595 = arith.muli %mul3A_594, %scan3A_108 : i32
      %add3A_596 = arith.constant 1 : i32
      %add3A_597 = arith.addi %mul3A_595, %add3A_596 : i32
      %get3A_598 = arith.index_cast %add3A_597 : i32 to index
      %get3A_599 = arith.constant 336 : index
      %get3A_600 = tpu.vector_load %arg8[%get3A_598, %get3A_599] {strides = array<i32>} : memref<32x768xf32, #tpu.memory_space<vmem>>, vector<1x16xf32>,
      %get3A_601 = vector.shape_cast %get3A_600 : vector<1x16xf32> to vector<16xf32>
      %mul3A_602 = arith.mulf %get3A_125, %get3A_601 : vector<16xf32>
      %add3A_603 = arith.addf %mul3A_593, %mul3A_602 : vector<16xf32>
      %swap3A_604 = arith.index_cast %scan3A_108 : i32 to index
      %swap3A_605 = arith.constant 336 : index
      %swap3A_606 = tpu.vector_load %arg10[%swap3A_604, %swap3A_605] {strides = array<i32>} : memref<16x768xf32, #tpu.memory_space<vmem>>, vector<1x16xf32>,
      %swap3A_607 = vector.shape_cast %swap3A_606 : vector<1x16xf32> to vector<16xf32>
      %swap3A_608 = vector.shape_cast %add3A_603 : vector<16xf32> to vector<1x16xf32>
      tpu.vector_store %arg10[%swap3A_604, %swap3A_605], %swap3A_608 {strides = array<i32>} : memref<16x768xf32, #tpu.memory_space<vmem>>, vector<1x16xf32>,
      %mul3A_609 = arith.constant 2 : i32
      %mul3A_610 = arith.muli %mul3A_609, %scan3A_108 : i32
      %get3A_611 = arith.index_cast %mul3A_610 : i32 to index
      %get3A_612 = arith.constant 352 : index
      %get3A_613 = tpu.vector_load %arg8[%get3A_611, %get3A_612] {strides = array<i32>} : memref<32x768xf32, #tpu.memory_space<vmem>>, vector<1x16xf32>,
      %get3A_614 = vector.shape_cast %get3A_613 : vector<1x16xf32> to vector<16xf32>
      %mul3A_615 = arith.mulf %get3A_115, %get3A_614 : vector<16xf32>
      %mul3A_616 = arith.constant 2 : i32
      %mul3A_617 = arith.muli %mul3A_616, %scan3A_108 : i32
      %add3A_618 = arith.constant 1 : i32
      %add3A_619 = arith.addi %mul3A_617, %add3A_618 : i32
      %get3A_620 = arith.index_cast %add3A_619 : i32 to index
      %get3A_621 = arith.constant 352 : index
      %get3A_622 = tpu.vector_load %arg8[%get3A_620, %get3A_621] {strides = array<i32>} : memref<32x768xf32, #tpu.memory_space<vmem>>, vector<1x16xf32>,
      %get3A_623 = vector.shape_cast %get3A_622 : vector<1x16xf32> to vector<16xf32>
      %mul3A_624 = arith.mulf %get3A_125, %get3A_623 : vector<16xf32>
      %add3A_625 = arith.addf %mul3A_615, %mul3A_624 : vector<16xf32>
      %swap3A_626 = arith.index_cast %scan3A_108 : i32 to index
      %swap3A_627 = arith.constant 352 : index
      %swap3A_628 = tpu.vector_load %arg10[%swap3A_626, %swap3A_627] {strides = array<i32>} : memref<16x768xf32, #tpu.memory_space<vmem>>, vector<1x16xf32>,
      %swap3A_629 = vector.shape_cast %swap3A_628 : vector<1x16xf32> to vector<16xf32>
      %swap3A_630 = vector.shape_cast %add3A_625 : vector<16xf32> to vector<1x16xf32>
      tpu.vector_store %arg10[%swap3A_626, %swap3A_627], %swap3A_630 {strides = array<i32>} : memref<16x768xf32, #tpu.memory_space<vmem>>, vector<1x16xf32>,
      %mul3A_631 = arith.constant 2 : i32
      %mul3A_632 = arith.muli %mul3A_631, %scan3A_108 : i32
      %get3A_633 = arith.index_cast %mul3A_632 : i32 to index
      %get3A_634 = arith.constant 368 : index
      %get3A_635 = tpu.vector_load %arg8[%get3A_633, %get3A_634] {strides = array<i32>} : memref<32x768xf32, #tpu.memory_space<vmem>>, vector<1x16xf32>,
      %get3A_636 = vector.shape_cast %get3A_635 : vector<1x16xf32> to vector<16xf32>
      %mul3A_637 = arith.mulf %get3A_115, %get3A_636 : vector<16xf32>
      %mul3A_638 = arith.constant 2 : i32
      %mul3A_639 = arith.muli %mul3A_638, %scan3A_108 : i32
      %add3A_640 = arith.constant 1 : i32
      %add3A_641 = arith.addi %mul3A_639, %add3A_640 : i32
      %get3A_642 = arith.index_cast %add3A_641 : i32 to index
      %get3A_643 = arith.constant 368 : index
      %get3A_644 = tpu.vector_load %arg8[%get3A_642, %get3A_643] {strides = array<i32>} : memref<32x768xf32, #tpu.memory_space<vmem>>, vector<1x16xf32>,
      %get3A_645 = vector.shape_cast %get3A_644 : vector<1x16xf32> to vector<16xf32>
      %mul3A_646 = arith.mulf %get3A_125, %get3A_645 : vector<16xf32>
      %add3A_647 = arith.addf %mul3A_637, %mul3A_646 : vector<16xf32>
      %swap3A_648 = arith.index_cast %scan3A_108 : i32 to index
      %swap3A_649 = arith.constant 368 : index
      %swap3A_650 = tpu.vector_load %arg10[%swap3A_648, %swap3A_649] {strides = array<i32>} : memref<16x768xf32, #tpu.memory_space<vmem>>, vector<1x16xf32>,
      %swap3A_651 = vector.shape_cast %swap3A_650 : vector<1x16xf32> to vector<16xf32>
      %swap3A_652 = vector.shape_cast %add3A_647 : vector<16xf32> to vector<1x16xf32>
      tpu.vector_store %arg10[%swap3A_648, %swap3A_649], %swap3A_652 {strides = array<i32>} : memref<16x768xf32, #tpu.memory_space<vmem>>, vector<1x16xf32>,
      %mul3A_653 = arith.constant 2 : i32
      %mul3A_654 = arith.muli %mul3A_653, %scan3A_108 : i32
      %get3A_655 = arith.index_cast %mul3A_654 : i32 to index
      %get3A_656 = arith.constant 384 : index
      %get3A_657 = tpu.vector_load %arg8[%get3A_655, %get3A_656] {strides = array<i32>} : memref<32x768xf32, #tpu.memory_space<vmem>>, vector<1x16xf32>,
      %get3A_658 = vector.shape_cast %get3A_657 : vector<1x16xf32> to vector<16xf32>
      %mul3A_659 = arith.mulf %get3A_115, %get3A_658 : vector<16xf32>
      %mul3A_660 = arith.constant 2 : i32
      %mul3A_661 = arith.muli %mul3A_660, %scan3A_108 : i32
      %add3A_662 = arith.constant 1 : i32
      %add3A_663 = arith.addi %mul3A_661, %add3A_662 : i32
      %get3A_664 = arith.index_cast %add3A_663 : i32 to index
      %get3A_665 = arith.constant 384 : index
      %get3A_666 = tpu.vector_load %arg8[%get3A_664, %get3A_665] {strides = array<i32>} : memref<32x768xf32, #tpu.memory_space<vmem>>, vector<1x16xf32>,
      %get3A_667 = vector.shape_cast %get3A_666 : vector<1x16xf32> to vector<16xf32>
      %mul3A_668 = arith.mulf %get3A_125, %get3A_667 : vector<16xf32>
      %add3A_669 = arith.addf %mul3A_659, %mul3A_668 : vector<16xf32>
      %swap3A_670 = arith.index_cast %scan3A_108 : i32 to index
      %swap3A_671 = arith.constant 384 : index
      %swap3A_672 = tpu.vector_load %arg10[%swap3A_670, %swap3A_671] {strides = array<i32>} : memref<16x768xf32, #tpu.memory_space<vmem>>, vector<1x16xf32>,
      %swap3A_673 = vector.shape_cast %swap3A_672 : vector<1x16xf32> to vector<16xf32>
      %swap3A_674 = vector.shape_cast %add3A_669 : vector<16xf32> to vector<1x16xf32>
      tpu.vector_store %arg10[%swap3A_670, %swap3A_671], %swap3A_674 {strides = array<i32>} : memref<16x768xf32, #tpu.memory_space<vmem>>, vector<1x16xf32>,
      %mul3A_675 = arith.constant 2 : i32
      %mul3A_676 = arith.muli %mul3A_675, %scan3A_108 : i32
      %get3A_677 = arith.index_cast %mul3A_676 : i32 to index
      %get3A_678 = arith.constant 400 : index
      %get3A_679 = tpu.vector_load %arg8[%get3A_677, %get3A_678] {strides = array<i32>} : memref<32x768xf32, #tpu.memory_space<vmem>>, vector<1x16xf32>,
      %get3A_680 = vector.shape_cast %get3A_679 : vector<1x16xf32> to vector<16xf32>
      %mul3A_681 = arith.mulf %get3A_115, %get3A_680 : vector<16xf32>
      %mul3A_682 = arith.constant 2 : i32
      %mul3A_683 = arith.muli %mul3A_682, %scan3A_108 : i32
      %add3A_684 = arith.constant 1 : i32
      %add3A_685 = arith.addi %mul3A_683, %add3A_684 : i32
      %get3A_686 = arith.index_cast %add3A_685 : i32 to index
      %get3A_687 = arith.constant 400 : index
      %get3A_688 = tpu.vector_load %arg8[%get3A_686, %get3A_687] {strides = array<i32>} : memref<32x768xf32, #tpu.memory_space<vmem>>, vector<1x16xf32>,
      %get3A_689 = vector.shape_cast %get3A_688 : vector<1x16xf32> to vector<16xf32>
      %mul3A_690 = arith.mulf %get3A_125, %get3A_689 : vector<16xf32>
      %add3A_691 = arith.addf %mul3A_681, %mul3A_690 : vector<16xf32>
      %swap3A_692 = arith.index_cast %scan3A_108 : i32 to index
      %swap3A_693 = arith.constant 400 : index
      %swap3A_694 = tpu.vector_load %arg10[%swap3A_692, %swap3A_693] {strides = array<i32>} : memref<16x768xf32, #tpu.memory_space<vmem>>, vector<1x16xf32>,
      %swap3A_695 = vector.shape_cast %swap3A_694 : vector<1x16xf32> to vector<16xf32>
      %swap3A_696 = vector.shape_cast %add3A_691 : vector<16xf32> to vector<1x16xf32>
      tpu.vector_store %arg10[%swap3A_692, %swap3A_693], %swap3A_696 {strides = array<i32>} : memref<16x768xf32, #tpu.memory_space<vmem>>, vector<1x16xf32>,
      %mul3A_697 = arith.constant 2 : i32
      %mul3A_698 = arith.muli %mul3A_697, %scan3A_108 : i32
      %get3A_699 = arith.index_cast %mul3A_698 : i32 to index
      %get3A_700 = arith.constant 416 : index
      %get3A_701 = tpu.vector_load %arg8[%get3A_699, %get3A_700] {strides = array<i32>} : memref<32x768xf32, #tpu.memory_space<vmem>>, vector<1x16xf32>,
      %get3A_702 = vector.shape_cast %get3A_701 : vector<1x16xf32> to vector<16xf32>
      %mul3A_703 = arith.mulf %get3A_115, %get3A_702 : vector<16xf32>
      %mul3A_704 = arith.constant 2 : i32
      %mul3A_705 = arith.muli %mul3A_704, %scan3A_108 : i32
      %add3A_706 = arith.constant 1 : i32
      %add3A_707 = arith.addi %mul3A_705, %add3A_706 : i32
      %get3A_708 = arith.index_cast %add3A_707 : i32 to index
      %get3A_709 = arith.constant 416 : index
      %get3A_710 = tpu.vector_load %arg8[%get3A_708, %get3A_709] {strides = array<i32>} : memref<32x768xf32, #tpu.memory_space<vmem>>, vector<1x16xf32>,
      %get3A_711 = vector.shape_cast %get3A_710 : vector<1x16xf32> to vector<16xf32>
      %mul3A_712 = arith.mulf %get3A_125, %get3A_711 : vector<16xf32>
      %add3A_713 = arith.addf %mul3A_703, %mul3A_712 : vector<16xf32>
      %swap3A_714 = arith.index_cast %scan3A_108 : i32 to index
      %swap3A_715 = arith.constant 416 : index
      %swap3A_716 = tpu.vector_load %arg10[%swap3A_714, %swap3A_715] {strides = array<i32>} : memref<16x768xf32, #tpu.memory_space<vmem>>, vector<1x16xf32>,
      %swap3A_717 = vector.shape_cast %swap3A_716 : vector<1x16xf32> to vector<16xf32>
      %swap3A_718 = vector.shape_cast %add3A_713 : vector<16xf32> to vector<1x16xf32>
      tpu.vector_store %arg10[%swap3A_714, %swap3A_715], %swap3A_718 {strides = array<i32>} : memref<16x768xf32, #tpu.memory_space<vmem>>, vector<1x16xf32>,
      %mul3A_719 = arith.constant 2 : i32
      %mul3A_720 = arith.muli %mul3A_719, %scan3A_108 : i32
      %get3A_721 = arith.index_cast %mul3A_720 : i32 to index
      %get3A_722 = arith.constant 432 : index
      %get3A_723 = tpu.vector_load %arg8[%get3A_721, %get3A_722] {strides = array<i32>} : memref<32x768xf32, #tpu.memory_space<vmem>>, vector<1x16xf32>,
      %get3A_724 = vector.shape_cast %get3A_723 : vector<1x16xf32> to vector<16xf32>
      %mul3A_725 = arith.mulf %get3A_115, %get3A_724 : vector<16xf32>
      %mul3A_726 = arith.constant 2 : i32
      %mul3A_727 = arith.muli %mul3A_726, %scan3A_108 : i32
      %add3A_728 = arith.constant 1 : i32
      %add3A_729 = arith.addi %mul3A_727, %add3A_728 : i32
      %get3A_730 = arith.index_cast %add3A_729 : i32 to index
      %get3A_731 = arith.constant 432 : index
      %get3A_732 = tpu.vector_load %arg8[%get3A_730, %get3A_731] {strides = array<i32>} : memref<32x768xf32, #tpu.memory_space<vmem>>, vector<1x16xf32>,
      %get3A_733 = vector.shape_cast %get3A_732 : vector<1x16xf32> to vector<16xf32>
      %mul3A_734 = arith.mulf %get3A_125, %get3A_733 : vector<16xf32>
      %add3A_735 = arith.addf %mul3A_725, %mul3A_734 : vector<16xf32>
      %swap3A_736 = arith.index_cast %scan3A_108 : i32 to index
      %swap3A_737 = arith.constant 432 : index
      %swap3A_738 = tpu.vector_load %arg10[%swap3A_736, %swap3A_737] {strides = array<i32>} : memref<16x768xf32, #tpu.memory_space<vmem>>, vector<1x16xf32>,
      %swap3A_739 = vector.shape_cast %swap3A_738 : vector<1x16xf32> to vector<16xf32>
      %swap3A_740 = vector.shape_cast %add3A_735 : vector<16xf32> to vector<1x16xf32>
      tpu.vector_store %arg10[%swap3A_736, %swap3A_737], %swap3A_740 {strides = array<i32>} : memref<16x768xf32, #tpu.memory_space<vmem>>, vector<1x16xf32>,
      %mul3A_741 = arith.constant 2 : i32
      %mul3A_742 = arith.muli %mul3A_741, %scan3A_108 : i32
      %get3A_743 = arith.index_cast %mul3A_742 : i32 to index
      %get3A_744 = arith.constant 448 : index
      %get3A_745 = tpu.vector_load %arg8[%get3A_743, %get3A_744] {strides = array<i32>} : memref<32x768xf32, #tpu.memory_space<vmem>>, vector<1x16xf32>,
      %get3A_746 = vector.shape_cast %get3A_745 : vector<1x16xf32> to vector<16xf32>
      %mul3A_747 = arith.mulf %get3A_115, %get3A_746 : vector<16xf32>
      %mul3A_748 = arith.constant 2 : i32
      %mul3A_749 = arith.muli %mul3A_748, %scan3A_108 : i32
      %add3A_750 = arith.constant 1 : i32
      %add3A_751 = arith.addi %mul3A_749, %add3A_750 : i32
      %get3A_752 = arith.index_cast %add3A_751 : i32 to index
      %get3A_753 = arith.constant 448 : index
      %get3A_754 = tpu.vector_load %arg8[%get3A_752, %get3A_753] {strides = array<i32>} : memref<32x768xf32, #tpu.memory_space<vmem>>, vector<1x16xf32>,
      %get3A_755 = vector.shape_cast %get3A_754 : vector<1x16xf32> to vector<16xf32>
      %mul3A_756 = arith.mulf %get3A_125, %get3A_755 : vector<16xf32>
      %add3A_757 = arith.addf %mul3A_747, %mul3A_756 : vector<16xf32>
      %swap3A_758 = arith.index_cast %scan3A_108 : i32 to index
      %swap3A_759 = arith.constant 448 : index
      %swap3A_760 = tpu.vector_load %arg10[%swap3A_758, %swap3A_759] {strides = array<i32>} : memref<16x768xf32, #tpu.memory_space<vmem>>, vector<1x16xf32>,
      %swap3A_761 = vector.shape_cast %swap3A_760 : vector<1x16xf32> to vector<16xf32>
      %swap3A_762 = vector.shape_cast %add3A_757 : vector<16xf32> to vector<1x16xf32>
      tpu.vector_store %arg10[%swap3A_758, %swap3A_759], %swap3A_762 {strides = array<i32>} : memref<16x768xf32, #tpu.memory_space<vmem>>, vector<1x16xf32>,
      %mul3A_763 = arith.constant 2 : i32
      %mul3A_764 = arith.muli %mul3A_763, %scan3A_108 : i32
      %get3A_765 = arith.index_cast %mul3A_764 : i32 to index
      %get3A_766 = arith.constant 464 : index
      %get3A_767 = tpu.vector_load %arg8[%get3A_765, %get3A_766] {strides = array<i32>} : memref<32x768xf32, #tpu.memory_space<vmem>>, vector<1x16xf32>,
      %get3A_768 = vector.shape_cast %get3A_767 : vector<1x16xf32> to vector<16xf32>
      %mul3A_769 = arith.mulf %get3A_115, %get3A_768 : vector<16xf32>
      %mul3A_770 = arith.constant 2 : i32
      %mul3A_771 = arith.muli %mul3A_770, %scan3A_108 : i32
      %add3A_772 = arith.constant 1 : i32
      %add3A_773 = arith.addi %mul3A_771, %add3A_772 : i32
      %get3A_774 = arith.index_cast %add3A_773 : i32 to index
      %get3A_775 = arith.constant 464 : index
      %get3A_776 = tpu.vector_load %arg8[%get3A_774, %get3A_775] {strides = array<i32>} : memref<32x768xf32, #tpu.memory_space<vmem>>, vector<1x16xf32>,
      %get3A_777 = vector.shape_cast %get3A_776 : vector<1x16xf32> to vector<16xf32>
      %mul3A_778 = arith.mulf %get3A_125, %get3A_777 : vector<16xf32>
      %add3A_779 = arith.addf %mul3A_769, %mul3A_778 : vector<16xf32>
      %swap3A_780 = arith.index_cast %scan3A_108 : i32 to index
      %swap3A_781 = arith.constant 464 : index
      %swap3A_782 = tpu.vector_load %arg10[%swap3A_780, %swap3A_781] {strides = array<i32>} : memref<16x768xf32, #tpu.memory_space<vmem>>, vector<1x16xf32>,
      %swap3A_783 = vector.shape_cast %swap3A_782 : vector<1x16xf32> to vector<16xf32>
      %swap3A_784 = vector.shape_cast %add3A_779 : vector<16xf32> to vector<1x16xf32>
      tpu.vector_store %arg10[%swap3A_780, %swap3A_781], %swap3A_784 {strides = array<i32>} : memref<16x768xf32, #tpu.memory_space<vmem>>, vector<1x16xf32>,
      %mul3A_785 = arith.constant 2 : i32
      %mul3A_786 = arith.muli %mul3A_785, %scan3A_108 : i32
      %get3A_787 = arith.index_cast %mul3A_786 : i32 to index
      %get3A_788 = arith.constant 480 : index
      %get3A_789 = tpu.vector_load %arg8[%get3A_787, %get3A_788] {strides = array<i32>} : memref<32x768xf32, #tpu.memory_space<vmem>>, vector<1x16xf32>,
      %get3A_790 = vector.shape_cast %get3A_789 : vector<1x16xf32> to vector<16xf32>
      %mul3A_791 = arith.mulf %get3A_115, %get3A_790 : vector<16xf32>
      %mul3A_792 = arith.constant 2 : i32
      %mul3A_793 = arith.muli %mul3A_792, %scan3A_108 : i32
      %add3A_794 = arith.constant 1 : i32
      %add3A_795 = arith.addi %mul3A_793, %add3A_794 : i32
      %get3A_796 = arith.index_cast %add3A_795 : i32 to index
      %get3A_797 = arith.constant 480 : index
      %get3A_798 = tpu.vector_load %arg8[%get3A_796, %get3A_797] {strides = array<i32>} : memref<32x768xf32, #tpu.memory_space<vmem>>, vector<1x16xf32>,
      %get3A_799 = vector.shape_cast %get3A_798 : vector<1x16xf32> to vector<16xf32>
      %mul3A_800 = arith.mulf %get3A_125, %get3A_799 : vector<16xf32>
      %add3A_801 = arith.addf %mul3A_791, %mul3A_800 : vector<16xf32>
      %swap3A_802 = arith.index_cast %scan3A_108 : i32 to index
      %swap3A_803 = arith.constant 480 : index
      %swap3A_804 = tpu.vector_load %arg10[%swap3A_802, %swap3A_803] {strides = array<i32>} : memref<16x768xf32, #tpu.memory_space<vmem>>, vector<1x16xf32>,
      %swap3A_805 = vector.shape_cast %swap3A_804 : vector<1x16xf32> to vector<16xf32>
      %swap3A_806 = vector.shape_cast %add3A_801 : vector<16xf32> to vector<1x16xf32>
      tpu.vector_store %arg10[%swap3A_802, %swap3A_803], %swap3A_806 {strides = array<i32>} : memref<16x768xf32, #tpu.memory_space<vmem>>, vector<1x16xf32>,
      %mul3A_807 = arith.constant 2 : i32
      %mul3A_808 = arith.muli %mul3A_807, %scan3A_108 : i32
      %get3A_809 = arith.index_cast %mul3A_808 : i32 to index
      %get3A_810 = arith.constant 496 : index
      %get3A_811 = tpu.vector_load %arg8[%get3A_809, %get3A_810] {strides = array<i32>} : memref<32x768xf32, #tpu.memory_space<vmem>>, vector<1x16xf32>,
      %get3A_812 = vector.shape_cast %get3A_811 : vector<1x16xf32> to vector<16xf32>
      %mul3A_813 = arith.mulf %get3A_115, %get3A_812 : vector<16xf32>
      %mul3A_814 = arith.constant 2 : i32
      %mul3A_815 = arith.muli %mul3A_814, %scan3A_108 : i32
      %add3A_816 = arith.constant 1 : i32
      %add3A_817 = arith.addi %mul3A_815, %add3A_816 : i32
      %get3A_818 = arith.index_cast %add3A_817 : i32 to index
      %get3A_819 = arith.constant 496 : index
      %get3A_820 = tpu.vector_load %arg8[%get3A_818, %get3A_819] {strides = array<i32>} : memref<32x768xf32, #tpu.memory_space<vmem>>, vector<1x16xf32>,
      %get3A_821 = vector.shape_cast %get3A_820 : vector<1x16xf32> to vector<16xf32>
      %mul3A_822 = arith.mulf %get3A_125, %get3A_821 : vector<16xf32>
      %add3A_823 = arith.addf %mul3A_813, %mul3A_822 : vector<16xf32>
      %swap3A_824 = arith.index_cast %scan3A_108 : i32 to index
      %swap3A_825 = arith.constant 496 : index
      %swap3A_826 = tpu.vector_load %arg10[%swap3A_824, %swap3A_825] {strides = array<i32>} : memref<16x768xf32, #tpu.memory_space<vmem>>, vector<1x16xf32>,
      %swap3A_827 = vector.shape_cast %swap3A_826 : vector<1x16xf32> to vector<16xf32>
      %swap3A_828 = vector.shape_cast %add3A_823 : vector<16xf32> to vector<1x16xf32>
      tpu.vector_store %arg10[%swap3A_824, %swap3A_825], %swap3A_828 {strides = array<i32>} : memref<16x768xf32, #tpu.memory_space<vmem>>, vector<1x16xf32>,
      %mul3A_829 = arith.constant 2 : i32
      %mul3A_830 = arith.muli %mul3A_829, %scan3A_108 : i32
      %get3A_831 = arith.index_cast %mul3A_830 : i32 to index
      %get3A_832 = arith.constant 512 : index
      %get3A_833 = tpu.vector_load %arg8[%get3A_831, %get3A_832] {strides = array<i32>} : memref<32x768xf32, #tpu.memory_space<vmem>>, vector<1x16xf32>,
      %get3A_834 = vector.shape_cast %get3A_833 : vector<1x16xf32> to vector<16xf32>
      %mul3A_835 = arith.mulf %get3A_115, %get3A_834 : vector<16xf32>
      %mul3A_836 = arith.constant 2 : i32
      %mul3A_837 = arith.muli %mul3A_836, %scan3A_108 : i32
      %add3A_838 = arith.constant 1 : i32
      %add3A_839 = arith.addi %mul3A_837, %add3A_838 : i32
      %get3A_840 = arith.index_cast %add3A_839 : i32 to index
      %get3A_841 = arith.constant 512 : index
      %get3A_842 = tpu.vector_load %arg8[%get3A_840, %get3A_841] {strides = array<i32>} : memref<32x768xf32, #tpu.memory_space<vmem>>, vector<1x16xf32>,
      %get3A_843 = vector.shape_cast %get3A_842 : vector<1x16xf32> to vector<16xf32>
      %mul3A_844 = arith.mulf %get3A_125, %get3A_843 : vector<16xf32>
      %add3A_845 = arith.addf %mul3A_835, %mul3A_844 : vector<16xf32>
      %swap3A_846 = arith.index_cast %scan3A_108 : i32 to index
      %swap3A_847 = arith.constant 512 : index
      %swap3A_848 = tpu.vector_load %arg10[%swap3A_846, %swap3A_847] {strides = array<i32>} : memref<16x768xf32, #tpu.memory_space<vmem>>, vector<1x16xf32>,
      %swap3A_849 = vector.shape_cast %swap3A_848 : vector<1x16xf32> to vector<16xf32>
      %swap3A_850 = vector.shape_cast %add3A_845 : vector<16xf32> to vector<1x16xf32>
      tpu.vector_store %arg10[%swap3A_846, %swap3A_847], %swap3A_850 {strides = array<i32>} : memref<16x768xf32, #tpu.memory_space<vmem>>, vector<1x16xf32>,
      %mul3A_851 = arith.constant 2 : i32
      %mul3A_852 = arith.muli %mul3A_851, %scan3A_108 : i32
      %get3A_853 = arith.index_cast %mul3A_852 : i32 to index
      %get3A_854 = arith.constant 528 : index
      %get3A_855 = tpu.vector_load %arg8[%get3A_853, %get3A_854] {strides = array<i32>} : memref<32x768xf32, #tpu.memory_space<vmem>>, vector<1x16xf32>,
      %get3A_856 = vector.shape_cast %get3A_855 : vector<1x16xf32> to vector<16xf32>
      %mul3A_857 = arith.mulf %get3A_115, %get3A_856 : vector<16xf32>
      %mul3A_858 = arith.constant 2 : i32
      %mul3A_859 = arith.muli %mul3A_858, %scan3A_108 : i32
      %add3A_860 = arith.constant 1 : i32
      %add3A_861 = arith.addi %mul3A_859, %add3A_860 : i32
      %get3A_862 = arith.index_cast %add3A_861 : i32 to index
      %get3A_863 = arith.constant 528 : index
      %get3A_864 = tpu.vector_load %arg8[%get3A_862, %get3A_863] {strides = array<i32>} : memref<32x768xf32, #tpu.memory_space<vmem>>, vector<1x16xf32>,
      %get3A_865 = vector.shape_cast %get3A_864 : vector<1x16xf32> to vector<16xf32>
      %mul3A_866 = arith.mulf %get3A_125, %get3A_865 : vector<16xf32>
      %add3A_867 = arith.addf %mul3A_857, %mul3A_866 : vector<16xf32>
      %swap3A_868 = arith.index_cast %scan3A_108 : i32 to index
      %swap3A_869 = arith.constant 528 : index
      %swap3A_870 = tpu.vector_load %arg10[%swap3A_868, %swap3A_869] {strides = array<i32>} : memref<16x768xf32, #tpu.memory_space<vmem>>, vector<1x16xf32>,
      %swap3A_871 = vector.shape_cast %swap3A_870 : vector<1x16xf32> to vector<16xf32>
      %swap3A_872 = vector.shape_cast %add3A_867 : vector<16xf32> to vector<1x16xf32>
      tpu.vector_store %arg10[%swap3A_868, %swap3A_869], %swap3A_872 {strides = array<i32>} : memref<16x768xf32, #tpu.memory_space<vmem>>, vector<1x16xf32>,
      %mul3A_873 = arith.constant 2 : i32
      %mul3A_874 = arith.muli %mul3A_873, %scan3A_108 : i32
      %get3A_875 = arith.index_cast %mul3A_874 : i32 to index
      %get3A_876 = arith.constant 544 : index
      %get3A_877 = tpu.vector_load %arg8[%get3A_875, %get3A_876] {strides = array<i32>} : memref<32x768xf32, #tpu.memory_space<vmem>>, vector<1x16xf32>,
      %get3A_878 = vector.shape_cast %get3A_877 : vector<1x16xf32> to vector<16xf32>
      %mul3A_879 = arith.mulf %get3A_115, %get3A_878 : vector<16xf32>
      %mul3A_880 = arith.constant 2 : i32
      %mul3A_881 = arith.muli %mul3A_880, %scan3A_108 : i32
      %add3A_882 = arith.constant 1 : i32
      %add3A_883 = arith.addi %mul3A_881, %add3A_882 : i32
      %get3A_884 = arith.index_cast %add3A_883 : i32 to index
      %get3A_885 = arith.constant 544 : index
      %get3A_886 = tpu.vector_load %arg8[%get3A_884, %get3A_885] {strides = array<i32>} : memref<32x768xf32, #tpu.memory_space<vmem>>, vector<1x16xf32>,
      %get3A_887 = vector.shape_cast %get3A_886 : vector<1x16xf32> to vector<16xf32>
      %mul3A_888 = arith.mulf %get3A_125, %get3A_887 : vector<16xf32>
      %add3A_889 = arith.addf %mul3A_879, %mul3A_888 : vector<16xf32>
      %swap3A_890 = arith.index_cast %scan3A_108 : i32 to index
      %swap3A_891 = arith.constant 544 : index
      %swap3A_892 = tpu.vector_load %arg10[%swap3A_890, %swap3A_891] {strides = array<i32>} : memref<16x768xf32, #tpu.memory_space<vmem>>, vector<1x16xf32>,
      %swap3A_893 = vector.shape_cast %swap3A_892 : vector<1x16xf32> to vector<16xf32>
      %swap3A_894 = vector.shape_cast %add3A_889 : vector<16xf32> to vector<1x16xf32>
      tpu.vector_store %arg10[%swap3A_890, %swap3A_891], %swap3A_894 {strides = array<i32>} : memref<16x768xf32, #tpu.memory_space<vmem>>, vector<1x16xf32>,
      %mul3A_895 = arith.constant 2 : i32
      %mul3A_896 = arith.muli %mul3A_895, %scan3A_108 : i32
      %get3A_897 = arith.index_cast %mul3A_896 : i32 to index
      %get3A_898 = arith.constant 560 : index
      %get3A_899 = tpu.vector_load %arg8[%get3A_897, %get3A_898] {strides = array<i32>} : memref<32x768xf32, #tpu.memory_space<vmem>>, vector<1x16xf32>,
      %get3A_900 = vector.shape_cast %get3A_899 : vector<1x16xf32> to vector<16xf32>
      %mul3A_901 = arith.mulf %get3A_115, %get3A_900 : vector<16xf32>
      %mul3A_902 = arith.constant 2 : i32
      %mul3A_903 = arith.muli %mul3A_902, %scan3A_108 : i32
      %add3A_904 = arith.constant 1 : i32
      %add3A_905 = arith.addi %mul3A_903, %add3A_904 : i32
      %get3A_906 = arith.index_cast %add3A_905 : i32 to index
      %get3A_907 = arith.constant 560 : index
      %get3A_908 = tpu.vector_load %arg8[%get3A_906, %get3A_907] {strides = array<i32>} : memref<32x768xf32, #tpu.memory_space<vmem>>, vector<1x16xf32>,
      %get3A_909 = vector.shape_cast %get3A_908 : vector<1x16xf32> to vector<16xf32>
      %mul3A_910 = arith.mulf %get3A_125, %get3A_909 : vector<16xf32>
      %add3A_911 = arith.addf %mul3A_901, %mul3A_910 : vector<16xf32>
      %swap3A_912 = arith.index_cast %scan3A_108 : i32 to index
      %swap3A_913 = arith.constant 560 : index
      %swap3A_914 = tpu.vector_load %arg10[%swap3A_912, %swap3A_913] {strides = array<i32>} : memref<16x768xf32, #tpu.memory_space<vmem>>, vector<1x16xf32>,
      %swap3A_915 = vector.shape_cast %swap3A_914 : vector<1x16xf32> to vector<16xf32>
      %swap3A_916 = vector.shape_cast %add3A_911 : vector<16xf32> to vector<1x16xf32>
      tpu.vector_store %arg10[%swap3A_912, %swap3A_913], %swap3A_916 {strides = array<i32>} : memref<16x768xf32, #tpu.memory_space<vmem>>, vector<1x16xf32>,
      %mul3A_917 = arith.constant 2 : i32
      %mul3A_918 = arith.muli %mul3A_917, %scan3A_108 : i32
      %get3A_919 = arith.index_cast %mul3A_918 : i32 to index
      %get3A_920 = arith.constant 576 : index
      %get3A_921 = tpu.vector_load %arg8[%get3A_919, %get3A_920] {strides = array<i32>} : memref<32x768xf32, #tpu.memory_space<vmem>>, vector<1x16xf32>,
      %get3A_922 = vector.shape_cast %get3A_921 : vector<1x16xf32> to vector<16xf32>
      %mul3A_923 = arith.mulf %get3A_115, %get3A_922 : vector<16xf32>
      %mul3A_924 = arith.constant 2 : i32
      %mul3A_925 = arith.muli %mul3A_924, %scan3A_108 : i32
      %add3A_926 = arith.constant 1 : i32
      %add3A_927 = arith.addi %mul3A_925, %add3A_926 : i32
      %get3A_928 = arith.index_cast %add3A_927 : i32 to index
      %get3A_929 = arith.constant 576 : index
      %get3A_930 = tpu.vector_load %arg8[%get3A_928, %get3A_929] {strides = array<i32>} : memref<32x768xf32, #tpu.memory_space<vmem>>, vector<1x16xf32>,
      %get3A_931 = vector.shape_cast %get3A_930 : vector<1x16xf32> to vector<16xf32>
      %mul3A_932 = arith.mulf %get3A_125, %get3A_931 : vector<16xf32>
      %add3A_933 = arith.addf %mul3A_923, %mul3A_932 : vector<16xf32>
      %swap3A_934 = arith.index_cast %scan3A_108 : i32 to index
      %swap3A_935 = arith.constant 576 : index
      %swap3A_936 = tpu.vector_load %arg10[%swap3A_934, %swap3A_935] {strides = array<i32>} : memref<16x768xf32, #tpu.memory_space<vmem>>, vector<1x16xf32>,
      %swap3A_937 = vector.shape_cast %swap3A_936 : vector<1x16xf32> to vector<16xf32>
      %swap3A_938 = vector.shape_cast %add3A_933 : vector<16xf32> to vector<1x16xf32>
      tpu.vector_store %arg10[%swap3A_934, %swap3A_935], %swap3A_938 {strides = array<i32>} : memref<16x768xf32, #tpu.memory_space<vmem>>, vector<1x16xf32>,
      %mul3A_939 = arith.constant 2 : i32
      %mul3A_940 = arith.muli %mul3A_939, %scan3A_108 : i32
      %get3A_941 = arith.index_cast %mul3A_940 : i32 to index
      %get3A_942 = arith.constant 592 : index
      %get3A_943 = tpu.vector_load %arg8[%get3A_941, %get3A_942] {strides = array<i32>} : memref<32x768xf32, #tpu.memory_space<vmem>>, vector<1x16xf32>,
      %get3A_944 = vector.shape_cast %get3A_943 : vector<1x16xf32> to vector<16xf32>
      %mul3A_945 = arith.mulf %get3A_115, %get3A_944 : vector<16xf32>
      %mul3A_946 = arith.constant 2 : i32
      %mul3A_947 = arith.muli %mul3A_946, %scan3A_108 : i32
      %add3A_948 = arith.constant 1 : i32
      %add3A_949 = arith.addi %mul3A_947, %add3A_948 : i32
      %get3A_950 = arith.index_cast %add3A_949 : i32 to index
      %get3A_951 = arith.constant 592 : index
      %get3A_952 = tpu.vector_load %arg8[%get3A_950, %get3A_951] {strides = array<i32>} : memref<32x768xf32, #tpu.memory_space<vmem>>, vector<1x16xf32>,
      %get3A_953 = vector.shape_cast %get3A_952 : vector<1x16xf32> to vector<16xf32>
      %mul3A_954 = arith.mulf %get3A_125, %get3A_953 : vector<16xf32>
      %add3A_955 = arith.addf %mul3A_945, %mul3A_954 : vector<16xf32>
      %swap3A_956 = arith.index_cast %scan3A_108 : i32 to index
      %swap3A_957 = arith.constant 592 : index
      %swap3A_958 = tpu.vector_load %arg10[%swap3A_956, %swap3A_957] {strides = array<i32>} : memref<16x768xf32, #tpu.memory_space<vmem>>, vector<1x16xf32>,
      %swap3A_959 = vector.shape_cast %swap3A_958 : vector<1x16xf32> to vector<16xf32>
      %swap3A_960 = vector.shape_cast %add3A_955 : vector<16xf32> to vector<1x16xf32>
      tpu.vector_store %arg10[%swap3A_956, %swap3A_957], %swap3A_960 {strides = array<i32>} : memref<16x768xf32, #tpu.memory_space<vmem>>, vector<1x16xf32>,
      %mul3A_961 = arith.constant 2 : i32
      %mul3A_962 = arith.muli %mul3A_961, %scan3A_108 : i32
      %get3A_963 = arith.index_cast %mul3A_962 : i32 to index
      %get3A_964 = arith.constant 608 : index
      %get3A_965 = tpu.vector_load %arg8[%get3A_963, %get3A_964] {strides = array<i32>} : memref<32x768xf32, #tpu.memory_space<vmem>>, vector<1x16xf32>,
      %get3A_966 = vector.shape_cast %get3A_965 : vector<1x16xf32> to vector<16xf32>
      %mul3A_967 = arith.mulf %get3A_115, %get3A_966 : vector<16xf32>
      %mul3A_968 = arith.constant 2 : i32
      %mul3A_969 = arith.muli %mul3A_968, %scan3A_108 : i32
      %add3A_970 = arith.constant 1 : i32
      %add3A_971 = arith.addi %mul3A_969, %add3A_970 : i32
      %get3A_972 = arith.index_cast %add3A_971 : i32 to index
      %get3A_973 = arith.constant 608 : index
      %get3A_974 = tpu.vector_load %arg8[%get3A_972, %get3A_973] {strides = array<i32>} : memref<32x768xf32, #tpu.memory_space<vmem>>, vector<1x16xf32>,
      %get3A_975 = vector.shape_cast %get3A_974 : vector<1x16xf32> to vector<16xf32>
      %mul3A_976 = arith.mulf %get3A_125, %get3A_975 : vector<16xf32>
      %add3A_977 = arith.addf %mul3A_967, %mul3A_976 : vector<16xf32>
      %swap3A_978 = arith.index_cast %scan3A_108 : i32 to index
      %swap3A_979 = arith.constant 608 : index
      %swap3A_980 = tpu.vector_load %arg10[%swap3A_978, %swap3A_979] {strides = array<i32>} : memref<16x768xf32, #tpu.memory_space<vmem>>, vector<1x16xf32>,
      %swap3A_981 = vector.shape_cast %swap3A_980 : vector<1x16xf32> to vector<16xf32>
      %swap3A_982 = vector.shape_cast %add3A_977 : vector<16xf32> to vector<1x16xf32>
      tpu.vector_store %arg10[%swap3A_978, %swap3A_979], %swap3A_982 {strides = array<i32>} : memref<16x768xf32, #tpu.memory_space<vmem>>, vector<1x16xf32>,
      %mul3A_983 = arith.constant 2 : i32
      %mul3A_984 = arith.muli %mul3A_983, %scan3A_108 : i32
      %get3A_985 = arith.index_cast %mul3A_984 : i32 to index
      %get3A_986 = arith.constant 624 : index
      %get3A_987 = tpu.vector_load %arg8[%get3A_985, %get3A_986] {strides = array<i32>} : memref<32x768xf32, #tpu.memory_space<vmem>>, vector<1x16xf32>,
      %get3A_988 = vector.shape_cast %get3A_987 : vector<1x16xf32> to vector<16xf32>
      %mul3A_989 = arith.mulf %get3A_115, %get3A_988 : vector<16xf32>
      %mul3A_990 = arith.constant 2 : i32
      %mul3A_991 = arith.muli %mul3A_990, %scan3A_108 : i32
      %add3A_992 = arith.constant 1 : i32
      %add3A_993 = arith.addi %mul3A_991, %add3A_992 : i32
      %get3A_994 = arith.index_cast %add3A_993 : i32 to index
      %get3A_995 = arith.constant 624 : index
      %get3A_996 = tpu.vector_load %arg8[%get3A_994, %get3A_995] {strides = array<i32>} : memref<32x768xf32, #tpu.memory_space<vmem>>, vector<1x16xf32>,
      %get3A_997 = vector.shape_cast %get3A_996 : vector<1x16xf32> to vector<16xf32>
      %mul3A_998 = arith.mulf %get3A_125, %get3A_997 : vector<16xf32>
      %add3A_999 = arith.addf %mul3A_989, %mul3A_998 : vector<16xf32>
      %swap3A_1000 = arith.index_cast %scan3A_108 : i32 to index
      %swap3A_1001 = arith.constant 624 : index
      %swap3A_1002 = tpu.vector_load %arg10[%swap3A_1000, %swap3A_1001] {strides = array<i32>} : memref<16x768xf32, #tpu.memory_space<vmem>>, vector<1x16xf32>,
      %swap3A_1003 = vector.shape_cast %swap3A_1002 : vector<1x16xf32> to vector<16xf32>
      %swap3A_1004 = vector.shape_cast %add3A_999 : vector<16xf32> to vector<1x16xf32>
      tpu.vector_store %arg10[%swap3A_1000, %swap3A_1001], %swap3A_1004 {strides = array<i32>} : memref<16x768xf32, #tpu.memory_space<vmem>>, vector<1x16xf32>,
      %mul3A_1005 = arith.constant 2 : i32
      %mul3A_1006 = arith.muli %mul3A_1005, %scan3A_108 : i32
      %get3A_1007 = arith.index_cast %mul3A_1006 : i32 to index
      %get3A_1008 = arith.constant 640 : index
      %get3A_1009 = tpu.vector_load %arg8[%get3A_1007, %get3A_1008] {strides = array<i32>} : memref<32x768xf32, #tpu.memory_space<vmem>>, vector<1x16xf32>,
      %get3A_1010 = vector.shape_cast %get3A_1009 : vector<1x16xf32> to vector<16xf32>
      %mul3A_1011 = arith.mulf %get3A_115, %get3A_1010 : vector<16xf32>
      %mul3A_1012 = arith.constant 2 : i32
      %mul3A_1013 = arith.muli %mul3A_1012, %scan3A_108 : i32
      %add3A_1014 = arith.constant 1 : i32
      %add3A_1015 = arith.addi %mul3A_1013, %add3A_1014 : i32
      %get3A_1016 = arith.index_cast %add3A_1015 : i32 to index
      %get3A_1017 = arith.constant 640 : index
      %get3A_1018 = tpu.vector_load %arg8[%get3A_1016, %get3A_1017] {strides = array<i32>} : memref<32x768xf32, #tpu.memory_space<vmem>>, vector<1x16xf32>,
      %get3A_1019 = vector.shape_cast %get3A_1018 : vector<1x16xf32> to vector<16xf32>
      %mul3A_1020 = arith.mulf %get3A_125, %get3A_1019 : vector<16xf32>
      %add3A_1021 = arith.addf %mul3A_1011, %mul3A_1020 : vector<16xf32>
      %swap3A_1022 = arith.index_cast %scan3A_108 : i32 to index
      %swap3A_1023 = arith.constant 640 : index
      %swap3A_1024 = tpu.vector_load %arg10[%swap3A_1022, %swap3A_1023] {strides = array<i32>} : memref<16x768xf32, #tpu.memory_space<vmem>>, vector<1x16xf32>,
      %swap3A_1025 = vector.shape_cast %swap3A_1024 : vector<1x16xf32> to vector<16xf32>
      %swap3A_1026 = vector.shape_cast %add3A_1021 : vector<16xf32> to vector<1x16xf32>
      tpu.vector_store %arg10[%swap3A_1022, %swap3A_1023], %swap3A_1026 {strides = array<i32>} : memref<16x768xf32, #tpu.memory_space<vmem>>, vector<1x16xf32>,
      %mul3A_1027 = arith.constant 2 : i32
      %mul3A_1028 = arith.muli %mul3A_1027, %scan3A_108 : i32
      %get3A_1029 = arith.index_cast %mul3A_1028 : i32 to index
      %get3A_1030 = arith.constant 656 : index
      %get3A_1031 = tpu.vector_load %arg8[%get3A_1029, %get3A_1030] {strides = array<i32>} : memref<32x768xf32, #tpu.memory_space<vmem>>, vector<1x16xf32>,
      %get3A_1032 = vector.shape_cast %get3A_1031 : vector<1x16xf32> to vector<16xf32>
      %mul3A_1033 = arith.mulf %get3A_115, %get3A_1032 : vector<16xf32>
      %mul3A_1034 = arith.constant 2 : i32
      %mul3A_1035 = arith.muli %mul3A_1034, %scan3A_108 : i32
      %add3A_1036 = arith.constant 1 : i32
      %add3A_1037 = arith.addi %mul3A_1035, %add3A_1036 : i32
      %get3A_1038 = arith.index_cast %add3A_1037 : i32 to index
      %get3A_1039 = arith.constant 656 : index
      %get3A_1040 = tpu.vector_load %arg8[%get3A_1038, %get3A_1039] {strides = array<i32>} : memref<32x768xf32, #tpu.memory_space<vmem>>, vector<1x16xf32>,
      %get3A_1041 = vector.shape_cast %get3A_1040 : vector<1x16xf32> to vector<16xf32>
      %mul3A_1042 = arith.mulf %get3A_125, %get3A_1041 : vector<16xf32>
      %add3A_1043 = arith.addf %mul3A_1033, %mul3A_1042 : vector<16xf32>
      %swap3A_1044 = arith.index_cast %scan3A_108 : i32 to index
      %swap3A_1045 = arith.constant 656 : index
      %swap3A_1046 = tpu.vector_load %arg10[%swap3A_1044, %swap3A_1045] {strides = array<i32>} : memref<16x768xf32, #tpu.memory_space<vmem>>, vector<1x16xf32>,
      %swap3A_1047 = vector.shape_cast %swap3A_1046 : vector<1x16xf32> to vector<16xf32>
      %swap3A_1048 = vector.shape_cast %add3A_1043 : vector<16xf32> to vector<1x16xf32>
      tpu.vector_store %arg10[%swap3A_1044, %swap3A_1045], %swap3A_1048 {strides = array<i32>} : memref<16x768xf32, #tpu.memory_space<vmem>>, vector<1x16xf32>,
      %mul3A_1049 = arith.constant 2 : i32
      %mul3A_1050 = arith.muli %mul3A_1049, %scan3A_108 : i32
      %get3A_1051 = arith.index_cast %mul3A_1050 : i32 to index
      %get3A_1052 = arith.constant 672 : index
      %get3A_1053 = tpu.vector_load %arg8[%get3A_1051, %get3A_1052] {strides = array<i32>} : memref<32x768xf32, #tpu.memory_space<vmem>>, vector<1x16xf32>,
      %get3A_1054 = vector.shape_cast %get3A_1053 : vector<1x16xf32> to vector<16xf32>
      %mul3A_1055 = arith.mulf %get3A_115, %get3A_1054 : vector<16xf32>
      %mul3A_1056 = arith.constant 2 : i32
      %mul3A_1057 = arith.muli %mul3A_1056, %scan3A_108 : i32
      %add3A_1058 = arith.constant 1 : i32
      %add3A_1059 = arith.addi %mul3A_1057, %add3A_1058 : i32
      %get3A_1060 = arith.index_cast %add3A_1059 : i32 to index
      %get3A_1061 = arith.constant 672 : index
      %get3A_1062 = tpu.vector_load %arg8[%get3A_1060, %get3A_1061] {strides = array<i32>} : memref<32x768xf32, #tpu.memory_space<vmem>>, vector<1x16xf32>,
      %get3A_1063 = vector.shape_cast %get3A_1062 : vector<1x16xf32> to vector<16xf32>
      %mul3A_1064 = arith.mulf %get3A_125, %get3A_1063 : vector<16xf32>
      %add3A_1065 = arith.addf %mul3A_1055, %mul3A_1064 : vector<16xf32>
      %swap3A_1066 = arith.index_cast %scan3A_108 : i32 to index
      %swap3A_1067 = arith.constant 672 : index
      %swap3A_1068 = tpu.vector_load %arg10[%swap3A_1066, %swap3A_1067] {strides = array<i32>} : memref<16x768xf32, #tpu.memory_space<vmem>>, vector<1x16xf32>,
      %swap3A_1069 = vector.shape_cast %swap3A_1068 : vector<1x16xf32> to vector<16xf32>
      %swap3A_1070 = vector.shape_cast %add3A_1065 : vector<16xf32> to vector<1x16xf32>
      tpu.vector_store %arg10[%swap3A_1066, %swap3A_1067], %swap3A_1070 {strides = array<i32>} : memref<16x768xf32, #tpu.memory_space<vmem>>, vector<1x16xf32>,
      %mul3A_1071 = arith.constant 2 : i32
      %mul3A_1072 = arith.muli %mul3A_1071, %scan3A_108 : i32
      %get3A_1073 = arith.index_cast %mul3A_1072 : i32 to index
      %get3A_1074 = arith.constant 688 : index
      %get3A_1075 = tpu.vector_load %arg8[%get3A_1073, %get3A_1074] {strides = array<i32>} : memref<32x768xf32, #tpu.memory_space<vmem>>, vector<1x16xf32>,
      %get3A_1076 = vector.shape_cast %get3A_1075 : vector<1x16xf32> to vector<16xf32>
      %mul3A_1077 = arith.mulf %get3A_115, %get3A_1076 : vector<16xf32>
      %mul3A_1078 = arith.constant 2 : i32
      %mul3A_1079 = arith.muli %mul3A_1078, %scan3A_108 : i32
      %add3A_1080 = arith.constant 1 : i32
      %add3A_1081 = arith.addi %mul3A_1079, %add3A_1080 : i32
      %get3A_1082 = arith.index_cast %add3A_1081 : i32 to index
      %get3A_1083 = arith.constant 688 : index
      %get3A_1084 = tpu.vector_load %arg8[%get3A_1082, %get3A_1083] {strides = array<i32>} : memref<32x768xf32, #tpu.memory_space<vmem>>, vector<1x16xf32>,
      %get3A_1085 = vector.shape_cast %get3A_1084 : vector<1x16xf32> to vector<16xf32>
      %mul3A_1086 = arith.mulf %get3A_125, %get3A_1085 : vector<16xf32>
      %add3A_1087 = arith.addf %mul3A_1077, %mul3A_1086 : vector<16xf32>
      %swap3A_1088 = arith.index_cast %scan3A_108 : i32 to index
      %swap3A_1089 = arith.constant 688 : index
      %swap3A_1090 = tpu.vector_load %arg10[%swap3A_1088, %swap3A_1089] {strides = array<i32>} : memref<16x768xf32, #tpu.memory_space<vmem>>, vector<1x16xf32>,
      %swap3A_1091 = vector.shape_cast %swap3A_1090 : vector<1x16xf32> to vector<16xf32>
      %swap3A_1092 = vector.shape_cast %add3A_1087 : vector<16xf32> to vector<1x16xf32>
      tpu.vector_store %arg10[%swap3A_1088, %swap3A_1089], %swap3A_1092 {strides = array<i32>} : memref<16x768xf32, #tpu.memory_space<vmem>>, vector<1x16xf32>,
      %mul3A_1093 = arith.constant 2 : i32
      %mul3A_1094 = arith.muli %mul3A_1093, %scan3A_108 : i32
      %get3A_1095 = arith.index_cast %mul3A_1094 : i32 to index
      %get3A_1096 = arith.constant 704 : index
      %get3A_1097 = tpu.vector_load %arg8[%get3A_1095, %get3A_1096] {strides = array<i32>} : memref<32x768xf32, #tpu.memory_space<vmem>>, vector<1x16xf32>,
      %get3A_1098 = vector.shape_cast %get3A_1097 : vector<1x16xf32> to vector<16xf32>
      %mul3A_1099 = arith.mulf %get3A_115, %get3A_1098 : vector<16xf32>
      %mul3A_1100 = arith.constant 2 : i32
      %mul3A_1101 = arith.muli %mul3A_1100, %scan3A_108 : i32
      %add3A_1102 = arith.constant 1 : i32
      %add3A_1103 = arith.addi %mul3A_1101, %add3A_1102 : i32
      %get3A_1104 = arith.index_cast %add3A_1103 : i32 to index
      %get3A_1105 = arith.constant 704 : index
      %get3A_1106 = tpu.vector_load %arg8[%get3A_1104, %get3A_1105] {strides = array<i32>} : memref<32x768xf32, #tpu.memory_space<vmem>>, vector<1x16xf32>,
      %get3A_1107 = vector.shape_cast %get3A_1106 : vector<1x16xf32> to vector<16xf32>
      %mul3A_1108 = arith.mulf %get3A_125, %get3A_1107 : vector<16xf32>
      %add3A_1109 = arith.addf %mul3A_1099, %mul3A_1108 : vector<16xf32>
      %swap3A_1110 = arith.index_cast %scan3A_108 : i32 to index
      %swap3A_1111 = arith.constant 704 : index
      %swap3A_1112 = tpu.vector_load %arg10[%swap3A_1110, %swap3A_1111] {strides = array<i32>} : memref<16x768xf32, #tpu.memory_space<vmem>>, vector<1x16xf32>,
      %swap3A_1113 = vector.shape_cast %swap3A_1112 : vector<1x16xf32> to vector<16xf32>
      %swap3A_1114 = vector.shape_cast %add3A_1109 : vector<16xf32> to vector<1x16xf32>
      tpu.vector_store %arg10[%swap3A_1110, %swap3A_1111], %swap3A_1114 {strides = array<i32>} : memref<16x768xf32, #tpu.memory_space<vmem>>, vector<1x16xf32>,
      %mul3A_1115 = arith.constant 2 : i32
      %mul3A_1116 = arith.muli %mul3A_1115, %scan3A_108 : i32
      %get3A_1117 = arith.index_cast %mul3A_1116 : i32 to index
      %get3A_1118 = arith.constant 720 : index
      %get3A_1119 = tpu.vector_load %arg8[%get3A_1117, %get3A_1118] {strides = array<i32>} : memref<32x768xf32, #tpu.memory_space<vmem>>, vector<1x16xf32>,
      %get3A_1120 = vector.shape_cast %get3A_1119 : vector<1x16xf32> to vector<16xf32>
      %mul3A_1121 = arith.mulf %get3A_115, %get3A_1120 : vector<16xf32>
      %mul3A_1122 = arith.constant 2 : i32
      %mul3A_1123 = arith.muli %mul3A_1122, %scan3A_108 : i32
      %add3A_1124 = arith.constant 1 : i32
      %add3A_1125 = arith.addi %mul3A_1123, %add3A_1124 : i32
      %get3A_1126 = arith.index_cast %add3A_1125 : i32 to index
      %get3A_1127 = arith.constant 720 : index
      %get3A_1128 = tpu.vector_load %arg8[%get3A_1126, %get3A_1127] {strides = array<i32>} : memref<32x768xf32, #tpu.memory_space<vmem>>, vector<1x16xf32>,
      %get3A_1129 = vector.shape_cast %get3A_1128 : vector<1x16xf32> to vector<16xf32>
      %mul3A_1130 = arith.mulf %get3A_125, %get3A_1129 : vector<16xf32>
      %add3A_1131 = arith.addf %mul3A_1121, %mul3A_1130 : vector<16xf32>
      %swap3A_1132 = arith.index_cast %scan3A_108 : i32 to index
      %swap3A_1133 = arith.constant 720 : index
      %swap3A_1134 = tpu.vector_load %arg10[%swap3A_1132, %swap3A_1133] {strides = array<i32>} : memref<16x768xf32, #tpu.memory_space<vmem>>, vector<1x16xf32>,
      %swap3A_1135 = vector.shape_cast %swap3A_1134 : vector<1x16xf32> to vector<16xf32>
      %swap3A_1136 = vector.shape_cast %add3A_1131 : vector<16xf32> to vector<1x16xf32>
      tpu.vector_store %arg10[%swap3A_1132, %swap3A_1133], %swap3A_1136 {strides = array<i32>} : memref<16x768xf32, #tpu.memory_space<vmem>>, vector<1x16xf32>,
      %mul3A_1137 = arith.constant 2 : i32
      %mul3A_1138 = arith.muli %mul3A_1137, %scan3A_108 : i32
      %get3A_1139 = arith.index_cast %mul3A_1138 : i32 to index
      %get3A_1140 = arith.constant 736 : index
      %get3A_1141 = tpu.vector_load %arg8[%get3A_1139, %get3A_1140] {strides = array<i32>} : memref<32x768xf32, #tpu.memory_space<vmem>>, vector<1x16xf32>,
      %get3A_1142 = vector.shape_cast %get3A_1141 : vector<1x16xf32> to vector<16xf32>
      %mul3A_1143 = arith.mulf %get3A_115, %get3A_1142 : vector<16xf32>
      %mul3A_1144 = arith.constant 2 : i32
      %mul3A_1145 = arith.muli %mul3A_1144, %scan3A_108 : i32
      %add3A_1146 = arith.constant 1 : i32
      %add3A_1147 = arith.addi %mul3A_1145, %add3A_1146 : i32
      %get3A_1148 = arith.index_cast %add3A_1147 : i32 to index
      %get3A_1149 = arith.constant 736 : index
      %get3A_1150 = tpu.vector_load %arg8[%get3A_1148, %get3A_1149] {strides = array<i32>} : memref<32x768xf32, #tpu.memory_space<vmem>>, vector<1x16xf32>,
      %get3A_1151 = vector.shape_cast %get3A_1150 : vector<1x16xf32> to vector<16xf32>
      %mul3A_1152 = arith.mulf %get3A_125, %get3A_1151 : vector<16xf32>
      %add3A_1153 = arith.addf %mul3A_1143, %mul3A_1152 : vector<16xf32>
      %swap3A_1154 = arith.index_cast %scan3A_108 : i32 to index
      %swap3A_1155 = arith.constant 736 : index
      %swap3A_1156 = tpu.vector_load %arg10[%swap3A_1154, %swap3A_1155] {strides = array<i32>} : memref<16x768xf32, #tpu.memory_space<vmem>>, vector<1x16xf32>,
      %swap3A_1157 = vector.shape_cast %swap3A_1156 : vector<1x16xf32> to vector<16xf32>
      %swap3A_1158 = vector.shape_cast %add3A_1153 : vector<16xf32> to vector<1x16xf32>
      tpu.vector_store %arg10[%swap3A_1154, %swap3A_1155], %swap3A_1158 {strides = array<i32>} : memref<16x768xf32, #tpu.memory_space<vmem>>, vector<1x16xf32>,
      %mul3A_1159 = arith.constant 2 : i32
      %mul3A_1160 = arith.muli %mul3A_1159, %scan3A_108 : i32
      %get3A_1161 = arith.index_cast %mul3A_1160 : i32 to index
      %get3A_1162 = arith.constant 752 : index
      %get3A_1163 = tpu.vector_load %arg8[%get3A_1161, %get3A_1162] {strides = array<i32>} : memref<32x768xf32, #tpu.memory_space<vmem>>, vector<1x16xf32>,
      %get3A_1164 = vector.shape_cast %get3A_1163 : vector<1x16xf32> to vector<16xf32>
      %mul3A_1165 = arith.mulf %get3A_115, %get3A_1164 : vector<16xf32>
      %mul3A_1166 = arith.constant 2 : i32
      %mul3A_1167 = arith.muli %mul3A_1166, %scan3A_108 : i32
      %add3A_1168 = arith.constant 1 : i32
      %add3A_1169 = arith.addi %mul3A_1167, %add3A_1168 : i32
      %get3A_1170 = arith.index_cast %add3A_1169 : i32 to index
      %get3A_1171 = arith.constant 752 : index
      %get3A_1172 = tpu.vector_load %arg8[%get3A_1170, %get3A_1171] {strides = array<i32>} : memref<32x768xf32, #tpu.memory_space<vmem>>, vector<1x16xf32>,
      %get3A_1173 = vector.shape_cast %get3A_1172 : vector<1x16xf32> to vector<16xf32>
      %mul3A_1174 = arith.mulf %get3A_125, %get3A_1173 : vector<16xf32>
      %add3A_1175 = arith.addf %mul3A_1165, %mul3A_1174 : vector<16xf32>
      %swap3A_1176 = arith.index_cast %scan3A_108 : i32 to index
      %swap3A_1177 = arith.constant 752 : index
      %swap3A_1178 = tpu.vector_load %arg10[%swap3A_1176, %swap3A_1177] {strides = array<i32>} : memref<16x768xf32, #tpu.memory_space<vmem>>, vector<1x16xf32>,
      %swap3A_1179 = vector.shape_cast %swap3A_1178 : vector<1x16xf32> to vector<16xf32>
      %swap3A_1180 = vector.shape_cast %add3A_1175 : vector<16xf32> to vector<1x16xf32>
      tpu.vector_store %arg10[%swap3A_1176, %swap3A_1177], %swap3A_1180 {strides = array<i32>} : memref<16x768xf32, #tpu.memory_space<vmem>>, vector<1x16xf32>,
    }
    %scan3A_24 = arith.constant 16 : i32
    %add3A_25 = arith.constant 0 : i32
    %add3A_26 = arith.addi %mul3A_2, %add3A_25 : i32
    %dma_start3A_27 = arith.constant 0 : i32
    %dma_start3A_28 = tpu.memref_slice %arg5[%add3A_26, %dma_start3A_27] : memref<2048x768xf32, #tpu.memory_space<hbm>> -> memref<16x768xf32, #tpu.memory_space<hbm>>
    %dma_start3A_29 = arith.constant 0 : i32
    %dma_start3A_30 = tpu.memref_slice %arg5[%add3A_26, %dma_start3A_29] : memref<2048x768xf32, #tpu.memory_space<hbm>> -> memref<16x768xf32, #tpu.memory_space<hbm>>
    tpu.enqueue_dma source(%arg10 : memref<16x768xf32, #tpu.memory_space<vmem>>) target(%dma_start3A_30 : memref<16x768xf32, #tpu.memory_space<hbm>>) target_semaphore(%arg14 : memref<!tpu.dma_semaphore, #tpu.memory_space<semaphore_mem>>)
    %dma_start3A_31 = arith.constant 64 : i32
    %dma_start3A_32 = tpu.memref_slice %arg6[%dma_start3A_31] : memref<128xi32, #tpu.memory_space<vmem>> -> memref<32xi32, #tpu.memory_space<vmem>>
    %dma_start3A_33 = arith.constant 0 : i32
    %dma_start3A_34 = arith.constant 0 : i32
    %dma_start3A_35 = tpu.memref_slice %arg2[%dma_start3A_33, %dma_start3A_34] : memref<6144x768xf32, #tpu.memory_space<hbm>> -> memref<6144x768xf32, #tpu.memory_space<hbm>>
    tpu.enqueue_indirect_dma source(%dma_start3A_35 : memref<6144x768xf32, #tpu.memory_space<hbm>>) target(%arg8 : memref<32x768xf32, #tpu.memory_space<vmem>>) offsets(%dma_start3A_32 : memref<32xi32, #tpu.memory_space<vmem>>) semaphore(%arg12 : memref<!tpu.dma_semaphore, #tpu.memory_space<semaphore_mem>>)
    %dma_wait3A_36 = arith.constant 32 : i32
    %dma_wait3A_37 = tpu.memref_slice %arg6[%dma_wait3A_36] : memref<128xi32, #tpu.memory_space<vmem>> -> memref<32xi32, #tpu.memory_space<vmem>>
    %dma_wait3A_38 = arith.constant 0 : i32
    %dma_wait3A_39 = arith.constant 0 : i32
    %dma_wait3A_40 = tpu.memref_slice %arg2[%dma_wait3A_38, %dma_wait3A_39] : memref<6144x768xf32, #tpu.memory_space<hbm>> -> memref<6144x768xf32, #tpu.memory_space<hbm>>
    tpu.wait_indirect_dma semaphore(%arg13 : memref<!tpu.dma_semaphore, #tpu.memory_space<semaphore_mem>>) src(%dma_wait3A_40 : memref<6144x768xf32, #tpu.memory_space<hbm>>) dst(%arg9 : memref<32x768xf32, #tpu.memory_space<vmem>>)
    %scan3A_41 = arith.constant 0 : i32
    %scan3A_42 = arith.constant 0 : i32
    %scan3A_43 = arith.constant 16 : i32
    %scan3A_44 = arith.addi %scan3A_42, %scan3A_43 : i32
    %scan3A_45 = arith.constant 1 : i32
    scf.for %scan3A_108 = %scan3A_42 to %scan3A_44 step %scan3A_45  : i32 {
      %mul3A_109 = arith.constant 2 : i32
      %mul3A_110 = arith.muli %mul3A_109, %scan3A_108 : i32
      %add3A_111 = arith.constant 32 : i32
      %add3A_112 = arith.addi %add3A_111, %mul3A_110 : i32
      %get3A = arith.index_cast %add3A_112 : i32 to index
      %get3A_113 = arith.constant 0 : index
      %get3A_114 = tpu.vector_load %arg7[%get3A, %get3A_113] {strides = array<i32>} : memref<128x16xf32, #tpu.memory_space<vmem>>, vector<1x16xf32>,
      %get3A_115 = vector.shape_cast %get3A_114 : vector<1x16xf32> to vector<16xf32>
      %mul3A_116 = arith.constant 2 : i32
      %mul3A_117 = arith.muli %mul3A_116, %scan3A_108 : i32
      %add3A_118 = arith.constant 32 : i32
      %add3A_119 = arith.addi %add3A_118, %mul3A_117 : i32
      %add3A_120 = arith.constant 1 : i32
      %add3A_121 = arith.addi %add3A_119, %add3A_120 : i32
      %get3A_122 = arith.index_cast %add3A_121 : i32 to index
      %get3A_123 = arith.constant 0 : index
      %get3A_124 = tpu.vector_load %arg7[%get3A_122, %get3A_123] {strides = array<i32>} : memref<128x16xf32, #tpu.memory_space<vmem>>, vector<1x16xf32>,
      %get3A_125 = vector.shape_cast %get3A_124 : vector<1x16xf32> to vector<16xf32>
      %mul3A_126 = arith.constant 2 : i32
      %mul3A_127 = arith.muli %mul3A_126, %scan3A_108 : i32
      %get3A_128 = arith.index_cast %mul3A_127 : i32 to index
      %get3A_129 = arith.constant 0 : index
      %get3A_130 = tpu.vector_load %arg9[%get3A_128, %get3A_129] {strides = array<i32>} : memref<32x768xf32, #tpu.memory_space<vmem>>, vector<1x16xf32>,
      %get3A_131 = vector.shape_cast %get3A_130 : vector<1x16xf32> to vector<16xf32>
      %mul3A_132 = arith.mulf %get3A_115, %get3A_131 : vector<16xf32>
      %mul3A_133 = arith.constant 2 : i32
      %mul3A_134 = arith.muli %mul3A_133, %scan3A_108 : i32
      %add3A_135 = arith.constant 1 : i32
      %add3A_136 = arith.addi %mul3A_134, %add3A_135 : i32
      %get3A_137 = arith.index_cast %add3A_136 : i32 to index
      %get3A_138 = arith.constant 0 : index
      %get3A_139 = tpu.vector_load %arg9[%get3A_137, %get3A_138] {strides = array<i32>} : memref<32x768xf32, #tpu.memory_space<vmem>>, vector<1x16xf32>,
      %get3A_140 = vector.shape_cast %get3A_139 : vector<1x16xf32> to vector<16xf32>
      %mul3A_141 = arith.mulf %get3A_125, %get3A_140 : vector<16xf32>
      %add3A_142 = arith.addf %mul3A_132, %mul3A_141 : vector<16xf32>
      %swap3A = arith.index_cast %scan3A_108 : i32 to index
      %swap3A_143 = arith.constant 0 : index
      %swap3A_144 = tpu.vector_load %arg11[%swap3A, %swap3A_143] {strides = array<i32>} : memref<16x768xf32, #tpu.memory_space<vmem>>, vector<1x16xf32>,
      %swap3A_145 = vector.shape_cast %swap3A_144 : vector<1x16xf32> to vector<16xf32>
      %swap3A_146 = vector.shape_cast %add3A_142 : vector<16xf32> to vector<1x16xf32>
      tpu.vector_store %arg11[%swap3A, %swap3A_143], %swap3A_146 {strides = array<i32>} : memref<16x768xf32, #tpu.memory_space<vmem>>, vector<1x16xf32>,
      %mul3A_147 = arith.constant 2 : i32
      %mul3A_148 = arith.muli %mul3A_147, %scan3A_108 : i32
      %get3A_149 = arith.index_cast %mul3A_148 : i32 to index
      %get3A_150 = arith.constant 16 : index
      %get3A_151 = tpu.vector_load %arg9[%get3A_149, %get3A_150] {strides = array<i32>} : memref<32x768xf32, #tpu.memory_space<vmem>>, vector<1x16xf32>,
      %get3A_152 = vector.shape_cast %get3A_151 : vector<1x16xf32> to vector<16xf32>
      %mul3A_153 = arith.mulf %get3A_115, %get3A_152 : vector<16xf32>
      %mul3A_154 = arith.constant 2 : i32
      %mul3A_155 = arith.muli %mul3A_154, %scan3A_108 : i32
      %add3A_156 = arith.constant 1 : i32
      %add3A_157 = arith.addi %mul3A_155, %add3A_156 : i32
      %get3A_158 = arith.index_cast %add3A_157 : i32 to index
      %get3A_159 = arith.constant 16 : index
      %get3A_160 = tpu.vector_load %arg9[%get3A_158, %get3A_159] {strides = array<i32>} : memref<32x768xf32, #tpu.memory_space<vmem>>, vector<1x16xf32>,
      %get3A_161 = vector.shape_cast %get3A_160 : vector<1x16xf32> to vector<16xf32>
      %mul3A_162 = arith.mulf %get3A_125, %get3A_161 : vector<16xf32>
      %add3A_163 = arith.addf %mul3A_153, %mul3A_162 : vector<16xf32>
      %swap3A_164 = arith.index_cast %scan3A_108 : i32 to index
      %swap3A_165 = arith.constant 16 : index
      %swap3A_166 = tpu.vector_load %arg11[%swap3A_164, %swap3A_165] {strides = array<i32>} : memref<16x768xf32, #tpu.memory_space<vmem>>, vector<1x16xf32>,
      %swap3A_167 = vector.shape_cast %swap3A_166 : vector<1x16xf32> to vector<16xf32>
      %swap3A_168 = vector.shape_cast %add3A_163 : vector<16xf32> to vector<1x16xf32>
      tpu.vector_store %arg11[%swap3A_164, %swap3A_165], %swap3A_168 {strides = array<i32>} : memref<16x768xf32, #tpu.memory_space<vmem>>, vector<1x16xf32>,
      %mul3A_169 = arith.constant 2 : i32
      %mul3A_170 = arith.muli %mul3A_169, %scan3A_108 : i32
      %get3A_171 = arith.index_cast %mul3A_170 : i32 to index
      %get3A_172 = arith.constant 32 : index
      %get3A_173 = tpu.vector_load %arg9[%get3A_171, %get3A_172] {strides = array<i32>} : memref<32x768xf32, #tpu.memory_space<vmem>>, vector<1x16xf32>,
      %get3A_174 = vector.shape_cast %get3A_173 : vector<1x16xf32> to vector<16xf32>
      %mul3A_175 = arith.mulf %get3A_115, %get3A_174 : vector<16xf32>
      %mul3A_176 = arith.constant 2 : i32
      %mul3A_177 = arith.muli %mul3A_176, %scan3A_108 : i32
      %add3A_178 = arith.constant 1 : i32
      %add3A_179 = arith.addi %mul3A_177, %add3A_178 : i32
      %get3A_180 = arith.index_cast %add3A_179 : i32 to index
      %get3A_181 = arith.constant 32 : index
      %get3A_182 = tpu.vector_load %arg9[%get3A_180, %get3A_181] {strides = array<i32>} : memref<32x768xf32, #tpu.memory_space<vmem>>, vector<1x16xf32>,
      %get3A_183 = vector.shape_cast %get3A_182 : vector<1x16xf32> to vector<16xf32>
      %mul3A_184 = arith.mulf %get3A_125, %get3A_183 : vector<16xf32>
      %add3A_185 = arith.addf %mul3A_175, %mul3A_184 : vector<16xf32>
      %swap3A_186 = arith.index_cast %scan3A_108 : i32 to index
      %swap3A_187 = arith.constant 32 : index
      %swap3A_188 = tpu.vector_load %arg11[%swap3A_186, %swap3A_187] {strides = array<i32>} : memref<16x768xf32, #tpu.memory_space<vmem>>, vector<1x16xf32>,
      %swap3A_189 = vector.shape_cast %swap3A_188 : vector<1x16xf32> to vector<16xf32>
      %swap3A_190 = vector.shape_cast %add3A_185 : vector<16xf32> to vector<1x16xf32>
      tpu.vector_store %arg11[%swap3A_186, %swap3A_187], %swap3A_190 {strides = array<i32>} : memref<16x768xf32, #tpu.memory_space<vmem>>, vector<1x16xf32>,
      %mul3A_191 = arith.constant 2 : i32
      %mul3A_192 = arith.muli %mul3A_191, %scan3A_108 : i32
      %get3A_193 = arith.index_cast %mul3A_192 : i32 to index
      %get3A_194 = arith.constant 48 : index
      %get3A_195 = tpu.vector_load %arg9[%get3A_193, %get3A_194] {strides = array<i32>} : memref<32x768xf32, #tpu.memory_space<vmem>>, vector<1x16xf32>,
      %get3A_196 = vector.shape_cast %get3A_195 : vector<1x16xf32> to vector<16xf32>
      %mul3A_197 = arith.mulf %get3A_115, %get3A_196 : vector<16xf32>
      %mul3A_198 = arith.constant 2 : i32
      %mul3A_199 = arith.muli %mul3A_198, %scan3A_108 : i32
      %add3A_200 = arith.constant 1 : i32
      %add3A_201 = arith.addi %mul3A_199, %add3A_200 : i32
      %get3A_202 = arith.index_cast %add3A_201 : i32 to index
      %get3A_203 = arith.constant 48 : index
      %get3A_204 = tpu.vector_load %arg9[%get3A_202, %get3A_203] {strides = array<i32>} : memref<32x768xf32, #tpu.memory_space<vmem>>, vector<1x16xf32>,
      %get3A_205 = vector.shape_cast %get3A_204 : vector<1x16xf32> to vector<16xf32>
      %mul3A_206 = arith.mulf %get3A_125, %get3A_205 : vector<16xf32>
      %add3A_207 = arith.addf %mul3A_197, %mul3A_206 : vector<16xf32>
      %swap3A_208 = arith.index_cast %scan3A_108 : i32 to index
      %swap3A_209 = arith.constant 48 : index
      %swap3A_210 = tpu.vector_load %arg11[%swap3A_208, %swap3A_209] {strides = array<i32>} : memref<16x768xf32, #tpu.memory_space<vmem>>, vector<1x16xf32>,
      %swap3A_211 = vector.shape_cast %swap3A_210 : vector<1x16xf32> to vector<16xf32>
      %swap3A_212 = vector.shape_cast %add3A_207 : vector<16xf32> to vector<1x16xf32>
      tpu.vector_store %arg11[%swap3A_208, %swap3A_209], %swap3A_212 {strides = array<i32>} : memref<16x768xf32, #tpu.memory_space<vmem>>, vector<1x16xf32>,
      %mul3A_213 = arith.constant 2 : i32
      %mul3A_214 = arith.muli %mul3A_213, %scan3A_108 : i32
      %get3A_215 = arith.index_cast %mul3A_214 : i32 to index
      %get3A_216 = arith.constant 64 : index
      %get3A_217 = tpu.vector_load %arg9[%get3A_215, %get3A_216] {strides = array<i32>} : memref<32x768xf32, #tpu.memory_space<vmem>>, vector<1x16xf32>,
      %get3A_218 = vector.shape_cast %get3A_217 : vector<1x16xf32> to vector<16xf32>
      %mul3A_219 = arith.mulf %get3A_115, %get3A_218 : vector<16xf32>
      %mul3A_220 = arith.constant 2 : i32
      %mul3A_221 = arith.muli %mul3A_220, %scan3A_108 : i32
      %add3A_222 = arith.constant 1 : i32
      %add3A_223 = arith.addi %mul3A_221, %add3A_222 : i32
      %get3A_224 = arith.index_cast %add3A_223 : i32 to index
      %get3A_225 = arith.constant 64 : index
      %get3A_226 = tpu.vector_load %arg9[%get3A_224, %get3A_225] {strides = array<i32>} : memref<32x768xf32, #tpu.memory_space<vmem>>, vector<1x16xf32>,
      %get3A_227 = vector.shape_cast %get3A_226 : vector<1x16xf32> to vector<16xf32>
      %mul3A_228 = arith.mulf %get3A_125, %get3A_227 : vector<16xf32>
      %add3A_229 = arith.addf %mul3A_219, %mul3A_228 : vector<16xf32>
      %swap3A_230 = arith.index_cast %scan3A_108 : i32 to index
      %swap3A_231 = arith.constant 64 : index
      %swap3A_232 = tpu.vector_load %arg11[%swap3A_230, %swap3A_231] {strides = array<i32>} : memref<16x768xf32, #tpu.memory_space<vmem>>, vector<1x16xf32>,
      %swap3A_233 = vector.shape_cast %swap3A_232 : vector<1x16xf32> to vector<16xf32>
      %swap3A_234 = vector.shape_cast %add3A_229 : vector<16xf32> to vector<1x16xf32>
      tpu.vector_store %arg11[%swap3A_230, %swap3A_231], %swap3A_234 {strides = array<i32>} : memref<16x768xf32, #tpu.memory_space<vmem>>, vector<1x16xf32>,
      %mul3A_235 = arith.constant 2 : i32
      %mul3A_236 = arith.muli %mul3A_235, %scan3A_108 : i32
      %get3A_237 = arith.index_cast %mul3A_236 : i32 to index
      %get3A_238 = arith.constant 80 : index
      %get3A_239 = tpu.vector_load %arg9[%get3A_237, %get3A_238] {strides = array<i32>} : memref<32x768xf32, #tpu.memory_space<vmem>>, vector<1x16xf32>,
      %get3A_240 = vector.shape_cast %get3A_239 : vector<1x16xf32> to vector<16xf32>
      %mul3A_241 = arith.mulf %get3A_115, %get3A_240 : vector<16xf32>
      %mul3A_242 = arith.constant 2 : i32
      %mul3A_243 = arith.muli %mul3A_242, %scan3A_108 : i32
      %add3A_244 = arith.constant 1 : i32
      %add3A_245 = arith.addi %mul3A_243, %add3A_244 : i32
      %get3A_246 = arith.index_cast %add3A_245 : i32 to index
      %get3A_247 = arith.constant 80 : index
      %get3A_248 = tpu.vector_load %arg9[%get3A_246, %get3A_247] {strides = array<i32>} : memref<32x768xf32, #tpu.memory_space<vmem>>, vector<1x16xf32>,
      %get3A_249 = vector.shape_cast %get3A_248 : vector<1x16xf32> to vector<16xf32>
      %mul3A_250 = arith.mulf %get3A_125, %get3A_249 : vector<16xf32>
      %add3A_251 = arith.addf %mul3A_241, %mul3A_250 : vector<16xf32>
      %swap3A_252 = arith.index_cast %scan3A_108 : i32 to index
      %swap3A_253 = arith.constant 80 : index
      %swap3A_254 = tpu.vector_load %arg11[%swap3A_252, %swap3A_253] {strides = array<i32>} : memref<16x768xf32, #tpu.memory_space<vmem>>, vector<1x16xf32>,
      %swap3A_255 = vector.shape_cast %swap3A_254 : vector<1x16xf32> to vector<16xf32>
      %swap3A_256 = vector.shape_cast %add3A_251 : vector<16xf32> to vector<1x16xf32>
      tpu.vector_store %arg11[%swap3A_252, %swap3A_253], %swap3A_256 {strides = array<i32>} : memref<16x768xf32, #tpu.memory_space<vmem>>, vector<1x16xf32>,
      %mul3A_257 = arith.constant 2 : i32
      %mul3A_258 = arith.muli %mul3A_257, %scan3A_108 : i32
      %get3A_259 = arith.index_cast %mul3A_258 : i32 to index
      %get3A_260 = arith.constant 96 : index
      %get3A_261 = tpu.vector_load %arg9[%get3A_259, %get3A_260] {strides = array<i32>} : memref<32x768xf32, #tpu.memory_space<vmem>>, vector<1x16xf32>,
      %get3A_262 = vector.shape_cast %get3A_261 : vector<1x16xf32> to vector<16xf32>
      %mul3A_263 = arith.mulf %get3A_115, %get3A_262 : vector<16xf32>
      %mul3A_264 = arith.constant 2 : i32
      %mul3A_265 = arith.muli %mul3A_264, %scan3A_108 : i32
      %add3A_266 = arith.constant 1 : i32
      %add3A_267 = arith.addi %mul3A_265, %add3A_266 : i32
      %get3A_268 = arith.index_cast %add3A_267 : i32 to index
      %get3A_269 = arith.constant 96 : index
      %get3A_270 = tpu.vector_load %arg9[%get3A_268, %get3A_269] {strides = array<i32>} : memref<32x768xf32, #tpu.memory_space<vmem>>, vector<1x16xf32>,
      %get3A_271 = vector.shape_cast %get3A_270 : vector<1x16xf32> to vector<16xf32>
      %mul3A_272 = arith.mulf %get3A_125, %get3A_271 : vector<16xf32>
      %add3A_273 = arith.addf %mul3A_263, %mul3A_272 : vector<16xf32>
      %swap3A_274 = arith.index_cast %scan3A_108 : i32 to index
      %swap3A_275 = arith.constant 96 : index
      %swap3A_276 = tpu.vector_load %arg11[%swap3A_274, %swap3A_275] {strides = array<i32>} : memref<16x768xf32, #tpu.memory_space<vmem>>, vector<1x16xf32>,
      %swap3A_277 = vector.shape_cast %swap3A_276 : vector<1x16xf32> to vector<16xf32>
      %swap3A_278 = vector.shape_cast %add3A_273 : vector<16xf32> to vector<1x16xf32>
      tpu.vector_store %arg11[%swap3A_274, %swap3A_275], %swap3A_278 {strides = array<i32>} : memref<16x768xf32, #tpu.memory_space<vmem>>, vector<1x16xf32>,
      %mul3A_279 = arith.constant 2 : i32
      %mul3A_280 = arith.muli %mul3A_279, %scan3A_108 : i32
      %get3A_281 = arith.index_cast %mul3A_280 : i32 to index
      %get3A_282 = arith.constant 112 : index
      %get3A_283 = tpu.vector_load %arg9[%get3A_281, %get3A_282] {strides = array<i32>} : memref<32x768xf32, #tpu.memory_space<vmem>>, vector<1x16xf32>,
      %get3A_284 = vector.shape_cast %get3A_283 : vector<1x16xf32> to vector<16xf32>
      %mul3A_285 = arith.mulf %get3A_115, %get3A_284 : vector<16xf32>
      %mul3A_286 = arith.constant 2 : i32
      %mul3A_287 = arith.muli %mul3A_286, %scan3A_108 : i32
      %add3A_288 = arith.constant 1 : i32
      %add3A_289 = arith.addi %mul3A_287, %add3A_288 : i32
      %get3A_290 = arith.index_cast %add3A_289 : i32 to index
      %get3A_291 = arith.constant 112 : index
      %get3A_292 = tpu.vector_load %arg9[%get3A_290, %get3A_291] {strides = array<i32>} : memref<32x768xf32, #tpu.memory_space<vmem>>, vector<1x16xf32>,
      %get3A_293 = vector.shape_cast %get3A_292 : vector<1x16xf32> to vector<16xf32>
      %mul3A_294 = arith.mulf %get3A_125, %get3A_293 : vector<16xf32>
      %add3A_295 = arith.addf %mul3A_285, %mul3A_294 : vector<16xf32>
      %swap3A_296 = arith.index_cast %scan3A_108 : i32 to index
      %swap3A_297 = arith.constant 112 : index
      %swap3A_298 = tpu.vector_load %arg11[%swap3A_296, %swap3A_297] {strides = array<i32>} : memref<16x768xf32, #tpu.memory_space<vmem>>, vector<1x16xf32>,
      %swap3A_299 = vector.shape_cast %swap3A_298 : vector<1x16xf32> to vector<16xf32>
      %swap3A_300 = vector.shape_cast %add3A_295 : vector<16xf32> to vector<1x16xf32>
      tpu.vector_store %arg11[%swap3A_296, %swap3A_297], %swap3A_300 {strides = array<i32>} : memref<16x768xf32, #tpu.memory_space<vmem>>, vector<1x16xf32>,
      %mul3A_301 = arith.constant 2 : i32
      %mul3A_302 = arith.muli %mul3A_301, %scan3A_108 : i32
      %get3A_303 = arith.index_cast %mul3A_302 : i32 to index
      %get3A_304 = arith.constant 128 : index
      %get3A_305 = tpu.vector_load %arg9[%get3A_303, %get3A_304] {strides = array<i32>} : memref<32x768xf32, #tpu.memory_space<vmem>>, vector<1x16xf32>,
      %get3A_306 = vector.shape_cast %get3A_305 : vector<1x16xf32> to vector<16xf32>
      %mul3A_307 = arith.mulf %get3A_115, %get3A_306 : vector<16xf32>
      %mul3A_308 = arith.constant 2 : i32
      %mul3A_309 = arith.muli %mul3A_308, %scan3A_108 : i32
      %add3A_310 = arith.constant 1 : i32
      %add3A_311 = arith.addi %mul3A_309, %add3A_310 : i32
      %get3A_312 = arith.index_cast %add3A_311 : i32 to index
      %get3A_313 = arith.constant 128 : index
      %get3A_314 = tpu.vector_load %arg9[%get3A_312, %get3A_313] {strides = array<i32>} : memref<32x768xf32, #tpu.memory_space<vmem>>, vector<1x16xf32>,
      %get3A_315 = vector.shape_cast %get3A_314 : vector<1x16xf32> to vector<16xf32>
      %mul3A_316 = arith.mulf %get3A_125, %get3A_315 : vector<16xf32>
      %add3A_317 = arith.addf %mul3A_307, %mul3A_316 : vector<16xf32>
      %swap3A_318 = arith.index_cast %scan3A_108 : i32 to index
      %swap3A_319 = arith.constant 128 : index
      %swap3A_320 = tpu.vector_load %arg11[%swap3A_318, %swap3A_319] {strides = array<i32>} : memref<16x768xf32, #tpu.memory_space<vmem>>, vector<1x16xf32>,
      %swap3A_321 = vector.shape_cast %swap3A_320 : vector<1x16xf32> to vector<16xf32>
      %swap3A_322 = vector.shape_cast %add3A_317 : vector<16xf32> to vector<1x16xf32>
      tpu.vector_store %arg11[%swap3A_318, %swap3A_319], %swap3A_322 {strides = array<i32>} : memref<16x768xf32, #tpu.memory_space<vmem>>, vector<1x16xf32>,
      %mul3A_323 = arith.constant 2 : i32
      %mul3A_324 = arith.muli %mul3A_323, %scan3A_108 : i32
      %get3A_325 = arith.index_cast %mul3A_324 : i32 to index
      %get3A_326 = arith.constant 144 : index
      %get3A_327 = tpu.vector_load %arg9[%get3A_325, %get3A_326] {strides = array<i32>} : memref<32x768xf32, #tpu.memory_space<vmem>>, vector<1x16xf32>,
      %get3A_328 = vector.shape_cast %get3A_327 : vector<1x16xf32> to vector<16xf32>
      %mul3A_329 = arith.mulf %get3A_115, %get3A_328 : vector<16xf32>
      %mul3A_330 = arith.constant 2 : i32
      %mul3A_331 = arith.muli %mul3A_330, %scan3A_108 : i32
      %add3A_332 = arith.constant 1 : i32
      %add3A_333 = arith.addi %mul3A_331, %add3A_332 : i32
      %get3A_334 = arith.index_cast %add3A_333 : i32 to index
      %get3A_335 = arith.constant 144 : index
      %get3A_336 = tpu.vector_load %arg9[%get3A_334, %get3A_335] {strides = array<i32>} : memref<32x768xf32, #tpu.memory_space<vmem>>, vector<1x16xf32>,
      %get3A_337 = vector.shape_cast %get3A_336 : vector<1x16xf32> to vector<16xf32>
      %mul3A_338 = arith.mulf %get3A_125, %get3A_337 : vector<16xf32>
      %add3A_339 = arith.addf %mul3A_329, %mul3A_338 : vector<16xf32>
      %swap3A_340 = arith.index_cast %scan3A_108 : i32 to index
      %swap3A_341 = arith.constant 144 : index
      %swap3A_342 = tpu.vector_load %arg11[%swap3A_340, %swap3A_341] {strides = array<i32>} : memref<16x768xf32, #tpu.memory_space<vmem>>, vector<1x16xf32>,
      %swap3A_343 = vector.shape_cast %swap3A_342 : vector<1x16xf32> to vector<16xf32>
      %swap3A_344 = vector.shape_cast %add3A_339 : vector<16xf32> to vector<1x16xf32>
      tpu.vector_store %arg11[%swap3A_340, %swap3A_341], %swap3A_344 {strides = array<i32>} : memref<16x768xf32, #tpu.memory_space<vmem>>, vector<1x16xf32>,
      %mul3A_345 = arith.constant 2 : i32
      %mul3A_346 = arith.muli %mul3A_345, %scan3A_108 : i32
      %get3A_347 = arith.index_cast %mul3A_346 : i32 to index
      %get3A_348 = arith.constant 160 : index
      %get3A_349 = tpu.vector_load %arg9[%get3A_347, %get3A_348] {strides = array<i32>} : memref<32x768xf32, #tpu.memory_space<vmem>>, vector<1x16xf32>,
      %get3A_350 = vector.shape_cast %get3A_349 : vector<1x16xf32> to vector<16xf32>
      %mul3A_351 = arith.mulf %get3A_115, %get3A_350 : vector<16xf32>
      %mul3A_352 = arith.constant 2 : i32
      %mul3A_353 = arith.muli %mul3A_352, %scan3A_108 : i32
      %add3A_354 = arith.constant 1 : i32
      %add3A_355 = arith.addi %mul3A_353, %add3A_354 : i32
      %get3A_356 = arith.index_cast %add3A_355 : i32 to index
      %get3A_357 = arith.constant 160 : index
      %get3A_358 = tpu.vector_load %arg9[%get3A_356, %get3A_357] {strides = array<i32>} : memref<32x768xf32, #tpu.memory_space<vmem>>, vector<1x16xf32>,
      %get3A_359 = vector.shape_cast %get3A_358 : vector<1x16xf32> to vector<16xf32>
      %mul3A_360 = arith.mulf %get3A_125, %get3A_359 : vector<16xf32>
      %add3A_361 = arith.addf %mul3A_351, %mul3A_360 : vector<16xf32>
      %swap3A_362 = arith.index_cast %scan3A_108 : i32 to index
      %swap3A_363 = arith.constant 160 : index
      %swap3A_364 = tpu.vector_load %arg11[%swap3A_362, %swap3A_363] {strides = array<i32>} : memref<16x768xf32, #tpu.memory_space<vmem>>, vector<1x16xf32>,
      %swap3A_365 = vector.shape_cast %swap3A_364 : vector<1x16xf32> to vector<16xf32>
      %swap3A_366 = vector.shape_cast %add3A_361 : vector<16xf32> to vector<1x16xf32>
      tpu.vector_store %arg11[%swap3A_362, %swap3A_363], %swap3A_366 {strides = array<i32>} : memref<16x768xf32, #tpu.memory_space<vmem>>, vector<1x16xf32>,
      %mul3A_367 = arith.constant 2 : i32
      %mul3A_368 = arith.muli %mul3A_367, %scan3A_108 : i32
      %get3A_369 = arith.index_cast %mul3A_368 : i32 to index
      %get3A_370 = arith.constant 176 : index
      %get3A_371 = tpu.vector_load %arg9[%get3A_369, %get3A_370] {strides = array<i32>} : memref<32x768xf32, #tpu.memory_space<vmem>>, vector<1x16xf32>,
      %get3A_372 = vector.shape_cast %get3A_371 : vector<1x16xf32> to vector<16xf32>
      %mul3A_373 = arith.mulf %get3A_115, %get3A_372 : vector<16xf32>
      %mul3A_374 = arith.constant 2 : i32
      %mul3A_375 = arith.muli %mul3A_374, %scan3A_108 : i32
      %add3A_376 = arith.constant 1 : i32
      %add3A_377 = arith.addi %mul3A_375, %add3A_376 : i32
      %get3A_378 = arith.index_cast %add3A_377 : i32 to index
      %get3A_379 = arith.constant 176 : index
      %get3A_380 = tpu.vector_load %arg9[%get3A_378, %get3A_379] {strides = array<i32>} : memref<32x768xf32, #tpu.memory_space<vmem>>, vector<1x16xf32>,
      %get3A_381 = vector.shape_cast %get3A_380 : vector<1x16xf32> to vector<16xf32>
      %mul3A_382 = arith.mulf %get3A_125, %get3A_381 : vector<16xf32>
      %add3A_383 = arith.addf %mul3A_373, %mul3A_382 : vector<16xf32>
      %swap3A_384 = arith.index_cast %scan3A_108 : i32 to index
      %swap3A_385 = arith.constant 176 : index
      %swap3A_386 = tpu.vector_load %arg11[%swap3A_384, %swap3A_385] {strides = array<i32>} : memref<16x768xf32, #tpu.memory_space<vmem>>, vector<1x16xf32>,
      %swap3A_387 = vector.shape_cast %swap3A_386 : vector<1x16xf32> to vector<16xf32>
      %swap3A_388 = vector.shape_cast %add3A_383 : vector<16xf32> to vector<1x16xf32>
      tpu.vector_store %arg11[%swap3A_384, %swap3A_385], %swap3A_388 {strides = array<i32>} : memref<16x768xf32, #tpu.memory_space<vmem>>, vector<1x16xf32>,
      %mul3A_389 = arith.constant 2 : i32
      %mul3A_390 = arith.muli %mul3A_389, %scan3A_108 : i32
      %get3A_391 = arith.index_cast %mul3A_390 : i32 to index
      %get3A_392 = arith.constant 192 : index
      %get3A_393 = tpu.vector_load %arg9[%get3A_391, %get3A_392] {strides = array<i32>} : memref<32x768xf32, #tpu.memory_space<vmem>>, vector<1x16xf32>,
      %get3A_394 = vector.shape_cast %get3A_393 : vector<1x16xf32> to vector<16xf32>
      %mul3A_395 = arith.mulf %get3A_115, %get3A_394 : vector<16xf32>
      %mul3A_396 = arith.constant 2 : i32
      %mul3A_397 = arith.muli %mul3A_396, %scan3A_108 : i32
      %add3A_398 = arith.constant 1 : i32
      %add3A_399 = arith.addi %mul3A_397, %add3A_398 : i32
      %get3A_400 = arith.index_cast %add3A_399 : i32 to index
      %get3A_401 = arith.constant 192 : index
      %get3A_402 = tpu.vector_load %arg9[%get3A_400, %get3A_401] {strides = array<i32>} : memref<32x768xf32, #tpu.memory_space<vmem>>, vector<1x16xf32>,
      %get3A_403 = vector.shape_cast %get3A_402 : vector<1x16xf32> to vector<16xf32>
      %mul3A_404 = arith.mulf %get3A_125, %get3A_403 : vector<16xf32>
      %add3A_405 = arith.addf %mul3A_395, %mul3A_404 : vector<16xf32>
      %swap3A_406 = arith.index_cast %scan3A_108 : i32 to index
      %swap3A_407 = arith.constant 192 : index
      %swap3A_408 = tpu.vector_load %arg11[%swap3A_406, %swap3A_407] {strides = array<i32>} : memref<16x768xf32, #tpu.memory_space<vmem>>, vector<1x16xf32>,
      %swap3A_409 = vector.shape_cast %swap3A_408 : vector<1x16xf32> to vector<16xf32>
      %swap3A_410 = vector.shape_cast %add3A_405 : vector<16xf32> to vector<1x16xf32>
      tpu.vector_store %arg11[%swap3A_406, %swap3A_407], %swap3A_410 {strides = array<i32>} : memref<16x768xf32, #tpu.memory_space<vmem>>, vector<1x16xf32>,
      %mul3A_411 = arith.constant 2 : i32
      %mul3A_412 = arith.muli %mul3A_411, %scan3A_108 : i32
      %get3A_413 = arith.index_cast %mul3A_412 : i32 to index
      %get3A_414 = arith.constant 208 : index
      %get3A_415 = tpu.vector_load %arg9[%get3A_413, %get3A_414] {strides = array<i32>} : memref<32x768xf32, #tpu.memory_space<vmem>>, vector<1x16xf32>,
      %get3A_416 = vector.shape_cast %get3A_415 : vector<1x16xf32> to vector<16xf32>
      %mul3A_417 = arith.mulf %get3A_115, %get3A_416 : vector<16xf32>
      %mul3A_418 = arith.constant 2 : i32
      %mul3A_419 = arith.muli %mul3A_418, %scan3A_108 : i32
      %add3A_420 = arith.constant 1 : i32
      %add3A_421 = arith.addi %mul3A_419, %add3A_420 : i32
      %get3A_422 = arith.index_cast %add3A_421 : i32 to index
      %get3A_423 = arith.constant 208 : index
      %get3A_424 = tpu.vector_load %arg9[%get3A_422, %get3A_423] {strides = array<i32>} : memref<32x768xf32, #tpu.memory_space<vmem>>, vector<1x16xf32>,
      %get3A_425 = vector.shape_cast %get3A_424 : vector<1x16xf32> to vector<16xf32>
      %mul3A_426 = arith.mulf %get3A_125, %get3A_425 : vector<16xf32>
      %add3A_427 = arith.addf %mul3A_417, %mul3A_426 : vector<16xf32>
      %swap3A_428 = arith.index_cast %scan3A_108 : i32 to index
      %swap3A_429 = arith.constant 208 : index
      %swap3A_430 = tpu.vector_load %arg11[%swap3A_428, %swap3A_429] {strides = array<i32>} : memref<16x768xf32, #tpu.memory_space<vmem>>, vector<1x16xf32>,
      %swap3A_431 = vector.shape_cast %swap3A_430 : vector<1x16xf32> to vector<16xf32>
      %swap3A_432 = vector.shape_cast %add3A_427 : vector<16xf32> to vector<1x16xf32>
      tpu.vector_store %arg11[%swap3A_428, %swap3A_429], %swap3A_432 {strides = array<i32>} : memref<16x768xf32, #tpu.memory_space<vmem>>, vector<1x16xf32>,
      %mul3A_433 = arith.constant 2 : i32
      %mul3A_434 = arith.muli %mul3A_433, %scan3A_108 : i32
      %get3A_435 = arith.index_cast %mul3A_434 : i32 to index
      %get3A_436 = arith.constant 224 : index
      %get3A_437 = tpu.vector_load %arg9[%get3A_435, %get3A_436] {strides = array<i32>} : memref<32x768xf32, #tpu.memory_space<vmem>>, vector<1x16xf32>,
      %get3A_438 = vector.shape_cast %get3A_437 : vector<1x16xf32> to vector<16xf32>
      %mul3A_439 = arith.mulf %get3A_115, %get3A_438 : vector<16xf32>
      %mul3A_440 = arith.constant 2 : i32
      %mul3A_441 = arith.muli %mul3A_440, %scan3A_108 : i32
      %add3A_442 = arith.constant 1 : i32
      %add3A_443 = arith.addi %mul3A_441, %add3A_442 : i32
      %get3A_444 = arith.index_cast %add3A_443 : i32 to index
      %get3A_445 = arith.constant 224 : index
      %get3A_446 = tpu.vector_load %arg9[%get3A_444, %get3A_445] {strides = array<i32>} : memref<32x768xf32, #tpu.memory_space<vmem>>, vector<1x16xf32>,
      %get3A_447 = vector.shape_cast %get3A_446 : vector<1x16xf32> to vector<16xf32>
      %mul3A_448 = arith.mulf %get3A_125, %get3A_447 : vector<16xf32>
      %add3A_449 = arith.addf %mul3A_439, %mul3A_448 : vector<16xf32>
      %swap3A_450 = arith.index_cast %scan3A_108 : i32 to index
      %swap3A_451 = arith.constant 224 : index
      %swap3A_452 = tpu.vector_load %arg11[%swap3A_450, %swap3A_451] {strides = array<i32>} : memref<16x768xf32, #tpu.memory_space<vmem>>, vector<1x16xf32>,
      %swap3A_453 = vector.shape_cast %swap3A_452 : vector<1x16xf32> to vector<16xf32>
      %swap3A_454 = vector.shape_cast %add3A_449 : vector<16xf32> to vector<1x16xf32>
      tpu.vector_store %arg11[%swap3A_450, %swap3A_451], %swap3A_454 {strides = array<i32>} : memref<16x768xf32, #tpu.memory_space<vmem>>, vector<1x16xf32>,
      %mul3A_455 = arith.constant 2 : i32
      %mul3A_456 = arith.muli %mul3A_455, %scan3A_108 : i32
      %get3A_457 = arith.index_cast %mul3A_456 : i32 to index
      %get3A_458 = arith.constant 240 : index
      %get3A_459 = tpu.vector_load %arg9[%get3A_457, %get3A_458] {strides = array<i32>} : memref<32x768xf32, #tpu.memory_space<vmem>>, vector<1x16xf32>,
      %get3A_460 = vector.shape_cast %get3A_459 : vector<1x16xf32> to vector<16xf32>
      %mul3A_461 = arith.mulf %get3A_115, %get3A_460 : vector<16xf32>
      %mul3A_462 = arith.constant 2 : i32
      %mul3A_463 = arith.muli %mul3A_462, %scan3A_108 : i32
      %add3A_464 = arith.constant 1 : i32
      %add3A_465 = arith.addi %mul3A_463, %add3A_464 : i32
      %get3A_466 = arith.index_cast %add3A_465 : i32 to index
      %get3A_467 = arith.constant 240 : index
      %get3A_468 = tpu.vector_load %arg9[%get3A_466, %get3A_467] {strides = array<i32>} : memref<32x768xf32, #tpu.memory_space<vmem>>, vector<1x16xf32>,
      %get3A_469 = vector.shape_cast %get3A_468 : vector<1x16xf32> to vector<16xf32>
      %mul3A_470 = arith.mulf %get3A_125, %get3A_469 : vector<16xf32>
      %add3A_471 = arith.addf %mul3A_461, %mul3A_470 : vector<16xf32>
      %swap3A_472 = arith.index_cast %scan3A_108 : i32 to index
      %swap3A_473 = arith.constant 240 : index
      %swap3A_474 = tpu.vector_load %arg11[%swap3A_472, %swap3A_473] {strides = array<i32>} : memref<16x768xf32, #tpu.memory_space<vmem>>, vector<1x16xf32>,
      %swap3A_475 = vector.shape_cast %swap3A_474 : vector<1x16xf32> to vector<16xf32>
      %swap3A_476 = vector.shape_cast %add3A_471 : vector<16xf32> to vector<1x16xf32>
      tpu.vector_store %arg11[%swap3A_472, %swap3A_473], %swap3A_476 {strides = array<i32>} : memref<16x768xf32, #tpu.memory_space<vmem>>, vector<1x16xf32>,
      %mul3A_477 = arith.constant 2 : i32
      %mul3A_478 = arith.muli %mul3A_477, %scan3A_108 : i32
      %get3A_479 = arith.index_cast %mul3A_478 : i32 to index
      %get3A_480 = arith.constant 256 : index
      %get3A_481 = tpu.vector_load %arg9[%get3A_479, %get3A_480] {strides = array<i32>} : memref<32x768xf32, #tpu.memory_space<vmem>>, vector<1x16xf32>,
      %get3A_482 = vector.shape_cast %get3A_481 : vector<1x16xf32> to vector<16xf32>
      %mul3A_483 = arith.mulf %get3A_115, %get3A_482 : vector<16xf32>
      %mul3A_484 = arith.constant 2 : i32
      %mul3A_485 = arith.muli %mul3A_484, %scan3A_108 : i32
      %add3A_486 = arith.constant 1 : i32
      %add3A_487 = arith.addi %mul3A_485, %add3A_486 : i32
      %get3A_488 = arith.index_cast %add3A_487 : i32 to index
      %get3A_489 = arith.constant 256 : index
      %get3A_490 = tpu.vector_load %arg9[%get3A_488, %get3A_489] {strides = array<i32>} : memref<32x768xf32, #tpu.memory_space<vmem>>, vector<1x16xf32>,
      %get3A_491 = vector.shape_cast %get3A_490 : vector<1x16xf32> to vector<16xf32>
      %mul3A_492 = arith.mulf %get3A_125, %get3A_491 : vector<16xf32>
      %add3A_493 = arith.addf %mul3A_483, %mul3A_492 : vector<16xf32>
      %swap3A_494 = arith.index_cast %scan3A_108 : i32 to index
      %swap3A_495 = arith.constant 256 : index
      %swap3A_496 = tpu.vector_load %arg11[%swap3A_494, %swap3A_495] {strides = array<i32>} : memref<16x768xf32, #tpu.memory_space<vmem>>, vector<1x16xf32>,
      %swap3A_497 = vector.shape_cast %swap3A_496 : vector<1x16xf32> to vector<16xf32>
      %swap3A_498 = vector.shape_cast %add3A_493 : vector<16xf32> to vector<1x16xf32>
      tpu.vector_store %arg11[%swap3A_494, %swap3A_495], %swap3A_498 {strides = array<i32>} : memref<16x768xf32, #tpu.memory_space<vmem>>, vector<1x16xf32>,
      %mul3A_499 = arith.constant 2 : i32
      %mul3A_500 = arith.muli %mul3A_499, %scan3A_108 : i32
      %get3A_501 = arith.index_cast %mul3A_500 : i32 to index
      %get3A_502 = arith.constant 272 : index
      %get3A_503 = tpu.vector_load %arg9[%get3A_501, %get3A_502] {strides = array<i32>} : memref<32x768xf32, #tpu.memory_space<vmem>>, vector<1x16xf32>,
      %get3A_504 = vector.shape_cast %get3A_503 : vector<1x16xf32> to vector<16xf32>
      %mul3A_505 = arith.mulf %get3A_115, %get3A_504 : vector<16xf32>
      %mul3A_506 = arith.constant 2 : i32
      %mul3A_507 = arith.muli %mul3A_506, %scan3A_108 : i32
      %add3A_508 = arith.constant 1 : i32
      %add3A_509 = arith.addi %mul3A_507, %add3A_508 : i32
      %get3A_510 = arith.index_cast %add3A_509 : i32 to index
      %get3A_511 = arith.constant 272 : index
      %get3A_512 = tpu.vector_load %arg9[%get3A_510, %get3A_511] {strides = array<i32>} : memref<32x768xf32, #tpu.memory_space<vmem>>, vector<1x16xf32>,
      %get3A_513 = vector.shape_cast %get3A_512 : vector<1x16xf32> to vector<16xf32>
      %mul3A_514 = arith.mulf %get3A_125, %get3A_513 : vector<16xf32>
      %add3A_515 = arith.addf %mul3A_505, %mul3A_514 : vector<16xf32>
      %swap3A_516 = arith.index_cast %scan3A_108 : i32 to index
      %swap3A_517 = arith.constant 272 : index
      %swap3A_518 = tpu.vector_load %arg11[%swap3A_516, %swap3A_517] {strides = array<i32>} : memref<16x768xf32, #tpu.memory_space<vmem>>, vector<1x16xf32>,
      %swap3A_519 = vector.shape_cast %swap3A_518 : vector<1x16xf32> to vector<16xf32>
      %swap3A_520 = vector.shape_cast %add3A_515 : vector<16xf32> to vector<1x16xf32>
      tpu.vector_store %arg11[%swap3A_516, %swap3A_517], %swap3A_520 {strides = array<i32>} : memref<16x768xf32, #tpu.memory_space<vmem>>, vector<1x16xf32>,
      %mul3A_521 = arith.constant 2 : i32
      %mul3A_522 = arith.muli %mul3A_521, %scan3A_108 : i32
      %get3A_523 = arith.index_cast %mul3A_522 : i32 to index
      %get3A_524 = arith.constant 288 : index
      %get3A_525 = tpu.vector_load %arg9[%get3A_523, %get3A_524] {strides = array<i32>} : memref<32x768xf32, #tpu.memory_space<vmem>>, vector<1x16xf32>,
      %get3A_526 = vector.shape_cast %get3A_525 : vector<1x16xf32> to vector<16xf32>
      %mul3A_527 = arith.mulf %get3A_115, %get3A_526 : vector<16xf32>
      %mul3A_528 = arith.constant 2 : i32
      %mul3A_529 = arith.muli %mul3A_528, %scan3A_108 : i32
      %add3A_530 = arith.constant 1 : i32
      %add3A_531 = arith.addi %mul3A_529, %add3A_530 : i32
      %get3A_532 = arith.index_cast %add3A_531 : i32 to index
      %get3A_533 = arith.constant 288 : index
      %get3A_534 = tpu.vector_load %arg9[%get3A_532, %get3A_533] {strides = array<i32>} : memref<32x768xf32, #tpu.memory_space<vmem>>, vector<1x16xf32>,
      %get3A_535 = vector.shape_cast %get3A_534 : vector<1x16xf32> to vector<16xf32>
      %mul3A_536 = arith.mulf %get3A_125, %get3A_535 : vector<16xf32>
      %add3A_537 = arith.addf %mul3A_527, %mul3A_536 : vector<16xf32>
      %swap3A_538 = arith.index_cast %scan3A_108 : i32 to index
      %swap3A_539 = arith.constant 288 : index
      %swap3A_540 = tpu.vector_load %arg11[%swap3A_538, %swap3A_539] {strides = array<i32>} : memref<16x768xf32, #tpu.memory_space<vmem>>, vector<1x16xf32>,
      %swap3A_541 = vector.shape_cast %swap3A_540 : vector<1x16xf32> to vector<16xf32>
      %swap3A_542 = vector.shape_cast %add3A_537 : vector<16xf32> to vector<1x16xf32>
      tpu.vector_store %arg11[%swap3A_538, %swap3A_539], %swap3A_542 {strides = array<i32>} : memref<16x768xf32, #tpu.memory_space<vmem>>, vector<1x16xf32>,
      %mul3A_543 = arith.constant 2 : i32
      %mul3A_544 = arith.muli %mul3A_543, %scan3A_108 : i32
      %get3A_545 = arith.index_cast %mul3A_544 : i32 to index
      %get3A_546 = arith.constant 304 : index
      %get3A_547 = tpu.vector_load %arg9[%get3A_545, %get3A_546] {strides = array<i32>} : memref<32x768xf32, #tpu.memory_space<vmem>>, vector<1x16xf32>,
      %get3A_548 = vector.shape_cast %get3A_547 : vector<1x16xf32> to vector<16xf32>
      %mul3A_549 = arith.mulf %get3A_115, %get3A_548 : vector<16xf32>
      %mul3A_550 = arith.constant 2 : i32
      %mul3A_551 = arith.muli %mul3A_550, %scan3A_108 : i32
      %add3A_552 = arith.constant 1 : i32
      %add3A_553 = arith.addi %mul3A_551, %add3A_552 : i32
      %get3A_554 = arith.index_cast %add3A_553 : i32 to index
      %get3A_555 = arith.constant 304 : index
      %get3A_556 = tpu.vector_load %arg9[%get3A_554, %get3A_555] {strides = array<i32>} : memref<32x768xf32, #tpu.memory_space<vmem>>, vector<1x16xf32>,
      %get3A_557 = vector.shape_cast %get3A_556 : vector<1x16xf32> to vector<16xf32>
      %mul3A_558 = arith.mulf %get3A_125, %get3A_557 : vector<16xf32>
      %add3A_559 = arith.addf %mul3A_549, %mul3A_558 : vector<16xf32>
      %swap3A_560 = arith.index_cast %scan3A_108 : i32 to index
      %swap3A_561 = arith.constant 304 : index
      %swap3A_562 = tpu.vector_load %arg11[%swap3A_560, %swap3A_561] {strides = array<i32>} : memref<16x768xf32, #tpu.memory_space<vmem>>, vector<1x16xf32>,
      %swap3A_563 = vector.shape_cast %swap3A_562 : vector<1x16xf32> to vector<16xf32>
      %swap3A_564 = vector.shape_cast %add3A_559 : vector<16xf32> to vector<1x16xf32>
      tpu.vector_store %arg11[%swap3A_560, %swap3A_561], %swap3A_564 {strides = array<i32>} : memref<16x768xf32, #tpu.memory_space<vmem>>, vector<1x16xf32>,
      %mul3A_565 = arith.constant 2 : i32
      %mul3A_566 = arith.muli %mul3A_565, %scan3A_108 : i32
      %get3A_567 = arith.index_cast %mul3A_566 : i32 to index
      %get3A_568 = arith.constant 320 : index
      %get3A_569 = tpu.vector_load %arg9[%get3A_567, %get3A_568] {strides = array<i32>} : memref<32x768xf32, #tpu.memory_space<vmem>>, vector<1x16xf32>,
      %get3A_570 = vector.shape_cast %get3A_569 : vector<1x16xf32> to vector<16xf32>
      %mul3A_571 = arith.mulf %get3A_115, %get3A_570 : vector<16xf32>
      %mul3A_572 = arith.constant 2 : i32
      %mul3A_573 = arith.muli %mul3A_572, %scan3A_108 : i32
      %add3A_574 = arith.constant 1 : i32
      %add3A_575 = arith.addi %mul3A_573, %add3A_574 : i32
      %get3A_576 = arith.index_cast %add3A_575 : i32 to index
      %get3A_577 = arith.constant 320 : index
      %get3A_578 = tpu.vector_load %arg9[%get3A_576, %get3A_577] {strides = array<i32>} : memref<32x768xf32, #tpu.memory_space<vmem>>, vector<1x16xf32>,
      %get3A_579 = vector.shape_cast %get3A_578 : vector<1x16xf32> to vector<16xf32>
      %mul3A_580 = arith.mulf %get3A_125, %get3A_579 : vector<16xf32>
      %add3A_581 = arith.addf %mul3A_571, %mul3A_580 : vector<16xf32>
      %swap3A_582 = arith.index_cast %scan3A_108 : i32 to index
      %swap3A_583 = arith.constant 320 : index
      %swap3A_584 = tpu.vector_load %arg11[%swap3A_582, %swap3A_583] {strides = array<i32>} : memref<16x768xf32, #tpu.memory_space<vmem>>, vector<1x16xf32>,
      %swap3A_585 = vector.shape_cast %swap3A_584 : vector<1x16xf32> to vector<16xf32>
      %swap3A_586 = vector.shape_cast %add3A_581 : vector<16xf32> to vector<1x16xf32>
      tpu.vector_store %arg11[%swap3A_582, %swap3A_583], %swap3A_586 {strides = array<i32>} : memref<16x768xf32, #tpu.memory_space<vmem>>, vector<1x16xf32>,
      %mul3A_587 = arith.constant 2 : i32
      %mul3A_588 = arith.muli %mul3A_587, %scan3A_108 : i32
      %get3A_589 = arith.index_cast %mul3A_588 : i32 to index
      %get3A_590 = arith.constant 336 : index
      %get3A_591 = tpu.vector_load %arg9[%get3A_589, %get3A_590] {strides = array<i32>} : memref<32x768xf32, #tpu.memory_space<vmem>>, vector<1x16xf32>,
      %get3A_592 = vector.shape_cast %get3A_591 : vector<1x16xf32> to vector<16xf32>
      %mul3A_593 = arith.mulf %get3A_115, %get3A_592 : vector<16xf32>
      %mul3A_594 = arith.constant 2 : i32
      %mul3A_595 = arith.muli %mul3A_594, %scan3A_108 : i32
      %add3A_596 = arith.constant 1 : i32
      %add3A_597 = arith.addi %mul3A_595, %add3A_596 : i32
      %get3A_598 = arith.index_cast %add3A_597 : i32 to index
      %get3A_599 = arith.constant 336 : index
      %get3A_600 = tpu.vector_load %arg9[%get3A_598, %get3A_599] {strides = array<i32>} : memref<32x768xf32, #tpu.memory_space<vmem>>, vector<1x16xf32>,
      %get3A_601 = vector.shape_cast %get3A_600 : vector<1x16xf32> to vector<16xf32>
      %mul3A_602 = arith.mulf %get3A_125, %get3A_601 : vector<16xf32>
      %add3A_603 = arith.addf %mul3A_593, %mul3A_602 : vector<16xf32>
      %swap3A_604 = arith.index_cast %scan3A_108 : i32 to index
      %swap3A_605 = arith.constant 336 : index
      %swap3A_606 = tpu.vector_load %arg11[%swap3A_604, %swap3A_605] {strides = array<i32>} : memref<16x768xf32, #tpu.memory_space<vmem>>, vector<1x16xf32>,
      %swap3A_607 = vector.shape_cast %swap3A_606 : vector<1x16xf32> to vector<16xf32>
      %swap3A_608 = vector.shape_cast %add3A_603 : vector<16xf32> to vector<1x16xf32>
      tpu.vector_store %arg11[%swap3A_604, %swap3A_605], %swap3A_608 {strides = array<i32>} : memref<16x768xf32, #tpu.memory_space<vmem>>, vector<1x16xf32>,
      %mul3A_609 = arith.constant 2 : i32
      %mul3A_610 = arith.muli %mul3A_609, %scan3A_108 : i32
      %get3A_611 = arith.index_cast %mul3A_610 : i32 to index
      %get3A_612 = arith.constant 352 : index
      %get3A_613 = tpu.vector_load %arg9[%get3A_611, %get3A_612] {strides = array<i32>} : memref<32x768xf32, #tpu.memory_space<vmem>>, vector<1x16xf32>,
      %get3A_614 = vector.shape_cast %get3A_613 : vector<1x16xf32> to vector<16xf32>
      %mul3A_615 = arith.mulf %get3A_115, %get3A_614 : vector<16xf32>
      %mul3A_616 = arith.constant 2 : i32
      %mul3A_617 = arith.muli %mul3A_616, %scan3A_108 : i32
      %add3A_618 = arith.constant 1 : i32
      %add3A_619 = arith.addi %mul3A_617, %add3A_618 : i32
      %get3A_620 = arith.index_cast %add3A_619 : i32 to index
      %get3A_621 = arith.constant 352 : index
      %get3A_622 = tpu.vector_load %arg9[%get3A_620, %get3A_621] {strides = array<i32>} : memref<32x768xf32, #tpu.memory_space<vmem>>, vector<1x16xf32>,
      %get3A_623 = vector.shape_cast %get3A_622 : vector<1x16xf32> to vector<16xf32>
      %mul3A_624 = arith.mulf %get3A_125, %get3A_623 : vector<16xf32>
      %add3A_625 = arith.addf %mul3A_615, %mul3A_624 : vector<16xf32>
      %swap3A_626 = arith.index_cast %scan3A_108 : i32 to index
      %swap3A_627 = arith.constant 352 : index
      %swap3A_628 = tpu.vector_load %arg11[%swap3A_626, %swap3A_627] {strides = array<i32>} : memref<16x768xf32, #tpu.memory_space<vmem>>, vector<1x16xf32>,
      %swap3A_629 = vector.shape_cast %swap3A_628 : vector<1x16xf32> to vector<16xf32>
      %swap3A_630 = vector.shape_cast %add3A_625 : vector<16xf32> to vector<1x16xf32>
      tpu.vector_store %arg11[%swap3A_626, %swap3A_627], %swap3A_630 {strides = array<i32>} : memref<16x768xf32, #tpu.memory_space<vmem>>, vector<1x16xf32>,
      %mul3A_631 = arith.constant 2 : i32
      %mul3A_632 = arith.muli %mul3A_631, %scan3A_108 : i32
      %get3A_633 = arith.index_cast %mul3A_632 : i32 to index
      %get3A_634 = arith.constant 368 : index
      %get3A_635 = tpu.vector_load %arg9[%get3A_633, %get3A_634] {strides = array<i32>} : memref<32x768xf32, #tpu.memory_space<vmem>>, vector<1x16xf32>,
      %get3A_636 = vector.shape_cast %get3A_635 : vector<1x16xf32> to vector<16xf32>
      %mul3A_637 = arith.mulf %get3A_115, %get3A_636 : vector<16xf32>
      %mul3A_638 = arith.constant 2 : i32
      %mul3A_639 = arith.muli %mul3A_638, %scan3A_108 : i32
      %add3A_640 = arith.constant 1 : i32
      %add3A_641 = arith.addi %mul3A_639, %add3A_640 : i32
      %get3A_642 = arith.index_cast %add3A_641 : i32 to index
      %get3A_643 = arith.constant 368 : index
      %get3A_644 = tpu.vector_load %arg9[%get3A_642, %get3A_643] {strides = array<i32>} : memref<32x768xf32, #tpu.memory_space<vmem>>, vector<1x16xf32>,
      %get3A_645 = vector.shape_cast %get3A_644 : vector<1x16xf32> to vector<16xf32>
      %mul3A_646 = arith.mulf %get3A_125, %get3A_645 : vector<16xf32>
      %add3A_647 = arith.addf %mul3A_637, %mul3A_646 : vector<16xf32>
      %swap3A_648 = arith.index_cast %scan3A_108 : i32 to index
      %swap3A_649 = arith.constant 368 : index
      %swap3A_650 = tpu.vector_load %arg11[%swap3A_648, %swap3A_649] {strides = array<i32>} : memref<16x768xf32, #tpu.memory_space<vmem>>, vector<1x16xf32>,
      %swap3A_651 = vector.shape_cast %swap3A_650 : vector<1x16xf32> to vector<16xf32>
      %swap3A_652 = vector.shape_cast %add3A_647 : vector<16xf32> to vector<1x16xf32>
      tpu.vector_store %arg11[%swap3A_648, %swap3A_649], %swap3A_652 {strides = array<i32>} : memref<16x768xf32, #tpu.memory_space<vmem>>, vector<1x16xf32>,
      %mul3A_653 = arith.constant 2 : i32
      %mul3A_654 = arith.muli %mul3A_653, %scan3A_108 : i32
      %get3A_655 = arith.index_cast %mul3A_654 : i32 to index
      %get3A_656 = arith.constant 384 : index
      %get3A_657 = tpu.vector_load %arg9[%get3A_655, %get3A_656] {strides = array<i32>} : memref<32x768xf32, #tpu.memory_space<vmem>>, vector<1x16xf32>,
      %get3A_658 = vector.shape_cast %get3A_657 : vector<1x16xf32> to vector<16xf32>
      %mul3A_659 = arith.mulf %get3A_115, %get3A_658 : vector<16xf32>
      %mul3A_660 = arith.constant 2 : i32
      %mul3A_661 = arith.muli %mul3A_660, %scan3A_108 : i32
      %add3A_662 = arith.constant 1 : i32
      %add3A_663 = arith.addi %mul3A_661, %add3A_662 : i32
      %get3A_664 = arith.index_cast %add3A_663 : i32 to index
      %get3A_665 = arith.constant 384 : index
      %get3A_666 = tpu.vector_load %arg9[%get3A_664, %get3A_665] {strides = array<i32>} : memref<32x768xf32, #tpu.memory_space<vmem>>, vector<1x16xf32>,
      %get3A_667 = vector.shape_cast %get3A_666 : vector<1x16xf32> to vector<16xf32>
      %mul3A_668 = arith.mulf %get3A_125, %get3A_667 : vector<16xf32>
      %add3A_669 = arith.addf %mul3A_659, %mul3A_668 : vector<16xf32>
      %swap3A_670 = arith.index_cast %scan3A_108 : i32 to index
      %swap3A_671 = arith.constant 384 : index
      %swap3A_672 = tpu.vector_load %arg11[%swap3A_670, %swap3A_671] {strides = array<i32>} : memref<16x768xf32, #tpu.memory_space<vmem>>, vector<1x16xf32>,
      %swap3A_673 = vector.shape_cast %swap3A_672 : vector<1x16xf32> to vector<16xf32>
      %swap3A_674 = vector.shape_cast %add3A_669 : vector<16xf32> to vector<1x16xf32>
      tpu.vector_store %arg11[%swap3A_670, %swap3A_671], %swap3A_674 {strides = array<i32>} : memref<16x768xf32, #tpu.memory_space<vmem>>, vector<1x16xf32>,
      %mul3A_675 = arith.constant 2 : i32
      %mul3A_676 = arith.muli %mul3A_675, %scan3A_108 : i32
      %get3A_677 = arith.index_cast %mul3A_676 : i32 to index
      %get3A_678 = arith.constant 400 : index
      %get3A_679 = tpu.vector_load %arg9[%get3A_677, %get3A_678] {strides = array<i32>} : memref<32x768xf32, #tpu.memory_space<vmem>>, vector<1x16xf32>,
      %get3A_680 = vector.shape_cast %get3A_679 : vector<1x16xf32> to vector<16xf32>
      %mul3A_681 = arith.mulf %get3A_115, %get3A_680 : vector<16xf32>
      %mul3A_682 = arith.constant 2 : i32
      %mul3A_683 = arith.muli %mul3A_682, %scan3A_108 : i32
      %add3A_684 = arith.constant 1 : i32
      %add3A_685 = arith.addi %mul3A_683, %add3A_684 : i32
      %get3A_686 = arith.index_cast %add3A_685 : i32 to index
      %get3A_687 = arith.constant 400 : index
      %get3A_688 = tpu.vector_load %arg9[%get3A_686, %get3A_687] {strides = array<i32>} : memref<32x768xf32, #tpu.memory_space<vmem>>, vector<1x16xf32>,
      %get3A_689 = vector.shape_cast %get3A_688 : vector<1x16xf32> to vector<16xf32>
      %mul3A_690 = arith.mulf %get3A_125, %get3A_689 : vector<16xf32>
      %add3A_691 = arith.addf %mul3A_681, %mul3A_690 : vector<16xf32>
      %swap3A_692 = arith.index_cast %scan3A_108 : i32 to index
      %swap3A_693 = arith.constant 400 : index
      %swap3A_694 = tpu.vector_load %arg11[%swap3A_692, %swap3A_693] {strides = array<i32>} : memref<16x768xf32, #tpu.memory_space<vmem>>, vector<1x16xf32>,
      %swap3A_695 = vector.shape_cast %swap3A_694 : vector<1x16xf32> to vector<16xf32>
      %swap3A_696 = vector.shape_cast %add3A_691 : vector<16xf32> to vector<1x16xf32>
      tpu.vector_store %arg11[%swap3A_692, %swap3A_693], %swap3A_696 {strides = array<i32>} : memref<16x768xf32, #tpu.memory_space<vmem>>, vector<1x16xf32>,
      %mul3A_697 = arith.constant 2 : i32
      %mul3A_698 = arith.muli %mul3A_697, %scan3A_108 : i32
      %get3A_699 = arith.index_cast %mul3A_698 : i32 to index
      %get3A_700 = arith.constant 416 : index
      %get3A_701 = tpu.vector_load %arg9[%get3A_699, %get3A_700] {strides = array<i32>} : memref<32x768xf32, #tpu.memory_space<vmem>>, vector<1x16xf32>,
      %get3A_702 = vector.shape_cast %get3A_701 : vector<1x16xf32> to vector<16xf32>
      %mul3A_703 = arith.mulf %get3A_115, %get3A_702 : vector<16xf32>
      %mul3A_704 = arith.constant 2 : i32
      %mul3A_705 = arith.muli %mul3A_704, %scan3A_108 : i32
      %add3A_706 = arith.constant 1 : i32
      %add3A_707 = arith.addi %mul3A_705, %add3A_706 : i32
      %get3A_708 = arith.index_cast %add3A_707 : i32 to index
      %get3A_709 = arith.constant 416 : index
      %get3A_710 = tpu.vector_load %arg9[%get3A_708, %get3A_709] {strides = array<i32>} : memref<32x768xf32, #tpu.memory_space<vmem>>, vector<1x16xf32>,
      %get3A_711 = vector.shape_cast %get3A_710 : vector<1x16xf32> to vector<16xf32>
      %mul3A_712 = arith.mulf %get3A_125, %get3A_711 : vector<16xf32>
      %add3A_713 = arith.addf %mul3A_703, %mul3A_712 : vector<16xf32>
      %swap3A_714 = arith.index_cast %scan3A_108 : i32 to index
      %swap3A_715 = arith.constant 416 : index
      %swap3A_716 = tpu.vector_load %arg11[%swap3A_714, %swap3A_715] {strides = array<i32>} : memref<16x768xf32, #tpu.memory_space<vmem>>, vector<1x16xf32>,
      %swap3A_717 = vector.shape_cast %swap3A_716 : vector<1x16xf32> to vector<16xf32>
      %swap3A_718 = vector.shape_cast %add3A_713 : vector<16xf32> to vector<1x16xf32>
      tpu.vector_store %arg11[%swap3A_714, %swap3A_715], %swap3A_718 {strides = array<i32>} : memref<16x768xf32, #tpu.memory_space<vmem>>, vector<1x16xf32>,
      %mul3A_719 = arith.constant 2 : i32
      %mul3A_720 = arith.muli %mul3A_719, %scan3A_108 : i32
      %get3A_721 = arith.index_cast %mul3A_720 : i32 to index
      %get3A_722 = arith.constant 432 : index
      %get3A_723 = tpu.vector_load %arg9[%get3A_721, %get3A_722] {strides = array<i32>} : memref<32x768xf32, #tpu.memory_space<vmem>>, vector<1x16xf32>,
      %get3A_724 = vector.shape_cast %get3A_723 : vector<1x16xf32> to vector<16xf32>
      %mul3A_725 = arith.mulf %get3A_115, %get3A_724 : vector<16xf32>
      %mul3A_726 = arith.constant 2 : i32
      %mul3A_727 = arith.muli %mul3A_726, %scan3A_108 : i32
      %add3A_728 = arith.constant 1 : i32
      %add3A_729 = arith.addi %mul3A_727, %add3A_728 : i32
      %get3A_730 = arith.index_cast %add3A_729 : i32 to index
      %get3A_731 = arith.constant 432 : index
      %get3A_732 = tpu.vector_load %arg9[%get3A_730, %get3A_731] {strides = array<i32>} : memref<32x768xf32, #tpu.memory_space<vmem>>, vector<1x16xf32>,
      %get3A_733 = vector.shape_cast %get3A_732 : vector<1x16xf32> to vector<16xf32>
      %mul3A_734 = arith.mulf %get3A_125, %get3A_733 : vector<16xf32>
      %add3A_735 = arith.addf %mul3A_725, %mul3A_734 : vector<16xf32>
      %swap3A_736 = arith.index_cast %scan3A_108 : i32 to index
      %swap3A_737 = arith.constant 432 : index
      %swap3A_738 = tpu.vector_load %arg11[%swap3A_736, %swap3A_737] {strides = array<i32>} : memref<16x768xf32, #tpu.memory_space<vmem>>, vector<1x16xf32>,
      %swap3A_739 = vector.shape_cast %swap3A_738 : vector<1x16xf32> to vector<16xf32>
      %swap3A_740 = vector.shape_cast %add3A_735 : vector<16xf32> to vector<1x16xf32>
      tpu.vector_store %arg11[%swap3A_736, %swap3A_737], %swap3A_740 {strides = array<i32>} : memref<16x768xf32, #tpu.memory_space<vmem>>, vector<1x16xf32>,
      %mul3A_741 = arith.constant 2 : i32
      %mul3A_742 = arith.muli %mul3A_741, %scan3A_108 : i32
      %get3A_743 = arith.index_cast %mul3A_742 : i32 to index
      %get3A_744 = arith.constant 448 : index
      %get3A_745 = tpu.vector_load %arg9[%get3A_743, %get3A_744] {strides = array<i32>} : memref<32x768xf32, #tpu.memory_space<vmem>>, vector<1x16xf32>,
      %get3A_746 = vector.shape_cast %get3A_745 : vector<1x16xf32> to vector<16xf32>
      %mul3A_747 = arith.mulf %get3A_115, %get3A_746 : vector<16xf32>
      %mul3A_748 = arith.constant 2 : i32
      %mul3A_749 = arith.muli %mul3A_748, %scan3A_108 : i32
      %add3A_750 = arith.constant 1 : i32
      %add3A_751 = arith.addi %mul3A_749, %add3A_750 : i32
      %get3A_752 = arith.index_cast %add3A_751 : i32 to index
      %get3A_753 = arith.constant 448 : index
      %get3A_754 = tpu.vector_load %arg9[%get3A_752, %get3A_753] {strides = array<i32>} : memref<32x768xf32, #tpu.memory_space<vmem>>, vector<1x16xf32>,
      %get3A_755 = vector.shape_cast %get3A_754 : vector<1x16xf32> to vector<16xf32>
      %mul3A_756 = arith.mulf %get3A_125, %get3A_755 : vector<16xf32>
      %add3A_757 = arith.addf %mul3A_747, %mul3A_756 : vector<16xf32>
      %swap3A_758 = arith.index_cast %scan3A_108 : i32 to index
      %swap3A_759 = arith.constant 448 : index
      %swap3A_760 = tpu.vector_load %arg11[%swap3A_758, %swap3A_759] {strides = array<i32>} : memref<16x768xf32, #tpu.memory_space<vmem>>, vector<1x16xf32>,
      %swap3A_761 = vector.shape_cast %swap3A_760 : vector<1x16xf32> to vector<16xf32>
      %swap3A_762 = vector.shape_cast %add3A_757 : vector<16xf32> to vector<1x16xf32>
      tpu.vector_store %arg11[%swap3A_758, %swap3A_759], %swap3A_762 {strides = array<i32>} : memref<16x768xf32, #tpu.memory_space<vmem>>, vector<1x16xf32>,
      %mul3A_763 = arith.constant 2 : i32
      %mul3A_764 = arith.muli %mul3A_763, %scan3A_108 : i32
      %get3A_765 = arith.index_cast %mul3A_764 : i32 to index
      %get3A_766 = arith.constant 464 : index
      %get3A_767 = tpu.vector_load %arg9[%get3A_765, %get3A_766] {strides = array<i32>} : memref<32x768xf32, #tpu.memory_space<vmem>>, vector<1x16xf32>,
      %get3A_768 = vector.shape_cast %get3A_767 : vector<1x16xf32> to vector<16xf32>
      %mul3A_769 = arith.mulf %get3A_115, %get3A_768 : vector<16xf32>
      %mul3A_770 = arith.constant 2 : i32
      %mul3A_771 = arith.muli %mul3A_770, %scan3A_108 : i32
      %add3A_772 = arith.constant 1 : i32
      %add3A_773 = arith.addi %mul3A_771, %add3A_772 : i32
      %get3A_774 = arith.index_cast %add3A_773 : i32 to index
      %get3A_775 = arith.constant 464 : index
      %get3A_776 = tpu.vector_load %arg9[%get3A_774, %get3A_775] {strides = array<i32>} : memref<32x768xf32, #tpu.memory_space<vmem>>, vector<1x16xf32>,
      %get3A_777 = vector.shape_cast %get3A_776 : vector<1x16xf32> to vector<16xf32>
      %mul3A_778 = arith.mulf %get3A_125, %get3A_777 : vector<16xf32>
      %add3A_779 = arith.addf %mul3A_769, %mul3A_778 : vector<16xf32>
      %swap3A_780 = arith.index_cast %scan3A_108 : i32 to index
      %swap3A_781 = arith.constant 464 : index
      %swap3A_782 = tpu.vector_load %arg11[%swap3A_780, %swap3A_781] {strides = array<i32>} : memref<16x768xf32, #tpu.memory_space<vmem>>, vector<1x16xf32>,
      %swap3A_783 = vector.shape_cast %swap3A_782 : vector<1x16xf32> to vector<16xf32>
      %swap3A_784 = vector.shape_cast %add3A_779 : vector<16xf32> to vector<1x16xf32>
      tpu.vector_store %arg11[%swap3A_780, %swap3A_781], %swap3A_784 {strides = array<i32>} : memref<16x768xf32, #tpu.memory_space<vmem>>, vector<1x16xf32>,
      %mul3A_785 = arith.constant 2 : i32
      %mul3A_786 = arith.muli %mul3A_785, %scan3A_108 : i32
      %get3A_787 = arith.index_cast %mul3A_786 : i32 to index
      %get3A_788 = arith.constant 480 : index
      %get3A_789 = tpu.vector_load %arg9[%get3A_787, %get3A_788] {strides = array<i32>} : memref<32x768xf32, #tpu.memory_space<vmem>>, vector<1x16xf32>,
      %get3A_790 = vector.shape_cast %get3A_789 : vector<1x16xf32> to vector<16xf32>
      %mul3A_791 = arith.mulf %get3A_115, %get3A_790 : vector<16xf32>
      %mul3A_792 = arith.constant 2 : i32
      %mul3A_793 = arith.muli %mul3A_792, %scan3A_108 : i32
      %add3A_794 = arith.constant 1 : i32
      %add3A_795 = arith.addi %mul3A_793, %add3A_794 : i32
      %get3A_796 = arith.index_cast %add3A_795 : i32 to index
      %get3A_797 = arith.constant 480 : index
      %get3A_798 = tpu.vector_load %arg9[%get3A_796, %get3A_797] {strides = array<i32>} : memref<32x768xf32, #tpu.memory_space<vmem>>, vector<1x16xf32>,
      %get3A_799 = vector.shape_cast %get3A_798 : vector<1x16xf32> to vector<16xf32>
      %mul3A_800 = arith.mulf %get3A_125, %get3A_799 : vector<16xf32>
      %add3A_801 = arith.addf %mul3A_791, %mul3A_800 : vector<16xf32>
      %swap3A_802 = arith.index_cast %scan3A_108 : i32 to index
      %swap3A_803 = arith.constant 480 : index
      %swap3A_804 = tpu.vector_load %arg11[%swap3A_802, %swap3A_803] {strides = array<i32>} : memref<16x768xf32, #tpu.memory_space<vmem>>, vector<1x16xf32>,
      %swap3A_805 = vector.shape_cast %swap3A_804 : vector<1x16xf32> to vector<16xf32>
      %swap3A_806 = vector.shape_cast %add3A_801 : vector<16xf32> to vector<1x16xf32>
      tpu.vector_store %arg11[%swap3A_802, %swap3A_803], %swap3A_806 {strides = array<i32>} : memref<16x768xf32, #tpu.memory_space<vmem>>, vector<1x16xf32>,
      %mul3A_807 = arith.constant 2 : i32
      %mul3A_808 = arith.muli %mul3A_807, %scan3A_108 : i32
      %get3A_809 = arith.index_cast %mul3A_808 : i32 to index
      %get3A_810 = arith.constant 496 : index
      %get3A_811 = tpu.vector_load %arg9[%get3A_809, %get3A_810] {strides = array<i32>} : memref<32x768xf32, #tpu.memory_space<vmem>>, vector<1x16xf32>,
      %get3A_812 = vector.shape_cast %get3A_811 : vector<1x16xf32> to vector<16xf32>
      %mul3A_813 = arith.mulf %get3A_115, %get3A_812 : vector<16xf32>
      %mul3A_814 = arith.constant 2 : i32
      %mul3A_815 = arith.muli %mul3A_814, %scan3A_108 : i32
      %add3A_816 = arith.constant 1 : i32
      %add3A_817 = arith.addi %mul3A_815, %add3A_816 : i32
      %get3A_818 = arith.index_cast %add3A_817 : i32 to index
      %get3A_819 = arith.constant 496 : index
      %get3A_820 = tpu.vector_load %arg9[%get3A_818, %get3A_819] {strides = array<i32>} : memref<32x768xf32, #tpu.memory_space<vmem>>, vector<1x16xf32>,
      %get3A_821 = vector.shape_cast %get3A_820 : vector<1x16xf32> to vector<16xf32>
      %mul3A_822 = arith.mulf %get3A_125, %get3A_821 : vector<16xf32>
      %add3A_823 = arith.addf %mul3A_813, %mul3A_822 : vector<16xf32>
      %swap3A_824 = arith.index_cast %scan3A_108 : i32 to index
      %swap3A_825 = arith.constant 496 : index
      %swap3A_826 = tpu.vector_load %arg11[%swap3A_824, %swap3A_825] {strides = array<i32>} : memref<16x768xf32, #tpu.memory_space<vmem>>, vector<1x16xf32>,
      %swap3A_827 = vector.shape_cast %swap3A_826 : vector<1x16xf32> to vector<16xf32>
      %swap3A_828 = vector.shape_cast %add3A_823 : vector<16xf32> to vector<1x16xf32>
      tpu.vector_store %arg11[%swap3A_824, %swap3A_825], %swap3A_828 {strides = array<i32>} : memref<16x768xf32, #tpu.memory_space<vmem>>, vector<1x16xf32>,
      %mul3A_829 = arith.constant 2 : i32
      %mul3A_830 = arith.muli %mul3A_829, %scan3A_108 : i32
      %get3A_831 = arith.index_cast %mul3A_830 : i32 to index
      %get3A_832 = arith.constant 512 : index
      %get3A_833 = tpu.vector_load %arg9[%get3A_831, %get3A_832] {strides = array<i32>} : memref<32x768xf32, #tpu.memory_space<vmem>>, vector<1x16xf32>,
      %get3A_834 = vector.shape_cast %get3A_833 : vector<1x16xf32> to vector<16xf32>
      %mul3A_835 = arith.mulf %get3A_115, %get3A_834 : vector<16xf32>
      %mul3A_836 = arith.constant 2 : i32
      %mul3A_837 = arith.muli %mul3A_836, %scan3A_108 : i32
      %add3A_838 = arith.constant 1 : i32
      %add3A_839 = arith.addi %mul3A_837, %add3A_838 : i32
      %get3A_840 = arith.index_cast %add3A_839 : i32 to index
      %get3A_841 = arith.constant 512 : index
      %get3A_842 = tpu.vector_load %arg9[%get3A_840, %get3A_841] {strides = array<i32>} : memref<32x768xf32, #tpu.memory_space<vmem>>, vector<1x16xf32>,
      %get3A_843 = vector.shape_cast %get3A_842 : vector<1x16xf32> to vector<16xf32>
      %mul3A_844 = arith.mulf %get3A_125, %get3A_843 : vector<16xf32>
      %add3A_845 = arith.addf %mul3A_835, %mul3A_844 : vector<16xf32>
      %swap3A_846 = arith.index_cast %scan3A_108 : i32 to index
      %swap3A_847 = arith.constant 512 : index
      %swap3A_848 = tpu.vector_load %arg11[%swap3A_846, %swap3A_847] {strides = array<i32>} : memref<16x768xf32, #tpu.memory_space<vmem>>, vector<1x16xf32>,
      %swap3A_849 = vector.shape_cast %swap3A_848 : vector<1x16xf32> to vector<16xf32>
      %swap3A_850 = vector.shape_cast %add3A_845 : vector<16xf32> to vector<1x16xf32>
      tpu.vector_store %arg11[%swap3A_846, %swap3A_847], %swap3A_850 {strides = array<i32>} : memref<16x768xf32, #tpu.memory_space<vmem>>, vector<1x16xf32>,
      %mul3A_851 = arith.constant 2 : i32
      %mul3A_852 = arith.muli %mul3A_851, %scan3A_108 : i32
      %get3A_853 = arith.index_cast %mul3A_852 : i32 to index
      %get3A_854 = arith.constant 528 : index
      %get3A_855 = tpu.vector_load %arg9[%get3A_853, %get3A_854] {strides = array<i32>} : memref<32x768xf32, #tpu.memory_space<vmem>>, vector<1x16xf32>,
      %get3A_856 = vector.shape_cast %get3A_855 : vector<1x16xf32> to vector<16xf32>
      %mul3A_857 = arith.mulf %get3A_115, %get3A_856 : vector<16xf32>
      %mul3A_858 = arith.constant 2 : i32
      %mul3A_859 = arith.muli %mul3A_858, %scan3A_108 : i32
      %add3A_860 = arith.constant 1 : i32
      %add3A_861 = arith.addi %mul3A_859, %add3A_860 : i32
      %get3A_862 = arith.index_cast %add3A_861 : i32 to index
      %get3A_863 = arith.constant 528 : index
      %get3A_864 = tpu.vector_load %arg9[%get3A_862, %get3A_863] {strides = array<i32>} : memref<32x768xf32, #tpu.memory_space<vmem>>, vector<1x16xf32>,
      %get3A_865 = vector.shape_cast %get3A_864 : vector<1x16xf32> to vector<16xf32>
      %mul3A_866 = arith.mulf %get3A_125, %get3A_865 : vector<16xf32>
      %add3A_867 = arith.addf %mul3A_857, %mul3A_866 : vector<16xf32>
      %swap3A_868 = arith.index_cast %scan3A_108 : i32 to index
      %swap3A_869 = arith.constant 528 : index
      %swap3A_870 = tpu.vector_load %arg11[%swap3A_868, %swap3A_869] {strides = array<i32>} : memref<16x768xf32, #tpu.memory_space<vmem>>, vector<1x16xf32>,
      %swap3A_871 = vector.shape_cast %swap3A_870 : vector<1x16xf32> to vector<16xf32>
      %swap3A_872 = vector.shape_cast %add3A_867 : vector<16xf32> to vector<1x16xf32>
      tpu.vector_store %arg11[%swap3A_868, %swap3A_869], %swap3A_872 {strides = array<i32>} : memref<16x768xf32, #tpu.memory_space<vmem>>, vector<1x16xf32>,
      %mul3A_873 = arith.constant 2 : i32
      %mul3A_874 = arith.muli %mul3A_873, %scan3A_108 : i32
      %get3A_875 = arith.index_cast %mul3A_874 : i32 to index
      %get3A_876 = arith.constant 544 : index
      %get3A_877 = tpu.vector_load %arg9[%get3A_875, %get3A_876] {strides = array<i32>} : memref<32x768xf32, #tpu.memory_space<vmem>>, vector<1x16xf32>,
      %get3A_878 = vector.shape_cast %get3A_877 : vector<1x16xf32> to vector<16xf32>
      %mul3A_879 = arith.mulf %get3A_115, %get3A_878 : vector<16xf32>
      %mul3A_880 = arith.constant 2 : i32
      %mul3A_881 = arith.muli %mul3A_880, %scan3A_108 : i32
      %add3A_882 = arith.constant 1 : i32
      %add3A_883 = arith.addi %mul3A_881, %add3A_882 : i32
      %get3A_884 = arith.index_cast %add3A_883 : i32 to index
      %get3A_885 = arith.constant 544 : index
      %get3A_886 = tpu.vector_load %arg9[%get3A_884, %get3A_885] {strides = array<i32>} : memref<32x768xf32, #tpu.memory_space<vmem>>, vector<1x16xf32>,
      %get3A_887 = vector.shape_cast %get3A_886 : vector<1x16xf32> to vector<16xf32>
      %mul3A_888 = arith.mulf %get3A_125, %get3A_887 : vector<16xf32>
      %add3A_889 = arith.addf %mul3A_879, %mul3A_888 : vector<16xf32>
      %swap3A_890 = arith.index_cast %scan3A_108 : i32 to index
      %swap3A_891 = arith.constant 544 : index
      %swap3A_892 = tpu.vector_load %arg11[%swap3A_890, %swap3A_891] {strides = array<i32>} : memref<16x768xf32, #tpu.memory_space<vmem>>, vector<1x16xf32>,
      %swap3A_893 = vector.shape_cast %swap3A_892 : vector<1x16xf32> to vector<16xf32>
      %swap3A_894 = vector.shape_cast %add3A_889 : vector<16xf32> to vector<1x16xf32>
      tpu.vector_store %arg11[%swap3A_890, %swap3A_891], %swap3A_894 {strides = array<i32>} : memref<16x768xf32, #tpu.memory_space<vmem>>, vector<1x16xf32>,
      %mul3A_895 = arith.constant 2 : i32
      %mul3A_896 = arith.muli %mul3A_895, %scan3A_108 : i32
      %get3A_897 = arith.index_cast %mul3A_896 : i32 to index
      %get3A_898 = arith.constant 560 : index
      %get3A_899 = tpu.vector_load %arg9[%get3A_897, %get3A_898] {strides = array<i32>} : memref<32x768xf32, #tpu.memory_space<vmem>>, vector<1x16xf32>,
      %get3A_900 = vector.shape_cast %get3A_899 : vector<1x16xf32> to vector<16xf32>
      %mul3A_901 = arith.mulf %get3A_115, %get3A_900 : vector<16xf32>
      %mul3A_902 = arith.constant 2 : i32
      %mul3A_903 = arith.muli %mul3A_902, %scan3A_108 : i32
      %add3A_904 = arith.constant 1 : i32
      %add3A_905 = arith.addi %mul3A_903, %add3A_904 : i32
      %get3A_906 = arith.index_cast %add3A_905 : i32 to index
      %get3A_907 = arith.constant 560 : index
      %get3A_908 = tpu.vector_load %arg9[%get3A_906, %get3A_907] {strides = array<i32>} : memref<32x768xf32, #tpu.memory_space<vmem>>, vector<1x16xf32>,
      %get3A_909 = vector.shape_cast %get3A_908 : vector<1x16xf32> to vector<16xf32>
      %mul3A_910 = arith.mulf %get3A_125, %get3A_909 : vector<16xf32>
      %add3A_911 = arith.addf %mul3A_901, %mul3A_910 : vector<16xf32>
      %swap3A_912 = arith.index_cast %scan3A_108 : i32 to index
      %swap3A_913 = arith.constant 560 : index
      %swap3A_914 = tpu.vector_load %arg11[%swap3A_912, %swap3A_913] {strides = array<i32>} : memref<16x768xf32, #tpu.memory_space<vmem>>, vector<1x16xf32>,
      %swap3A_915 = vector.shape_cast %swap3A_914 : vector<1x16xf32> to vector<16xf32>
      %swap3A_916 = vector.shape_cast %add3A_911 : vector<16xf32> to vector<1x16xf32>
      tpu.vector_store %arg11[%swap3A_912, %swap3A_913], %swap3A_916 {strides = array<i32>} : memref<16x768xf32, #tpu.memory_space<vmem>>, vector<1x16xf32>,
      %mul3A_917 = arith.constant 2 : i32
      %mul3A_918 = arith.muli %mul3A_917, %scan3A_108 : i32
      %get3A_919 = arith.index_cast %mul3A_918 : i32 to index
      %get3A_920 = arith.constant 576 : index
      %get3A_921 = tpu.vector_load %arg9[%get3A_919, %get3A_920] {strides = array<i32>} : memref<32x768xf32, #tpu.memory_space<vmem>>, vector<1x16xf32>,
      %get3A_922 = vector.shape_cast %get3A_921 : vector<1x16xf32> to vector<16xf32>
      %mul3A_923 = arith.mulf %get3A_115, %get3A_922 : vector<16xf32>
      %mul3A_924 = arith.constant 2 : i32
      %mul3A_925 = arith.muli %mul3A_924, %scan3A_108 : i32
      %add3A_926 = arith.constant 1 : i32
      %add3A_927 = arith.addi %mul3A_925, %add3A_926 : i32
      %get3A_928 = arith.index_cast %add3A_927 : i32 to index
      %get3A_929 = arith.constant 576 : index
      %get3A_930 = tpu.vector_load %arg9[%get3A_928, %get3A_929] {strides = array<i32>} : memref<32x768xf32, #tpu.memory_space<vmem>>, vector<1x16xf32>,
      %get3A_931 = vector.shape_cast %get3A_930 : vector<1x16xf32> to vector<16xf32>
      %mul3A_932 = arith.mulf %get3A_125, %get3A_931 : vector<16xf32>
      %add3A_933 = arith.addf %mul3A_923, %mul3A_932 : vector<16xf32>
      %swap3A_934 = arith.index_cast %scan3A_108 : i32 to index
      %swap3A_935 = arith.constant 576 : index
      %swap3A_936 = tpu.vector_load %arg11[%swap3A_934, %swap3A_935] {strides = array<i32>} : memref<16x768xf32, #tpu.memory_space<vmem>>, vector<1x16xf32>,
      %swap3A_937 = vector.shape_cast %swap3A_936 : vector<1x16xf32> to vector<16xf32>
      %swap3A_938 = vector.shape_cast %add3A_933 : vector<16xf32> to vector<1x16xf32>
      tpu.vector_store %arg11[%swap3A_934, %swap3A_935], %swap3A_938 {strides = array<i32>} : memref<16x768xf32, #tpu.memory_space<vmem>>, vector<1x16xf32>,
      %mul3A_939 = arith.constant 2 : i32
      %mul3A_940 = arith.muli %mul3A_939, %scan3A_108 : i32
      %get3A_941 = arith.index_cast %mul3A_940 : i32 to index
      %get3A_942 = arith.constant 592 : index
      %get3A_943 = tpu.vector_load %arg9[%get3A_941, %get3A_942] {strides = array<i32>} : memref<32x768xf32, #tpu.memory_space<vmem>>, vector<1x16xf32>,
      %get3A_944 = vector.shape_cast %get3A_943 : vector<1x16xf32> to vector<16xf32>
      %mul3A_945 = arith.mulf %get3A_115, %get3A_944 : vector<16xf32>
      %mul3A_946 = arith.constant 2 : i32
      %mul3A_947 = arith.muli %mul3A_946, %scan3A_108 : i32
      %add3A_948 = arith.constant 1 : i32
      %add3A_949 = arith.addi %mul3A_947, %add3A_948 : i32
      %get3A_950 = arith.index_cast %add3A_949 : i32 to index
      %get3A_951 = arith.constant 592 : index
      %get3A_952 = tpu.vector_load %arg9[%get3A_950, %get3A_951] {strides = array<i32>} : memref<32x768xf32, #tpu.memory_space<vmem>>, vector<1x16xf32>,
      %get3A_953 = vector.shape_cast %get3A_952 : vector<1x16xf32> to vector<16xf32>
      %mul3A_954 = arith.mulf %get3A_125, %get3A_953 : vector<16xf32>
      %add3A_955 = arith.addf %mul3A_945, %mul3A_954 : vector<16xf32>
      %swap3A_956 = arith.index_cast %scan3A_108 : i32 to index
      %swap3A_957 = arith.constant 592 : index
      %swap3A_958 = tpu.vector_load %arg11[%swap3A_956, %swap3A_957] {strides = array<i32>} : memref<16x768xf32, #tpu.memory_space<vmem>>, vector<1x16xf32>,
      %swap3A_959 = vector.shape_cast %swap3A_958 : vector<1x16xf32> to vector<16xf32>
      %swap3A_960 = vector.shape_cast %add3A_955 : vector<16xf32> to vector<1x16xf32>
      tpu.vector_store %arg11[%swap3A_956, %swap3A_957], %swap3A_960 {strides = array<i32>} : memref<16x768xf32, #tpu.memory_space<vmem>>, vector<1x16xf32>,
      %mul3A_961 = arith.constant 2 : i32
      %mul3A_962 = arith.muli %mul3A_961, %scan3A_108 : i32
      %get3A_963 = arith.index_cast %mul3A_962 : i32 to index
      %get3A_964 = arith.constant 608 : index
      %get3A_965 = tpu.vector_load %arg9[%get3A_963, %get3A_964] {strides = array<i32>} : memref<32x768xf32, #tpu.memory_space<vmem>>, vector<1x16xf32>,
      %get3A_966 = vector.shape_cast %get3A_965 : vector<1x16xf32> to vector<16xf32>
      %mul3A_967 = arith.mulf %get3A_115, %get3A_966 : vector<16xf32>
      %mul3A_968 = arith.constant 2 : i32
      %mul3A_969 = arith.muli %mul3A_968, %scan3A_108 : i32
      %add3A_970 = arith.constant 1 : i32
      %add3A_971 = arith.addi %mul3A_969, %add3A_970 : i32
      %get3A_972 = arith.index_cast %add3A_971 : i32 to index
      %get3A_973 = arith.constant 608 : index
      %get3A_974 = tpu.vector_load %arg9[%get3A_972, %get3A_973] {strides = array<i32>} : memref<32x768xf32, #tpu.memory_space<vmem>>, vector<1x16xf32>,
      %get3A_975 = vector.shape_cast %get3A_974 : vector<1x16xf32> to vector<16xf32>
      %mul3A_976 = arith.mulf %get3A_125, %get3A_975 : vector<16xf32>
      %add3A_977 = arith.addf %mul3A_967, %mul3A_976 : vector<16xf32>
      %swap3A_978 = arith.index_cast %scan3A_108 : i32 to index
      %swap3A_979 = arith.constant 608 : index
      %swap3A_980 = tpu.vector_load %arg11[%swap3A_978, %swap3A_979] {strides = array<i32>} : memref<16x768xf32, #tpu.memory_space<vmem>>, vector<1x16xf32>,
      %swap3A_981 = vector.shape_cast %swap3A_980 : vector<1x16xf32> to vector<16xf32>
      %swap3A_982 = vector.shape_cast %add3A_977 : vector<16xf32> to vector<1x16xf32>
      tpu.vector_store %arg11[%swap3A_978, %swap3A_979], %swap3A_982 {strides = array<i32>} : memref<16x768xf32, #tpu.memory_space<vmem>>, vector<1x16xf32>,
      %mul3A_983 = arith.constant 2 : i32
      %mul3A_984 = arith.muli %mul3A_983, %scan3A_108 : i32
      %get3A_985 = arith.index_cast %mul3A_984 : i32 to index
      %get3A_986 = arith.constant 624 : index
      %get3A_987 = tpu.vector_load %arg9[%get3A_985, %get3A_986] {strides = array<i32>} : memref<32x768xf32, #tpu.memory_space<vmem>>, vector<1x16xf32>,
      %get3A_988 = vector.shape_cast %get3A_987 : vector<1x16xf32> to vector<16xf32>
      %mul3A_989 = arith.mulf %get3A_115, %get3A_988 : vector<16xf32>
      %mul3A_990 = arith.constant 2 : i32
      %mul3A_991 = arith.muli %mul3A_990, %scan3A_108 : i32
      %add3A_992 = arith.constant 1 : i32
      %add3A_993 = arith.addi %mul3A_991, %add3A_992 : i32
      %get3A_994 = arith.index_cast %add3A_993 : i32 to index
      %get3A_995 = arith.constant 624 : index
      %get3A_996 = tpu.vector_load %arg9[%get3A_994, %get3A_995] {strides = array<i32>} : memref<32x768xf32, #tpu.memory_space<vmem>>, vector<1x16xf32>,
      %get3A_997 = vector.shape_cast %get3A_996 : vector<1x16xf32> to vector<16xf32>
      %mul3A_998 = arith.mulf %get3A_125, %get3A_997 : vector<16xf32>
      %add3A_999 = arith.addf %mul3A_989, %mul3A_998 : vector<16xf32>
      %swap3A_1000 = arith.index_cast %scan3A_108 : i32 to index
      %swap3A_1001 = arith.constant 624 : index
      %swap3A_1002 = tpu.vector_load %arg11[%swap3A_1000, %swap3A_1001] {strides = array<i32>} : memref<16x768xf32, #tpu.memory_space<vmem>>, vector<1x16xf32>,
      %swap3A_1003 = vector.shape_cast %swap3A_1002 : vector<1x16xf32> to vector<16xf32>
      %swap3A_1004 = vector.shape_cast %add3A_999 : vector<16xf32> to vector<1x16xf32>
      tpu.vector_store %arg11[%swap3A_1000, %swap3A_1001], %swap3A_1004 {strides = array<i32>} : memref<16x768xf32, #tpu.memory_space<vmem>>, vector<1x16xf32>,
      %mul3A_1005 = arith.constant 2 : i32
      %mul3A_1006 = arith.muli %mul3A_1005, %scan3A_108 : i32
      %get3A_1007 = arith.index_cast %mul3A_1006 : i32 to index
      %get3A_1008 = arith.constant 640 : index
      %get3A_1009 = tpu.vector_load %arg9[%get3A_1007, %get3A_1008] {strides = array<i32>} : memref<32x768xf32, #tpu.memory_space<vmem>>, vector<1x16xf32>,
      %get3A_1010 = vector.shape_cast %get3A_1009 : vector<1x16xf32> to vector<16xf32>
      %mul3A_1011 = arith.mulf %get3A_115, %get3A_1010 : vector<16xf32>
      %mul3A_1012 = arith.constant 2 : i32
      %mul3A_1013 = arith.muli %mul3A_1012, %scan3A_108 : i32
      %add3A_1014 = arith.constant 1 : i32
      %add3A_1015 = arith.addi %mul3A_1013, %add3A_1014 : i32
      %get3A_1016 = arith.index_cast %add3A_1015 : i32 to index
      %get3A_1017 = arith.constant 640 : index
      %get3A_1018 = tpu.vector_load %arg9[%get3A_1016, %get3A_1017] {strides = array<i32>} : memref<32x768xf32, #tpu.memory_space<vmem>>, vector<1x16xf32>,
      %get3A_1019 = vector.shape_cast %get3A_1018 : vector<1x16xf32> to vector<16xf32>
      %mul3A_1020 = arith.mulf %get3A_125, %get3A_1019 : vector<16xf32>
      %add3A_1021 = arith.addf %mul3A_1011, %mul3A_1020 : vector<16xf32>
      %swap3A_1022 = arith.index_cast %scan3A_108 : i32 to index
      %swap3A_1023 = arith.constant 640 : index
      %swap3A_1024 = tpu.vector_load %arg11[%swap3A_1022, %swap3A_1023] {strides = array<i32>} : memref<16x768xf32, #tpu.memory_space<vmem>>, vector<1x16xf32>,
      %swap3A_1025 = vector.shape_cast %swap3A_1024 : vector<1x16xf32> to vector<16xf32>
      %swap3A_1026 = vector.shape_cast %add3A_1021 : vector<16xf32> to vector<1x16xf32>
      tpu.vector_store %arg11[%swap3A_1022, %swap3A_1023], %swap3A_1026 {strides = array<i32>} : memref<16x768xf32, #tpu.memory_space<vmem>>, vector<1x16xf32>,
      %mul3A_1027 = arith.constant 2 : i32
      %mul3A_1028 = arith.muli %mul3A_1027, %scan3A_108 : i32
      %get3A_1029 = arith.index_cast %mul3A_1028 : i32 to index
      %get3A_1030 = arith.constant 656 : index
      %get3A_1031 = tpu.vector_load %arg9[%get3A_1029, %get3A_1030] {strides = array<i32>} : memref<32x768xf32, #tpu.memory_space<vmem>>, vector<1x16xf32>,
      %get3A_1032 = vector.shape_cast %get3A_1031 : vector<1x16xf32> to vector<16xf32>
      %mul3A_1033 = arith.mulf %get3A_115, %get3A_1032 : vector<16xf32>
      %mul3A_1034 = arith.constant 2 : i32
      %mul3A_1035 = arith.muli %mul3A_1034, %scan3A_108 : i32
      %add3A_1036 = arith.constant 1 : i32
      %add3A_1037 = arith.addi %mul3A_1035, %add3A_1036 : i32
      %get3A_1038 = arith.index_cast %add3A_1037 : i32 to index
      %get3A_1039 = arith.constant 656 : index
      %get3A_1040 = tpu.vector_load %arg9[%get3A_1038, %get3A_1039] {strides = array<i32>} : memref<32x768xf32, #tpu.memory_space<vmem>>, vector<1x16xf32>,
      %get3A_1041 = vector.shape_cast %get3A_1040 : vector<1x16xf32> to vector<16xf32>
      %mul3A_1042 = arith.mulf %get3A_125, %get3A_1041 : vector<16xf32>
      %add3A_1043 = arith.addf %mul3A_1033, %mul3A_1042 : vector<16xf32>
      %swap3A_1044 = arith.index_cast %scan3A_108 : i32 to index
      %swap3A_1045 = arith.constant 656 : index
      %swap3A_1046 = tpu.vector_load %arg11[%swap3A_1044, %swap3A_1045] {strides = array<i32>} : memref<16x768xf32, #tpu.memory_space<vmem>>, vector<1x16xf32>,
      %swap3A_1047 = vector.shape_cast %swap3A_1046 : vector<1x16xf32> to vector<16xf32>
      %swap3A_1048 = vector.shape_cast %add3A_1043 : vector<16xf32> to vector<1x16xf32>
      tpu.vector_store %arg11[%swap3A_1044, %swap3A_1045], %swap3A_1048 {strides = array<i32>} : memref<16x768xf32, #tpu.memory_space<vmem>>, vector<1x16xf32>,
      %mul3A_1049 = arith.constant 2 : i32
      %mul3A_1050 = arith.muli %mul3A_1049, %scan3A_108 : i32
      %get3A_1051 = arith.index_cast %mul3A_1050 : i32 to index
      %get3A_1052 = arith.constant 672 : index
      %get3A_1053 = tpu.vector_load %arg9[%get3A_1051, %get3A_1052] {strides = array<i32>} : memref<32x768xf32, #tpu.memory_space<vmem>>, vector<1x16xf32>,
      %get3A_1054 = vector.shape_cast %get3A_1053 : vector<1x16xf32> to vector<16xf32>
      %mul3A_1055 = arith.mulf %get3A_115, %get3A_1054 : vector<16xf32>
      %mul3A_1056 = arith.constant 2 : i32
      %mul3A_1057 = arith.muli %mul3A_1056, %scan3A_108 : i32
      %add3A_1058 = arith.constant 1 : i32
      %add3A_1059 = arith.addi %mul3A_1057, %add3A_1058 : i32
      %get3A_1060 = arith.index_cast %add3A_1059 : i32 to index
      %get3A_1061 = arith.constant 672 : index
      %get3A_1062 = tpu.vector_load %arg9[%get3A_1060, %get3A_1061] {strides = array<i32>} : memref<32x768xf32, #tpu.memory_space<vmem>>, vector<1x16xf32>,
      %get3A_1063 = vector.shape_cast %get3A_1062 : vector<1x16xf32> to vector<16xf32>
      %mul3A_1064 = arith.mulf %get3A_125, %get3A_1063 : vector<16xf32>
      %add3A_1065 = arith.addf %mul3A_1055, %mul3A_1064 : vector<16xf32>
      %swap3A_1066 = arith.index_cast %scan3A_108 : i32 to index
      %swap3A_1067 = arith.constant 672 : index
      %swap3A_1068 = tpu.vector_load %arg11[%swap3A_1066, %swap3A_1067] {strides = array<i32>} : memref<16x768xf32, #tpu.memory_space<vmem>>, vector<1x16xf32>,
      %swap3A_1069 = vector.shape_cast %swap3A_1068 : vector<1x16xf32> to vector<16xf32>
      %swap3A_1070 = vector.shape_cast %add3A_1065 : vector<16xf32> to vector<1x16xf32>
      tpu.vector_store %arg11[%swap3A_1066, %swap3A_1067], %swap3A_1070 {strides = array<i32>} : memref<16x768xf32, #tpu.memory_space<vmem>>, vector<1x16xf32>,
      %mul3A_1071 = arith.constant 2 : i32
      %mul3A_1072 = arith.muli %mul3A_1071, %scan3A_108 : i32
      %get3A_1073 = arith.index_cast %mul3A_1072 : i32 to index
      %get3A_1074 = arith.constant 688 : index
      %get3A_1075 = tpu.vector_load %arg9[%get3A_1073, %get3A_1074] {strides = array<i32>} : memref<32x768xf32, #tpu.memory_space<vmem>>, vector<1x16xf32>,
      %get3A_1076 = vector.shape_cast %get3A_1075 : vector<1x16xf32> to vector<16xf32>
      %mul3A_1077 = arith.mulf %get3A_115, %get3A_1076 : vector<16xf32>
      %mul3A_1078 = arith.constant 2 : i32
      %mul3A_1079 = arith.muli %mul3A_1078, %scan3A_108 : i32
      %add3A_1080 = arith.constant 1 : i32
      %add3A_1081 = arith.addi %mul3A_1079, %add3A_1080 : i32
      %get3A_1082 = arith.index_cast %add3A_1081 : i32 to index
      %get3A_1083 = arith.constant 688 : index
      %get3A_1084 = tpu.vector_load %arg9[%get3A_1082, %get3A_1083] {strides = array<i32>} : memref<32x768xf32, #tpu.memory_space<vmem>>, vector<1x16xf32>,
      %get3A_1085 = vector.shape_cast %get3A_1084 : vector<1x16xf32> to vector<16xf32>
      %mul3A_1086 = arith.mulf %get3A_125, %get3A_1085 : vector<16xf32>
      %add3A_1087 = arith.addf %mul3A_1077, %mul3A_1086 : vector<16xf32>
      %swap3A_1088 = arith.index_cast %scan3A_108 : i32 to index
      %swap3A_1089 = arith.constant 688 : index
      %swap3A_1090 = tpu.vector_load %arg11[%swap3A_1088, %swap3A_1089] {strides = array<i32>} : memref<16x768xf32, #tpu.memory_space<vmem>>, vector<1x16xf32>,
      %swap3A_1091 = vector.shape_cast %swap3A_1090 : vector<1x16xf32> to vector<16xf32>
      %swap3A_1092 = vector.shape_cast %add3A_1087 : vector<16xf32> to vector<1x16xf32>
      tpu.vector_store %arg11[%swap3A_1088, %swap3A_1089], %swap3A_1092 {strides = array<i32>} : memref<16x768xf32, #tpu.memory_space<vmem>>, vector<1x16xf32>,
      %mul3A_1093 = arith.constant 2 : i32
      %mul3A_1094 = arith.muli %mul3A_1093, %scan3A_108 : i32
      %get3A_1095 = arith.index_cast %mul3A_1094 : i32 to index
      %get3A_1096 = arith.constant 704 : index
      %get3A_1097 = tpu.vector_load %arg9[%get3A_1095, %get3A_1096] {strides = array<i32>} : memref<32x768xf32, #tpu.memory_space<vmem>>, vector<1x16xf32>,
      %get3A_1098 = vector.shape_cast %get3A_1097 : vector<1x16xf32> to vector<16xf32>
      %mul3A_1099 = arith.mulf %get3A_115, %get3A_1098 : vector<16xf32>
      %mul3A_1100 = arith.constant 2 : i32
      %mul3A_1101 = arith.muli %mul3A_1100, %scan3A_108 : i32
      %add3A_1102 = arith.constant 1 : i32
      %add3A_1103 = arith.addi %mul3A_1101, %add3A_1102 : i32
      %get3A_1104 = arith.index_cast %add3A_1103 : i32 to index
      %get3A_1105 = arith.constant 704 : index
      %get3A_1106 = tpu.vector_load %arg9[%get3A_1104, %get3A_1105] {strides = array<i32>} : memref<32x768xf32, #tpu.memory_space<vmem>>, vector<1x16xf32>,
      %get3A_1107 = vector.shape_cast %get3A_1106 : vector<1x16xf32> to vector<16xf32>
      %mul3A_1108 = arith.mulf %get3A_125, %get3A_1107 : vector<16xf32>
      %add3A_1109 = arith.addf %mul3A_1099, %mul3A_1108 : vector<16xf32>
      %swap3A_1110 = arith.index_cast %scan3A_108 : i32 to index
      %swap3A_1111 = arith.constant 704 : index
      %swap3A_1112 = tpu.vector_load %arg11[%swap3A_1110, %swap3A_1111] {strides = array<i32>} : memref<16x768xf32, #tpu.memory_space<vmem>>, vector<1x16xf32>,
      %swap3A_1113 = vector.shape_cast %swap3A_1112 : vector<1x16xf32> to vector<16xf32>
      %swap3A_1114 = vector.shape_cast %add3A_1109 : vector<16xf32> to vector<1x16xf32>
      tpu.vector_store %arg11[%swap3A_1110, %swap3A_1111], %swap3A_1114 {strides = array<i32>} : memref<16x768xf32, #tpu.memory_space<vmem>>, vector<1x16xf32>,
      %mul3A_1115 = arith.constant 2 : i32
      %mul3A_1116 = arith.muli %mul3A_1115, %scan3A_108 : i32
      %get3A_1117 = arith.index_cast %mul3A_1116 : i32 to index
      %get3A_1118 = arith.constant 720 : index
      %get3A_1119 = tpu.vector_load %arg9[%get3A_1117, %get3A_1118] {strides = array<i32>} : memref<32x768xf32, #tpu.memory_space<vmem>>, vector<1x16xf32>,
      %get3A_1120 = vector.shape_cast %get3A_1119 : vector<1x16xf32> to vector<16xf32>
      %mul3A_1121 = arith.mulf %get3A_115, %get3A_1120 : vector<16xf32>
      %mul3A_1122 = arith.constant 2 : i32
      %mul3A_1123 = arith.muli %mul3A_1122, %scan3A_108 : i32
      %add3A_1124 = arith.constant 1 : i32
      %add3A_1125 = arith.addi %mul3A_1123, %add3A_1124 : i32
      %get3A_1126 = arith.index_cast %add3A_1125 : i32 to index
      %get3A_1127 = arith.constant 720 : index
      %get3A_1128 = tpu.vector_load %arg9[%get3A_1126, %get3A_1127] {strides = array<i32>} : memref<32x768xf32, #tpu.memory_space<vmem>>, vector<1x16xf32>,
      %get3A_1129 = vector.shape_cast %get3A_1128 : vector<1x16xf32> to vector<16xf32>
      %mul3A_1130 = arith.mulf %get3A_125, %get3A_1129 : vector<16xf32>
      %add3A_1131 = arith.addf %mul3A_1121, %mul3A_1130 : vector<16xf32>
      %swap3A_1132 = arith.index_cast %scan3A_108 : i32 to index
      %swap3A_1133 = arith.constant 720 : index
      %swap3A_1134 = tpu.vector_load %arg11[%swap3A_1132, %swap3A_1133] {strides = array<i32>} : memref<16x768xf32, #tpu.memory_space<vmem>>, vector<1x16xf32>,
      %swap3A_1135 = vector.shape_cast %swap3A_1134 : vector<1x16xf32> to vector<16xf32>
      %swap3A_1136 = vector.shape_cast %add3A_1131 : vector<16xf32> to vector<1x16xf32>
      tpu.vector_store %arg11[%swap3A_1132, %swap3A_1133], %swap3A_1136 {strides = array<i32>} : memref<16x768xf32, #tpu.memory_space<vmem>>, vector<1x16xf32>,
      %mul3A_1137 = arith.constant 2 : i32
      %mul3A_1138 = arith.muli %mul3A_1137, %scan3A_108 : i32
      %get3A_1139 = arith.index_cast %mul3A_1138 : i32 to index
      %get3A_1140 = arith.constant 736 : index
      %get3A_1141 = tpu.vector_load %arg9[%get3A_1139, %get3A_1140] {strides = array<i32>} : memref<32x768xf32, #tpu.memory_space<vmem>>, vector<1x16xf32>,
      %get3A_1142 = vector.shape_cast %get3A_1141 : vector<1x16xf32> to vector<16xf32>
      %mul3A_1143 = arith.mulf %get3A_115, %get3A_1142 : vector<16xf32>
      %mul3A_1144 = arith.constant 2 : i32
      %mul3A_1145 = arith.muli %mul3A_1144, %scan3A_108 : i32
      %add3A_1146 = arith.constant 1 : i32
      %add3A_1147 = arith.addi %mul3A_1145, %add3A_1146 : i32
      %get3A_1148 = arith.index_cast %add3A_1147 : i32 to index
      %get3A_1149 = arith.constant 736 : index
      %get3A_1150 = tpu.vector_load %arg9[%get3A_1148, %get3A_1149] {strides = array<i32>} : memref<32x768xf32, #tpu.memory_space<vmem>>, vector<1x16xf32>,
      %get3A_1151 = vector.shape_cast %get3A_1150 : vector<1x16xf32> to vector<16xf32>
      %mul3A_1152 = arith.mulf %get3A_125, %get3A_1151 : vector<16xf32>
      %add3A_1153 = arith.addf %mul3A_1143, %mul3A_1152 : vector<16xf32>
      %swap3A_1154 = arith.index_cast %scan3A_108 : i32 to index
      %swap3A_1155 = arith.constant 736 : index
      %swap3A_1156 = tpu.vector_load %arg11[%swap3A_1154, %swap3A_1155] {strides = array<i32>} : memref<16x768xf32, #tpu.memory_space<vmem>>, vector<1x16xf32>,
      %swap3A_1157 = vector.shape_cast %swap3A_1156 : vector<1x16xf32> to vector<16xf32>
      %swap3A_1158 = vector.shape_cast %add3A_1153 : vector<16xf32> to vector<1x16xf32>
      tpu.vector_store %arg11[%swap3A_1154, %swap3A_1155], %swap3A_1158 {strides = array<i32>} : memref<16x768xf32, #tpu.memory_space<vmem>>, vector<1x16xf32>,
      %mul3A_1159 = arith.constant 2 : i32
      %mul3A_1160 = arith.muli %mul3A_1159, %scan3A_108 : i32
      %get3A_1161 = arith.index_cast %mul3A_1160 : i32 to index
      %get3A_1162 = arith.constant 752 : index
      %get3A_1163 = tpu.vector_load %arg9[%get3A_1161, %get3A_1162] {strides = array<i32>} : memref<32x768xf32, #tpu.memory_space<vmem>>, vector<1x16xf32>,
      %get3A_1164 = vector.shape_cast %get3A_1163 : vector<1x16xf32> to vector<16xf32>
      %mul3A_1165 = arith.mulf %get3A_115, %get3A_1164 : vector<16xf32>
      %mul3A_1166 = arith.constant 2 : i32
      %mul3A_1167 = arith.muli %mul3A_1166, %scan3A_108 : i32
      %add3A_1168 = arith.constant 1 : i32
      %add3A_1169 = arith.addi %mul3A_1167, %add3A_1168 : i32
      %get3A_1170 = arith.index_cast %add3A_1169 : i32 to index
      %get3A_1171 = arith.constant 752 : index
      %get3A_1172 = tpu.vector_load %arg9[%get3A_1170, %get3A_1171] {strides = array<i32>} : memref<32x768xf32, #tpu.memory_space<vmem>>, vector<1x16xf32>,
      %get3A_1173 = vector.shape_cast %get3A_1172 : vector<1x16xf32> to vector<16xf32>
      %mul3A_1174 = arith.mulf %get3A_125, %get3A_1173 : vector<16xf32>
      %add3A_1175 = arith.addf %mul3A_1165, %mul3A_1174 : vector<16xf32>
      %swap3A_1176 = arith.index_cast %scan3A_108 : i32 to index
      %swap3A_1177 = arith.constant 752 : index
      %swap3A_1178 = tpu.vector_load %arg11[%swap3A_1176, %swap3A_1177] {strides = array<i32>} : memref<16x768xf32, #tpu.memory_space<vmem>>, vector<1x16xf32>,
      %swap3A_1179 = vector.shape_cast %swap3A_1178 : vector<1x16xf32> to vector<16xf32>
      %swap3A_1180 = vector.shape_cast %add3A_1175 : vector<16xf32> to vector<1x16xf32>
      tpu.vector_store %arg11[%swap3A_1176, %swap3A_1177], %swap3A_1180 {strides = array<i32>} : memref<16x768xf32, #tpu.memory_space<vmem>>, vector<1x16xf32>,
    }
    %scan3A_46 = arith.constant 16 : i32
    %add3A_47 = arith.constant 16 : i32
    %add3A_48 = arith.addi %mul3A_2, %add3A_47 : i32
    %dma_start3A_49 = arith.constant 0 : i32
    %dma_start3A_50 = tpu.memref_slice %arg5[%add3A_48, %dma_start3A_49] : memref<2048x768xf32, #tpu.memory_space<hbm>> -> memref<16x768xf32, #tpu.memory_space<hbm>>
    %dma_start3A_51 = arith.constant 0 : i32
    %dma_start3A_52 = tpu.memref_slice %arg5[%add3A_48, %dma_start3A_51] : memref<2048x768xf32, #tpu.memory_space<hbm>> -> memref<16x768xf32, #tpu.memory_space<hbm>>
    tpu.enqueue_dma source(%arg11 : memref<16x768xf32, #tpu.memory_space<vmem>>) target(%dma_start3A_52 : memref<16x768xf32, #tpu.memory_space<hbm>>) target_semaphore(%arg15 : memref<!tpu.dma_semaphore, #tpu.memory_space<semaphore_mem>>)
    %dma_start3A_53 = arith.constant 96 : i32
    %dma_start3A_54 = tpu.memref_slice %arg6[%dma_start3A_53] : memref<128xi32, #tpu.memory_space<vmem>> -> memref<32xi32, #tpu.memory_space<vmem>>
    %dma_start3A_55 = arith.constant 0 : i32
    %dma_start3A_56 = arith.constant 0 : i32
    %dma_start3A_57 = tpu.memref_slice %arg2[%dma_start3A_55, %dma_start3A_56] : memref<6144x768xf32, #tpu.memory_space<hbm>> -> memref<6144x768xf32, #tpu.memory_space<hbm>>
    tpu.enqueue_indirect_dma source(%dma_start3A_57 : memref<6144x768xf32, #tpu.memory_space<hbm>>) target(%arg9 : memref<32x768xf32, #tpu.memory_space<vmem>>) offsets(%dma_start3A_54 : memref<32xi32, #tpu.memory_space<vmem>>) semaphore(%arg13 : memref<!tpu.dma_semaphore, #tpu.memory_space<semaphore_mem>>)
    %dma_wait3A_58 = arith.constant 64 : i32
    %dma_wait3A_59 = tpu.memref_slice %arg6[%dma_wait3A_58] : memref<128xi32, #tpu.memory_space<vmem>> -> memref<32xi32, #tpu.memory_space<vmem>>
    %dma_wait3A_60 = arith.constant 0 : i32
    %dma_wait3A_61 = arith.constant 0 : i32
    %dma_wait3A_62 = tpu.memref_slice %arg2[%dma_wait3A_60, %dma_wait3A_61] : memref<6144x768xf32, #tpu.memory_space<hbm>> -> memref<6144x768xf32, #tpu.memory_space<hbm>>
    tpu.wait_indirect_dma semaphore(%arg12 : memref<!tpu.dma_semaphore, #tpu.memory_space<semaphore_mem>>) src(%dma_wait3A_62 : memref<6144x768xf32, #tpu.memory_space<hbm>>) dst(%arg8 : memref<32x768xf32, #tpu.memory_space<vmem>>)
    %dma_wait3A_63 = arith.constant 0 : i32
    %dma_wait3A_64 = tpu.memref_slice %arg5[%add3A_26, %dma_wait3A_63] : memref<2048x768xf32, #tpu.memory_space<hbm>> -> memref<16x768xf32, #tpu.memory_space<hbm>>
    %dma_wait3A_65 = arith.constant 0 : i32
    %dma_wait3A_66 = tpu.memref_slice %arg5[%add3A_26, %dma_wait3A_65] : memref<2048x768xf32, #tpu.memory_space<hbm>> -> memref<16x768xf32, #tpu.memory_space<hbm>>
    tpu.wait_dma2 semaphore(%arg14 : memref<!tpu.dma_semaphore, #tpu.memory_space<semaphore_mem>>) src(%arg10 : memref<16x768xf32, #tpu.memory_space<vmem>>) dst(%dma_wait3A_66 : memref<16x768xf32, #tpu.memory_space<hbm>>)
    %scan3A_67 = arith.constant 0 : i32
    %scan3A_68 = arith.constant 0 : i32
    %scan3A_69 = arith.constant 16 : i32
    %scan3A_70 = arith.addi %scan3A_68, %scan3A_69 : i32
    %scan3A_71 = arith.constant 1 : i32
    scf.for %scan3A_108 = %scan3A_68 to %scan3A_70 step %scan3A_71  : i32 {
      %mul3A_109 = arith.constant 2 : i32
      %mul3A_110 = arith.muli %mul3A_109, %scan3A_108 : i32
      %add3A_111 = arith.constant 64 : i32
      %add3A_112 = arith.addi %add3A_111, %mul3A_110 : i32
      %get3A = arith.index_cast %add3A_112 : i32 to index
      %get3A_113 = arith.constant 0 : index
      %get3A_114 = tpu.vector_load %arg7[%get3A, %get3A_113] {strides = array<i32>} : memref<128x16xf32, #tpu.memory_space<vmem>>, vector<1x16xf32>,
      %get3A_115 = vector.shape_cast %get3A_114 : vector<1x16xf32> to vector<16xf32>
      %mul3A_116 = arith.constant 2 : i32
      %mul3A_117 = arith.muli %mul3A_116, %scan3A_108 : i32
      %add3A_118 = arith.constant 64 : i32
      %add3A_119 = arith.addi %add3A_118, %mul3A_117 : i32
      %add3A_120 = arith.constant 1 : i32
      %add3A_121 = arith.addi %add3A_119, %add3A_120 : i32
      %get3A_122 = arith.index_cast %add3A_121 : i32 to index
      %get3A_123 = arith.constant 0 : index
      %get3A_124 = tpu.vector_load %arg7[%get3A_122, %get3A_123] {strides = array<i32>} : memref<128x16xf32, #tpu.memory_space<vmem>>, vector<1x16xf32>,
      %get3A_125 = vector.shape_cast %get3A_124 : vector<1x16xf32> to vector<16xf32>
      %mul3A_126 = arith.constant 2 : i32
      %mul3A_127 = arith.muli %mul3A_126, %scan3A_108 : i32
      %get3A_128 = arith.index_cast %mul3A_127 : i32 to index
      %get3A_129 = arith.constant 0 : index
      %get3A_130 = tpu.vector_load %arg8[%get3A_128, %get3A_129] {strides = array<i32>} : memref<32x768xf32, #tpu.memory_space<vmem>>, vector<1x16xf32>,
      %get3A_131 = vector.shape_cast %get3A_130 : vector<1x16xf32> to vector<16xf32>
      %mul3A_132 = arith.mulf %get3A_115, %get3A_131 : vector<16xf32>
      %mul3A_133 = arith.constant 2 : i32
      %mul3A_134 = arith.muli %mul3A_133, %scan3A_108 : i32
      %add3A_135 = arith.constant 1 : i32
      %add3A_136 = arith.addi %mul3A_134, %add3A_135 : i32
      %get3A_137 = arith.index_cast %add3A_136 : i32 to index
      %get3A_138 = arith.constant 0 : index
      %get3A_139 = tpu.vector_load %arg8[%get3A_137, %get3A_138] {strides = array<i32>} : memref<32x768xf32, #tpu.memory_space<vmem>>, vector<1x16xf32>,
      %get3A_140 = vector.shape_cast %get3A_139 : vector<1x16xf32> to vector<16xf32>
      %mul3A_141 = arith.mulf %get3A_125, %get3A_140 : vector<16xf32>
      %add3A_142 = arith.addf %mul3A_132, %mul3A_141 : vector<16xf32>
      %swap3A = arith.index_cast %scan3A_108 : i32 to index
      %swap3A_143 = arith.constant 0 : index
      %swap3A_144 = tpu.vector_load %arg10[%swap3A, %swap3A_143] {strides = array<i32>} : memref<16x768xf32, #tpu.memory_space<vmem>>, vector<1x16xf32>,
      %swap3A_145 = vector.shape_cast %swap3A_144 : vector<1x16xf32> to vector<16xf32>
      %swap3A_146 = vector.shape_cast %add3A_142 : vector<16xf32> to vector<1x16xf32>
      tpu.vector_store %arg10[%swap3A, %swap3A_143], %swap3A_146 {strides = array<i32>} : memref<16x768xf32, #tpu.memory_space<vmem>>, vector<1x16xf32>,
      %mul3A_147 = arith.constant 2 : i32
      %mul3A_148 = arith.muli %mul3A_147, %scan3A_108 : i32
      %get3A_149 = arith.index_cast %mul3A_148 : i32 to index
      %get3A_150 = arith.constant 16 : index
      %get3A_151 = tpu.vector_load %arg8[%get3A_149, %get3A_150] {strides = array<i32>} : memref<32x768xf32, #tpu.memory_space<vmem>>, vector<1x16xf32>,
      %get3A_152 = vector.shape_cast %get3A_151 : vector<1x16xf32> to vector<16xf32>
      %mul3A_153 = arith.mulf %get3A_115, %get3A_152 : vector<16xf32>
      %mul3A_154 = arith.constant 2 : i32
      %mul3A_155 = arith.muli %mul3A_154, %scan3A_108 : i32
      %add3A_156 = arith.constant 1 : i32
      %add3A_157 = arith.addi %mul3A_155, %add3A_156 : i32
      %get3A_158 = arith.index_cast %add3A_157 : i32 to index
      %get3A_159 = arith.constant 16 : index
      %get3A_160 = tpu.vector_load %arg8[%get3A_158, %get3A_159] {strides = array<i32>} : memref<32x768xf32, #tpu.memory_space<vmem>>, vector<1x16xf32>,
      %get3A_161 = vector.shape_cast %get3A_160 : vector<1x16xf32> to vector<16xf32>
      %mul3A_162 = arith.mulf %get3A_125, %get3A_161 : vector<16xf32>
      %add3A_163 = arith.addf %mul3A_153, %mul3A_162 : vector<16xf32>
      %swap3A_164 = arith.index_cast %scan3A_108 : i32 to index
      %swap3A_165 = arith.constant 16 : index
      %swap3A_166 = tpu.vector_load %arg10[%swap3A_164, %swap3A_165] {strides = array<i32>} : memref<16x768xf32, #tpu.memory_space<vmem>>, vector<1x16xf32>,
      %swap3A_167 = vector.shape_cast %swap3A_166 : vector<1x16xf32> to vector<16xf32>
      %swap3A_168 = vector.shape_cast %add3A_163 : vector<16xf32> to vector<1x16xf32>
      tpu.vector_store %arg10[%swap3A_164, %swap3A_165], %swap3A_168 {strides = array<i32>} : memref<16x768xf32, #tpu.memory_space<vmem>>, vector<1x16xf32>,
      %mul3A_169 = arith.constant 2 : i32
      %mul3A_170 = arith.muli %mul3A_169, %scan3A_108 : i32
      %get3A_171 = arith.index_cast %mul3A_170 : i32 to index
      %get3A_172 = arith.constant 32 : index
      %get3A_173 = tpu.vector_load %arg8[%get3A_171, %get3A_172] {strides = array<i32>} : memref<32x768xf32, #tpu.memory_space<vmem>>, vector<1x16xf32>,
      %get3A_174 = vector.shape_cast %get3A_173 : vector<1x16xf32> to vector<16xf32>
      %mul3A_175 = arith.mulf %get3A_115, %get3A_174 : vector<16xf32>
      %mul3A_176 = arith.constant 2 : i32
      %mul3A_177 = arith.muli %mul3A_176, %scan3A_108 : i32
      %add3A_178 = arith.constant 1 : i32
      %add3A_179 = arith.addi %mul3A_177, %add3A_178 : i32
      %get3A_180 = arith.index_cast %add3A_179 : i32 to index
      %get3A_181 = arith.constant 32 : index
      %get3A_182 = tpu.vector_load %arg8[%get3A_180, %get3A_181] {strides = array<i32>} : memref<32x768xf32, #tpu.memory_space<vmem>>, vector<1x16xf32>,
      %get3A_183 = vector.shape_cast %get3A_182 : vector<1x16xf32> to vector<16xf32>
      %mul3A_184 = arith.mulf %get3A_125, %get3A_183 : vector<16xf32>
      %add3A_185 = arith.addf %mul3A_175, %mul3A_184 : vector<16xf32>
      %swap3A_186 = arith.index_cast %scan3A_108 : i32 to index
      %swap3A_187 = arith.constant 32 : index
      %swap3A_188 = tpu.vector_load %arg10[%swap3A_186, %swap3A_187] {strides = array<i32>} : memref<16x768xf32, #tpu.memory_space<vmem>>, vector<1x16xf32>,
      %swap3A_189 = vector.shape_cast %swap3A_188 : vector<1x16xf32> to vector<16xf32>
      %swap3A_190 = vector.shape_cast %add3A_185 : vector<16xf32> to vector<1x16xf32>
      tpu.vector_store %arg10[%swap3A_186, %swap3A_187], %swap3A_190 {strides = array<i32>} : memref<16x768xf32, #tpu.memory_space<vmem>>, vector<1x16xf32>,
      %mul3A_191 = arith.constant 2 : i32
      %mul3A_192 = arith.muli %mul3A_191, %scan3A_108 : i32
      %get3A_193 = arith.index_cast %mul3A_192 : i32 to index
      %get3A_194 = arith.constant 48 : index
      %get3A_195 = tpu.vector_load %arg8[%get3A_193, %get3A_194] {strides = array<i32>} : memref<32x768xf32, #tpu.memory_space<vmem>>, vector<1x16xf32>,
      %get3A_196 = vector.shape_cast %get3A_195 : vector<1x16xf32> to vector<16xf32>
      %mul3A_197 = arith.mulf %get3A_115, %get3A_196 : vector<16xf32>
      %mul3A_198 = arith.constant 2 : i32
      %mul3A_199 = arith.muli %mul3A_198, %scan3A_108 : i32
      %add3A_200 = arith.constant 1 : i32
      %add3A_201 = arith.addi %mul3A_199, %add3A_200 : i32
      %get3A_202 = arith.index_cast %add3A_201 : i32 to index
      %get3A_203 = arith.constant 48 : index
      %get3A_204 = tpu.vector_load %arg8[%get3A_202, %get3A_203] {strides = array<i32>} : memref<32x768xf32, #tpu.memory_space<vmem>>, vector<1x16xf32>,
      %get3A_205 = vector.shape_cast %get3A_204 : vector<1x16xf32> to vector<16xf32>
      %mul3A_206 = arith.mulf %get3A_125, %get3A_205 : vector<16xf32>
      %add3A_207 = arith.addf %mul3A_197, %mul3A_206 : vector<16xf32>
      %swap3A_208 = arith.index_cast %scan3A_108 : i32 to index
      %swap3A_209 = arith.constant 48 : index
      %swap3A_210 = tpu.vector_load %arg10[%swap3A_208, %swap3A_209] {strides = array<i32>} : memref<16x768xf32, #tpu.memory_space<vmem>>, vector<1x16xf32>,
      %swap3A_211 = vector.shape_cast %swap3A_210 : vector<1x16xf32> to vector<16xf32>
      %swap3A_212 = vector.shape_cast %add3A_207 : vector<16xf32> to vector<1x16xf32>
      tpu.vector_store %arg10[%swap3A_208, %swap3A_209], %swap3A_212 {strides = array<i32>} : memref<16x768xf32, #tpu.memory_space<vmem>>, vector<1x16xf32>,
      %mul3A_213 = arith.constant 2 : i32
      %mul3A_214 = arith.muli %mul3A_213, %scan3A_108 : i32
      %get3A_215 = arith.index_cast %mul3A_214 : i32 to index
      %get3A_216 = arith.constant 64 : index
      %get3A_217 = tpu.vector_load %arg8[%get3A_215, %get3A_216] {strides = array<i32>} : memref<32x768xf32, #tpu.memory_space<vmem>>, vector<1x16xf32>,
      %get3A_218 = vector.shape_cast %get3A_217 : vector<1x16xf32> to vector<16xf32>
      %mul3A_219 = arith.mulf %get3A_115, %get3A_218 : vector<16xf32>
      %mul3A_220 = arith.constant 2 : i32
      %mul3A_221 = arith.muli %mul3A_220, %scan3A_108 : i32
      %add3A_222 = arith.constant 1 : i32
      %add3A_223 = arith.addi %mul3A_221, %add3A_222 : i32
      %get3A_224 = arith.index_cast %add3A_223 : i32 to index
      %get3A_225 = arith.constant 64 : index
      %get3A_226 = tpu.vector_load %arg8[%get3A_224, %get3A_225] {strides = array<i32>} : memref<32x768xf32, #tpu.memory_space<vmem>>, vector<1x16xf32>,
      %get3A_227 = vector.shape_cast %get3A_226 : vector<1x16xf32> to vector<16xf32>
      %mul3A_228 = arith.mulf %get3A_125, %get3A_227 : vector<16xf32>
      %add3A_229 = arith.addf %mul3A_219, %mul3A_228 : vector<16xf32>
      %swap3A_230 = arith.index_cast %scan3A_108 : i32 to index
      %swap3A_231 = arith.constant 64 : index
      %swap3A_232 = tpu.vector_load %arg10[%swap3A_230, %swap3A_231] {strides = array<i32>} : memref<16x768xf32, #tpu.memory_space<vmem>>, vector<1x16xf32>,
      %swap3A_233 = vector.shape_cast %swap3A_232 : vector<1x16xf32> to vector<16xf32>
      %swap3A_234 = vector.shape_cast %add3A_229 : vector<16xf32> to vector<1x16xf32>
      tpu.vector_store %arg10[%swap3A_230, %swap3A_231], %swap3A_234 {strides = array<i32>} : memref<16x768xf32, #tpu.memory_space<vmem>>, vector<1x16xf32>,
      %mul3A_235 = arith.constant 2 : i32
      %mul3A_236 = arith.muli %mul3A_235, %scan3A_108 : i32
      %get3A_237 = arith.index_cast %mul3A_236 : i32 to index
      %get3A_238 = arith.constant 80 : index
      %get3A_239 = tpu.vector_load %arg8[%get3A_237, %get3A_238] {strides = array<i32>} : memref<32x768xf32, #tpu.memory_space<vmem>>, vector<1x16xf32>,
      %get3A_240 = vector.shape_cast %get3A_239 : vector<1x16xf32> to vector<16xf32>
      %mul3A_241 = arith.mulf %get3A_115, %get3A_240 : vector<16xf32>
      %mul3A_242 = arith.constant 2 : i32
      %mul3A_243 = arith.muli %mul3A_242, %scan3A_108 : i32
      %add3A_244 = arith.constant 1 : i32
      %add3A_245 = arith.addi %mul3A_243, %add3A_244 : i32
      %get3A_246 = arith.index_cast %add3A_245 : i32 to index
      %get3A_247 = arith.constant 80 : index
      %get3A_248 = tpu.vector_load %arg8[%get3A_246, %get3A_247] {strides = array<i32>} : memref<32x768xf32, #tpu.memory_space<vmem>>, vector<1x16xf32>,
      %get3A_249 = vector.shape_cast %get3A_248 : vector<1x16xf32> to vector<16xf32>
      %mul3A_250 = arith.mulf %get3A_125, %get3A_249 : vector<16xf32>
      %add3A_251 = arith.addf %mul3A_241, %mul3A_250 : vector<16xf32>
      %swap3A_252 = arith.index_cast %scan3A_108 : i32 to index
      %swap3A_253 = arith.constant 80 : index
      %swap3A_254 = tpu.vector_load %arg10[%swap3A_252, %swap3A_253] {strides = array<i32>} : memref<16x768xf32, #tpu.memory_space<vmem>>, vector<1x16xf32>,
      %swap3A_255 = vector.shape_cast %swap3A_254 : vector<1x16xf32> to vector<16xf32>
      %swap3A_256 = vector.shape_cast %add3A_251 : vector<16xf32> to vector<1x16xf32>
      tpu.vector_store %arg10[%swap3A_252, %swap3A_253], %swap3A_256 {strides = array<i32>} : memref<16x768xf32, #tpu.memory_space<vmem>>, vector<1x16xf32>,
      %mul3A_257 = arith.constant 2 : i32
      %mul3A_258 = arith.muli %mul3A_257, %scan3A_108 : i32
      %get3A_259 = arith.index_cast %mul3A_258 : i32 to index
      %get3A_260 = arith.constant 96 : index
      %get3A_261 = tpu.vector_load %arg8[%get3A_259, %get3A_260] {strides = array<i32>} : memref<32x768xf32, #tpu.memory_space<vmem>>, vector<1x16xf32>,
      %get3A_262 = vector.shape_cast %get3A_261 : vector<1x16xf32> to vector<16xf32>
      %mul3A_263 = arith.mulf %get3A_115, %get3A_262 : vector<16xf32>
      %mul3A_264 = arith.constant 2 : i32
      %mul3A_265 = arith.muli %mul3A_264, %scan3A_108 : i32
      %add3A_266 = arith.constant 1 : i32
      %add3A_267 = arith.addi %mul3A_265, %add3A_266 : i32
      %get3A_268 = arith.index_cast %add3A_267 : i32 to index
      %get3A_269 = arith.constant 96 : index
      %get3A_270 = tpu.vector_load %arg8[%get3A_268, %get3A_269] {strides = array<i32>} : memref<32x768xf32, #tpu.memory_space<vmem>>, vector<1x16xf32>,
      %get3A_271 = vector.shape_cast %get3A_270 : vector<1x16xf32> to vector<16xf32>
      %mul3A_272 = arith.mulf %get3A_125, %get3A_271 : vector<16xf32>
      %add3A_273 = arith.addf %mul3A_263, %mul3A_272 : vector<16xf32>
      %swap3A_274 = arith.index_cast %scan3A_108 : i32 to index
      %swap3A_275 = arith.constant 96 : index
      %swap3A_276 = tpu.vector_load %arg10[%swap3A_274, %swap3A_275] {strides = array<i32>} : memref<16x768xf32, #tpu.memory_space<vmem>>, vector<1x16xf32>,
      %swap3A_277 = vector.shape_cast %swap3A_276 : vector<1x16xf32> to vector<16xf32>
      %swap3A_278 = vector.shape_cast %add3A_273 : vector<16xf32> to vector<1x16xf32>
      tpu.vector_store %arg10[%swap3A_274, %swap3A_275], %swap3A_278 {strides = array<i32>} : memref<16x768xf32, #tpu.memory_space<vmem>>, vector<1x16xf32>,
      %mul3A_279 = arith.constant 2 : i32
      %mul3A_280 = arith.muli %mul3A_279, %scan3A_108 : i32
      %get3A_281 = arith.index_cast %mul3A_280 : i32 to index
      %get3A_282 = arith.constant 112 : index
      %get3A_283 = tpu.vector_load %arg8[%get3A_281, %get3A_282] {strides = array<i32>} : memref<32x768xf32, #tpu.memory_space<vmem>>, vector<1x16xf32>,
      %get3A_284 = vector.shape_cast %get3A_283 : vector<1x16xf32> to vector<16xf32>
      %mul3A_285 = arith.mulf %get3A_115, %get3A_284 : vector<16xf32>
      %mul3A_286 = arith.constant 2 : i32
      %mul3A_287 = arith.muli %mul3A_286, %scan3A_108 : i32
      %add3A_288 = arith.constant 1 : i32
      %add3A_289 = arith.addi %mul3A_287, %add3A_288 : i32
      %get3A_290 = arith.index_cast %add3A_289 : i32 to index
      %get3A_291 = arith.constant 112 : index
      %get3A_292 = tpu.vector_load %arg8[%get3A_290, %get3A_291] {strides = array<i32>} : memref<32x768xf32, #tpu.memory_space<vmem>>, vector<1x16xf32>,
      %get3A_293 = vector.shape_cast %get3A_292 : vector<1x16xf32> to vector<16xf32>
      %mul3A_294 = arith.mulf %get3A_125, %get3A_293 : vector<16xf32>
      %add3A_295 = arith.addf %mul3A_285, %mul3A_294 : vector<16xf32>
      %swap3A_296 = arith.index_cast %scan3A_108 : i32 to index
      %swap3A_297 = arith.constant 112 : index
      %swap3A_298 = tpu.vector_load %arg10[%swap3A_296, %swap3A_297] {strides = array<i32>} : memref<16x768xf32, #tpu.memory_space<vmem>>, vector<1x16xf32>,
      %swap3A_299 = vector.shape_cast %swap3A_298 : vector<1x16xf32> to vector<16xf32>
      %swap3A_300 = vector.shape_cast %add3A_295 : vector<16xf32> to vector<1x16xf32>
      tpu.vector_store %arg10[%swap3A_296, %swap3A_297], %swap3A_300 {strides = array<i32>} : memref<16x768xf32, #tpu.memory_space<vmem>>, vector<1x16xf32>,
      %mul3A_301 = arith.constant 2 : i32
      %mul3A_302 = arith.muli %mul3A_301, %scan3A_108 : i32
      %get3A_303 = arith.index_cast %mul3A_302 : i32 to index
      %get3A_304 = arith.constant 128 : index
      %get3A_305 = tpu.vector_load %arg8[%get3A_303, %get3A_304] {strides = array<i32>} : memref<32x768xf32, #tpu.memory_space<vmem>>, vector<1x16xf32>,
      %get3A_306 = vector.shape_cast %get3A_305 : vector<1x16xf32> to vector<16xf32>
      %mul3A_307 = arith.mulf %get3A_115, %get3A_306 : vector<16xf32>
      %mul3A_308 = arith.constant 2 : i32
      %mul3A_309 = arith.muli %mul3A_308, %scan3A_108 : i32
      %add3A_310 = arith.constant 1 : i32
      %add3A_311 = arith.addi %mul3A_309, %add3A_310 : i32
      %get3A_312 = arith.index_cast %add3A_311 : i32 to index
      %get3A_313 = arith.constant 128 : index
      %get3A_314 = tpu.vector_load %arg8[%get3A_312, %get3A_313] {strides = array<i32>} : memref<32x768xf32, #tpu.memory_space<vmem>>, vector<1x16xf32>,
      %get3A_315 = vector.shape_cast %get3A_314 : vector<1x16xf32> to vector<16xf32>
      %mul3A_316 = arith.mulf %get3A_125, %get3A_315 : vector<16xf32>
      %add3A_317 = arith.addf %mul3A_307, %mul3A_316 : vector<16xf32>
      %swap3A_318 = arith.index_cast %scan3A_108 : i32 to index
      %swap3A_319 = arith.constant 128 : index
      %swap3A_320 = tpu.vector_load %arg10[%swap3A_318, %swap3A_319] {strides = array<i32>} : memref<16x768xf32, #tpu.memory_space<vmem>>, vector<1x16xf32>,
      %swap3A_321 = vector.shape_cast %swap3A_320 : vector<1x16xf32> to vector<16xf32>
      %swap3A_322 = vector.shape_cast %add3A_317 : vector<16xf32> to vector<1x16xf32>
      tpu.vector_store %arg10[%swap3A_318, %swap3A_319], %swap3A_322 {strides = array<i32>} : memref<16x768xf32, #tpu.memory_space<vmem>>, vector<1x16xf32>,
      %mul3A_323 = arith.constant 2 : i32
      %mul3A_324 = arith.muli %mul3A_323, %scan3A_108 : i32
      %get3A_325 = arith.index_cast %mul3A_324 : i32 to index
      %get3A_326 = arith.constant 144 : index
      %get3A_327 = tpu.vector_load %arg8[%get3A_325, %get3A_326] {strides = array<i32>} : memref<32x768xf32, #tpu.memory_space<vmem>>, vector<1x16xf32>,
      %get3A_328 = vector.shape_cast %get3A_327 : vector<1x16xf32> to vector<16xf32>
      %mul3A_329 = arith.mulf %get3A_115, %get3A_328 : vector<16xf32>
      %mul3A_330 = arith.constant 2 : i32
      %mul3A_331 = arith.muli %mul3A_330, %scan3A_108 : i32
      %add3A_332 = arith.constant 1 : i32
      %add3A_333 = arith.addi %mul3A_331, %add3A_332 : i32
      %get3A_334 = arith.index_cast %add3A_333 : i32 to index
      %get3A_335 = arith.constant 144 : index
      %get3A_336 = tpu.vector_load %arg8[%get3A_334, %get3A_335] {strides = array<i32>} : memref<32x768xf32, #tpu.memory_space<vmem>>, vector<1x16xf32>,
      %get3A_337 = vector.shape_cast %get3A_336 : vector<1x16xf32> to vector<16xf32>
      %mul3A_338 = arith.mulf %get3A_125, %get3A_337 : vector<16xf32>
      %add3A_339 = arith.addf %mul3A_329, %mul3A_338 : vector<16xf32>
      %swap3A_340 = arith.index_cast %scan3A_108 : i32 to index
      %swap3A_341 = arith.constant 144 : index
      %swap3A_342 = tpu.vector_load %arg10[%swap3A_340, %swap3A_341] {strides = array<i32>} : memref<16x768xf32, #tpu.memory_space<vmem>>, vector<1x16xf32>,
      %swap3A_343 = vector.shape_cast %swap3A_342 : vector<1x16xf32> to vector<16xf32>
      %swap3A_344 = vector.shape_cast %add3A_339 : vector<16xf32> to vector<1x16xf32>
      tpu.vector_store %arg10[%swap3A_340, %swap3A_341], %swap3A_344 {strides = array<i32>} : memref<16x768xf32, #tpu.memory_space<vmem>>, vector<1x16xf32>,
      %mul3A_345 = arith.constant 2 : i32
      %mul3A_346 = arith.muli %mul3A_345, %scan3A_108 : i32
      %get3A_347 = arith.index_cast %mul3A_346 : i32 to index
      %get3A_348 = arith.constant 160 : index
      %get3A_349 = tpu.vector_load %arg8[%get3A_347, %get3A_348] {strides = array<i32>} : memref<32x768xf32, #tpu.memory_space<vmem>>, vector<1x16xf32>,
      %get3A_350 = vector.shape_cast %get3A_349 : vector<1x16xf32> to vector<16xf32>
      %mul3A_351 = arith.mulf %get3A_115, %get3A_350 : vector<16xf32>
      %mul3A_352 = arith.constant 2 : i32
      %mul3A_353 = arith.muli %mul3A_352, %scan3A_108 : i32
      %add3A_354 = arith.constant 1 : i32
      %add3A_355 = arith.addi %mul3A_353, %add3A_354 : i32
      %get3A_356 = arith.index_cast %add3A_355 : i32 to index
      %get3A_357 = arith.constant 160 : index
      %get3A_358 = tpu.vector_load %arg8[%get3A_356, %get3A_357] {strides = array<i32>} : memref<32x768xf32, #tpu.memory_space<vmem>>, vector<1x16xf32>,
      %get3A_359 = vector.shape_cast %get3A_358 : vector<1x16xf32> to vector<16xf32>
      %mul3A_360 = arith.mulf %get3A_125, %get3A_359 : vector<16xf32>
      %add3A_361 = arith.addf %mul3A_351, %mul3A_360 : vector<16xf32>
      %swap3A_362 = arith.index_cast %scan3A_108 : i32 to index
      %swap3A_363 = arith.constant 160 : index
      %swap3A_364 = tpu.vector_load %arg10[%swap3A_362, %swap3A_363] {strides = array<i32>} : memref<16x768xf32, #tpu.memory_space<vmem>>, vector<1x16xf32>,
      %swap3A_365 = vector.shape_cast %swap3A_364 : vector<1x16xf32> to vector<16xf32>
      %swap3A_366 = vector.shape_cast %add3A_361 : vector<16xf32> to vector<1x16xf32>
      tpu.vector_store %arg10[%swap3A_362, %swap3A_363], %swap3A_366 {strides = array<i32>} : memref<16x768xf32, #tpu.memory_space<vmem>>, vector<1x16xf32>,
      %mul3A_367 = arith.constant 2 : i32
      %mul3A_368 = arith.muli %mul3A_367, %scan3A_108 : i32
      %get3A_369 = arith.index_cast %mul3A_368 : i32 to index
      %get3A_370 = arith.constant 176 : index
      %get3A_371 = tpu.vector_load %arg8[%get3A_369, %get3A_370] {strides = array<i32>} : memref<32x768xf32, #tpu.memory_space<vmem>>, vector<1x16xf32>,
      %get3A_372 = vector.shape_cast %get3A_371 : vector<1x16xf32> to vector<16xf32>
      %mul3A_373 = arith.mulf %get3A_115, %get3A_372 : vector<16xf32>
      %mul3A_374 = arith.constant 2 : i32
      %mul3A_375 = arith.muli %mul3A_374, %scan3A_108 : i32
      %add3A_376 = arith.constant 1 : i32
      %add3A_377 = arith.addi %mul3A_375, %add3A_376 : i32
      %get3A_378 = arith.index_cast %add3A_377 : i32 to index
      %get3A_379 = arith.constant 176 : index
      %get3A_380 = tpu.vector_load %arg8[%get3A_378, %get3A_379] {strides = array<i32>} : memref<32x768xf32, #tpu.memory_space<vmem>>, vector<1x16xf32>,
      %get3A_381 = vector.shape_cast %get3A_380 : vector<1x16xf32> to vector<16xf32>
      %mul3A_382 = arith.mulf %get3A_125, %get3A_381 : vector<16xf32>
      %add3A_383 = arith.addf %mul3A_373, %mul3A_382 : vector<16xf32>
      %swap3A_384 = arith.index_cast %scan3A_108 : i32 to index
      %swap3A_385 = arith.constant 176 : index
      %swap3A_386 = tpu.vector_load %arg10[%swap3A_384, %swap3A_385] {strides = array<i32>} : memref<16x768xf32, #tpu.memory_space<vmem>>, vector<1x16xf32>,
      %swap3A_387 = vector.shape_cast %swap3A_386 : vector<1x16xf32> to vector<16xf32>
      %swap3A_388 = vector.shape_cast %add3A_383 : vector<16xf32> to vector<1x16xf32>
      tpu.vector_store %arg10[%swap3A_384, %swap3A_385], %swap3A_388 {strides = array<i32>} : memref<16x768xf32, #tpu.memory_space<vmem>>, vector<1x16xf32>,
      %mul3A_389 = arith.constant 2 : i32
      %mul3A_390 = arith.muli %mul3A_389, %scan3A_108 : i32
      %get3A_391 = arith.index_cast %mul3A_390 : i32 to index
      %get3A_392 = arith.constant 192 : index
      %get3A_393 = tpu.vector_load %arg8[%get3A_391, %get3A_392] {strides = array<i32>} : memref<32x768xf32, #tpu.memory_space<vmem>>, vector<1x16xf32>,
      %get3A_394 = vector.shape_cast %get3A_393 : vector<1x16xf32> to vector<16xf32>
      %mul3A_395 = arith.mulf %get3A_115, %get3A_394 : vector<16xf32>
      %mul3A_396 = arith.constant 2 : i32
      %mul3A_397 = arith.muli %mul3A_396, %scan3A_108 : i32
      %add3A_398 = arith.constant 1 : i32
      %add3A_399 = arith.addi %mul3A_397, %add3A_398 : i32
      %get3A_400 = arith.index_cast %add3A_399 : i32 to index
      %get3A_401 = arith.constant 192 : index
      %get3A_402 = tpu.vector_load %arg8[%get3A_400, %get3A_401] {strides = array<i32>} : memref<32x768xf32, #tpu.memory_space<vmem>>, vector<1x16xf32>,
      %get3A_403 = vector.shape_cast %get3A_402 : vector<1x16xf32> to vector<16xf32>
      %mul3A_404 = arith.mulf %get3A_125, %get3A_403 : vector<16xf32>
      %add3A_405 = arith.addf %mul3A_395, %mul3A_404 : vector<16xf32>
      %swap3A_406 = arith.index_cast %scan3A_108 : i32 to index
      %swap3A_407 = arith.constant 192 : index
      %swap3A_408 = tpu.vector_load %arg10[%swap3A_406, %swap3A_407] {strides = array<i32>} : memref<16x768xf32, #tpu.memory_space<vmem>>, vector<1x16xf32>,
      %swap3A_409 = vector.shape_cast %swap3A_408 : vector<1x16xf32> to vector<16xf32>
      %swap3A_410 = vector.shape_cast %add3A_405 : vector<16xf32> to vector<1x16xf32>
      tpu.vector_store %arg10[%swap3A_406, %swap3A_407], %swap3A_410 {strides = array<i32>} : memref<16x768xf32, #tpu.memory_space<vmem>>, vector<1x16xf32>,
      %mul3A_411 = arith.constant 2 : i32
      %mul3A_412 = arith.muli %mul3A_411, %scan3A_108 : i32
      %get3A_413 = arith.index_cast %mul3A_412 : i32 to index
      %get3A_414 = arith.constant 208 : index
      %get3A_415 = tpu.vector_load %arg8[%get3A_413, %get3A_414] {strides = array<i32>} : memref<32x768xf32, #tpu.memory_space<vmem>>, vector<1x16xf32>,
      %get3A_416 = vector.shape_cast %get3A_415 : vector<1x16xf32> to vector<16xf32>
      %mul3A_417 = arith.mulf %get3A_115, %get3A_416 : vector<16xf32>
      %mul3A_418 = arith.constant 2 : i32
      %mul3A_419 = arith.muli %mul3A_418, %scan3A_108 : i32
      %add3A_420 = arith.constant 1 : i32
      %add3A_421 = arith.addi %mul3A_419, %add3A_420 : i32
      %get3A_422 = arith.index_cast %add3A_421 : i32 to index
      %get3A_423 = arith.constant 208 : index
      %get3A_424 = tpu.vector_load %arg8[%get3A_422, %get3A_423] {strides = array<i32>} : memref<32x768xf32, #tpu.memory_space<vmem>>, vector<1x16xf32>,
      %get3A_425 = vector.shape_cast %get3A_424 : vector<1x16xf32> to vector<16xf32>
      %mul3A_426 = arith.mulf %get3A_125, %get3A_425 : vector<16xf32>
      %add3A_427 = arith.addf %mul3A_417, %mul3A_426 : vector<16xf32>
      %swap3A_428 = arith.index_cast %scan3A_108 : i32 to index
      %swap3A_429 = arith.constant 208 : index
      %swap3A_430 = tpu.vector_load %arg10[%swap3A_428, %swap3A_429] {strides = array<i32>} : memref<16x768xf32, #tpu.memory_space<vmem>>, vector<1x16xf32>,
      %swap3A_431 = vector.shape_cast %swap3A_430 : vector<1x16xf32> to vector<16xf32>
      %swap3A_432 = vector.shape_cast %add3A_427 : vector<16xf32> to vector<1x16xf32>
      tpu.vector_store %arg10[%swap3A_428, %swap3A_429], %swap3A_432 {strides = array<i32>} : memref<16x768xf32, #tpu.memory_space<vmem>>, vector<1x16xf32>,
      %mul3A_433 = arith.constant 2 : i32
      %mul3A_434 = arith.muli %mul3A_433, %scan3A_108 : i32
      %get3A_435 = arith.index_cast %mul3A_434 : i32 to index
      %get3A_436 = arith.constant 224 : index
      %get3A_437 = tpu.vector_load %arg8[%get3A_435, %get3A_436] {strides = array<i32>} : memref<32x768xf32, #tpu.memory_space<vmem>>, vector<1x16xf32>,
      %get3A_438 = vector.shape_cast %get3A_437 : vector<1x16xf32> to vector<16xf32>
      %mul3A_439 = arith.mulf %get3A_115, %get3A_438 : vector<16xf32>
      %mul3A_440 = arith.constant 2 : i32
      %mul3A_441 = arith.muli %mul3A_440, %scan3A_108 : i32
      %add3A_442 = arith.constant 1 : i32
      %add3A_443 = arith.addi %mul3A_441, %add3A_442 : i32
      %get3A_444 = arith.index_cast %add3A_443 : i32 to index
      %get3A_445 = arith.constant 224 : index
      %get3A_446 = tpu.vector_load %arg8[%get3A_444, %get3A_445] {strides = array<i32>} : memref<32x768xf32, #tpu.memory_space<vmem>>, vector<1x16xf32>,
      %get3A_447 = vector.shape_cast %get3A_446 : vector<1x16xf32> to vector<16xf32>
      %mul3A_448 = arith.mulf %get3A_125, %get3A_447 : vector<16xf32>
      %add3A_449 = arith.addf %mul3A_439, %mul3A_448 : vector<16xf32>
      %swap3A_450 = arith.index_cast %scan3A_108 : i32 to index
      %swap3A_451 = arith.constant 224 : index
      %swap3A_452 = tpu.vector_load %arg10[%swap3A_450, %swap3A_451] {strides = array<i32>} : memref<16x768xf32, #tpu.memory_space<vmem>>, vector<1x16xf32>,
      %swap3A_453 = vector.shape_cast %swap3A_452 : vector<1x16xf32> to vector<16xf32>
      %swap3A_454 = vector.shape_cast %add3A_449 : vector<16xf32> to vector<1x16xf32>
      tpu.vector_store %arg10[%swap3A_450, %swap3A_451], %swap3A_454 {strides = array<i32>} : memref<16x768xf32, #tpu.memory_space<vmem>>, vector<1x16xf32>,
      %mul3A_455 = arith.constant 2 : i32
      %mul3A_456 = arith.muli %mul3A_455, %scan3A_108 : i32
      %get3A_457 = arith.index_cast %mul3A_456 : i32 to index
      %get3A_458 = arith.constant 240 : index
      %get3A_459 = tpu.vector_load %arg8[%get3A_457, %get3A_458] {strides = array<i32>} : memref<32x768xf32, #tpu.memory_space<vmem>>, vector<1x16xf32>,
      %get3A_460 = vector.shape_cast %get3A_459 : vector<1x16xf32> to vector<16xf32>
      %mul3A_461 = arith.mulf %get3A_115, %get3A_460 : vector<16xf32>
      %mul3A_462 = arith.constant 2 : i32
      %mul3A_463 = arith.muli %mul3A_462, %scan3A_108 : i32
      %add3A_464 = arith.constant 1 : i32
      %add3A_465 = arith.addi %mul3A_463, %add3A_464 : i32
      %get3A_466 = arith.index_cast %add3A_465 : i32 to index
      %get3A_467 = arith.constant 240 : index
      %get3A_468 = tpu.vector_load %arg8[%get3A_466, %get3A_467] {strides = array<i32>} : memref<32x768xf32, #tpu.memory_space<vmem>>, vector<1x16xf32>,
      %get3A_469 = vector.shape_cast %get3A_468 : vector<1x16xf32> to vector<16xf32>
      %mul3A_470 = arith.mulf %get3A_125, %get3A_469 : vector<16xf32>
      %add3A_471 = arith.addf %mul3A_461, %mul3A_470 : vector<16xf32>
      %swap3A_472 = arith.index_cast %scan3A_108 : i32 to index
      %swap3A_473 = arith.constant 240 : index
      %swap3A_474 = tpu.vector_load %arg10[%swap3A_472, %swap3A_473] {strides = array<i32>} : memref<16x768xf32, #tpu.memory_space<vmem>>, vector<1x16xf32>,
      %swap3A_475 = vector.shape_cast %swap3A_474 : vector<1x16xf32> to vector<16xf32>
      %swap3A_476 = vector.shape_cast %add3A_471 : vector<16xf32> to vector<1x16xf32>
      tpu.vector_store %arg10[%swap3A_472, %swap3A_473], %swap3A_476 {strides = array<i32>} : memref<16x768xf32, #tpu.memory_space<vmem>>, vector<1x16xf32>,
      %mul3A_477 = arith.constant 2 : i32
      %mul3A_478 = arith.muli %mul3A_477, %scan3A_108 : i32
      %get3A_479 = arith.index_cast %mul3A_478 : i32 to index
      %get3A_480 = arith.constant 256 : index
      %get3A_481 = tpu.vector_load %arg8[%get3A_479, %get3A_480] {strides = array<i32>} : memref<32x768xf32, #tpu.memory_space<vmem>>, vector<1x16xf32>,
      %get3A_482 = vector.shape_cast %get3A_481 : vector<1x16xf32> to vector<16xf32>
      %mul3A_483 = arith.mulf %get3A_115, %get3A_482 : vector<16xf32>
      %mul3A_484 = arith.constant 2 : i32
      %mul3A_485 = arith.muli %mul3A_484, %scan3A_108 : i32
      %add3A_486 = arith.constant 1 : i32
      %add3A_487 = arith.addi %mul3A_485, %add3A_486 : i32
      %get3A_488 = arith.index_cast %add3A_487 : i32 to index
      %get3A_489 = arith.constant 256 : index
      %get3A_490 = tpu.vector_load %arg8[%get3A_488, %get3A_489] {strides = array<i32>} : memref<32x768xf32, #tpu.memory_space<vmem>>, vector<1x16xf32>,
      %get3A_491 = vector.shape_cast %get3A_490 : vector<1x16xf32> to vector<16xf32>
      %mul3A_492 = arith.mulf %get3A_125, %get3A_491 : vector<16xf32>
      %add3A_493 = arith.addf %mul3A_483, %mul3A_492 : vector<16xf32>
      %swap3A_494 = arith.index_cast %scan3A_108 : i32 to index
      %swap3A_495 = arith.constant 256 : index
      %swap3A_496 = tpu.vector_load %arg10[%swap3A_494, %swap3A_495] {strides = array<i32>} : memref<16x768xf32, #tpu.memory_space<vmem>>, vector<1x16xf32>,
      %swap3A_497 = vector.shape_cast %swap3A_496 : vector<1x16xf32> to vector<16xf32>
      %swap3A_498 = vector.shape_cast %add3A_493 : vector<16xf32> to vector<1x16xf32>
      tpu.vector_store %arg10[%swap3A_494, %swap3A_495], %swap3A_498 {strides = array<i32>} : memref<16x768xf32, #tpu.memory_space<vmem>>, vector<1x16xf32>,
      %mul3A_499 = arith.constant 2 : i32
      %mul3A_500 = arith.muli %mul3A_499, %scan3A_108 : i32
      %get3A_501 = arith.index_cast %mul3A_500 : i32 to index
      %get3A_502 = arith.constant 272 : index
      %get3A_503 = tpu.vector_load %arg8[%get3A_501, %get3A_502] {strides = array<i32>} : memref<32x768xf32, #tpu.memory_space<vmem>>, vector<1x16xf32>,
      %get3A_504 = vector.shape_cast %get3A_503 : vector<1x16xf32> to vector<16xf32>
      %mul3A_505 = arith.mulf %get3A_115, %get3A_504 : vector<16xf32>
      %mul3A_506 = arith.constant 2 : i32
      %mul3A_507 = arith.muli %mul3A_506, %scan3A_108 : i32
      %add3A_508 = arith.constant 1 : i32
      %add3A_509 = arith.addi %mul3A_507, %add3A_508 : i32
      %get3A_510 = arith.index_cast %add3A_509 : i32 to index
      %get3A_511 = arith.constant 272 : index
      %get3A_512 = tpu.vector_load %arg8[%get3A_510, %get3A_511] {strides = array<i32>} : memref<32x768xf32, #tpu.memory_space<vmem>>, vector<1x16xf32>,
      %get3A_513 = vector.shape_cast %get3A_512 : vector<1x16xf32> to vector<16xf32>
      %mul3A_514 = arith.mulf %get3A_125, %get3A_513 : vector<16xf32>
      %add3A_515 = arith.addf %mul3A_505, %mul3A_514 : vector<16xf32>
      %swap3A_516 = arith.index_cast %scan3A_108 : i32 to index
      %swap3A_517 = arith.constant 272 : index
      %swap3A_518 = tpu.vector_load %arg10[%swap3A_516, %swap3A_517] {strides = array<i32>} : memref<16x768xf32, #tpu.memory_space<vmem>>, vector<1x16xf32>,
      %swap3A_519 = vector.shape_cast %swap3A_518 : vector<1x16xf32> to vector<16xf32>
      %swap3A_520 = vector.shape_cast %add3A_515 : vector<16xf32> to vector<1x16xf32>
      tpu.vector_store %arg10[%swap3A_516, %swap3A_517], %swap3A_520 {strides = array<i32>} : memref<16x768xf32, #tpu.memory_space<vmem>>, vector<1x16xf32>,
      %mul3A_521 = arith.constant 2 : i32
      %mul3A_522 = arith.muli %mul3A_521, %scan3A_108 : i32
      %get3A_523 = arith.index_cast %mul3A_522 : i32 to index
      %get3A_524 = arith.constant 288 : index
      %get3A_525 = tpu.vector_load %arg8[%get3A_523, %get3A_524] {strides = array<i32>} : memref<32x768xf32, #tpu.memory_space<vmem>>, vector<1x16xf32>,
      %get3A_526 = vector.shape_cast %get3A_525 : vector<1x16xf32> to vector<16xf32>
      %mul3A_527 = arith.mulf %get3A_115, %get3A_526 : vector<16xf32>
      %mul3A_528 = arith.constant 2 : i32
      %mul3A_529 = arith.muli %mul3A_528, %scan3A_108 : i32
      %add3A_530 = arith.constant 1 : i32
      %add3A_531 = arith.addi %mul3A_529, %add3A_530 : i32
      %get3A_532 = arith.index_cast %add3A_531 : i32 to index
      %get3A_533 = arith.constant 288 : index
      %get3A_534 = tpu.vector_load %arg8[%get3A_532, %get3A_533] {strides = array<i32>} : memref<32x768xf32, #tpu.memory_space<vmem>>, vector<1x16xf32>,
      %get3A_535 = vector.shape_cast %get3A_534 : vector<1x16xf32> to vector<16xf32>
      %mul3A_536 = arith.mulf %get3A_125, %get3A_535 : vector<16xf32>
      %add3A_537 = arith.addf %mul3A_527, %mul3A_536 : vector<16xf32>
      %swap3A_538 = arith.index_cast %scan3A_108 : i32 to index
      %swap3A_539 = arith.constant 288 : index
      %swap3A_540 = tpu.vector_load %arg10[%swap3A_538, %swap3A_539] {strides = array<i32>} : memref<16x768xf32, #tpu.memory_space<vmem>>, vector<1x16xf32>,
      %swap3A_541 = vector.shape_cast %swap3A_540 : vector<1x16xf32> to vector<16xf32>
      %swap3A_542 = vector.shape_cast %add3A_537 : vector<16xf32> to vector<1x16xf32>
      tpu.vector_store %arg10[%swap3A_538, %swap3A_539], %swap3A_542 {strides = array<i32>} : memref<16x768xf32, #tpu.memory_space<vmem>>, vector<1x16xf32>,
      %mul3A_543 = arith.constant 2 : i32
      %mul3A_544 = arith.muli %mul3A_543, %scan3A_108 : i32
      %get3A_545 = arith.index_cast %mul3A_544 : i32 to index
      %get3A_546 = arith.constant 304 : index
      %get3A_547 = tpu.vector_load %arg8[%get3A_545, %get3A_546] {strides = array<i32>} : memref<32x768xf32, #tpu.memory_space<vmem>>, vector<1x16xf32>,
      %get3A_548 = vector.shape_cast %get3A_547 : vector<1x16xf32> to vector<16xf32>
      %mul3A_549 = arith.mulf %get3A_115, %get3A_548 : vector<16xf32>
      %mul3A_550 = arith.constant 2 : i32
      %mul3A_551 = arith.muli %mul3A_550, %scan3A_108 : i32
      %add3A_552 = arith.constant 1 : i32
      %add3A_553 = arith.addi %mul3A_551, %add3A_552 : i32
      %get3A_554 = arith.index_cast %add3A_553 : i32 to index
      %get3A_555 = arith.constant 304 : index
      %get3A_556 = tpu.vector_load %arg8[%get3A_554, %get3A_555] {strides = array<i32>} : memref<32x768xf32, #tpu.memory_space<vmem>>, vector<1x16xf32>,
      %get3A_557 = vector.shape_cast %get3A_556 : vector<1x16xf32> to vector<16xf32>
      %mul3A_558 = arith.mulf %get3A_125, %get3A_557 : vector<16xf32>
      %add3A_559 = arith.addf %mul3A_549, %mul3A_558 : vector<16xf32>
      %swap3A_560 = arith.index_cast %scan3A_108 : i32 to index
      %swap3A_561 = arith.constant 304 : index
      %swap3A_562 = tpu.vector_load %arg10[%swap3A_560, %swap3A_561] {strides = array<i32>} : memref<16x768xf32, #tpu.memory_space<vmem>>, vector<1x16xf32>,
      %swap3A_563 = vector.shape_cast %swap3A_562 : vector<1x16xf32> to vector<16xf32>
      %swap3A_564 = vector.shape_cast %add3A_559 : vector<16xf32> to vector<1x16xf32>
      tpu.vector_store %arg10[%swap3A_560, %swap3A_561], %swap3A_564 {strides = array<i32>} : memref<16x768xf32, #tpu.memory_space<vmem>>, vector<1x16xf32>,
      %mul3A_565 = arith.constant 2 : i32
      %mul3A_566 = arith.muli %mul3A_565, %scan3A_108 : i32
      %get3A_567 = arith.index_cast %mul3A_566 : i32 to index
      %get3A_568 = arith.constant 320 : index
      %get3A_569 = tpu.vector_load %arg8[%get3A_567, %get3A_568] {strides = array<i32>} : memref<32x768xf32, #tpu.memory_space<vmem>>, vector<1x16xf32>,
      %get3A_570 = vector.shape_cast %get3A_569 : vector<1x16xf32> to vector<16xf32>
      %mul3A_571 = arith.mulf %get3A_115, %get3A_570 : vector<16xf32>
      %mul3A_572 = arith.constant 2 : i32
      %mul3A_573 = arith.muli %mul3A_572, %scan3A_108 : i32
      %add3A_574 = arith.constant 1 : i32
      %add3A_575 = arith.addi %mul3A_573, %add3A_574 : i32
      %get3A_576 = arith.index_cast %add3A_575 : i32 to index
      %get3A_577 = arith.constant 320 : index
      %get3A_578 = tpu.vector_load %arg8[%get3A_576, %get3A_577] {strides = array<i32>} : memref<32x768xf32, #tpu.memory_space<vmem>>, vector<1x16xf32>,
      %get3A_579 = vector.shape_cast %get3A_578 : vector<1x16xf32> to vector<16xf32>
      %mul3A_580 = arith.mulf %get3A_125, %get3A_579 : vector<16xf32>
      %add3A_581 = arith.addf %mul3A_571, %mul3A_580 : vector<16xf32>
      %swap3A_582 = arith.index_cast %scan3A_108 : i32 to index
      %swap3A_583 = arith.constant 320 : index
      %swap3A_584 = tpu.vector_load %arg10[%swap3A_582, %swap3A_583] {strides = array<i32>} : memref<16x768xf32, #tpu.memory_space<vmem>>, vector<1x16xf32>,
      %swap3A_585 = vector.shape_cast %swap3A_584 : vector<1x16xf32> to vector<16xf32>
      %swap3A_586 = vector.shape_cast %add3A_581 : vector<16xf32> to vector<1x16xf32>
      tpu.vector_store %arg10[%swap3A_582, %swap3A_583], %swap3A_586 {strides = array<i32>} : memref<16x768xf32, #tpu.memory_space<vmem>>, vector<1x16xf32>,
      %mul3A_587 = arith.constant 2 : i32
      %mul3A_588 = arith.muli %mul3A_587, %scan3A_108 : i32
      %get3A_589 = arith.index_cast %mul3A_588 : i32 to index
      %get3A_590 = arith.constant 336 : index
      %get3A_591 = tpu.vector_load %arg8[%get3A_589, %get3A_590] {strides = array<i32>} : memref<32x768xf32, #tpu.memory_space<vmem>>, vector<1x16xf32>,
      %get3A_592 = vector.shape_cast %get3A_591 : vector<1x16xf32> to vector<16xf32>
      %mul3A_593 = arith.mulf %get3A_115, %get3A_592 : vector<16xf32>
      %mul3A_594 = arith.constant 2 : i32
      %mul3A_595 = arith.muli %mul3A_594, %scan3A_108 : i32
      %add3A_596 = arith.constant 1 : i32
      %add3A_597 = arith.addi %mul3A_595, %add3A_596 : i32
      %get3A_598 = arith.index_cast %add3A_597 : i32 to index
      %get3A_599 = arith.constant 336 : index
      %get3A_600 = tpu.vector_load %arg8[%get3A_598, %get3A_599] {strides = array<i32>} : memref<32x768xf32, #tpu.memory_space<vmem>>, vector<1x16xf32>,
      %get3A_601 = vector.shape_cast %get3A_600 : vector<1x16xf32> to vector<16xf32>
      %mul3A_602 = arith.mulf %get3A_125, %get3A_601 : vector<16xf32>
      %add3A_603 = arith.addf %mul3A_593, %mul3A_602 : vector<16xf32>
      %swap3A_604 = arith.index_cast %scan3A_108 : i32 to index
      %swap3A_605 = arith.constant 336 : index
      %swap3A_606 = tpu.vector_load %arg10[%swap3A_604, %swap3A_605] {strides = array<i32>} : memref<16x768xf32, #tpu.memory_space<vmem>>, vector<1x16xf32>,
      %swap3A_607 = vector.shape_cast %swap3A_606 : vector<1x16xf32> to vector<16xf32>
      %swap3A_608 = vector.shape_cast %add3A_603 : vector<16xf32> to vector<1x16xf32>
      tpu.vector_store %arg10[%swap3A_604, %swap3A_605], %swap3A_608 {strides = array<i32>} : memref<16x768xf32, #tpu.memory_space<vmem>>, vector<1x16xf32>,
      %mul3A_609 = arith.constant 2 : i32
      %mul3A_610 = arith.muli %mul3A_609, %scan3A_108 : i32
      %get3A_611 = arith.index_cast %mul3A_610 : i32 to index
      %get3A_612 = arith.constant 352 : index
      %get3A_613 = tpu.vector_load %arg8[%get3A_611, %get3A_612] {strides = array<i32>} : memref<32x768xf32, #tpu.memory_space<vmem>>, vector<1x16xf32>,
      %get3A_614 = vector.shape_cast %get3A_613 : vector<1x16xf32> to vector<16xf32>
      %mul3A_615 = arith.mulf %get3A_115, %get3A_614 : vector<16xf32>
      %mul3A_616 = arith.constant 2 : i32
      %mul3A_617 = arith.muli %mul3A_616, %scan3A_108 : i32
      %add3A_618 = arith.constant 1 : i32
      %add3A_619 = arith.addi %mul3A_617, %add3A_618 : i32
      %get3A_620 = arith.index_cast %add3A_619 : i32 to index
      %get3A_621 = arith.constant 352 : index
      %get3A_622 = tpu.vector_load %arg8[%get3A_620, %get3A_621] {strides = array<i32>} : memref<32x768xf32, #tpu.memory_space<vmem>>, vector<1x16xf32>,
      %get3A_623 = vector.shape_cast %get3A_622 : vector<1x16xf32> to vector<16xf32>
      %mul3A_624 = arith.mulf %get3A_125, %get3A_623 : vector<16xf32>
      %add3A_625 = arith.addf %mul3A_615, %mul3A_624 : vector<16xf32>
      %swap3A_626 = arith.index_cast %scan3A_108 : i32 to index
      %swap3A_627 = arith.constant 352 : index
      %swap3A_628 = tpu.vector_load %arg10[%swap3A_626, %swap3A_627] {strides = array<i32>} : memref<16x768xf32, #tpu.memory_space<vmem>>, vector<1x16xf32>,
      %swap3A_629 = vector.shape_cast %swap3A_628 : vector<1x16xf32> to vector<16xf32>
      %swap3A_630 = vector.shape_cast %add3A_625 : vector<16xf32> to vector<1x16xf32>
      tpu.vector_store %arg10[%swap3A_626, %swap3A_627], %swap3A_630 {strides = array<i32>} : memref<16x768xf32, #tpu.memory_space<vmem>>, vector<1x16xf32>,
      %mul3A_631 = arith.constant 2 : i32
      %mul3A_632 = arith.muli %mul3A_631, %scan3A_108 : i32
      %get3A_633 = arith.index_cast %mul3A_632 : i32 to index
      %get3A_634 = arith.constant 368 : index
      %get3A_635 = tpu.vector_load %arg8[%get3A_633, %get3A_634] {strides = array<i32>} : memref<32x768xf32, #tpu.memory_space<vmem>>, vector<1x16xf32>,
      %get3A_636 = vector.shape_cast %get3A_635 : vector<1x16xf32> to vector<16xf32>
      %mul3A_637 = arith.mulf %get3A_115, %get3A_636 : vector<16xf32>
      %mul3A_638 = arith.constant 2 : i32
      %mul3A_639 = arith.muli %mul3A_638, %scan3A_108 : i32
      %add3A_640 = arith.constant 1 : i32
      %add3A_641 = arith.addi %mul3A_639, %add3A_640 : i32
      %get3A_642 = arith.index_cast %add3A_641 : i32 to index
      %get3A_643 = arith.constant 368 : index
      %get3A_644 = tpu.vector_load %arg8[%get3A_642, %get3A_643] {strides = array<i32>} : memref<32x768xf32, #tpu.memory_space<vmem>>, vector<1x16xf32>,
      %get3A_645 = vector.shape_cast %get3A_644 : vector<1x16xf32> to vector<16xf32>
      %mul3A_646 = arith.mulf %get3A_125, %get3A_645 : vector<16xf32>
      %add3A_647 = arith.addf %mul3A_637, %mul3A_646 : vector<16xf32>
      %swap3A_648 = arith.index_cast %scan3A_108 : i32 to index
      %swap3A_649 = arith.constant 368 : index
      %swap3A_650 = tpu.vector_load %arg10[%swap3A_648, %swap3A_649] {strides = array<i32>} : memref<16x768xf32, #tpu.memory_space<vmem>>, vector<1x16xf32>,
      %swap3A_651 = vector.shape_cast %swap3A_650 : vector<1x16xf32> to vector<16xf32>
      %swap3A_652 = vector.shape_cast %add3A_647 : vector<16xf32> to vector<1x16xf32>
      tpu.vector_store %arg10[%swap3A_648, %swap3A_649], %swap3A_652 {strides = array<i32>} : memref<16x768xf32, #tpu.memory_space<vmem>>, vector<1x16xf32>,
      %mul3A_653 = arith.constant 2 : i32
      %mul3A_654 = arith.muli %mul3A_653, %scan3A_108 : i32
      %get3A_655 = arith.index_cast %mul3A_654 : i32 to index
      %get3A_656 = arith.constant 384 : index
      %get3A_657 = tpu.vector_load %arg8[%get3A_655, %get3A_656] {strides = array<i32>} : memref<32x768xf32, #tpu.memory_space<vmem>>, vector<1x16xf32>,
      %get3A_658 = vector.shape_cast %get3A_657 : vector<1x16xf32> to vector<16xf32>
      %mul3A_659 = arith.mulf %get3A_115, %get3A_658 : vector<16xf32>
      %mul3A_660 = arith.constant 2 : i32
      %mul3A_661 = arith.muli %mul3A_660, %scan3A_108 : i32
      %add3A_662 = arith.constant 1 : i32
      %add3A_663 = arith.addi %mul3A_661, %add3A_662 : i32
      %get3A_664 = arith.index_cast %add3A_663 : i32 to index
      %get3A_665 = arith.constant 384 : index
      %get3A_666 = tpu.vector_load %arg8[%get3A_664, %get3A_665] {strides = array<i32>} : memref<32x768xf32, #tpu.memory_space<vmem>>, vector<1x16xf32>,
      %get3A_667 = vector.shape_cast %get3A_666 : vector<1x16xf32> to vector<16xf32>
      %mul3A_668 = arith.mulf %get3A_125, %get3A_667 : vector<16xf32>
      %add3A_669 = arith.addf %mul3A_659, %mul3A_668 : vector<16xf32>
      %swap3A_670 = arith.index_cast %scan3A_108 : i32 to index
      %swap3A_671 = arith.constant 384 : index
      %swap3A_672 = tpu.vector_load %arg10[%swap3A_670, %swap3A_671] {strides = array<i32>} : memref<16x768xf32, #tpu.memory_space<vmem>>, vector<1x16xf32>,
      %swap3A_673 = vector.shape_cast %swap3A_672 : vector<1x16xf32> to vector<16xf32>
      %swap3A_674 = vector.shape_cast %add3A_669 : vector<16xf32> to vector<1x16xf32>
      tpu.vector_store %arg10[%swap3A_670, %swap3A_671], %swap3A_674 {strides = array<i32>} : memref<16x768xf32, #tpu.memory_space<vmem>>, vector<1x16xf32>,
      %mul3A_675 = arith.constant 2 : i32
      %mul3A_676 = arith.muli %mul3A_675, %scan3A_108 : i32
      %get3A_677 = arith.index_cast %mul3A_676 : i32 to index
      %get3A_678 = arith.constant 400 : index
      %get3A_679 = tpu.vector_load %arg8[%get3A_677, %get3A_678] {strides = array<i32>} : memref<32x768xf32, #tpu.memory_space<vmem>>, vector<1x16xf32>,
      %get3A_680 = vector.shape_cast %get3A_679 : vector<1x16xf32> to vector<16xf32>
      %mul3A_681 = arith.mulf %get3A_115, %get3A_680 : vector<16xf32>
      %mul3A_682 = arith.constant 2 : i32
      %mul3A_683 = arith.muli %mul3A_682, %scan3A_108 : i32
      %add3A_684 = arith.constant 1 : i32
      %add3A_685 = arith.addi %mul3A_683, %add3A_684 : i32
      %get3A_686 = arith.index_cast %add3A_685 : i32 to index
      %get3A_687 = arith.constant 400 : index
      %get3A_688 = tpu.vector_load %arg8[%get3A_686, %get3A_687] {strides = array<i32>} : memref<32x768xf32, #tpu.memory_space<vmem>>, vector<1x16xf32>,
      %get3A_689 = vector.shape_cast %get3A_688 : vector<1x16xf32> to vector<16xf32>
      %mul3A_690 = arith.mulf %get3A_125, %get3A_689 : vector<16xf32>
      %add3A_691 = arith.addf %mul3A_681, %mul3A_690 : vector<16xf32>
      %swap3A_692 = arith.index_cast %scan3A_108 : i32 to index
      %swap3A_693 = arith.constant 400 : index
      %swap3A_694 = tpu.vector_load %arg10[%swap3A_692, %swap3A_693] {strides = array<i32>} : memref<16x768xf32, #tpu.memory_space<vmem>>, vector<1x16xf32>,
      %swap3A_695 = vector.shape_cast %swap3A_694 : vector<1x16xf32> to vector<16xf32>
      %swap3A_696 = vector.shape_cast %add3A_691 : vector<16xf32> to vector<1x16xf32>
      tpu.vector_store %arg10[%swap3A_692, %swap3A_693], %swap3A_696 {strides = array<i32>} : memref<16x768xf32, #tpu.memory_space<vmem>>, vector<1x16xf32>,
      %mul3A_697 = arith.constant 2 : i32
      %mul3A_698 = arith.muli %mul3A_697, %scan3A_108 : i32
      %get3A_699 = arith.index_cast %mul3A_698 : i32 to index
      %get3A_700 = arith.constant 416 : index
      %get3A_701 = tpu.vector_load %arg8[%get3A_699, %get3A_700] {strides = array<i32>} : memref<32x768xf32, #tpu.memory_space<vmem>>, vector<1x16xf32>,
      %get3A_702 = vector.shape_cast %get3A_701 : vector<1x16xf32> to vector<16xf32>
      %mul3A_703 = arith.mulf %get3A_115, %get3A_702 : vector<16xf32>
      %mul3A_704 = arith.constant 2 : i32
      %mul3A_705 = arith.muli %mul3A_704, %scan3A_108 : i32
      %add3A_706 = arith.constant 1 : i32
      %add3A_707 = arith.addi %mul3A_705, %add3A_706 : i32
      %get3A_708 = arith.index_cast %add3A_707 : i32 to index
      %get3A_709 = arith.constant 416 : index
      %get3A_710 = tpu.vector_load %arg8[%get3A_708, %get3A_709] {strides = array<i32>} : memref<32x768xf32, #tpu.memory_space<vmem>>, vector<1x16xf32>,
      %get3A_711 = vector.shape_cast %get3A_710 : vector<1x16xf32> to vector<16xf32>
      %mul3A_712 = arith.mulf %get3A_125, %get3A_711 : vector<16xf32>
      %add3A_713 = arith.addf %mul3A_703, %mul3A_712 : vector<16xf32>
      %swap3A_714 = arith.index_cast %scan3A_108 : i32 to index
      %swap3A_715 = arith.constant 416 : index
      %swap3A_716 = tpu.vector_load %arg10[%swap3A_714, %swap3A_715] {strides = array<i32>} : memref<16x768xf32, #tpu.memory_space<vmem>>, vector<1x16xf32>,
      %swap3A_717 = vector.shape_cast %swap3A_716 : vector<1x16xf32> to vector<16xf32>
      %swap3A_718 = vector.shape_cast %add3A_713 : vector<16xf32> to vector<1x16xf32>
      tpu.vector_store %arg10[%swap3A_714, %swap3A_715], %swap3A_718 {strides = array<i32>} : memref<16x768xf32, #tpu.memory_space<vmem>>, vector<1x16xf32>,
      %mul3A_719 = arith.constant 2 : i32
      %mul3A_720 = arith.muli %mul3A_719, %scan3A_108 : i32
      %get3A_721 = arith.index_cast %mul3A_720 : i32 to index
      %get3A_722 = arith.constant 432 : index
      %get3A_723 = tpu.vector_load %arg8[%get3A_721, %get3A_722] {strides = array<i32>} : memref<32x768xf32, #tpu.memory_space<vmem>>, vector<1x16xf32>,
      %get3A_724 = vector.shape_cast %get3A_723 : vector<1x16xf32> to vector<16xf32>
      %mul3A_725 = arith.mulf %get3A_115, %get3A_724 : vector<16xf32>
      %mul3A_726 = arith.constant 2 : i32
      %mul3A_727 = arith.muli %mul3A_726, %scan3A_108 : i32
      %add3A_728 = arith.constant 1 : i32
      %add3A_729 = arith.addi %mul3A_727, %add3A_728 : i32
      %get3A_730 = arith.index_cast %add3A_729 : i32 to index
      %get3A_731 = arith.constant 432 : index
      %get3A_732 = tpu.vector_load %arg8[%get3A_730, %get3A_731] {strides = array<i32>} : memref<32x768xf32, #tpu.memory_space<vmem>>, vector<1x16xf32>,
      %get3A_733 = vector.shape_cast %get3A_732 : vector<1x16xf32> to vector<16xf32>
      %mul3A_734 = arith.mulf %get3A_125, %get3A_733 : vector<16xf32>
      %add3A_735 = arith.addf %mul3A_725, %mul3A_734 : vector<16xf32>
      %swap3A_736 = arith.index_cast %scan3A_108 : i32 to index
      %swap3A_737 = arith.constant 432 : index
      %swap3A_738 = tpu.vector_load %arg10[%swap3A_736, %swap3A_737] {strides = array<i32>} : memref<16x768xf32, #tpu.memory_space<vmem>>, vector<1x16xf32>,
      %swap3A_739 = vector.shape_cast %swap3A_738 : vector<1x16xf32> to vector<16xf32>
      %swap3A_740 = vector.shape_cast %add3A_735 : vector<16xf32> to vector<1x16xf32>
      tpu.vector_store %arg10[%swap3A_736, %swap3A_737], %swap3A_740 {strides = array<i32>} : memref<16x768xf32, #tpu.memory_space<vmem>>, vector<1x16xf32>,
      %mul3A_741 = arith.constant 2 : i32
      %mul3A_742 = arith.muli %mul3A_741, %scan3A_108 : i32
      %get3A_743 = arith.index_cast %mul3A_742 : i32 to index
      %get3A_744 = arith.constant 448 : index
      %get3A_745 = tpu.vector_load %arg8[%get3A_743, %get3A_744] {strides = array<i32>} : memref<32x768xf32, #tpu.memory_space<vmem>>, vector<1x16xf32>,
      %get3A_746 = vector.shape_cast %get3A_745 : vector<1x16xf32> to vector<16xf32>
      %mul3A_747 = arith.mulf %get3A_115, %get3A_746 : vector<16xf32>
      %mul3A_748 = arith.constant 2 : i32
      %mul3A_749 = arith.muli %mul3A_748, %scan3A_108 : i32
      %add3A_750 = arith.constant 1 : i32
      %add3A_751 = arith.addi %mul3A_749, %add3A_750 : i32
      %get3A_752 = arith.index_cast %add3A_751 : i32 to index
      %get3A_753 = arith.constant 448 : index
      %get3A_754 = tpu.vector_load %arg8[%get3A_752, %get3A_753] {strides = array<i32>} : memref<32x768xf32, #tpu.memory_space<vmem>>, vector<1x16xf32>,
      %get3A_755 = vector.shape_cast %get3A_754 : vector<1x16xf32> to vector<16xf32>
      %mul3A_756 = arith.mulf %get3A_125, %get3A_755 : vector<16xf32>
      %add3A_757 = arith.addf %mul3A_747, %mul3A_756 : vector<16xf32>
      %swap3A_758 = arith.index_cast %scan3A_108 : i32 to index
      %swap3A_759 = arith.constant 448 : index
      %swap3A_760 = tpu.vector_load %arg10[%swap3A_758, %swap3A_759] {strides = array<i32>} : memref<16x768xf32, #tpu.memory_space<vmem>>, vector<1x16xf32>,
      %swap3A_761 = vector.shape_cast %swap3A_760 : vector<1x16xf32> to vector<16xf32>
      %swap3A_762 = vector.shape_cast %add3A_757 : vector<16xf32> to vector<1x16xf32>
      tpu.vector_store %arg10[%swap3A_758, %swap3A_759], %swap3A_762 {strides = array<i32>} : memref<16x768xf32, #tpu.memory_space<vmem>>, vector<1x16xf32>,
      %mul3A_763 = arith.constant 2 : i32
      %mul3A_764 = arith.muli %mul3A_763, %scan3A_108 : i32
      %get3A_765 = arith.index_cast %mul3A_764 : i32 to index
      %get3A_766 = arith.constant 464 : index
      %get3A_767 = tpu.vector_load %arg8[%get3A_765, %get3A_766] {strides = array<i32>} : memref<32x768xf32, #tpu.memory_space<vmem>>, vector<1x16xf32>,
      %get3A_768 = vector.shape_cast %get3A_767 : vector<1x16xf32> to vector<16xf32>
      %mul3A_769 = arith.mulf %get3A_115, %get3A_768 : vector<16xf32>
      %mul3A_770 = arith.constant 2 : i32
      %mul3A_771 = arith.muli %mul3A_770, %scan3A_108 : i32
      %add3A_772 = arith.constant 1 : i32
      %add3A_773 = arith.addi %mul3A_771, %add3A_772 : i32
      %get3A_774 = arith.index_cast %add3A_773 : i32 to index
      %get3A_775 = arith.constant 464 : index
      %get3A_776 = tpu.vector_load %arg8[%get3A_774, %get3A_775] {strides = array<i32>} : memref<32x768xf32, #tpu.memory_space<vmem>>, vector<1x16xf32>,
      %get3A_777 = vector.shape_cast %get3A_776 : vector<1x16xf32> to vector<16xf32>
      %mul3A_778 = arith.mulf %get3A_125, %get3A_777 : vector<16xf32>
      %add3A_779 = arith.addf %mul3A_769, %mul3A_778 : vector<16xf32>
      %swap3A_780 = arith.index_cast %scan3A_108 : i32 to index
      %swap3A_781 = arith.constant 464 : index
      %swap3A_782 = tpu.vector_load %arg10[%swap3A_780, %swap3A_781] {strides = array<i32>} : memref<16x768xf32, #tpu.memory_space<vmem>>, vector<1x16xf32>,
      %swap3A_783 = vector.shape_cast %swap3A_782 : vector<1x16xf32> to vector<16xf32>
      %swap3A_784 = vector.shape_cast %add3A_779 : vector<16xf32> to vector<1x16xf32>
      tpu.vector_store %arg10[%swap3A_780, %swap3A_781], %swap3A_784 {strides = array<i32>} : memref<16x768xf32, #tpu.memory_space<vmem>>, vector<1x16xf32>,
      %mul3A_785 = arith.constant 2 : i32
      %mul3A_786 = arith.muli %mul3A_785, %scan3A_108 : i32
      %get3A_787 = arith.index_cast %mul3A_786 : i32 to index
      %get3A_788 = arith.constant 480 : index
      %get3A_789 = tpu.vector_load %arg8[%get3A_787, %get3A_788] {strides = array<i32>} : memref<32x768xf32, #tpu.memory_space<vmem>>, vector<1x16xf32>,
      %get3A_790 = vector.shape_cast %get3A_789 : vector<1x16xf32> to vector<16xf32>
      %mul3A_791 = arith.mulf %get3A_115, %get3A_790 : vector<16xf32>
      %mul3A_792 = arith.constant 2 : i32
      %mul3A_793 = arith.muli %mul3A_792, %scan3A_108 : i32
      %add3A_794 = arith.constant 1 : i32
      %add3A_795 = arith.addi %mul3A_793, %add3A_794 : i32
      %get3A_796 = arith.index_cast %add3A_795 : i32 to index
      %get3A_797 = arith.constant 480 : index
      %get3A_798 = tpu.vector_load %arg8[%get3A_796, %get3A_797] {strides = array<i32>} : memref<32x768xf32, #tpu.memory_space<vmem>>, vector<1x16xf32>,
      %get3A_799 = vector.shape_cast %get3A_798 : vector<1x16xf32> to vector<16xf32>
      %mul3A_800 = arith.mulf %get3A_125, %get3A_799 : vector<16xf32>
      %add3A_801 = arith.addf %mul3A_791, %mul3A_800 : vector<16xf32>
      %swap3A_802 = arith.index_cast %scan3A_108 : i32 to index
      %swap3A_803 = arith.constant 480 : index
      %swap3A_804 = tpu.vector_load %arg10[%swap3A_802, %swap3A_803] {strides = array<i32>} : memref<16x768xf32, #tpu.memory_space<vmem>>, vector<1x16xf32>,
      %swap3A_805 = vector.shape_cast %swap3A_804 : vector<1x16xf32> to vector<16xf32>
      %swap3A_806 = vector.shape_cast %add3A_801 : vector<16xf32> to vector<1x16xf32>
      tpu.vector_store %arg10[%swap3A_802, %swap3A_803], %swap3A_806 {strides = array<i32>} : memref<16x768xf32, #tpu.memory_space<vmem>>, vector<1x16xf32>,
      %mul3A_807 = arith.constant 2 : i32
      %mul3A_808 = arith.muli %mul3A_807, %scan3A_108 : i32
      %get3A_809 = arith.index_cast %mul3A_808 : i32 to index
      %get3A_810 = arith.constant 496 : index
      %get3A_811 = tpu.vector_load %arg8[%get3A_809, %get3A_810] {strides = array<i32>} : memref<32x768xf32, #tpu.memory_space<vmem>>, vector<1x16xf32>,
      %get3A_812 = vector.shape_cast %get3A_811 : vector<1x16xf32> to vector<16xf32>
      %mul3A_813 = arith.mulf %get3A_115, %get3A_812 : vector<16xf32>
      %mul3A_814 = arith.constant 2 : i32
      %mul3A_815 = arith.muli %mul3A_814, %scan3A_108 : i32
      %add3A_816 = arith.constant 1 : i32
      %add3A_817 = arith.addi %mul3A_815, %add3A_816 : i32
      %get3A_818 = arith.index_cast %add3A_817 : i32 to index
      %get3A_819 = arith.constant 496 : index
      %get3A_820 = tpu.vector_load %arg8[%get3A_818, %get3A_819] {strides = array<i32>} : memref<32x768xf32, #tpu.memory_space<vmem>>, vector<1x16xf32>,
      %get3A_821 = vector.shape_cast %get3A_820 : vector<1x16xf32> to vector<16xf32>
      %mul3A_822 = arith.mulf %get3A_125, %get3A_821 : vector<16xf32>
      %add3A_823 = arith.addf %mul3A_813, %mul3A_822 : vector<16xf32>
      %swap3A_824 = arith.index_cast %scan3A_108 : i32 to index
      %swap3A_825 = arith.constant 496 : index
      %swap3A_826 = tpu.vector_load %arg10[%swap3A_824, %swap3A_825] {strides = array<i32>} : memref<16x768xf32, #tpu.memory_space<vmem>>, vector<1x16xf32>,
      %swap3A_827 = vector.shape_cast %swap3A_826 : vector<1x16xf32> to vector<16xf32>
      %swap3A_828 = vector.shape_cast %add3A_823 : vector<16xf32> to vector<1x16xf32>
      tpu.vector_store %arg10[%swap3A_824, %swap3A_825], %swap3A_828 {strides = array<i32>} : memref<16x768xf32, #tpu.memory_space<vmem>>, vector<1x16xf32>,
      %mul3A_829 = arith.constant 2 : i32
      %mul3A_830 = arith.muli %mul3A_829, %scan3A_108 : i32
      %get3A_831 = arith.index_cast %mul3A_830 : i32 to index
      %get3A_832 = arith.constant 512 : index
      %get3A_833 = tpu.vector_load %arg8[%get3A_831, %get3A_832] {strides = array<i32>} : memref<32x768xf32, #tpu.memory_space<vmem>>, vector<1x16xf32>,
      %get3A_834 = vector.shape_cast %get3A_833 : vector<1x16xf32> to vector<16xf32>
      %mul3A_835 = arith.mulf %get3A_115, %get3A_834 : vector<16xf32>
      %mul3A_836 = arith.constant 2 : i32
      %mul3A_837 = arith.muli %mul3A_836, %scan3A_108 : i32
      %add3A_838 = arith.constant 1 : i32
      %add3A_839 = arith.addi %mul3A_837, %add3A_838 : i32
      %get3A_840 = arith.index_cast %add3A_839 : i32 to index
      %get3A_841 = arith.constant 512 : index
      %get3A_842 = tpu.vector_load %arg8[%get3A_840, %get3A_841] {strides = array<i32>} : memref<32x768xf32, #tpu.memory_space<vmem>>, vector<1x16xf32>,
      %get3A_843 = vector.shape_cast %get3A_842 : vector<1x16xf32> to vector<16xf32>
      %mul3A_844 = arith.mulf %get3A_125, %get3A_843 : vector<16xf32>
      %add3A_845 = arith.addf %mul3A_835, %mul3A_844 : vector<16xf32>
      %swap3A_846 = arith.index_cast %scan3A_108 : i32 to index
      %swap3A_847 = arith.constant 512 : index
      %swap3A_848 = tpu.vector_load %arg10[%swap3A_846, %swap3A_847] {strides = array<i32>} : memref<16x768xf32, #tpu.memory_space<vmem>>, vector<1x16xf32>,
      %swap3A_849 = vector.shape_cast %swap3A_848 : vector<1x16xf32> to vector<16xf32>
      %swap3A_850 = vector.shape_cast %add3A_845 : vector<16xf32> to vector<1x16xf32>
      tpu.vector_store %arg10[%swap3A_846, %swap3A_847], %swap3A_850 {strides = array<i32>} : memref<16x768xf32, #tpu.memory_space<vmem>>, vector<1x16xf32>,
      %mul3A_851 = arith.constant 2 : i32
      %mul3A_852 = arith.muli %mul3A_851, %scan3A_108 : i32
      %get3A_853 = arith.index_cast %mul3A_852 : i32 to index
      %get3A_854 = arith.constant 528 : index
      %get3A_855 = tpu.vector_load %arg8[%get3A_853, %get3A_854] {strides = array<i32>} : memref<32x768xf32, #tpu.memory_space<vmem>>, vector<1x16xf32>,
      %get3A_856 = vector.shape_cast %get3A_855 : vector<1x16xf32> to vector<16xf32>
      %mul3A_857 = arith.mulf %get3A_115, %get3A_856 : vector<16xf32>
      %mul3A_858 = arith.constant 2 : i32
      %mul3A_859 = arith.muli %mul3A_858, %scan3A_108 : i32
      %add3A_860 = arith.constant 1 : i32
      %add3A_861 = arith.addi %mul3A_859, %add3A_860 : i32
      %get3A_862 = arith.index_cast %add3A_861 : i32 to index
      %get3A_863 = arith.constant 528 : index
      %get3A_864 = tpu.vector_load %arg8[%get3A_862, %get3A_863] {strides = array<i32>} : memref<32x768xf32, #tpu.memory_space<vmem>>, vector<1x16xf32>,
      %get3A_865 = vector.shape_cast %get3A_864 : vector<1x16xf32> to vector<16xf32>
      %mul3A_866 = arith.mulf %get3A_125, %get3A_865 : vector<16xf32>
      %add3A_867 = arith.addf %mul3A_857, %mul3A_866 : vector<16xf32>
      %swap3A_868 = arith.index_cast %scan3A_108 : i32 to index
      %swap3A_869 = arith.constant 528 : index
      %swap3A_870 = tpu.vector_load %arg10[%swap3A_868, %swap3A_869] {strides = array<i32>} : memref<16x768xf32, #tpu.memory_space<vmem>>, vector<1x16xf32>,
      %swap3A_871 = vector.shape_cast %swap3A_870 : vector<1x16xf32> to vector<16xf32>
      %swap3A_872 = vector.shape_cast %add3A_867 : vector<16xf32> to vector<1x16xf32>
      tpu.vector_store %arg10[%swap3A_868, %swap3A_869], %swap3A_872 {strides = array<i32>} : memref<16x768xf32, #tpu.memory_space<vmem>>, vector<1x16xf32>,
      %mul3A_873 = arith.constant 2 : i32
      %mul3A_874 = arith.muli %mul3A_873, %scan3A_108 : i32
      %get3A_875 = arith.index_cast %mul3A_874 : i32 to index
      %get3A_876 = arith.constant 544 : index
      %get3A_877 = tpu.vector_load %arg8[%get3A_875, %get3A_876] {strides = array<i32>} : memref<32x768xf32, #tpu.memory_space<vmem>>, vector<1x16xf32>,
      %get3A_878 = vector.shape_cast %get3A_877 : vector<1x16xf32> to vector<16xf32>
      %mul3A_879 = arith.mulf %get3A_115, %get3A_878 : vector<16xf32>
      %mul3A_880 = arith.constant 2 : i32
      %mul3A_881 = arith.muli %mul3A_880, %scan3A_108 : i32
      %add3A_882 = arith.constant 1 : i32
      %add3A_883 = arith.addi %mul3A_881, %add3A_882 : i32
      %get3A_884 = arith.index_cast %add3A_883 : i32 to index
      %get3A_885 = arith.constant 544 : index
      %get3A_886 = tpu.vector_load %arg8[%get3A_884, %get3A_885] {strides = array<i32>} : memref<32x768xf32, #tpu.memory_space<vmem>>, vector<1x16xf32>,
      %get3A_887 = vector.shape_cast %get3A_886 : vector<1x16xf32> to vector<16xf32>
      %mul3A_888 = arith.mulf %get3A_125, %get3A_887 : vector<16xf32>
      %add3A_889 = arith.addf %mul3A_879, %mul3A_888 : vector<16xf32>
      %swap3A_890 = arith.index_cast %scan3A_108 : i32 to index
      %swap3A_891 = arith.constant 544 : index
      %swap3A_892 = tpu.vector_load %arg10[%swap3A_890, %swap3A_891] {strides = array<i32>} : memref<16x768xf32, #tpu.memory_space<vmem>>, vector<1x16xf32>,
      %swap3A_893 = vector.shape_cast %swap3A_892 : vector<1x16xf32> to vector<16xf32>
      %swap3A_894 = vector.shape_cast %add3A_889 : vector<16xf32> to vector<1x16xf32>
      tpu.vector_store %arg10[%swap3A_890, %swap3A_891], %swap3A_894 {strides = array<i32>} : memref<16x768xf32, #tpu.memory_space<vmem>>, vector<1x16xf32>,
      %mul3A_895 = arith.constant 2 : i32
      %mul3A_896 = arith.muli %mul3A_895, %scan3A_108 : i32
      %get3A_897 = arith.index_cast %mul3A_896 : i32 to index
      %get3A_898 = arith.constant 560 : index
      %get3A_899 = tpu.vector_load %arg8[%get3A_897, %get3A_898] {strides = array<i32>} : memref<32x768xf32, #tpu.memory_space<vmem>>, vector<1x16xf32>,
      %get3A_900 = vector.shape_cast %get3A_899 : vector<1x16xf32> to vector<16xf32>
      %mul3A_901 = arith.mulf %get3A_115, %get3A_900 : vector<16xf32>
      %mul3A_902 = arith.constant 2 : i32
      %mul3A_903 = arith.muli %mul3A_902, %scan3A_108 : i32
      %add3A_904 = arith.constant 1 : i32
      %add3A_905 = arith.addi %mul3A_903, %add3A_904 : i32
      %get3A_906 = arith.index_cast %add3A_905 : i32 to index
      %get3A_907 = arith.constant 560 : index
      %get3A_908 = tpu.vector_load %arg8[%get3A_906, %get3A_907] {strides = array<i32>} : memref<32x768xf32, #tpu.memory_space<vmem>>, vector<1x16xf32>,
      %get3A_909 = vector.shape_cast %get3A_908 : vector<1x16xf32> to vector<16xf32>
      %mul3A_910 = arith.mulf %get3A_125, %get3A_909 : vector<16xf32>
      %add3A_911 = arith.addf %mul3A_901, %mul3A_910 : vector<16xf32>
      %swap3A_912 = arith.index_cast %scan3A_108 : i32 to index
      %swap3A_913 = arith.constant 560 : index
      %swap3A_914 = tpu.vector_load %arg10[%swap3A_912, %swap3A_913] {strides = array<i32>} : memref<16x768xf32, #tpu.memory_space<vmem>>, vector<1x16xf32>,
      %swap3A_915 = vector.shape_cast %swap3A_914 : vector<1x16xf32> to vector<16xf32>
      %swap3A_916 = vector.shape_cast %add3A_911 : vector<16xf32> to vector<1x16xf32>
      tpu.vector_store %arg10[%swap3A_912, %swap3A_913], %swap3A_916 {strides = array<i32>} : memref<16x768xf32, #tpu.memory_space<vmem>>, vector<1x16xf32>,
      %mul3A_917 = arith.constant 2 : i32
      %mul3A_918 = arith.muli %mul3A_917, %scan3A_108 : i32
      %get3A_919 = arith.index_cast %mul3A_918 : i32 to index
      %get3A_920 = arith.constant 576 : index
      %get3A_921 = tpu.vector_load %arg8[%get3A_919, %get3A_920] {strides = array<i32>} : memref<32x768xf32, #tpu.memory_space<vmem>>, vector<1x16xf32>,
      %get3A_922 = vector.shape_cast %get3A_921 : vector<1x16xf32> to vector<16xf32>
      %mul3A_923 = arith.mulf %get3A_115, %get3A_922 : vector<16xf32>
      %mul3A_924 = arith.constant 2 : i32
      %mul3A_925 = arith.muli %mul3A_924, %scan3A_108 : i32
      %add3A_926 = arith.constant 1 : i32
      %add3A_927 = arith.addi %mul3A_925, %add3A_926 : i32
      %get3A_928 = arith.index_cast %add3A_927 : i32 to index
      %get3A_929 = arith.constant 576 : index
      %get3A_930 = tpu.vector_load %arg8[%get3A_928, %get3A_929] {strides = array<i32>} : memref<32x768xf32, #tpu.memory_space<vmem>>, vector<1x16xf32>,
      %get3A_931 = vector.shape_cast %get3A_930 : vector<1x16xf32> to vector<16xf32>
      %mul3A_932 = arith.mulf %get3A_125, %get3A_931 : vector<16xf32>
      %add3A_933 = arith.addf %mul3A_923, %mul3A_932 : vector<16xf32>
      %swap3A_934 = arith.index_cast %scan3A_108 : i32 to index
      %swap3A_935 = arith.constant 576 : index
      %swap3A_936 = tpu.vector_load %arg10[%swap3A_934, %swap3A_935] {strides = array<i32>} : memref<16x768xf32, #tpu.memory_space<vmem>>, vector<1x16xf32>,
      %swap3A_937 = vector.shape_cast %swap3A_936 : vector<1x16xf32> to vector<16xf32>
      %swap3A_938 = vector.shape_cast %add3A_933 : vector<16xf32> to vector<1x16xf32>
      tpu.vector_store %arg10[%swap3A_934, %swap3A_935], %swap3A_938 {strides = array<i32>} : memref<16x768xf32, #tpu.memory_space<vmem>>, vector<1x16xf32>,
      %mul3A_939 = arith.constant 2 : i32
      %mul3A_940 = arith.muli %mul3A_939, %scan3A_108 : i32
      %get3A_941 = arith.index_cast %mul3A_940 : i32 to index
      %get3A_942 = arith.constant 592 : index
      %get3A_943 = tpu.vector_load %arg8[%get3A_941, %get3A_942] {strides = array<i32>} : memref<32x768xf32, #tpu.memory_space<vmem>>, vector<1x16xf32>,
      %get3A_944 = vector.shape_cast %get3A_943 : vector<1x16xf32> to vector<16xf32>
      %mul3A_945 = arith.mulf %get3A_115, %get3A_944 : vector<16xf32>
      %mul3A_946 = arith.constant 2 : i32
      %mul3A_947 = arith.muli %mul3A_946, %scan3A_108 : i32
      %add3A_948 = arith.constant 1 : i32
      %add3A_949 = arith.addi %mul3A_947, %add3A_948 : i32
      %get3A_950 = arith.index_cast %add3A_949 : i32 to index
      %get3A_951 = arith.constant 592 : index
      %get3A_952 = tpu.vector_load %arg8[%get3A_950, %get3A_951] {strides = array<i32>} : memref<32x768xf32, #tpu.memory_space<vmem>>, vector<1x16xf32>,
      %get3A_953 = vector.shape_cast %get3A_952 : vector<1x16xf32> to vector<16xf32>
      %mul3A_954 = arith.mulf %get3A_125, %get3A_953 : vector<16xf32>
      %add3A_955 = arith.addf %mul3A_945, %mul3A_954 : vector<16xf32>
      %swap3A_956 = arith.index_cast %scan3A_108 : i32 to index
      %swap3A_957 = arith.constant 592 : index
      %swap3A_958 = tpu.vector_load %arg10[%swap3A_956, %swap3A_957] {strides = array<i32>} : memref<16x768xf32, #tpu.memory_space<vmem>>, vector<1x16xf32>,
      %swap3A_959 = vector.shape_cast %swap3A_958 : vector<1x16xf32> to vector<16xf32>
      %swap3A_960 = vector.shape_cast %add3A_955 : vector<16xf32> to vector<1x16xf32>
      tpu.vector_store %arg10[%swap3A_956, %swap3A_957], %swap3A_960 {strides = array<i32>} : memref<16x768xf32, #tpu.memory_space<vmem>>, vector<1x16xf32>,
      %mul3A_961 = arith.constant 2 : i32
      %mul3A_962 = arith.muli %mul3A_961, %scan3A_108 : i32
      %get3A_963 = arith.index_cast %mul3A_962 : i32 to index
      %get3A_964 = arith.constant 608 : index
      %get3A_965 = tpu.vector_load %arg8[%get3A_963, %get3A_964] {strides = array<i32>} : memref<32x768xf32, #tpu.memory_space<vmem>>, vector<1x16xf32>,
      %get3A_966 = vector.shape_cast %get3A_965 : vector<1x16xf32> to vector<16xf32>
      %mul3A_967 = arith.mulf %get3A_115, %get3A_966 : vector<16xf32>
      %mul3A_968 = arith.constant 2 : i32
      %mul3A_969 = arith.muli %mul3A_968, %scan3A_108 : i32
      %add3A_970 = arith.constant 1 : i32
      %add3A_971 = arith.addi %mul3A_969, %add3A_970 : i32
      %get3A_972 = arith.index_cast %add3A_971 : i32 to index
      %get3A_973 = arith.constant 608 : index
      %get3A_974 = tpu.vector_load %arg8[%get3A_972, %get3A_973] {strides = array<i32>} : memref<32x768xf32, #tpu.memory_space<vmem>>, vector<1x16xf32>,
      %get3A_975 = vector.shape_cast %get3A_974 : vector<1x16xf32> to vector<16xf32>
      %mul3A_976 = arith.mulf %get3A_125, %get3A_975 : vector<16xf32>
      %add3A_977 = arith.addf %mul3A_967, %mul3A_976 : vector<16xf32>
      %swap3A_978 = arith.index_cast %scan3A_108 : i32 to index
      %swap3A_979 = arith.constant 608 : index
      %swap3A_980 = tpu.vector_load %arg10[%swap3A_978, %swap3A_979] {strides = array<i32>} : memref<16x768xf32, #tpu.memory_space<vmem>>, vector<1x16xf32>,
      %swap3A_981 = vector.shape_cast %swap3A_980 : vector<1x16xf32> to vector<16xf32>
      %swap3A_982 = vector.shape_cast %add3A_977 : vector<16xf32> to vector<1x16xf32>
      tpu.vector_store %arg10[%swap3A_978, %swap3A_979], %swap3A_982 {strides = array<i32>} : memref<16x768xf32, #tpu.memory_space<vmem>>, vector<1x16xf32>,
      %mul3A_983 = arith.constant 2 : i32
      %mul3A_984 = arith.muli %mul3A_983, %scan3A_108 : i32
      %get3A_985 = arith.index_cast %mul3A_984 : i32 to index
      %get3A_986 = arith.constant 624 : index
      %get3A_987 = tpu.vector_load %arg8[%get3A_985, %get3A_986] {strides = array<i32>} : memref<32x768xf32, #tpu.memory_space<vmem>>, vector<1x16xf32>,
      %get3A_988 = vector.shape_cast %get3A_987 : vector<1x16xf32> to vector<16xf32>
      %mul3A_989 = arith.mulf %get3A_115, %get3A_988 : vector<16xf32>
      %mul3A_990 = arith.constant 2 : i32
      %mul3A_991 = arith.muli %mul3A_990, %scan3A_108 : i32
      %add3A_992 = arith.constant 1 : i32
      %add3A_993 = arith.addi %mul3A_991, %add3A_992 : i32
      %get3A_994 = arith.index_cast %add3A_993 : i32 to index
      %get3A_995 = arith.constant 624 : index
      %get3A_996 = tpu.vector_load %arg8[%get3A_994, %get3A_995] {strides = array<i32>} : memref<32x768xf32, #tpu.memory_space<vmem>>, vector<1x16xf32>,
      %get3A_997 = vector.shape_cast %get3A_996 : vector<1x16xf32> to vector<16xf32>
      %mul3A_998 = arith.mulf %get3A_125, %get3A_997 : vector<16xf32>
      %add3A_999 = arith.addf %mul3A_989, %mul3A_998 : vector<16xf32>
      %swap3A_1000 = arith.index_cast %scan3A_108 : i32 to index
      %swap3A_1001 = arith.constant 624 : index
      %swap3A_1002 = tpu.vector_load %arg10[%swap3A_1000, %swap3A_1001] {strides = array<i32>} : memref<16x768xf32, #tpu.memory_space<vmem>>, vector<1x16xf32>,
      %swap3A_1003 = vector.shape_cast %swap3A_1002 : vector<1x16xf32> to vector<16xf32>
      %swap3A_1004 = vector.shape_cast %add3A_999 : vector<16xf32> to vector<1x16xf32>
      tpu.vector_store %arg10[%swap3A_1000, %swap3A_1001], %swap3A_1004 {strides = array<i32>} : memref<16x768xf32, #tpu.memory_space<vmem>>, vector<1x16xf32>,
      %mul3A_1005 = arith.constant 2 : i32
      %mul3A_1006 = arith.muli %mul3A_1005, %scan3A_108 : i32
      %get3A_1007 = arith.index_cast %mul3A_1006 : i32 to index
      %get3A_1008 = arith.constant 640 : index
      %get3A_1009 = tpu.vector_load %arg8[%get3A_1007, %get3A_1008] {strides = array<i32>} : memref<32x768xf32, #tpu.memory_space<vmem>>, vector<1x16xf32>,
      %get3A_1010 = vector.shape_cast %get3A_1009 : vector<1x16xf32> to vector<16xf32>
      %mul3A_1011 = arith.mulf %get3A_115, %get3A_1010 : vector<16xf32>
      %mul3A_1012 = arith.constant 2 : i32
      %mul3A_1013 = arith.muli %mul3A_1012, %scan3A_108 : i32
      %add3A_1014 = arith.constant 1 : i32
      %add3A_1015 = arith.addi %mul3A_1013, %add3A_1014 : i32
      %get3A_1016 = arith.index_cast %add3A_1015 : i32 to index
      %get3A_1017 = arith.constant 640 : index
      %get3A_1018 = tpu.vector_load %arg8[%get3A_1016, %get3A_1017] {strides = array<i32>} : memref<32x768xf32, #tpu.memory_space<vmem>>, vector<1x16xf32>,
      %get3A_1019 = vector.shape_cast %get3A_1018 : vector<1x16xf32> to vector<16xf32>
      %mul3A_1020 = arith.mulf %get3A_125, %get3A_1019 : vector<16xf32>
      %add3A_1021 = arith.addf %mul3A_1011, %mul3A_1020 : vector<16xf32>
      %swap3A_1022 = arith.index_cast %scan3A_108 : i32 to index
      %swap3A_1023 = arith.constant 640 : index
      %swap3A_1024 = tpu.vector_load %arg10[%swap3A_1022, %swap3A_1023] {strides = array<i32>} : memref<16x768xf32, #tpu.memory_space<vmem>>, vector<1x16xf32>,
      %swap3A_1025 = vector.shape_cast %swap3A_1024 : vector<1x16xf32> to vector<16xf32>
      %swap3A_1026 = vector.shape_cast %add3A_1021 : vector<16xf32> to vector<1x16xf32>
      tpu.vector_store %arg10[%swap3A_1022, %swap3A_1023], %swap3A_1026 {strides = array<i32>} : memref<16x768xf32, #tpu.memory_space<vmem>>, vector<1x16xf32>,
      %mul3A_1027 = arith.constant 2 : i32
      %mul3A_1028 = arith.muli %mul3A_1027, %scan3A_108 : i32
      %get3A_1029 = arith.index_cast %mul3A_1028 : i32 to index
      %get3A_1030 = arith.constant 656 : index
      %get3A_1031 = tpu.vector_load %arg8[%get3A_1029, %get3A_1030] {strides = array<i32>} : memref<32x768xf32, #tpu.memory_space<vmem>>, vector<1x16xf32>,
      %get3A_1032 = vector.shape_cast %get3A_1031 : vector<1x16xf32> to vector<16xf32>
      %mul3A_1033 = arith.mulf %get3A_115, %get3A_1032 : vector<16xf32>
      %mul3A_1034 = arith.constant 2 : i32
      %mul3A_1035 = arith.muli %mul3A_1034, %scan3A_108 : i32
      %add3A_1036 = arith.constant 1 : i32
      %add3A_1037 = arith.addi %mul3A_1035, %add3A_1036 : i32
      %get3A_1038 = arith.index_cast %add3A_1037 : i32 to index
      %get3A_1039 = arith.constant 656 : index
      %get3A_1040 = tpu.vector_load %arg8[%get3A_1038, %get3A_1039] {strides = array<i32>} : memref<32x768xf32, #tpu.memory_space<vmem>>, vector<1x16xf32>,
      %get3A_1041 = vector.shape_cast %get3A_1040 : vector<1x16xf32> to vector<16xf32>
      %mul3A_1042 = arith.mulf %get3A_125, %get3A_1041 : vector<16xf32>
      %add3A_1043 = arith.addf %mul3A_1033, %mul3A_1042 : vector<16xf32>
      %swap3A_1044 = arith.index_cast %scan3A_108 : i32 to index
      %swap3A_1045 = arith.constant 656 : index
      %swap3A_1046 = tpu.vector_load %arg10[%swap3A_1044, %swap3A_1045] {strides = array<i32>} : memref<16x768xf32, #tpu.memory_space<vmem>>, vector<1x16xf32>,
      %swap3A_1047 = vector.shape_cast %swap3A_1046 : vector<1x16xf32> to vector<16xf32>
      %swap3A_1048 = vector.shape_cast %add3A_1043 : vector<16xf32> to vector<1x16xf32>
      tpu.vector_store %arg10[%swap3A_1044, %swap3A_1045], %swap3A_1048 {strides = array<i32>} : memref<16x768xf32, #tpu.memory_space<vmem>>, vector<1x16xf32>,
      %mul3A_1049 = arith.constant 2 : i32
      %mul3A_1050 = arith.muli %mul3A_1049, %scan3A_108 : i32
      %get3A_1051 = arith.index_cast %mul3A_1050 : i32 to index
      %get3A_1052 = arith.constant 672 : index
      %get3A_1053 = tpu.vector_load %arg8[%get3A_1051, %get3A_1052] {strides = array<i32>} : memref<32x768xf32, #tpu.memory_space<vmem>>, vector<1x16xf32>,
      %get3A_1054 = vector.shape_cast %get3A_1053 : vector<1x16xf32> to vector<16xf32>
      %mul3A_1055 = arith.mulf %get3A_115, %get3A_1054 : vector<16xf32>
      %mul3A_1056 = arith.constant 2 : i32
      %mul3A_1057 = arith.muli %mul3A_1056, %scan3A_108 : i32
      %add3A_1058 = arith.constant 1 : i32
      %add3A_1059 = arith.addi %mul3A_1057, %add3A_1058 : i32
      %get3A_1060 = arith.index_cast %add3A_1059 : i32 to index
      %get3A_1061 = arith.constant 672 : index
      %get3A_1062 = tpu.vector_load %arg8[%get3A_1060, %get3A_1061] {strides = array<i32>} : memref<32x768xf32, #tpu.memory_space<vmem>>, vector<1x16xf32>,
      %get3A_1063 = vector.shape_cast %get3A_1062 : vector<1x16xf32> to vector<16xf32>
      %mul3A_1064 = arith.mulf %get3A_125, %get3A_1063 : vector<16xf32>
      %add3A_1065 = arith.addf %mul3A_1055, %mul3A_1064 : vector<16xf32>
      %swap3A_1066 = arith.index_cast %scan3A_108 : i32 to index
      %swap3A_1067 = arith.constant 672 : index
      %swap3A_1068 = tpu.vector_load %arg10[%swap3A_1066, %swap3A_1067] {strides = array<i32>} : memref<16x768xf32, #tpu.memory_space<vmem>>, vector<1x16xf32>,
      %swap3A_1069 = vector.shape_cast %swap3A_1068 : vector<1x16xf32> to vector<16xf32>
      %swap3A_1070 = vector.shape_cast %add3A_1065 : vector<16xf32> to vector<1x16xf32>
      tpu.vector_store %arg10[%swap3A_1066, %swap3A_1067], %swap3A_1070 {strides = array<i32>} : memref<16x768xf32, #tpu.memory_space<vmem>>, vector<1x16xf32>,
      %mul3A_1071 = arith.constant 2 : i32
      %mul3A_1072 = arith.muli %mul3A_1071, %scan3A_108 : i32
      %get3A_1073 = arith.index_cast %mul3A_1072 : i32 to index
      %get3A_1074 = arith.constant 688 : index
      %get3A_1075 = tpu.vector_load %arg8[%get3A_1073, %get3A_1074] {strides = array<i32>} : memref<32x768xf32, #tpu.memory_space<vmem>>, vector<1x16xf32>,
      %get3A_1076 = vector.shape_cast %get3A_1075 : vector<1x16xf32> to vector<16xf32>
      %mul3A_1077 = arith.mulf %get3A_115, %get3A_1076 : vector<16xf32>
      %mul3A_1078 = arith.constant 2 : i32
      %mul3A_1079 = arith.muli %mul3A_1078, %scan3A_108 : i32
      %add3A_1080 = arith.constant 1 : i32
      %add3A_1081 = arith.addi %mul3A_1079, %add3A_1080 : i32
      %get3A_1082 = arith.index_cast %add3A_1081 : i32 to index
      %get3A_1083 = arith.constant 688 : index
      %get3A_1084 = tpu.vector_load %arg8[%get3A_1082, %get3A_1083] {strides = array<i32>} : memref<32x768xf32, #tpu.memory_space<vmem>>, vector<1x16xf32>,
      %get3A_1085 = vector.shape_cast %get3A_1084 : vector<1x16xf32> to vector<16xf32>
      %mul3A_1086 = arith.mulf %get3A_125, %get3A_1085 : vector<16xf32>
      %add3A_1087 = arith.addf %mul3A_1077, %mul3A_1086 : vector<16xf32>
      %swap3A_1088 = arith.index_cast %scan3A_108 : i32 to index
      %swap3A_1089 = arith.constant 688 : index
      %swap3A_1090 = tpu.vector_load %arg10[%swap3A_1088, %swap3A_1089] {strides = array<i32>} : memref<16x768xf32, #tpu.memory_space<vmem>>, vector<1x16xf32>,
      %swap3A_1091 = vector.shape_cast %swap3A_1090 : vector<1x16xf32> to vector<16xf32>
      %swap3A_1092 = vector.shape_cast %add3A_1087 : vector<16xf32> to vector<1x16xf32>
      tpu.vector_store %arg10[%swap3A_1088, %swap3A_1089], %swap3A_1092 {strides = array<i32>} : memref<16x768xf32, #tpu.memory_space<vmem>>, vector<1x16xf32>,
      %mul3A_1093 = arith.constant 2 : i32
      %mul3A_1094 = arith.muli %mul3A_1093, %scan3A_108 : i32
      %get3A_1095 = arith.index_cast %mul3A_1094 : i32 to index
      %get3A_1096 = arith.constant 704 : index
      %get3A_1097 = tpu.vector_load %arg8[%get3A_1095, %get3A_1096] {strides = array<i32>} : memref<32x768xf32, #tpu.memory_space<vmem>>, vector<1x16xf32>,
      %get3A_1098 = vector.shape_cast %get3A_1097 : vector<1x16xf32> to vector<16xf32>
      %mul3A_1099 = arith.mulf %get3A_115, %get3A_1098 : vector<16xf32>
      %mul3A_1100 = arith.constant 2 : i32
      %mul3A_1101 = arith.muli %mul3A_1100, %scan3A_108 : i32
      %add3A_1102 = arith.constant 1 : i32
      %add3A_1103 = arith.addi %mul3A_1101, %add3A_1102 : i32
      %get3A_1104 = arith.index_cast %add3A_1103 : i32 to index
      %get3A_1105 = arith.constant 704 : index
      %get3A_1106 = tpu.vector_load %arg8[%get3A_1104, %get3A_1105] {strides = array<i32>} : memref<32x768xf32, #tpu.memory_space<vmem>>, vector<1x16xf32>,
      %get3A_1107 = vector.shape_cast %get3A_1106 : vector<1x16xf32> to vector<16xf32>
      %mul3A_1108 = arith.mulf %get3A_125, %get3A_1107 : vector<16xf32>
      %add3A_1109 = arith.addf %mul3A_1099, %mul3A_1108 : vector<16xf32>
      %swap3A_1110 = arith.index_cast %scan3A_108 : i32 to index
      %swap3A_1111 = arith.constant 704 : index
      %swap3A_1112 = tpu.vector_load %arg10[%swap3A_1110, %swap3A_1111] {strides = array<i32>} : memref<16x768xf32, #tpu.memory_space<vmem>>, vector<1x16xf32>,
      %swap3A_1113 = vector.shape_cast %swap3A_1112 : vector<1x16xf32> to vector<16xf32>
      %swap3A_1114 = vector.shape_cast %add3A_1109 : vector<16xf32> to vector<1x16xf32>
      tpu.vector_store %arg10[%swap3A_1110, %swap3A_1111], %swap3A_1114 {strides = array<i32>} : memref<16x768xf32, #tpu.memory_space<vmem>>, vector<1x16xf32>,
      %mul3A_1115 = arith.constant 2 : i32
      %mul3A_1116 = arith.muli %mul3A_1115, %scan3A_108 : i32
      %get3A_1117 = arith.index_cast %mul3A_1116 : i32 to index
      %get3A_1118 = arith.constant 720 : index
      %get3A_1119 = tpu.vector_load %arg8[%get3A_1117, %get3A_1118] {strides = array<i32>} : memref<32x768xf32, #tpu.memory_space<vmem>>, vector<1x16xf32>,
      %get3A_1120 = vector.shape_cast %get3A_1119 : vector<1x16xf32> to vector<16xf32>
      %mul3A_1121 = arith.mulf %get3A_115, %get3A_1120 : vector<16xf32>
      %mul3A_1122 = arith.constant 2 : i32
      %mul3A_1123 = arith.muli %mul3A_1122, %scan3A_108 : i32
      %add3A_1124 = arith.constant 1 : i32
      %add3A_1125 = arith.addi %mul3A_1123, %add3A_1124 : i32
      %get3A_1126 = arith.index_cast %add3A_1125 : i32 to index
      %get3A_1127 = arith.constant 720 : index
      %get3A_1128 = tpu.vector_load %arg8[%get3A_1126, %get3A_1127] {strides = array<i32>} : memref<32x768xf32, #tpu.memory_space<vmem>>, vector<1x16xf32>,
      %get3A_1129 = vector.shape_cast %get3A_1128 : vector<1x16xf32> to vector<16xf32>
      %mul3A_1130 = arith.mulf %get3A_125, %get3A_1129 : vector<16xf32>
      %add3A_1131 = arith.addf %mul3A_1121, %mul3A_1130 : vector<16xf32>
      %swap3A_1132 = arith.index_cast %scan3A_108 : i32 to index
      %swap3A_1133 = arith.constant 720 : index
      %swap3A_1134 = tpu.vector_load %arg10[%swap3A_1132, %swap3A_1133] {strides = array<i32>} : memref<16x768xf32, #tpu.memory_space<vmem>>, vector<1x16xf32>,
      %swap3A_1135 = vector.shape_cast %swap3A_1134 : vector<1x16xf32> to vector<16xf32>
      %swap3A_1136 = vector.shape_cast %add3A_1131 : vector<16xf32> to vector<1x16xf32>
      tpu.vector_store %arg10[%swap3A_1132, %swap3A_1133], %swap3A_1136 {strides = array<i32>} : memref<16x768xf32, #tpu.memory_space<vmem>>, vector<1x16xf32>,
      %mul3A_1137 = arith.constant 2 : i32
      %mul3A_1138 = arith.muli %mul3A_1137, %scan3A_108 : i32
      %get3A_1139 = arith.index_cast %mul3A_1138 : i32 to index
      %get3A_1140 = arith.constant 736 : index
      %get3A_1141 = tpu.vector_load %arg8[%get3A_1139, %get3A_1140] {strides = array<i32>} : memref<32x768xf32, #tpu.memory_space<vmem>>, vector<1x16xf32>,
      %get3A_1142 = vector.shape_cast %get3A_1141 : vector<1x16xf32> to vector<16xf32>
      %mul3A_1143 = arith.mulf %get3A_115, %get3A_1142 : vector<16xf32>
      %mul3A_1144 = arith.constant 2 : i32
      %mul3A_1145 = arith.muli %mul3A_1144, %scan3A_108 : i32
      %add3A_1146 = arith.constant 1 : i32
      %add3A_1147 = arith.addi %mul3A_1145, %add3A_1146 : i32
      %get3A_1148 = arith.index_cast %add3A_1147 : i32 to index
      %get3A_1149 = arith.constant 736 : index
      %get3A_1150 = tpu.vector_load %arg8[%get3A_1148, %get3A_1149] {strides = array<i32>} : memref<32x768xf32, #tpu.memory_space<vmem>>, vector<1x16xf32>,
      %get3A_1151 = vector.shape_cast %get3A_1150 : vector<1x16xf32> to vector<16xf32>
      %mul3A_1152 = arith.mulf %get3A_125, %get3A_1151 : vector<16xf32>
      %add3A_1153 = arith.addf %mul3A_1143, %mul3A_1152 : vector<16xf32>
      %swap3A_1154 = arith.index_cast %scan3A_108 : i32 to index
      %swap3A_1155 = arith.constant 736 : index
      %swap3A_1156 = tpu.vector_load %arg10[%swap3A_1154, %swap3A_1155] {strides = array<i32>} : memref<16x768xf32, #tpu.memory_space<vmem>>, vector<1x16xf32>,
      %swap3A_1157 = vector.shape_cast %swap3A_1156 : vector<1x16xf32> to vector<16xf32>
      %swap3A_1158 = vector.shape_cast %add3A_1153 : vector<16xf32> to vector<1x16xf32>
      tpu.vector_store %arg10[%swap3A_1154, %swap3A_1155], %swap3A_1158 {strides = array<i32>} : memref<16x768xf32, #tpu.memory_space<vmem>>, vector<1x16xf32>,
      %mul3A_1159 = arith.constant 2 : i32
      %mul3A_1160 = arith.muli %mul3A_1159, %scan3A_108 : i32
      %get3A_1161 = arith.index_cast %mul3A_1160 : i32 to index
      %get3A_1162 = arith.constant 752 : index
      %get3A_1163 = tpu.vector_load %arg8[%get3A_1161, %get3A_1162] {strides = array<i32>} : memref<32x768xf32, #tpu.memory_space<vmem>>, vector<1x16xf32>,
      %get3A_1164 = vector.shape_cast %get3A_1163 : vector<1x16xf32> to vector<16xf32>
      %mul3A_1165 = arith.mulf %get3A_115, %get3A_1164 : vector<16xf32>
      %mul3A_1166 = arith.constant 2 : i32
      %mul3A_1167 = arith.muli %mul3A_1166, %scan3A_108 : i32
      %add3A_1168 = arith.constant 1 : i32
      %add3A_1169 = arith.addi %mul3A_1167, %add3A_1168 : i32
      %get3A_1170 = arith.index_cast %add3A_1169 : i32 to index
      %get3A_1171 = arith.constant 752 : index
      %get3A_1172 = tpu.vector_load %arg8[%get3A_1170, %get3A_1171] {strides = array<i32>} : memref<32x768xf32, #tpu.memory_space<vmem>>, vector<1x16xf32>,
      %get3A_1173 = vector.shape_cast %get3A_1172 : vector<1x16xf32> to vector<16xf32>
      %mul3A_1174 = arith.mulf %get3A_125, %get3A_1173 : vector<16xf32>
      %add3A_1175 = arith.addf %mul3A_1165, %mul3A_1174 : vector<16xf32>
      %swap3A_1176 = arith.index_cast %scan3A_108 : i32 to index
      %swap3A_1177 = arith.constant 752 : index
      %swap3A_1178 = tpu.vector_load %arg10[%swap3A_1176, %swap3A_1177] {strides = array<i32>} : memref<16x768xf32, #tpu.memory_space<vmem>>, vector<1x16xf32>,
      %swap3A_1179 = vector.shape_cast %swap3A_1178 : vector<1x16xf32> to vector<16xf32>
      %swap3A_1180 = vector.shape_cast %add3A_1175 : vector<16xf32> to vector<1x16xf32>
      tpu.vector_store %arg10[%swap3A_1176, %swap3A_1177], %swap3A_1180 {strides = array<i32>} : memref<16x768xf32, #tpu.memory_space<vmem>>, vector<1x16xf32>,
    }
    %scan3A_72 = arith.constant 16 : i32
    %add3A_73 = arith.constant 32 : i32
    %add3A_74 = arith.addi %mul3A_2, %add3A_73 : i32
    %dma_start3A_75 = arith.constant 0 : i32
    %dma_start3A_76 = tpu.memref_slice %arg5[%add3A_74, %dma_start3A_75] : memref<2048x768xf32, #tpu.memory_space<hbm>> -> memref<16x768xf32, #tpu.memory_space<hbm>>
    %dma_start3A_77 = arith.constant 0 : i32
    %dma_start3A_78 = tpu.memref_slice %arg5[%add3A_74, %dma_start3A_77] : memref<2048x768xf32, #tpu.memory_space<hbm>> -> memref<16x768xf32, #tpu.memory_space<hbm>>
    tpu.enqueue_dma source(%arg10 : memref<16x768xf32, #tpu.memory_space<vmem>>) target(%dma_start3A_78 : memref<16x768xf32, #tpu.memory_space<hbm>>) target_semaphore(%arg14 : memref<!tpu.dma_semaphore, #tpu.memory_space<semaphore_mem>>)
    %dma_wait3A_79 = arith.constant 96 : i32
    %dma_wait3A_80 = tpu.memref_slice %arg6[%dma_wait3A_79] : memref<128xi32, #tpu.memory_space<vmem>> -> memref<32xi32, #tpu.memory_space<vmem>>
    %dma_wait3A_81 = arith.constant 0 : i32
    %dma_wait3A_82 = arith.constant 0 : i32
    %dma_wait3A_83 = tpu.memref_slice %arg2[%dma_wait3A_81, %dma_wait3A_82] : memref<6144x768xf32, #tpu.memory_space<hbm>> -> memref<6144x768xf32, #tpu.memory_space<hbm>>
    tpu.wait_indirect_dma semaphore(%arg13 : memref<!tpu.dma_semaphore, #tpu.memory_space<semaphore_mem>>) src(%dma_wait3A_83 : memref<6144x768xf32, #tpu.memory_space<hbm>>) dst(%arg9 : memref<32x768xf32, #tpu.memory_space<vmem>>)
    %dma_wait3A_84 = arith.constant 0 : i32
    %dma_wait3A_85 = tpu.memref_slice %arg5[%add3A_48, %dma_wait3A_84] : memref<2048x768xf32, #tpu.memory_space<hbm>> -> memref<16x768xf32, #tpu.memory_space<hbm>>
    %dma_wait3A_86 = arith.constant 0 : i32
    %dma_wait3A_87 = tpu.memref_slice %arg5[%add3A_48, %dma_wait3A_86] : memref<2048x768xf32, #tpu.memory_space<hbm>> -> memref<16x768xf32, #tpu.memory_space<hbm>>
    tpu.wait_dma2 semaphore(%arg15 : memref<!tpu.dma_semaphore, #tpu.memory_space<semaphore_mem>>) src(%arg11 : memref<16x768xf32, #tpu.memory_space<vmem>>) dst(%dma_wait3A_87 : memref<16x768xf32, #tpu.memory_space<hbm>>)
    %scan3A_88 = arith.constant 0 : i32
    %scan3A_89 = arith.constant 0 : i32
    %scan3A_90 = arith.constant 16 : i32
    %scan3A_91 = arith.addi %scan3A_89, %scan3A_90 : i32
    %scan3A_92 = arith.constant 1 : i32
    scf.for %scan3A_108 = %scan3A_89 to %scan3A_91 step %scan3A_92  : i32 {
      %mul3A_109 = arith.constant 2 : i32
      %mul3A_110 = arith.muli %mul3A_109, %scan3A_108 : i32
      %add3A_111 = arith.constant 96 : i32
      %add3A_112 = arith.addi %add3A_111, %mul3A_110 : i32
      %get3A = arith.index_cast %add3A_112 : i32 to index
      %get3A_113 = arith.constant 0 : index
      %get3A_114 = tpu.vector_load %arg7[%get3A, %get3A_113] {strides = array<i32>} : memref<128x16xf32, #tpu.memory_space<vmem>>, vector<1x16xf32>,
      %get3A_115 = vector.shape_cast %get3A_114 : vector<1x16xf32> to vector<16xf32>
      %mul3A_116 = arith.constant 2 : i32
      %mul3A_117 = arith.muli %mul3A_116, %scan3A_108 : i32
      %add3A_118 = arith.constant 96 : i32
      %add3A_119 = arith.addi %add3A_118, %mul3A_117 : i32
      %add3A_120 = arith.constant 1 : i32
      %add3A_121 = arith.addi %add3A_119, %add3A_120 : i32
      %get3A_122 = arith.index_cast %add3A_121 : i32 to index
      %get3A_123 = arith.constant 0 : index
      %get3A_124 = tpu.vector_load %arg7[%get3A_122, %get3A_123] {strides = array<i32>} : memref<128x16xf32, #tpu.memory_space<vmem>>, vector<1x16xf32>,
      %get3A_125 = vector.shape_cast %get3A_124 : vector<1x16xf32> to vector<16xf32>
      %mul3A_126 = arith.constant 2 : i32
      %mul3A_127 = arith.muli %mul3A_126, %scan3A_108 : i32
      %get3A_128 = arith.index_cast %mul3A_127 : i32 to index
      %get3A_129 = arith.constant 0 : index
      %get3A_130 = tpu.vector_load %arg9[%get3A_128, %get3A_129] {strides = array<i32>} : memref<32x768xf32, #tpu.memory_space<vmem>>, vector<1x16xf32>,
      %get3A_131 = vector.shape_cast %get3A_130 : vector<1x16xf32> to vector<16xf32>
      %mul3A_132 = arith.mulf %get3A_115, %get3A_131 : vector<16xf32>
      %mul3A_133 = arith.constant 2 : i32
      %mul3A_134 = arith.muli %mul3A_133, %scan3A_108 : i32
      %add3A_135 = arith.constant 1 : i32
      %add3A_136 = arith.addi %mul3A_134, %add3A_135 : i32
      %get3A_137 = arith.index_cast %add3A_136 : i32 to index
      %get3A_138 = arith.constant 0 : index
      %get3A_139 = tpu.vector_load %arg9[%get3A_137, %get3A_138] {strides = array<i32>} : memref<32x768xf32, #tpu.memory_space<vmem>>, vector<1x16xf32>,
      %get3A_140 = vector.shape_cast %get3A_139 : vector<1x16xf32> to vector<16xf32>
      %mul3A_141 = arith.mulf %get3A_125, %get3A_140 : vector<16xf32>
      %add3A_142 = arith.addf %mul3A_132, %mul3A_141 : vector<16xf32>
      %swap3A = arith.index_cast %scan3A_108 : i32 to index
      %swap3A_143 = arith.constant 0 : index
      %swap3A_144 = tpu.vector_load %arg11[%swap3A, %swap3A_143] {strides = array<i32>} : memref<16x768xf32, #tpu.memory_space<vmem>>, vector<1x16xf32>,
      %swap3A_145 = vector.shape_cast %swap3A_144 : vector<1x16xf32> to vector<16xf32>
      %swap3A_146 = vector.shape_cast %add3A_142 : vector<16xf32> to vector<1x16xf32>
      tpu.vector_store %arg11[%swap3A, %swap3A_143], %swap3A_146 {strides = array<i32>} : memref<16x768xf32, #tpu.memory_space<vmem>>, vector<1x16xf32>,
      %mul3A_147 = arith.constant 2 : i32
      %mul3A_148 = arith.muli %mul3A_147, %scan3A_108 : i32
      %get3A_149 = arith.index_cast %mul3A_148 : i32 to index
      %get3A_150 = arith.constant 16 : index
      %get3A_151 = tpu.vector_load %arg9[%get3A_149, %get3A_150] {strides = array<i32>} : memref<32x768xf32, #tpu.memory_space<vmem>>, vector<1x16xf32>,
      %get3A_152 = vector.shape_cast %get3A_151 : vector<1x16xf32> to vector<16xf32>
      %mul3A_153 = arith.mulf %get3A_115, %get3A_152 : vector<16xf32>
      %mul3A_154 = arith.constant 2 : i32
      %mul3A_155 = arith.muli %mul3A_154, %scan3A_108 : i32
      %add3A_156 = arith.constant 1 : i32
      %add3A_157 = arith.addi %mul3A_155, %add3A_156 : i32
      %get3A_158 = arith.index_cast %add3A_157 : i32 to index
      %get3A_159 = arith.constant 16 : index
      %get3A_160 = tpu.vector_load %arg9[%get3A_158, %get3A_159] {strides = array<i32>} : memref<32x768xf32, #tpu.memory_space<vmem>>, vector<1x16xf32>,
      %get3A_161 = vector.shape_cast %get3A_160 : vector<1x16xf32> to vector<16xf32>
      %mul3A_162 = arith.mulf %get3A_125, %get3A_161 : vector<16xf32>
      %add3A_163 = arith.addf %mul3A_153, %mul3A_162 : vector<16xf32>
      %swap3A_164 = arith.index_cast %scan3A_108 : i32 to index
      %swap3A_165 = arith.constant 16 : index
      %swap3A_166 = tpu.vector_load %arg11[%swap3A_164, %swap3A_165] {strides = array<i32>} : memref<16x768xf32, #tpu.memory_space<vmem>>, vector<1x16xf32>,
      %swap3A_167 = vector.shape_cast %swap3A_166 : vector<1x16xf32> to vector<16xf32>
      %swap3A_168 = vector.shape_cast %add3A_163 : vector<16xf32> to vector<1x16xf32>
      tpu.vector_store %arg11[%swap3A_164, %swap3A_165], %swap3A_168 {strides = array<i32>} : memref<16x768xf32, #tpu.memory_space<vmem>>, vector<1x16xf32>,
      %mul3A_169 = arith.constant 2 : i32
      %mul3A_170 = arith.muli %mul3A_169, %scan3A_108 : i32
      %get3A_171 = arith.index_cast %mul3A_170 : i32 to index
      %get3A_172 = arith.constant 32 : index
      %get3A_173 = tpu.vector_load %arg9[%get3A_171, %get3A_172] {strides = array<i32>} : memref<32x768xf32, #tpu.memory_space<vmem>>, vector<1x16xf32>,
      %get3A_174 = vector.shape_cast %get3A_173 : vector<1x16xf32> to vector<16xf32>
      %mul3A_175 = arith.mulf %get3A_115, %get3A_174 : vector<16xf32>
      %mul3A_176 = arith.constant 2 : i32
      %mul3A_177 = arith.muli %mul3A_176, %scan3A_108 : i32
      %add3A_178 = arith.constant 1 : i32
      %add3A_179 = arith.addi %mul3A_177, %add3A_178 : i32
      %get3A_180 = arith.index_cast %add3A_179 : i32 to index
      %get3A_181 = arith.constant 32 : index
      %get3A_182 = tpu.vector_load %arg9[%get3A_180, %get3A_181] {strides = array<i32>} : memref<32x768xf32, #tpu.memory_space<vmem>>, vector<1x16xf32>,
      %get3A_183 = vector.shape_cast %get3A_182 : vector<1x16xf32> to vector<16xf32>
      %mul3A_184 = arith.mulf %get3A_125, %get3A_183 : vector<16xf32>
      %add3A_185 = arith.addf %mul3A_175, %mul3A_184 : vector<16xf32>
      %swap3A_186 = arith.index_cast %scan3A_108 : i32 to index
      %swap3A_187 = arith.constant 32 : index
      %swap3A_188 = tpu.vector_load %arg11[%swap3A_186, %swap3A_187] {strides = array<i32>} : memref<16x768xf32, #tpu.memory_space<vmem>>, vector<1x16xf32>,
      %swap3A_189 = vector.shape_cast %swap3A_188 : vector<1x16xf32> to vector<16xf32>
      %swap3A_190 = vector.shape_cast %add3A_185 : vector<16xf32> to vector<1x16xf32>
      tpu.vector_store %arg11[%swap3A_186, %swap3A_187], %swap3A_190 {strides = array<i32>} : memref<16x768xf32, #tpu.memory_space<vmem>>, vector<1x16xf32>,
      %mul3A_191 = arith.constant 2 : i32
      %mul3A_192 = arith.muli %mul3A_191, %scan3A_108 : i32
      %get3A_193 = arith.index_cast %mul3A_192 : i32 to index
      %get3A_194 = arith.constant 48 : index
      %get3A_195 = tpu.vector_load %arg9[%get3A_193, %get3A_194] {strides = array<i32>} : memref<32x768xf32, #tpu.memory_space<vmem>>, vector<1x16xf32>,
      %get3A_196 = vector.shape_cast %get3A_195 : vector<1x16xf32> to vector<16xf32>
      %mul3A_197 = arith.mulf %get3A_115, %get3A_196 : vector<16xf32>
      %mul3A_198 = arith.constant 2 : i32
      %mul3A_199 = arith.muli %mul3A_198, %scan3A_108 : i32
      %add3A_200 = arith.constant 1 : i32
      %add3A_201 = arith.addi %mul3A_199, %add3A_200 : i32
      %get3A_202 = arith.index_cast %add3A_201 : i32 to index
      %get3A_203 = arith.constant 48 : index
      %get3A_204 = tpu.vector_load %arg9[%get3A_202, %get3A_203] {strides = array<i32>} : memref<32x768xf32, #tpu.memory_space<vmem>>, vector<1x16xf32>,
      %get3A_205 = vector.shape_cast %get3A_204 : vector<1x16xf32> to vector<16xf32>
      %mul3A_206 = arith.mulf %get3A_125, %get3A_205 : vector<16xf32>
      %add3A_207 = arith.addf %mul3A_197, %mul3A_206 : vector<16xf32>
      %swap3A_208 = arith.index_cast %scan3A_108 : i32 to index
      %swap3A_209 = arith.constant 48 : index
      %swap3A_210 = tpu.vector_load %arg11[%swap3A_208, %swap3A_209] {strides = array<i32>} : memref<16x768xf32, #tpu.memory_space<vmem>>, vector<1x16xf32>,
      %swap3A_211 = vector.shape_cast %swap3A_210 : vector<1x16xf32> to vector<16xf32>
      %swap3A_212 = vector.shape_cast %add3A_207 : vector<16xf32> to vector<1x16xf32>
      tpu.vector_store %arg11[%swap3A_208, %swap3A_209], %swap3A_212 {strides = array<i32>} : memref<16x768xf32, #tpu.memory_space<vmem>>, vector<1x16xf32>,
      %mul3A_213 = arith.constant 2 : i32
      %mul3A_214 = arith.muli %mul3A_213, %scan3A_108 : i32
      %get3A_215 = arith.index_cast %mul3A_214 : i32 to index
      %get3A_216 = arith.constant 64 : index
      %get3A_217 = tpu.vector_load %arg9[%get3A_215, %get3A_216] {strides = array<i32>} : memref<32x768xf32, #tpu.memory_space<vmem>>, vector<1x16xf32>,
      %get3A_218 = vector.shape_cast %get3A_217 : vector<1x16xf32> to vector<16xf32>
      %mul3A_219 = arith.mulf %get3A_115, %get3A_218 : vector<16xf32>
      %mul3A_220 = arith.constant 2 : i32
      %mul3A_221 = arith.muli %mul3A_220, %scan3A_108 : i32
      %add3A_222 = arith.constant 1 : i32
      %add3A_223 = arith.addi %mul3A_221, %add3A_222 : i32
      %get3A_224 = arith.index_cast %add3A_223 : i32 to index
      %get3A_225 = arith.constant 64 : index
      %get3A_226 = tpu.vector_load %arg9[%get3A_224, %get3A_225] {strides = array<i32>} : memref<32x768xf32, #tpu.memory_space<vmem>>, vector<1x16xf32>,
      %get3A_227 = vector.shape_cast %get3A_226 : vector<1x16xf32> to vector<16xf32>
      %mul3A_228 = arith.mulf %get3A_125, %get3A_227 : vector<16xf32>
      %add3A_229 = arith.addf %mul3A_219, %mul3A_228 : vector<16xf32>
      %swap3A_230 = arith.index_cast %scan3A_108 : i32 to index
      %swap3A_231 = arith.constant 64 : index
      %swap3A_232 = tpu.vector_load %arg11[%swap3A_230, %swap3A_231] {strides = array<i32>} : memref<16x768xf32, #tpu.memory_space<vmem>>, vector<1x16xf32>,
      %swap3A_233 = vector.shape_cast %swap3A_232 : vector<1x16xf32> to vector<16xf32>
      %swap3A_234 = vector.shape_cast %add3A_229 : vector<16xf32> to vector<1x16xf32>
      tpu.vector_store %arg11[%swap3A_230, %swap3A_231], %swap3A_234 {strides = array<i32>} : memref<16x768xf32, #tpu.memory_space<vmem>>, vector<1x16xf32>,
      %mul3A_235 = arith.constant 2 : i32
      %mul3A_236 = arith.muli %mul3A_235, %scan3A_108 : i32
      %get3A_237 = arith.index_cast %mul3A_236 : i32 to index
      %get3A_238 = arith.constant 80 : index
      %get3A_239 = tpu.vector_load %arg9[%get3A_237, %get3A_238] {strides = array<i32>} : memref<32x768xf32, #tpu.memory_space<vmem>>, vector<1x16xf32>,
      %get3A_240 = vector.shape_cast %get3A_239 : vector<1x16xf32> to vector<16xf32>
      %mul3A_241 = arith.mulf %get3A_115, %get3A_240 : vector<16xf32>
      %mul3A_242 = arith.constant 2 : i32
      %mul3A_243 = arith.muli %mul3A_242, %scan3A_108 : i32
      %add3A_244 = arith.constant 1 : i32
      %add3A_245 = arith.addi %mul3A_243, %add3A_244 : i32
      %get3A_246 = arith.index_cast %add3A_245 : i32 to index
      %get3A_247 = arith.constant 80 : index
      %get3A_248 = tpu.vector_load %arg9[%get3A_246, %get3A_247] {strides = array<i32>} : memref<32x768xf32, #tpu.memory_space<vmem>>, vector<1x16xf32>,
      %get3A_249 = vector.shape_cast %get3A_248 : vector<1x16xf32> to vector<16xf32>
      %mul3A_250 = arith.mulf %get3A_125, %get3A_249 : vector<16xf32>
      %add3A_251 = arith.addf %mul3A_241, %mul3A_250 : vector<16xf32>
      %swap3A_252 = arith.index_cast %scan3A_108 : i32 to index
      %swap3A_253 = arith.constant 80 : index
      %swap3A_254 = tpu.vector_load %arg11[%swap3A_252, %swap3A_253] {strides = array<i32>} : memref<16x768xf32, #tpu.memory_space<vmem>>, vector<1x16xf32>,
      %swap3A_255 = vector.shape_cast %swap3A_254 : vector<1x16xf32> to vector<16xf32>
      %swap3A_256 = vector.shape_cast %add3A_251 : vector<16xf32> to vector<1x16xf32>
      tpu.vector_store %arg11[%swap3A_252, %swap3A_253], %swap3A_256 {strides = array<i32>} : memref<16x768xf32, #tpu.memory_space<vmem>>, vector<1x16xf32>,
      %mul3A_257 = arith.constant 2 : i32
      %mul3A_258 = arith.muli %mul3A_257, %scan3A_108 : i32
      %get3A_259 = arith.index_cast %mul3A_258 : i32 to index
      %get3A_260 = arith.constant 96 : index
      %get3A_261 = tpu.vector_load %arg9[%get3A_259, %get3A_260] {strides = array<i32>} : memref<32x768xf32, #tpu.memory_space<vmem>>, vector<1x16xf32>,
      %get3A_262 = vector.shape_cast %get3A_261 : vector<1x16xf32> to vector<16xf32>
      %mul3A_263 = arith.mulf %get3A_115, %get3A_262 : vector<16xf32>
      %mul3A_264 = arith.constant 2 : i32
      %mul3A_265 = arith.muli %mul3A_264, %scan3A_108 : i32
      %add3A_266 = arith.constant 1 : i32
      %add3A_267 = arith.addi %mul3A_265, %add3A_266 : i32
      %get3A_268 = arith.index_cast %add3A_267 : i32 to index
      %get3A_269 = arith.constant 96 : index
      %get3A_270 = tpu.vector_load %arg9[%get3A_268, %get3A_269] {strides = array<i32>} : memref<32x768xf32, #tpu.memory_space<vmem>>, vector<1x16xf32>,
      %get3A_271 = vector.shape_cast %get3A_270 : vector<1x16xf32> to vector<16xf32>
      %mul3A_272 = arith.mulf %get3A_125, %get3A_271 : vector<16xf32>
      %add3A_273 = arith.addf %mul3A_263, %mul3A_272 : vector<16xf32>
      %swap3A_274 = arith.index_cast %scan3A_108 : i32 to index
      %swap3A_275 = arith.constant 96 : index
      %swap3A_276 = tpu.vector_load %arg11[%swap3A_274, %swap3A_275] {strides = array<i32>} : memref<16x768xf32, #tpu.memory_space<vmem>>, vector<1x16xf32>,
      %swap3A_277 = vector.shape_cast %swap3A_276 : vector<1x16xf32> to vector<16xf32>
      %swap3A_278 = vector.shape_cast %add3A_273 : vector<16xf32> to vector<1x16xf32>
      tpu.vector_store %arg11[%swap3A_274, %swap3A_275], %swap3A_278 {strides = array<i32>} : memref<16x768xf32, #tpu.memory_space<vmem>>, vector<1x16xf32>,
      %mul3A_279 = arith.constant 2 : i32
      %mul3A_280 = arith.muli %mul3A_279, %scan3A_108 : i32
      %get3A_281 = arith.index_cast %mul3A_280 : i32 to index
      %get3A_282 = arith.constant 112 : index
      %get3A_283 = tpu.vector_load %arg9[%get3A_281, %get3A_282] {strides = array<i32>} : memref<32x768xf32, #tpu.memory_space<vmem>>, vector<1x16xf32>,
      %get3A_284 = vector.shape_cast %get3A_283 : vector<1x16xf32> to vector<16xf32>
      %mul3A_285 = arith.mulf %get3A_115, %get3A_284 : vector<16xf32>
      %mul3A_286 = arith.constant 2 : i32
      %mul3A_287 = arith.muli %mul3A_286, %scan3A_108 : i32
      %add3A_288 = arith.constant 1 : i32
      %add3A_289 = arith.addi %mul3A_287, %add3A_288 : i32
      %get3A_290 = arith.index_cast %add3A_289 : i32 to index
      %get3A_291 = arith.constant 112 : index
      %get3A_292 = tpu.vector_load %arg9[%get3A_290, %get3A_291] {strides = array<i32>} : memref<32x768xf32, #tpu.memory_space<vmem>>, vector<1x16xf32>,
      %get3A_293 = vector.shape_cast %get3A_292 : vector<1x16xf32> to vector<16xf32>
      %mul3A_294 = arith.mulf %get3A_125, %get3A_293 : vector<16xf32>
      %add3A_295 = arith.addf %mul3A_285, %mul3A_294 : vector<16xf32>
      %swap3A_296 = arith.index_cast %scan3A_108 : i32 to index
      %swap3A_297 = arith.constant 112 : index
      %swap3A_298 = tpu.vector_load %arg11[%swap3A_296, %swap3A_297] {strides = array<i32>} : memref<16x768xf32, #tpu.memory_space<vmem>>, vector<1x16xf32>,
      %swap3A_299 = vector.shape_cast %swap3A_298 : vector<1x16xf32> to vector<16xf32>
      %swap3A_300 = vector.shape_cast %add3A_295 : vector<16xf32> to vector<1x16xf32>
      tpu.vector_store %arg11[%swap3A_296, %swap3A_297], %swap3A_300 {strides = array<i32>} : memref<16x768xf32, #tpu.memory_space<vmem>>, vector<1x16xf32>,
      %mul3A_301 = arith.constant 2 : i32
      %mul3A_302 = arith.muli %mul3A_301, %scan3A_108 : i32
      %get3A_303 = arith.index_cast %mul3A_302 : i32 to index
      %get3A_304 = arith.constant 128 : index
      %get3A_305 = tpu.vector_load %arg9[%get3A_303, %get3A_304] {strides = array<i32>} : memref<32x768xf32, #tpu.memory_space<vmem>>, vector<1x16xf32>,
      %get3A_306 = vector.shape_cast %get3A_305 : vector<1x16xf32> to vector<16xf32>
      %mul3A_307 = arith.mulf %get3A_115, %get3A_306 : vector<16xf32>
      %mul3A_308 = arith.constant 2 : i32
      %mul3A_309 = arith.muli %mul3A_308, %scan3A_108 : i32
      %add3A_310 = arith.constant 1 : i32
      %add3A_311 = arith.addi %mul3A_309, %add3A_310 : i32
      %get3A_312 = arith.index_cast %add3A_311 : i32 to index
      %get3A_313 = arith.constant 128 : index
      %get3A_314 = tpu.vector_load %arg9[%get3A_312, %get3A_313] {strides = array<i32>} : memref<32x768xf32, #tpu.memory_space<vmem>>, vector<1x16xf32>,
      %get3A_315 = vector.shape_cast %get3A_314 : vector<1x16xf32> to vector<16xf32>
      %mul3A_316 = arith.mulf %get3A_125, %get3A_315 : vector<16xf32>
      %add3A_317 = arith.addf %mul3A_307, %mul3A_316 : vector<16xf32>
      %swap3A_318 = arith.index_cast %scan3A_108 : i32 to index
      %swap3A_319 = arith.constant 128 : index
      %swap3A_320 = tpu.vector_load %arg11[%swap3A_318, %swap3A_319] {strides = array<i32>} : memref<16x768xf32, #tpu.memory_space<vmem>>, vector<1x16xf32>,
      %swap3A_321 = vector.shape_cast %swap3A_320 : vector<1x16xf32> to vector<16xf32>
      %swap3A_322 = vector.shape_cast %add3A_317 : vector<16xf32> to vector<1x16xf32>
      tpu.vector_store %arg11[%swap3A_318, %swap3A_319], %swap3A_322 {strides = array<i32>} : memref<16x768xf32, #tpu.memory_space<vmem>>, vector<1x16xf32>,
      %mul3A_323 = arith.constant 2 : i32
      %mul3A_324 = arith.muli %mul3A_323, %scan3A_108 : i32
      %get3A_325 = arith.index_cast %mul3A_324 : i32 to index
      %get3A_326 = arith.constant 144 : index
      %get3A_327 = tpu.vector_load %arg9[%get3A_325, %get3A_326] {strides = array<i32>} : memref<32x768xf32, #tpu.memory_space<vmem>>, vector<1x16xf32>,
      %get3A_328 = vector.shape_cast %get3A_327 : vector<1x16xf32> to vector<16xf32>
      %mul3A_329 = arith.mulf %get3A_115, %get3A_328 : vector<16xf32>
      %mul3A_330 = arith.constant 2 : i32
      %mul3A_331 = arith.muli %mul3A_330, %scan3A_108 : i32
      %add3A_332 = arith.constant 1 : i32
      %add3A_333 = arith.addi %mul3A_331, %add3A_332 : i32
      %get3A_334 = arith.index_cast %add3A_333 : i32 to index
      %get3A_335 = arith.constant 144 : index
      %get3A_336 = tpu.vector_load %arg9[%get3A_334, %get3A_335] {strides = array<i32>} : memref<32x768xf32, #tpu.memory_space<vmem>>, vector<1x16xf32>,
      %get3A_337 = vector.shape_cast %get3A_336 : vector<1x16xf32> to vector<16xf32>
      %mul3A_338 = arith.mulf %get3A_125, %get3A_337 : vector<16xf32>
      %add3A_339 = arith.addf %mul3A_329, %mul3A_338 : vector<16xf32>
      %swap3A_340 = arith.index_cast %scan3A_108 : i32 to index
      %swap3A_341 = arith.constant 144 : index
      %swap3A_342 = tpu.vector_load %arg11[%swap3A_340, %swap3A_341] {strides = array<i32>} : memref<16x768xf32, #tpu.memory_space<vmem>>, vector<1x16xf32>,
      %swap3A_343 = vector.shape_cast %swap3A_342 : vector<1x16xf32> to vector<16xf32>
      %swap3A_344 = vector.shape_cast %add3A_339 : vector<16xf32> to vector<1x16xf32>
      tpu.vector_store %arg11[%swap3A_340, %swap3A_341], %swap3A_344 {strides = array<i32>} : memref<16x768xf32, #tpu.memory_space<vmem>>, vector<1x16xf32>,
      %mul3A_345 = arith.constant 2 : i32
      %mul3A_346 = arith.muli %mul3A_345, %scan3A_108 : i32
      %get3A_347 = arith.index_cast %mul3A_346 : i32 to index
      %get3A_348 = arith.constant 160 : index
      %get3A_349 = tpu.vector_load %arg9[%get3A_347, %get3A_348] {strides = array<i32>} : memref<32x768xf32, #tpu.memory_space<vmem>>, vector<1x16xf32>,
      %get3A_350 = vector.shape_cast %get3A_349 : vector<1x16xf32> to vector<16xf32>
      %mul3A_351 = arith.mulf %get3A_115, %get3A_350 : vector<16xf32>
      %mul3A_352 = arith.constant 2 : i32
      %mul3A_353 = arith.muli %mul3A_352, %scan3A_108 : i32
      %add3A_354 = arith.constant 1 : i32
      %add3A_355 = arith.addi %mul3A_353, %add3A_354 : i32
      %get3A_356 = arith.index_cast %add3A_355 : i32 to index
      %get3A_357 = arith.constant 160 : index
      %get3A_358 = tpu.vector_load %arg9[%get3A_356, %get3A_357] {strides = array<i32>} : memref<32x768xf32, #tpu.memory_space<vmem>>, vector<1x16xf32>,
      %get3A_359 = vector.shape_cast %get3A_358 : vector<1x16xf32> to vector<16xf32>
      %mul3A_360 = arith.mulf %get3A_125, %get3A_359 : vector<16xf32>
      %add3A_361 = arith.addf %mul3A_351, %mul3A_360 : vector<16xf32>
      %swap3A_362 = arith.index_cast %scan3A_108 : i32 to index
      %swap3A_363 = arith.constant 160 : index
      %swap3A_364 = tpu.vector_load %arg11[%swap3A_362, %swap3A_363] {strides = array<i32>} : memref<16x768xf32, #tpu.memory_space<vmem>>, vector<1x16xf32>,
      %swap3A_365 = vector.shape_cast %swap3A_364 : vector<1x16xf32> to vector<16xf32>
      %swap3A_366 = vector.shape_cast %add3A_361 : vector<16xf32> to vector<1x16xf32>
      tpu.vector_store %arg11[%swap3A_362, %swap3A_363], %swap3A_366 {strides = array<i32>} : memref<16x768xf32, #tpu.memory_space<vmem>>, vector<1x16xf32>,
      %mul3A_367 = arith.constant 2 : i32
      %mul3A_368 = arith.muli %mul3A_367, %scan3A_108 : i32
      %get3A_369 = arith.index_cast %mul3A_368 : i32 to index
      %get3A_370 = arith.constant 176 : index
      %get3A_371 = tpu.vector_load %arg9[%get3A_369, %get3A_370] {strides = array<i32>} : memref<32x768xf32, #tpu.memory_space<vmem>>, vector<1x16xf32>,
      %get3A_372 = vector.shape_cast %get3A_371 : vector<1x16xf32> to vector<16xf32>
      %mul3A_373 = arith.mulf %get3A_115, %get3A_372 : vector<16xf32>
      %mul3A_374 = arith.constant 2 : i32
      %mul3A_375 = arith.muli %mul3A_374, %scan3A_108 : i32
      %add3A_376 = arith.constant 1 : i32
      %add3A_377 = arith.addi %mul3A_375, %add3A_376 : i32
      %get3A_378 = arith.index_cast %add3A_377 : i32 to index
      %get3A_379 = arith.constant 176 : index
      %get3A_380 = tpu.vector_load %arg9[%get3A_378, %get3A_379] {strides = array<i32>} : memref<32x768xf32, #tpu.memory_space<vmem>>, vector<1x16xf32>,
      %get3A_381 = vector.shape_cast %get3A_380 : vector<1x16xf32> to vector<16xf32>
      %mul3A_382 = arith.mulf %get3A_125, %get3A_381 : vector<16xf32>
      %add3A_383 = arith.addf %mul3A_373, %mul3A_382 : vector<16xf32>
      %swap3A_384 = arith.index_cast %scan3A_108 : i32 to index
      %swap3A_385 = arith.constant 176 : index
      %swap3A_386 = tpu.vector_load %arg11[%swap3A_384, %swap3A_385] {strides = array<i32>} : memref<16x768xf32, #tpu.memory_space<vmem>>, vector<1x16xf32>,
      %swap3A_387 = vector.shape_cast %swap3A_386 : vector<1x16xf32> to vector<16xf32>
      %swap3A_388 = vector.shape_cast %add3A_383 : vector<16xf32> to vector<1x16xf32>
      tpu.vector_store %arg11[%swap3A_384, %swap3A_385], %swap3A_388 {strides = array<i32>} : memref<16x768xf32, #tpu.memory_space<vmem>>, vector<1x16xf32>,
      %mul3A_389 = arith.constant 2 : i32
      %mul3A_390 = arith.muli %mul3A_389, %scan3A_108 : i32
      %get3A_391 = arith.index_cast %mul3A_390 : i32 to index
      %get3A_392 = arith.constant 192 : index
      %get3A_393 = tpu.vector_load %arg9[%get3A_391, %get3A_392] {strides = array<i32>} : memref<32x768xf32, #tpu.memory_space<vmem>>, vector<1x16xf32>,
      %get3A_394 = vector.shape_cast %get3A_393 : vector<1x16xf32> to vector<16xf32>
      %mul3A_395 = arith.mulf %get3A_115, %get3A_394 : vector<16xf32>
      %mul3A_396 = arith.constant 2 : i32
      %mul3A_397 = arith.muli %mul3A_396, %scan3A_108 : i32
      %add3A_398 = arith.constant 1 : i32
      %add3A_399 = arith.addi %mul3A_397, %add3A_398 : i32
      %get3A_400 = arith.index_cast %add3A_399 : i32 to index
      %get3A_401 = arith.constant 192 : index
      %get3A_402 = tpu.vector_load %arg9[%get3A_400, %get3A_401] {strides = array<i32>} : memref<32x768xf32, #tpu.memory_space<vmem>>, vector<1x16xf32>,
      %get3A_403 = vector.shape_cast %get3A_402 : vector<1x16xf32> to vector<16xf32>
      %mul3A_404 = arith.mulf %get3A_125, %get3A_403 : vector<16xf32>
      %add3A_405 = arith.addf %mul3A_395, %mul3A_404 : vector<16xf32>
      %swap3A_406 = arith.index_cast %scan3A_108 : i32 to index
      %swap3A_407 = arith.constant 192 : index
      %swap3A_408 = tpu.vector_load %arg11[%swap3A_406, %swap3A_407] {strides = array<i32>} : memref<16x768xf32, #tpu.memory_space<vmem>>, vector<1x16xf32>,
      %swap3A_409 = vector.shape_cast %swap3A_408 : vector<1x16xf32> to vector<16xf32>
      %swap3A_410 = vector.shape_cast %add3A_405 : vector<16xf32> to vector<1x16xf32>
      tpu.vector_store %arg11[%swap3A_406, %swap3A_407], %swap3A_410 {strides = array<i32>} : memref<16x768xf32, #tpu.memory_space<vmem>>, vector<1x16xf32>,
      %mul3A_411 = arith.constant 2 : i32
      %mul3A_412 = arith.muli %mul3A_411, %scan3A_108 : i32
      %get3A_413 = arith.index_cast %mul3A_412 : i32 to index
      %get3A_414 = arith.constant 208 : index
      %get3A_415 = tpu.vector_load %arg9[%get3A_413, %get3A_414] {strides = array<i32>} : memref<32x768xf32, #tpu.memory_space<vmem>>, vector<1x16xf32>,
      %get3A_416 = vector.shape_cast %get3A_415 : vector<1x16xf32> to vector<16xf32>
      %mul3A_417 = arith.mulf %get3A_115, %get3A_416 : vector<16xf32>
      %mul3A_418 = arith.constant 2 : i32
      %mul3A_419 = arith.muli %mul3A_418, %scan3A_108 : i32
      %add3A_420 = arith.constant 1 : i32
      %add3A_421 = arith.addi %mul3A_419, %add3A_420 : i32
      %get3A_422 = arith.index_cast %add3A_421 : i32 to index
      %get3A_423 = arith.constant 208 : index
      %get3A_424 = tpu.vector_load %arg9[%get3A_422, %get3A_423] {strides = array<i32>} : memref<32x768xf32, #tpu.memory_space<vmem>>, vector<1x16xf32>,
      %get3A_425 = vector.shape_cast %get3A_424 : vector<1x16xf32> to vector<16xf32>
      %mul3A_426 = arith.mulf %get3A_125, %get3A_425 : vector<16xf32>
      %add3A_427 = arith.addf %mul3A_417, %mul3A_426 : vector<16xf32>
      %swap3A_428 = arith.index_cast %scan3A_108 : i32 to index
      %swap3A_429 = arith.constant 208 : index
      %swap3A_430 = tpu.vector_load %arg11[%swap3A_428, %swap3A_429] {strides = array<i32>} : memref<16x768xf32, #tpu.memory_space<vmem>>, vector<1x16xf32>,
      %swap3A_431 = vector.shape_cast %swap3A_430 : vector<1x16xf32> to vector<16xf32>
      %swap3A_432 = vector.shape_cast %add3A_427 : vector<16xf32> to vector<1x16xf32>
      tpu.vector_store %arg11[%swap3A_428, %swap3A_429], %swap3A_432 {strides = array<i32>} : memref<16x768xf32, #tpu.memory_space<vmem>>, vector<1x16xf32>,
      %mul3A_433 = arith.constant 2 : i32
      %mul3A_434 = arith.muli %mul3A_433, %scan3A_108 : i32
      %get3A_435 = arith.index_cast %mul3A_434 : i32 to index
      %get3A_436 = arith.constant 224 : index
      %get3A_437 = tpu.vector_load %arg9[%get3A_435, %get3A_436] {strides = array<i32>} : memref<32x768xf32, #tpu.memory_space<vmem>>, vector<1x16xf32>,
      %get3A_438 = vector.shape_cast %get3A_437 : vector<1x16xf32> to vector<16xf32>
      %mul3A_439 = arith.mulf %get3A_115, %get3A_438 : vector<16xf32>
      %mul3A_440 = arith.constant 2 : i32
      %mul3A_441 = arith.muli %mul3A_440, %scan3A_108 : i32
      %add3A_442 = arith.constant 1 : i32
      %add3A_443 = arith.addi %mul3A_441, %add3A_442 : i32
      %get3A_444 = arith.index_cast %add3A_443 : i32 to index
      %get3A_445 = arith.constant 224 : index
      %get3A_446 = tpu.vector_load %arg9[%get3A_444, %get3A_445] {strides = array<i32>} : memref<32x768xf32, #tpu.memory_space<vmem>>, vector<1x16xf32>,
      %get3A_447 = vector.shape_cast %get3A_446 : vector<1x16xf32> to vector<16xf32>
      %mul3A_448 = arith.mulf %get3A_125, %get3A_447 : vector<16xf32>
      %add3A_449 = arith.addf %mul3A_439, %mul3A_448 : vector<16xf32>
      %swap3A_450 = arith.index_cast %scan3A_108 : i32 to index
      %swap3A_451 = arith.constant 224 : index
      %swap3A_452 = tpu.vector_load %arg11[%swap3A_450, %swap3A_451] {strides = array<i32>} : memref<16x768xf32, #tpu.memory_space<vmem>>, vector<1x16xf32>,
      %swap3A_453 = vector.shape_cast %swap3A_452 : vector<1x16xf32> to vector<16xf32>
      %swap3A_454 = vector.shape_cast %add3A_449 : vector<16xf32> to vector<1x16xf32>
      tpu.vector_store %arg11[%swap3A_450, %swap3A_451], %swap3A_454 {strides = array<i32>} : memref<16x768xf32, #tpu.memory_space<vmem>>, vector<1x16xf32>,
      %mul3A_455 = arith.constant 2 : i32
      %mul3A_456 = arith.muli %mul3A_455, %scan3A_108 : i32
      %get3A_457 = arith.index_cast %mul3A_456 : i32 to index
      %get3A_458 = arith.constant 240 : index
      %get3A_459 = tpu.vector_load %arg9[%get3A_457, %get3A_458] {strides = array<i32>} : memref<32x768xf32, #tpu.memory_space<vmem>>, vector<1x16xf32>,
      %get3A_460 = vector.shape_cast %get3A_459 : vector<1x16xf32> to vector<16xf32>
      %mul3A_461 = arith.mulf %get3A_115, %get3A_460 : vector<16xf32>
      %mul3A_462 = arith.constant 2 : i32
      %mul3A_463 = arith.muli %mul3A_462, %scan3A_108 : i32
      %add3A_464 = arith.constant 1 : i32
      %add3A_465 = arith.addi %mul3A_463, %add3A_464 : i32
      %get3A_466 = arith.index_cast %add3A_465 : i32 to index
      %get3A_467 = arith.constant 240 : index
      %get3A_468 = tpu.vector_load %arg9[%get3A_466, %get3A_467] {strides = array<i32>} : memref<32x768xf32, #tpu.memory_space<vmem>>, vector<1x16xf32>,
      %get3A_469 = vector.shape_cast %get3A_468 : vector<1x16xf32> to vector<16xf32>
      %mul3A_470 = arith.mulf %get3A_125, %get3A_469 : vector<16xf32>
      %add3A_471 = arith.addf %mul3A_461, %mul3A_470 : vector<16xf32>
      %swap3A_472 = arith.index_cast %scan3A_108 : i32 to index
      %swap3A_473 = arith.constant 240 : index
      %swap3A_474 = tpu.vector_load %arg11[%swap3A_472, %swap3A_473] {strides = array<i32>} : memref<16x768xf32, #tpu.memory_space<vmem>>, vector<1x16xf32>,
      %swap3A_475 = vector.shape_cast %swap3A_474 : vector<1x16xf32> to vector<16xf32>
      %swap3A_476 = vector.shape_cast %add3A_471 : vector<16xf32> to vector<1x16xf32>
      tpu.vector_store %arg11[%swap3A_472, %swap3A_473], %swap3A_476 {strides = array<i32>} : memref<16x768xf32, #tpu.memory_space<vmem>>, vector<1x16xf32>,
      %mul3A_477 = arith.constant 2 : i32
      %mul3A_478 = arith.muli %mul3A_477, %scan3A_108 : i32
      %get3A_479 = arith.index_cast %mul3A_478 : i32 to index
      %get3A_480 = arith.constant 256 : index
      %get3A_481 = tpu.vector_load %arg9[%get3A_479, %get3A_480] {strides = array<i32>} : memref<32x768xf32, #tpu.memory_space<vmem>>, vector<1x16xf32>,
      %get3A_482 = vector.shape_cast %get3A_481 : vector<1x16xf32> to vector<16xf32>
      %mul3A_483 = arith.mulf %get3A_115, %get3A_482 : vector<16xf32>
      %mul3A_484 = arith.constant 2 : i32
      %mul3A_485 = arith.muli %mul3A_484, %scan3A_108 : i32
      %add3A_486 = arith.constant 1 : i32
      %add3A_487 = arith.addi %mul3A_485, %add3A_486 : i32
      %get3A_488 = arith.index_cast %add3A_487 : i32 to index
      %get3A_489 = arith.constant 256 : index
      %get3A_490 = tpu.vector_load %arg9[%get3A_488, %get3A_489] {strides = array<i32>} : memref<32x768xf32, #tpu.memory_space<vmem>>, vector<1x16xf32>,
      %get3A_491 = vector.shape_cast %get3A_490 : vector<1x16xf32> to vector<16xf32>
      %mul3A_492 = arith.mulf %get3A_125, %get3A_491 : vector<16xf32>
      %add3A_493 = arith.addf %mul3A_483, %mul3A_492 : vector<16xf32>
      %swap3A_494 = arith.index_cast %scan3A_108 : i32 to index
      %swap3A_495 = arith.constant 256 : index
      %swap3A_496 = tpu.vector_load %arg11[%swap3A_494, %swap3A_495] {strides = array<i32>} : memref<16x768xf32, #tpu.memory_space<vmem>>, vector<1x16xf32>,
      %swap3A_497 = vector.shape_cast %swap3A_496 : vector<1x16xf32> to vector<16xf32>
      %swap3A_498 = vector.shape_cast %add3A_493 : vector<16xf32> to vector<1x16xf32>
      tpu.vector_store %arg11[%swap3A_494, %swap3A_495], %swap3A_498 {strides = array<i32>} : memref<16x768xf32, #tpu.memory_space<vmem>>, vector<1x16xf32>,
      %mul3A_499 = arith.constant 2 : i32
      %mul3A_500 = arith.muli %mul3A_499, %scan3A_108 : i32
      %get3A_501 = arith.index_cast %mul3A_500 : i32 to index
      %get3A_502 = arith.constant 272 : index
      %get3A_503 = tpu.vector_load %arg9[%get3A_501, %get3A_502] {strides = array<i32>} : memref<32x768xf32, #tpu.memory_space<vmem>>, vector<1x16xf32>,
      %get3A_504 = vector.shape_cast %get3A_503 : vector<1x16xf32> to vector<16xf32>
      %mul3A_505 = arith.mulf %get3A_115, %get3A_504 : vector<16xf32>
      %mul3A_506 = arith.constant 2 : i32
      %mul3A_507 = arith.muli %mul3A_506, %scan3A_108 : i32
      %add3A_508 = arith.constant 1 : i32
      %add3A_509 = arith.addi %mul3A_507, %add3A_508 : i32
      %get3A_510 = arith.index_cast %add3A_509 : i32 to index
      %get3A_511 = arith.constant 272 : index
      %get3A_512 = tpu.vector_load %arg9[%get3A_510, %get3A_511] {strides = array<i32>} : memref<32x768xf32, #tpu.memory_space<vmem>>, vector<1x16xf32>,
      %get3A_513 = vector.shape_cast %get3A_512 : vector<1x16xf32> to vector<16xf32>
      %mul3A_514 = arith.mulf %get3A_125, %get3A_513 : vector<16xf32>
      %add3A_515 = arith.addf %mul3A_505, %mul3A_514 : vector<16xf32>
      %swap3A_516 = arith.index_cast %scan3A_108 : i32 to index
      %swap3A_517 = arith.constant 272 : index
      %swap3A_518 = tpu.vector_load %arg11[%swap3A_516, %swap3A_517] {strides = array<i32>} : memref<16x768xf32, #tpu.memory_space<vmem>>, vector<1x16xf32>,
      %swap3A_519 = vector.shape_cast %swap3A_518 : vector<1x16xf32> to vector<16xf32>
      %swap3A_520 = vector.shape_cast %add3A_515 : vector<16xf32> to vector<1x16xf32>
      tpu.vector_store %arg11[%swap3A_516, %swap3A_517], %swap3A_520 {strides = array<i32>} : memref<16x768xf32, #tpu.memory_space<vmem>>, vector<1x16xf32>,
      %mul3A_521 = arith.constant 2 : i32
      %mul3A_522 = arith.muli %mul3A_521, %scan3A_108 : i32
      %get3A_523 = arith.index_cast %mul3A_522 : i32 to index
      %get3A_524 = arith.constant 288 : index
      %get3A_525 = tpu.vector_load %arg9[%get3A_523, %get3A_524] {strides = array<i32>} : memref<32x768xf32, #tpu.memory_space<vmem>>, vector<1x16xf32>,
      %get3A_526 = vector.shape_cast %get3A_525 : vector<1x16xf32> to vector<16xf32>
      %mul3A_527 = arith.mulf %get3A_115, %get3A_526 : vector<16xf32>
      %mul3A_528 = arith.constant 2 : i32
      %mul3A_529 = arith.muli %mul3A_528, %scan3A_108 : i32
      %add3A_530 = arith.constant 1 : i32
      %add3A_531 = arith.addi %mul3A_529, %add3A_530 : i32
      %get3A_532 = arith.index_cast %add3A_531 : i32 to index
      %get3A_533 = arith.constant 288 : index
      %get3A_534 = tpu.vector_load %arg9[%get3A_532, %get3A_533] {strides = array<i32>} : memref<32x768xf32, #tpu.memory_space<vmem>>, vector<1x16xf32>,
      %get3A_535 = vector.shape_cast %get3A_534 : vector<1x16xf32> to vector<16xf32>
      %mul3A_536 = arith.mulf %get3A_125, %get3A_535 : vector<16xf32>
      %add3A_537 = arith.addf %mul3A_527, %mul3A_536 : vector<16xf32>
      %swap3A_538 = arith.index_cast %scan3A_108 : i32 to index
      %swap3A_539 = arith.constant 288 : index
      %swap3A_540 = tpu.vector_load %arg11[%swap3A_538, %swap3A_539] {strides = array<i32>} : memref<16x768xf32, #tpu.memory_space<vmem>>, vector<1x16xf32>,
      %swap3A_541 = vector.shape_cast %swap3A_540 : vector<1x16xf32> to vector<16xf32>
      %swap3A_542 = vector.shape_cast %add3A_537 : vector<16xf32> to vector<1x16xf32>
      tpu.vector_store %arg11[%swap3A_538, %swap3A_539], %swap3A_542 {strides = array<i32>} : memref<16x768xf32, #tpu.memory_space<vmem>>, vector<1x16xf32>,
      %mul3A_543 = arith.constant 2 : i32
      %mul3A_544 = arith.muli %mul3A_543, %scan3A_108 : i32
      %get3A_545 = arith.index_cast %mul3A_544 : i32 to index
      %get3A_546 = arith.constant 304 : index
      %get3A_547 = tpu.vector_load %arg9[%get3A_545, %get3A_546] {strides = array<i32>} : memref<32x768xf32, #tpu.memory_space<vmem>>, vector<1x16xf32>,
      %get3A_548 = vector.shape_cast %get3A_547 : vector<1x16xf32> to vector<16xf32>
      %mul3A_549 = arith.mulf %get3A_115, %get3A_548 : vector<16xf32>
      %mul3A_550 = arith.constant 2 : i32
      %mul3A_551 = arith.muli %mul3A_550, %scan3A_108 : i32
      %add3A_552 = arith.constant 1 : i32
      %add3A_553 = arith.addi %mul3A_551, %add3A_552 : i32
      %get3A_554 = arith.index_cast %add3A_553 : i32 to index
      %get3A_555 = arith.constant 304 : index
      %get3A_556 = tpu.vector_load %arg9[%get3A_554, %get3A_555] {strides = array<i32>} : memref<32x768xf32, #tpu.memory_space<vmem>>, vector<1x16xf32>,
      %get3A_557 = vector.shape_cast %get3A_556 : vector<1x16xf32> to vector<16xf32>
      %mul3A_558 = arith.mulf %get3A_125, %get3A_557 : vector<16xf32>
      %add3A_559 = arith.addf %mul3A_549, %mul3A_558 : vector<16xf32>
      %swap3A_560 = arith.index_cast %scan3A_108 : i32 to index
      %swap3A_561 = arith.constant 304 : index
      %swap3A_562 = tpu.vector_load %arg11[%swap3A_560, %swap3A_561] {strides = array<i32>} : memref<16x768xf32, #tpu.memory_space<vmem>>, vector<1x16xf32>,
      %swap3A_563 = vector.shape_cast %swap3A_562 : vector<1x16xf32> to vector<16xf32>
      %swap3A_564 = vector.shape_cast %add3A_559 : vector<16xf32> to vector<1x16xf32>
      tpu.vector_store %arg11[%swap3A_560, %swap3A_561], %swap3A_564 {strides = array<i32>} : memref<16x768xf32, #tpu.memory_space<vmem>>, vector<1x16xf32>,
      %mul3A_565 = arith.constant 2 : i32
      %mul3A_566 = arith.muli %mul3A_565, %scan3A_108 : i32
      %get3A_567 = arith.index_cast %mul3A_566 : i32 to index
      %get3A_568 = arith.constant 320 : index
      %get3A_569 = tpu.vector_load %arg9[%get3A_567, %get3A_568] {strides = array<i32>} : memref<32x768xf32, #tpu.memory_space<vmem>>, vector<1x16xf32>,
      %get3A_570 = vector.shape_cast %get3A_569 : vector<1x16xf32> to vector<16xf32>
      %mul3A_571 = arith.mulf %get3A_115, %get3A_570 : vector<16xf32>
      %mul3A_572 = arith.constant 2 : i32
      %mul3A_573 = arith.muli %mul3A_572, %scan3A_108 : i32
      %add3A_574 = arith.constant 1 : i32
      %add3A_575 = arith.addi %mul3A_573, %add3A_574 : i32
      %get3A_576 = arith.index_cast %add3A_575 : i32 to index
      %get3A_577 = arith.constant 320 : index
      %get3A_578 = tpu.vector_load %arg9[%get3A_576, %get3A_577] {strides = array<i32>} : memref<32x768xf32, #tpu.memory_space<vmem>>, vector<1x16xf32>,
      %get3A_579 = vector.shape_cast %get3A_578 : vector<1x16xf32> to vector<16xf32>
      %mul3A_580 = arith.mulf %get3A_125, %get3A_579 : vector<16xf32>
      %add3A_581 = arith.addf %mul3A_571, %mul3A_580 : vector<16xf32>
      %swap3A_582 = arith.index_cast %scan3A_108 : i32 to index
      %swap3A_583 = arith.constant 320 : index
      %swap3A_584 = tpu.vector_load %arg11[%swap3A_582, %swap3A_583] {strides = array<i32>} : memref<16x768xf32, #tpu.memory_space<vmem>>, vector<1x16xf32>,
      %swap3A_585 = vector.shape_cast %swap3A_584 : vector<1x16xf32> to vector<16xf32>
      %swap3A_586 = vector.shape_cast %add3A_581 : vector<16xf32> to vector<1x16xf32>
      tpu.vector_store %arg11[%swap3A_582, %swap3A_583], %swap3A_586 {strides = array<i32>} : memref<16x768xf32, #tpu.memory_space<vmem>>, vector<1x16xf32>,
      %mul3A_587 = arith.constant 2 : i32
      %mul3A_588 = arith.muli %mul3A_587, %scan3A_108 : i32
      %get3A_589 = arith.index_cast %mul3A_588 : i32 to index
      %get3A_590 = arith.constant 336 : index
      %get3A_591 = tpu.vector_load %arg9[%get3A_589, %get3A_590] {strides = array<i32>} : memref<32x768xf32, #tpu.memory_space<vmem>>, vector<1x16xf32>,
      %get3A_592 = vector.shape_cast %get3A_591 : vector<1x16xf32> to vector<16xf32>
      %mul3A_593 = arith.mulf %get3A_115, %get3A_592 : vector<16xf32>
      %mul3A_594 = arith.constant 2 : i32
      %mul3A_595 = arith.muli %mul3A_594, %scan3A_108 : i32
      %add3A_596 = arith.constant 1 : i32
      %add3A_597 = arith.addi %mul3A_595, %add3A_596 : i32
      %get3A_598 = arith.index_cast %add3A_597 : i32 to index
      %get3A_599 = arith.constant 336 : index
      %get3A_600 = tpu.vector_load %arg9[%get3A_598, %get3A_599] {strides = array<i32>} : memref<32x768xf32, #tpu.memory_space<vmem>>, vector<1x16xf32>,
      %get3A_601 = vector.shape_cast %get3A_600 : vector<1x16xf32> to vector<16xf32>
      %mul3A_602 = arith.mulf %get3A_125, %get3A_601 : vector<16xf32>
      %add3A_603 = arith.addf %mul3A_593, %mul3A_602 : vector<16xf32>
      %swap3A_604 = arith.index_cast %scan3A_108 : i32 to index
      %swap3A_605 = arith.constant 336 : index
      %swap3A_606 = tpu.vector_load %arg11[%swap3A_604, %swap3A_605] {strides = array<i32>} : memref<16x768xf32, #tpu.memory_space<vmem>>, vector<1x16xf32>,
      %swap3A_607 = vector.shape_cast %swap3A_606 : vector<1x16xf32> to vector<16xf32>
      %swap3A_608 = vector.shape_cast %add3A_603 : vector<16xf32> to vector<1x16xf32>
      tpu.vector_store %arg11[%swap3A_604, %swap3A_605], %swap3A_608 {strides = array<i32>} : memref<16x768xf32, #tpu.memory_space<vmem>>, vector<1x16xf32>,
      %mul3A_609 = arith.constant 2 : i32
      %mul3A_610 = arith.muli %mul3A_609, %scan3A_108 : i32
      %get3A_611 = arith.index_cast %mul3A_610 : i32 to index
      %get3A_612 = arith.constant 352 : index
      %get3A_613 = tpu.vector_load %arg9[%get3A_611, %get3A_612] {strides = array<i32>} : memref<32x768xf32, #tpu.memory_space<vmem>>, vector<1x16xf32>,
      %get3A_614 = vector.shape_cast %get3A_613 : vector<1x16xf32> to vector<16xf32>
      %mul3A_615 = arith.mulf %get3A_115, %get3A_614 : vector<16xf32>
      %mul3A_616 = arith.constant 2 : i32
      %mul3A_617 = arith.muli %mul3A_616, %scan3A_108 : i32
      %add3A_618 = arith.constant 1 : i32
      %add3A_619 = arith.addi %mul3A_617, %add3A_618 : i32
      %get3A_620 = arith.index_cast %add3A_619 : i32 to index
      %get3A_621 = arith.constant 352 : index
      %get3A_622 = tpu.vector_load %arg9[%get3A_620, %get3A_621] {strides = array<i32>} : memref<32x768xf32, #tpu.memory_space<vmem>>, vector<1x16xf32>,
      %get3A_623 = vector.shape_cast %get3A_622 : vector<1x16xf32> to vector<16xf32>
      %mul3A_624 = arith.mulf %get3A_125, %get3A_623 : vector<16xf32>
      %add3A_625 = arith.addf %mul3A_615, %mul3A_624 : vector<16xf32>
      %swap3A_626 = arith.index_cast %scan3A_108 : i32 to index
      %swap3A_627 = arith.constant 352 : index
      %swap3A_628 = tpu.vector_load %arg11[%swap3A_626, %swap3A_627] {strides = array<i32>} : memref<16x768xf32, #tpu.memory_space<vmem>>, vector<1x16xf32>,
      %swap3A_629 = vector.shape_cast %swap3A_628 : vector<1x16xf32> to vector<16xf32>
      %swap3A_630 = vector.shape_cast %add3A_625 : vector<16xf32> to vector<1x16xf32>
      tpu.vector_store %arg11[%swap3A_626, %swap3A_627], %swap3A_630 {strides = array<i32>} : memref<16x768xf32, #tpu.memory_space<vmem>>, vector<1x16xf32>,
      %mul3A_631 = arith.constant 2 : i32
      %mul3A_632 = arith.muli %mul3A_631, %scan3A_108 : i32
      %get3A_633 = arith.index_cast %mul3A_632 : i32 to index
      %get3A_634 = arith.constant 368 : index
      %get3A_635 = tpu.vector_load %arg9[%get3A_633, %get3A_634] {strides = array<i32>} : memref<32x768xf32, #tpu.memory_space<vmem>>, vector<1x16xf32>,
      %get3A_636 = vector.shape_cast %get3A_635 : vector<1x16xf32> to vector<16xf32>
      %mul3A_637 = arith.mulf %get3A_115, %get3A_636 : vector<16xf32>
      %mul3A_638 = arith.constant 2 : i32
      %mul3A_639 = arith.muli %mul3A_638, %scan3A_108 : i32
      %add3A_640 = arith.constant 1 : i32
      %add3A_641 = arith.addi %mul3A_639, %add3A_640 : i32
      %get3A_642 = arith.index_cast %add3A_641 : i32 to index
      %get3A_643 = arith.constant 368 : index
      %get3A_644 = tpu.vector_load %arg9[%get3A_642, %get3A_643] {strides = array<i32>} : memref<32x768xf32, #tpu.memory_space<vmem>>, vector<1x16xf32>,
      %get3A_645 = vector.shape_cast %get3A_644 : vector<1x16xf32> to vector<16xf32>
      %mul3A_646 = arith.mulf %get3A_125, %get3A_645 : vector<16xf32>
      %add3A_647 = arith.addf %mul3A_637, %mul3A_646 : vector<16xf32>
      %swap3A_648 = arith.index_cast %scan3A_108 : i32 to index
      %swap3A_649 = arith.constant 368 : index
      %swap3A_650 = tpu.vector_load %arg11[%swap3A_648, %swap3A_649] {strides = array<i32>} : memref<16x768xf32, #tpu.memory_space<vmem>>, vector<1x16xf32>,
      %swap3A_651 = vector.shape_cast %swap3A_650 : vector<1x16xf32> to vector<16xf32>
      %swap3A_652 = vector.shape_cast %add3A_647 : vector<16xf32> to vector<1x16xf32>
      tpu.vector_store %arg11[%swap3A_648, %swap3A_649], %swap3A_652 {strides = array<i32>} : memref<16x768xf32, #tpu.memory_space<vmem>>, vector<1x16xf32>,
      %mul3A_653 = arith.constant 2 : i32
      %mul3A_654 = arith.muli %mul3A_653, %scan3A_108 : i32
      %get3A_655 = arith.index_cast %mul3A_654 : i32 to index
      %get3A_656 = arith.constant 384 : index
      %get3A_657 = tpu.vector_load %arg9[%get3A_655, %get3A_656] {strides = array<i32>} : memref<32x768xf32, #tpu.memory_space<vmem>>, vector<1x16xf32>,
      %get3A_658 = vector.shape_cast %get3A_657 : vector<1x16xf32> to vector<16xf32>
      %mul3A_659 = arith.mulf %get3A_115, %get3A_658 : vector<16xf32>
      %mul3A_660 = arith.constant 2 : i32
      %mul3A_661 = arith.muli %mul3A_660, %scan3A_108 : i32
      %add3A_662 = arith.constant 1 : i32
      %add3A_663 = arith.addi %mul3A_661, %add3A_662 : i32
      %get3A_664 = arith.index_cast %add3A_663 : i32 to index
      %get3A_665 = arith.constant 384 : index
      %get3A_666 = tpu.vector_load %arg9[%get3A_664, %get3A_665] {strides = array<i32>} : memref<32x768xf32, #tpu.memory_space<vmem>>, vector<1x16xf32>,
      %get3A_667 = vector.shape_cast %get3A_666 : vector<1x16xf32> to vector<16xf32>
      %mul3A_668 = arith.mulf %get3A_125, %get3A_667 : vector<16xf32>
      %add3A_669 = arith.addf %mul3A_659, %mul3A_668 : vector<16xf32>
      %swap3A_670 = arith.index_cast %scan3A_108 : i32 to index
      %swap3A_671 = arith.constant 384 : index
      %swap3A_672 = tpu.vector_load %arg11[%swap3A_670, %swap3A_671] {strides = array<i32>} : memref<16x768xf32, #tpu.memory_space<vmem>>, vector<1x16xf32>,
      %swap3A_673 = vector.shape_cast %swap3A_672 : vector<1x16xf32> to vector<16xf32>
      %swap3A_674 = vector.shape_cast %add3A_669 : vector<16xf32> to vector<1x16xf32>
      tpu.vector_store %arg11[%swap3A_670, %swap3A_671], %swap3A_674 {strides = array<i32>} : memref<16x768xf32, #tpu.memory_space<vmem>>, vector<1x16xf32>,
      %mul3A_675 = arith.constant 2 : i32
      %mul3A_676 = arith.muli %mul3A_675, %scan3A_108 : i32
      %get3A_677 = arith.index_cast %mul3A_676 : i32 to index
      %get3A_678 = arith.constant 400 : index
      %get3A_679 = tpu.vector_load %arg9[%get3A_677, %get3A_678] {strides = array<i32>} : memref<32x768xf32, #tpu.memory_space<vmem>>, vector<1x16xf32>,
      %get3A_680 = vector.shape_cast %get3A_679 : vector<1x16xf32> to vector<16xf32>
      %mul3A_681 = arith.mulf %get3A_115, %get3A_680 : vector<16xf32>
      %mul3A_682 = arith.constant 2 : i32
      %mul3A_683 = arith.muli %mul3A_682, %scan3A_108 : i32
      %add3A_684 = arith.constant 1 : i32
      %add3A_685 = arith.addi %mul3A_683, %add3A_684 : i32
      %get3A_686 = arith.index_cast %add3A_685 : i32 to index
      %get3A_687 = arith.constant 400 : index
      %get3A_688 = tpu.vector_load %arg9[%get3A_686, %get3A_687] {strides = array<i32>} : memref<32x768xf32, #tpu.memory_space<vmem>>, vector<1x16xf32>,
      %get3A_689 = vector.shape_cast %get3A_688 : vector<1x16xf32> to vector<16xf32>
      %mul3A_690 = arith.mulf %get3A_125, %get3A_689 : vector<16xf32>
      %add3A_691 = arith.addf %mul3A_681, %mul3A_690 : vector<16xf32>
      %swap3A_692 = arith.index_cast %scan3A_108 : i32 to index
      %swap3A_693 = arith.constant 400 : index
      %swap3A_694 = tpu.vector_load %arg11[%swap3A_692, %swap3A_693] {strides = array<i32>} : memref<16x768xf32, #tpu.memory_space<vmem>>, vector<1x16xf32>,
      %swap3A_695 = vector.shape_cast %swap3A_694 : vector<1x16xf32> to vector<16xf32>
      %swap3A_696 = vector.shape_cast %add3A_691 : vector<16xf32> to vector<1x16xf32>
      tpu.vector_store %arg11[%swap3A_692, %swap3A_693], %swap3A_696 {strides = array<i32>} : memref<16x768xf32, #tpu.memory_space<vmem>>, vector<1x16xf32>,
      %mul3A_697 = arith.constant 2 : i32
      %mul3A_698 = arith.muli %mul3A_697, %scan3A_108 : i32
      %get3A_699 = arith.index_cast %mul3A_698 : i32 to index
      %get3A_700 = arith.constant 416 : index
      %get3A_701 = tpu.vector_load %arg9[%get3A_699, %get3A_700] {strides = array<i32>} : memref<32x768xf32, #tpu.memory_space<vmem>>, vector<1x16xf32>,
      %get3A_702 = vector.shape_cast %get3A_701 : vector<1x16xf32> to vector<16xf32>
      %mul3A_703 = arith.mulf %get3A_115, %get3A_702 : vector<16xf32>
      %mul3A_704 = arith.constant 2 : i32
      %mul3A_705 = arith.muli %mul3A_704, %scan3A_108 : i32
      %add3A_706 = arith.constant 1 : i32
      %add3A_707 = arith.addi %mul3A_705, %add3A_706 : i32
      %get3A_708 = arith.index_cast %add3A_707 : i32 to index
      %get3A_709 = arith.constant 416 : index
      %get3A_710 = tpu.vector_load %arg9[%get3A_708, %get3A_709] {strides = array<i32>} : memref<32x768xf32, #tpu.memory_space<vmem>>, vector<1x16xf32>,
      %get3A_711 = vector.shape_cast %get3A_710 : vector<1x16xf32> to vector<16xf32>
      %mul3A_712 = arith.mulf %get3A_125, %get3A_711 : vector<16xf32>
      %add3A_713 = arith.addf %mul3A_703, %mul3A_712 : vector<16xf32>
      %swap3A_714 = arith.index_cast %scan3A_108 : i32 to index
      %swap3A_715 = arith.constant 416 : index
      %swap3A_716 = tpu.vector_load %arg11[%swap3A_714, %swap3A_715] {strides = array<i32>} : memref<16x768xf32, #tpu.memory_space<vmem>>, vector<1x16xf32>,
      %swap3A_717 = vector.shape_cast %swap3A_716 : vector<1x16xf32> to vector<16xf32>
      %swap3A_718 = vector.shape_cast %add3A_713 : vector<16xf32> to vector<1x16xf32>
      tpu.vector_store %arg11[%swap3A_714, %swap3A_715], %swap3A_718 {strides = array<i32>} : memref<16x768xf32, #tpu.memory_space<vmem>>, vector<1x16xf32>,
      %mul3A_719 = arith.constant 2 : i32
      %mul3A_720 = arith.muli %mul3A_719, %scan3A_108 : i32
      %get3A_721 = arith.index_cast %mul3A_720 : i32 to index
      %get3A_722 = arith.constant 432 : index
      %get3A_723 = tpu.vector_load %arg9[%get3A_721, %get3A_722] {strides = array<i32>} : memref<32x768xf32, #tpu.memory_space<vmem>>, vector<1x16xf32>,
      %get3A_724 = vector.shape_cast %get3A_723 : vector<1x16xf32> to vector<16xf32>
      %mul3A_725 = arith.mulf %get3A_115, %get3A_724 : vector<16xf32>
      %mul3A_726 = arith.constant 2 : i32
      %mul3A_727 = arith.muli %mul3A_726, %scan3A_108 : i32
      %add3A_728 = arith.constant 1 : i32
      %add3A_729 = arith.addi %mul3A_727, %add3A_728 : i32
      %get3A_730 = arith.index_cast %add3A_729 : i32 to index
      %get3A_731 = arith.constant 432 : index
      %get3A_732 = tpu.vector_load %arg9[%get3A_730, %get3A_731] {strides = array<i32>} : memref<32x768xf32, #tpu.memory_space<vmem>>, vector<1x16xf32>,
      %get3A_733 = vector.shape_cast %get3A_732 : vector<1x16xf32> to vector<16xf32>
      %mul3A_734 = arith.mulf %get3A_125, %get3A_733 : vector<16xf32>
      %add3A_735 = arith.addf %mul3A_725, %mul3A_734 : vector<16xf32>
      %swap3A_736 = arith.index_cast %scan3A_108 : i32 to index
      %swap3A_737 = arith.constant 432 : index
      %swap3A_738 = tpu.vector_load %arg11[%swap3A_736, %swap3A_737] {strides = array<i32>} : memref<16x768xf32, #tpu.memory_space<vmem>>, vector<1x16xf32>,
      %swap3A_739 = vector.shape_cast %swap3A_738 : vector<1x16xf32> to vector<16xf32>
      %swap3A_740 = vector.shape_cast %add3A_735 : vector<16xf32> to vector<1x16xf32>
      tpu.vector_store %arg11[%swap3A_736, %swap3A_737], %swap3A_740 {strides = array<i32>} : memref<16x768xf32, #tpu.memory_space<vmem>>, vector<1x16xf32>,
      %mul3A_741 = arith.constant 2 : i32
      %mul3A_742 = arith.muli %mul3A_741, %scan3A_108 : i32
      %get3A_743 = arith.index_cast %mul3A_742 : i32 to index
      %get3A_744 = arith.constant 448 : index
      %get3A_745 = tpu.vector_load %arg9[%get3A_743, %get3A_744] {strides = array<i32>} : memref<32x768xf32, #tpu.memory_space<vmem>>, vector<1x16xf32>,
      %get3A_746 = vector.shape_cast %get3A_745 : vector<1x16xf32> to vector<16xf32>
      %mul3A_747 = arith.mulf %get3A_115, %get3A_746 : vector<16xf32>
      %mul3A_748 = arith.constant 2 : i32
      %mul3A_749 = arith.muli %mul3A_748, %scan3A_108 : i32
      %add3A_750 = arith.constant 1 : i32
      %add3A_751 = arith.addi %mul3A_749, %add3A_750 : i32
      %get3A_752 = arith.index_cast %add3A_751 : i32 to index
      %get3A_753 = arith.constant 448 : index
      %get3A_754 = tpu.vector_load %arg9[%get3A_752, %get3A_753] {strides = array<i32>} : memref<32x768xf32, #tpu.memory_space<vmem>>, vector<1x16xf32>,
      %get3A_755 = vector.shape_cast %get3A_754 : vector<1x16xf32> to vector<16xf32>
      %mul3A_756 = arith.mulf %get3A_125, %get3A_755 : vector<16xf32>
      %add3A_757 = arith.addf %mul3A_747, %mul3A_756 : vector<16xf32>
      %swap3A_758 = arith.index_cast %scan3A_108 : i32 to index
      %swap3A_759 = arith.constant 448 : index
      %swap3A_760 = tpu.vector_load %arg11[%swap3A_758, %swap3A_759] {strides = array<i32>} : memref<16x768xf32, #tpu.memory_space<vmem>>, vector<1x16xf32>,
      %swap3A_761 = vector.shape_cast %swap3A_760 : vector<1x16xf32> to vector<16xf32>
      %swap3A_762 = vector.shape_cast %add3A_757 : vector<16xf32> to vector<1x16xf32>
      tpu.vector_store %arg11[%swap3A_758, %swap3A_759], %swap3A_762 {strides = array<i32>} : memref<16x768xf32, #tpu.memory_space<vmem>>, vector<1x16xf32>,
      %mul3A_763 = arith.constant 2 : i32
      %mul3A_764 = arith.muli %mul3A_763, %scan3A_108 : i32
      %get3A_765 = arith.index_cast %mul3A_764 : i32 to index
      %get3A_766 = arith.constant 464 : index
      %get3A_767 = tpu.vector_load %arg9[%get3A_765, %get3A_766] {strides = array<i32>} : memref<32x768xf32, #tpu.memory_space<vmem>>, vector<1x16xf32>,
      %get3A_768 = vector.shape_cast %get3A_767 : vector<1x16xf32> to vector<16xf32>
      %mul3A_769 = arith.mulf %get3A_115, %get3A_768 : vector<16xf32>
      %mul3A_770 = arith.constant 2 : i32
      %mul3A_771 = arith.muli %mul3A_770, %scan3A_108 : i32
      %add3A_772 = arith.constant 1 : i32
      %add3A_773 = arith.addi %mul3A_771, %add3A_772 : i32
      %get3A_774 = arith.index_cast %add3A_773 : i32 to index
      %get3A_775 = arith.constant 464 : index
      %get3A_776 = tpu.vector_load %arg9[%get3A_774, %get3A_775] {strides = array<i32>} : memref<32x768xf32, #tpu.memory_space<vmem>>, vector<1x16xf32>,
      %get3A_777 = vector.shape_cast %get3A_776 : vector<1x16xf32> to vector<16xf32>
      %mul3A_778 = arith.mulf %get3A_125, %get3A_777 : vector<16xf32>
      %add3A_779 = arith.addf %mul3A_769, %mul3A_778 : vector<16xf32>
      %swap3A_780 = arith.index_cast %scan3A_108 : i32 to index
      %swap3A_781 = arith.constant 464 : index
      %swap3A_782 = tpu.vector_load %arg11[%swap3A_780, %swap3A_781] {strides = array<i32>} : memref<16x768xf32, #tpu.memory_space<vmem>>, vector<1x16xf32>,
      %swap3A_783 = vector.shape_cast %swap3A_782 : vector<1x16xf32> to vector<16xf32>
      %swap3A_784 = vector.shape_cast %add3A_779 : vector<16xf32> to vector<1x16xf32>
      tpu.vector_store %arg11[%swap3A_780, %swap3A_781], %swap3A_784 {strides = array<i32>} : memref<16x768xf32, #tpu.memory_space<vmem>>, vector<1x16xf32>,
      %mul3A_785 = arith.constant 2 : i32
      %mul3A_786 = arith.muli %mul3A_785, %scan3A_108 : i32
      %get3A_787 = arith.index_cast %mul3A_786 : i32 to index
      %get3A_788 = arith.constant 480 : index
      %get3A_789 = tpu.vector_load %arg9[%get3A_787, %get3A_788] {strides = array<i32>} : memref<32x768xf32, #tpu.memory_space<vmem>>, vector<1x16xf32>,
      %get3A_790 = vector.shape_cast %get3A_789 : vector<1x16xf32> to vector<16xf32>
      %mul3A_791 = arith.mulf %get3A_115, %get3A_790 : vector<16xf32>
      %mul3A_792 = arith.constant 2 : i32
      %mul3A_793 = arith.muli %mul3A_792, %scan3A_108 : i32
      %add3A_794 = arith.constant 1 : i32
      %add3A_795 = arith.addi %mul3A_793, %add3A_794 : i32
      %get3A_796 = arith.index_cast %add3A_795 : i32 to index
      %get3A_797 = arith.constant 480 : index
      %get3A_798 = tpu.vector_load %arg9[%get3A_796, %get3A_797] {strides = array<i32>} : memref<32x768xf32, #tpu.memory_space<vmem>>, vector<1x16xf32>,
      %get3A_799 = vector.shape_cast %get3A_798 : vector<1x16xf32> to vector<16xf32>
      %mul3A_800 = arith.mulf %get3A_125, %get3A_799 : vector<16xf32>
      %add3A_801 = arith.addf %mul3A_791, %mul3A_800 : vector<16xf32>
      %swap3A_802 = arith.index_cast %scan3A_108 : i32 to index
      %swap3A_803 = arith.constant 480 : index
      %swap3A_804 = tpu.vector_load %arg11[%swap3A_802, %swap3A_803] {strides = array<i32>} : memref<16x768xf32, #tpu.memory_space<vmem>>, vector<1x16xf32>,
      %swap3A_805 = vector.shape_cast %swap3A_804 : vector<1x16xf32> to vector<16xf32>
      %swap3A_806 = vector.shape_cast %add3A_801 : vector<16xf32> to vector<1x16xf32>
      tpu.vector_store %arg11[%swap3A_802, %swap3A_803], %swap3A_806 {strides = array<i32>} : memref<16x768xf32, #tpu.memory_space<vmem>>, vector<1x16xf32>,
      %mul3A_807 = arith.constant 2 : i32
      %mul3A_808 = arith.muli %mul3A_807, %scan3A_108 : i32
      %get3A_809 = arith.index_cast %mul3A_808 : i32 to index
      %get3A_810 = arith.constant 496 : index
      %get3A_811 = tpu.vector_load %arg9[%get3A_809, %get3A_810] {strides = array<i32>} : memref<32x768xf32, #tpu.memory_space<vmem>>, vector<1x16xf32>,
      %get3A_812 = vector.shape_cast %get3A_811 : vector<1x16xf32> to vector<16xf32>
      %mul3A_813 = arith.mulf %get3A_115, %get3A_812 : vector<16xf32>
      %mul3A_814 = arith.constant 2 : i32
      %mul3A_815 = arith.muli %mul3A_814, %scan3A_108 : i32
      %add3A_816 = arith.constant 1 : i32
      %add3A_817 = arith.addi %mul3A_815, %add3A_816 : i32
      %get3A_818 = arith.index_cast %add3A_817 : i32 to index
      %get3A_819 = arith.constant 496 : index
      %get3A_820 = tpu.vector_load %arg9[%get3A_818, %get3A_819] {strides = array<i32>} : memref<32x768xf32, #tpu.memory_space<vmem>>, vector<1x16xf32>,
      %get3A_821 = vector.shape_cast %get3A_820 : vector<1x16xf32> to vector<16xf32>
      %mul3A_822 = arith.mulf %get3A_125, %get3A_821 : vector<16xf32>
      %add3A_823 = arith.addf %mul3A_813, %mul3A_822 : vector<16xf32>
      %swap3A_824 = arith.index_cast %scan3A_108 : i32 to index
      %swap3A_825 = arith.constant 496 : index
      %swap3A_826 = tpu.vector_load %arg11[%swap3A_824, %swap3A_825] {strides = array<i32>} : memref<16x768xf32, #tpu.memory_space<vmem>>, vector<1x16xf32>,
      %swap3A_827 = vector.shape_cast %swap3A_826 : vector<1x16xf32> to vector<16xf32>
      %swap3A_828 = vector.shape_cast %add3A_823 : vector<16xf32> to vector<1x16xf32>
      tpu.vector_store %arg11[%swap3A_824, %swap3A_825], %swap3A_828 {strides = array<i32>} : memref<16x768xf32, #tpu.memory_space<vmem>>, vector<1x16xf32>,
      %mul3A_829 = arith.constant 2 : i32
      %mul3A_830 = arith.muli %mul3A_829, %scan3A_108 : i32
      %get3A_831 = arith.index_cast %mul3A_830 : i32 to index
      %get3A_832 = arith.constant 512 : index
      %get3A_833 = tpu.vector_load %arg9[%get3A_831, %get3A_832] {strides = array<i32>} : memref<32x768xf32, #tpu.memory_space<vmem>>, vector<1x16xf32>,
      %get3A_834 = vector.shape_cast %get3A_833 : vector<1x16xf32> to vector<16xf32>
      %mul3A_835 = arith.mulf %get3A_115, %get3A_834 : vector<16xf32>
      %mul3A_836 = arith.constant 2 : i32
      %mul3A_837 = arith.muli %mul3A_836, %scan3A_108 : i32
      %add3A_838 = arith.constant 1 : i32
      %add3A_839 = arith.addi %mul3A_837, %add3A_838 : i32
      %get3A_840 = arith.index_cast %add3A_839 : i32 to index
      %get3A_841 = arith.constant 512 : index
      %get3A_842 = tpu.vector_load %arg9[%get3A_840, %get3A_841] {strides = array<i32>} : memref<32x768xf32, #tpu.memory_space<vmem>>, vector<1x16xf32>,
      %get3A_843 = vector.shape_cast %get3A_842 : vector<1x16xf32> to vector<16xf32>
      %mul3A_844 = arith.mulf %get3A_125, %get3A_843 : vector<16xf32>
      %add3A_845 = arith.addf %mul3A_835, %mul3A_844 : vector<16xf32>
      %swap3A_846 = arith.index_cast %scan3A_108 : i32 to index
      %swap3A_847 = arith.constant 512 : index
      %swap3A_848 = tpu.vector_load %arg11[%swap3A_846, %swap3A_847] {strides = array<i32>} : memref<16x768xf32, #tpu.memory_space<vmem>>, vector<1x16xf32>,
      %swap3A_849 = vector.shape_cast %swap3A_848 : vector<1x16xf32> to vector<16xf32>
      %swap3A_850 = vector.shape_cast %add3A_845 : vector<16xf32> to vector<1x16xf32>
      tpu.vector_store %arg11[%swap3A_846, %swap3A_847], %swap3A_850 {strides = array<i32>} : memref<16x768xf32, #tpu.memory_space<vmem>>, vector<1x16xf32>,
      %mul3A_851 = arith.constant 2 : i32
      %mul3A_852 = arith.muli %mul3A_851, %scan3A_108 : i32
      %get3A_853 = arith.index_cast %mul3A_852 : i32 to index
      %get3A_854 = arith.constant 528 : index
      %get3A_855 = tpu.vector_load %arg9[%get3A_853, %get3A_854] {strides = array<i32>} : memref<32x768xf32, #tpu.memory_space<vmem>>, vector<1x16xf32>,
      %get3A_856 = vector.shape_cast %get3A_855 : vector<1x16xf32> to vector<16xf32>
      %mul3A_857 = arith.mulf %get3A_115, %get3A_856 : vector<16xf32>
      %mul3A_858 = arith.constant 2 : i32
      %mul3A_859 = arith.muli %mul3A_858, %scan3A_108 : i32
      %add3A_860 = arith.constant 1 : i32
      %add3A_861 = arith.addi %mul3A_859, %add3A_860 : i32
      %get3A_862 = arith.index_cast %add3A_861 : i32 to index
      %get3A_863 = arith.constant 528 : index
      %get3A_864 = tpu.vector_load %arg9[%get3A_862, %get3A_863] {strides = array<i32>} : memref<32x768xf32, #tpu.memory_space<vmem>>, vector<1x16xf32>,
      %get3A_865 = vector.shape_cast %get3A_864 : vector<1x16xf32> to vector<16xf32>
      %mul3A_866 = arith.mulf %get3A_125, %get3A_865 : vector<16xf32>
      %add3A_867 = arith.addf %mul3A_857, %mul3A_866 : vector<16xf32>
      %swap3A_868 = arith.index_cast %scan3A_108 : i32 to index
      %swap3A_869 = arith.constant 528 : index
      %swap3A_870 = tpu.vector_load %arg11[%swap3A_868, %swap3A_869] {strides = array<i32>} : memref<16x768xf32, #tpu.memory_space<vmem>>, vector<1x16xf32>,
      %swap3A_871 = vector.shape_cast %swap3A_870 : vector<1x16xf32> to vector<16xf32>
      %swap3A_872 = vector.shape_cast %add3A_867 : vector<16xf32> to vector<1x16xf32>
      tpu.vector_store %arg11[%swap3A_868, %swap3A_869], %swap3A_872 {strides = array<i32>} : memref<16x768xf32, #tpu.memory_space<vmem>>, vector<1x16xf32>,
      %mul3A_873 = arith.constant 2 : i32
      %mul3A_874 = arith.muli %mul3A_873, %scan3A_108 : i32
      %get3A_875 = arith.index_cast %mul3A_874 : i32 to index
      %get3A_876 = arith.constant 544 : index
      %get3A_877 = tpu.vector_load %arg9[%get3A_875, %get3A_876] {strides = array<i32>} : memref<32x768xf32, #tpu.memory_space<vmem>>, vector<1x16xf32>,
      %get3A_878 = vector.shape_cast %get3A_877 : vector<1x16xf32> to vector<16xf32>
      %mul3A_879 = arith.mulf %get3A_115, %get3A_878 : vector<16xf32>
      %mul3A_880 = arith.constant 2 : i32
      %mul3A_881 = arith.muli %mul3A_880, %scan3A_108 : i32
      %add3A_882 = arith.constant 1 : i32
      %add3A_883 = arith.addi %mul3A_881, %add3A_882 : i32
      %get3A_884 = arith.index_cast %add3A_883 : i32 to index
      %get3A_885 = arith.constant 544 : index
      %get3A_886 = tpu.vector_load %arg9[%get3A_884, %get3A_885] {strides = array<i32>} : memref<32x768xf32, #tpu.memory_space<vmem>>, vector<1x16xf32>,
      %get3A_887 = vector.shape_cast %get3A_886 : vector<1x16xf32> to vector<16xf32>
      %mul3A_888 = arith.mulf %get3A_125, %get3A_887 : vector<16xf32>
      %add3A_889 = arith.addf %mul3A_879, %mul3A_888 : vector<16xf32>
      %swap3A_890 = arith.index_cast %scan3A_108 : i32 to index
      %swap3A_891 = arith.constant 544 : index
      %swap3A_892 = tpu.vector_load %arg11[%swap3A_890, %swap3A_891] {strides = array<i32>} : memref<16x768xf32, #tpu.memory_space<vmem>>, vector<1x16xf32>,
      %swap3A_893 = vector.shape_cast %swap3A_892 : vector<1x16xf32> to vector<16xf32>
      %swap3A_894 = vector.shape_cast %add3A_889 : vector<16xf32> to vector<1x16xf32>
      tpu.vector_store %arg11[%swap3A_890, %swap3A_891], %swap3A_894 {strides = array<i32>} : memref<16x768xf32, #tpu.memory_space<vmem>>, vector<1x16xf32>,
      %mul3A_895 = arith.constant 2 : i32
      %mul3A_896 = arith.muli %mul3A_895, %scan3A_108 : i32
      %get3A_897 = arith.index_cast %mul3A_896 : i32 to index
      %get3A_898 = arith.constant 560 : index
      %get3A_899 = tpu.vector_load %arg9[%get3A_897, %get3A_898] {strides = array<i32>} : memref<32x768xf32, #tpu.memory_space<vmem>>, vector<1x16xf32>,
      %get3A_900 = vector.shape_cast %get3A_899 : vector<1x16xf32> to vector<16xf32>
      %mul3A_901 = arith.mulf %get3A_115, %get3A_900 : vector<16xf32>
      %mul3A_902 = arith.constant 2 : i32
      %mul3A_903 = arith.muli %mul3A_902, %scan3A_108 : i32
      %add3A_904 = arith.constant 1 : i32
      %add3A_905 = arith.addi %mul3A_903, %add3A_904 : i32
      %get3A_906 = arith.index_cast %add3A_905 : i32 to index
      %get3A_907 = arith.constant 560 : index
      %get3A_908 = tpu.vector_load %arg9[%get3A_906, %get3A_907] {strides = array<i32>} : memref<32x768xf32, #tpu.memory_space<vmem>>, vector<1x16xf32>,
      %get3A_909 = vector.shape_cast %get3A_908 : vector<1x16xf32> to vector<16xf32>
      %mul3A_910 = arith.mulf %get3A_125, %get3A_909 : vector<16xf32>
      %add3A_911 = arith.addf %mul3A_901, %mul3A_910 : vector<16xf32>
      %swap3A_912 = arith.index_cast %scan3A_108 : i32 to index
      %swap3A_913 = arith.constant 560 : index
      %swap3A_914 = tpu.vector_load %arg11[%swap3A_912, %swap3A_913] {strides = array<i32>} : memref<16x768xf32, #tpu.memory_space<vmem>>, vector<1x16xf32>,
      %swap3A_915 = vector.shape_cast %swap3A_914 : vector<1x16xf32> to vector<16xf32>
      %swap3A_916 = vector.shape_cast %add3A_911 : vector<16xf32> to vector<1x16xf32>
      tpu.vector_store %arg11[%swap3A_912, %swap3A_913], %swap3A_916 {strides = array<i32>} : memref<16x768xf32, #tpu.memory_space<vmem>>, vector<1x16xf32>,
      %mul3A_917 = arith.constant 2 : i32
      %mul3A_918 = arith.muli %mul3A_917, %scan3A_108 : i32
      %get3A_919 = arith.index_cast %mul3A_918 : i32 to index
      %get3A_920 = arith.constant 576 : index
      %get3A_921 = tpu.vector_load %arg9[%get3A_919, %get3A_920] {strides = array<i32>} : memref<32x768xf32, #tpu.memory_space<vmem>>, vector<1x16xf32>,
      %get3A_922 = vector.shape_cast %get3A_921 : vector<1x16xf32> to vector<16xf32>
      %mul3A_923 = arith.mulf %get3A_115, %get3A_922 : vector<16xf32>
      %mul3A_924 = arith.constant 2 : i32
      %mul3A_925 = arith.muli %mul3A_924, %scan3A_108 : i32
      %add3A_926 = arith.constant 1 : i32
      %add3A_927 = arith.addi %mul3A_925, %add3A_926 : i32
      %get3A_928 = arith.index_cast %add3A_927 : i32 to index
      %get3A_929 = arith.constant 576 : index
      %get3A_930 = tpu.vector_load %arg9[%get3A_928, %get3A_929] {strides = array<i32>} : memref<32x768xf32, #tpu.memory_space<vmem>>, vector<1x16xf32>,
      %get3A_931 = vector.shape_cast %get3A_930 : vector<1x16xf32> to vector<16xf32>
      %mul3A_932 = arith.mulf %get3A_125, %get3A_931 : vector<16xf32>
      %add3A_933 = arith.addf %mul3A_923, %mul3A_932 : vector<16xf32>
      %swap3A_934 = arith.index_cast %scan3A_108 : i32 to index
      %swap3A_935 = arith.constant 576 : index
      %swap3A_936 = tpu.vector_load %arg11[%swap3A_934, %swap3A_935] {strides = array<i32>} : memref<16x768xf32, #tpu.memory_space<vmem>>, vector<1x16xf32>,
      %swap3A_937 = vector.shape_cast %swap3A_936 : vector<1x16xf32> to vector<16xf32>
      %swap3A_938 = vector.shape_cast %add3A_933 : vector<16xf32> to vector<1x16xf32>
      tpu.vector_store %arg11[%swap3A_934, %swap3A_935], %swap3A_938 {strides = array<i32>} : memref<16x768xf32, #tpu.memory_space<vmem>>, vector<1x16xf32>,
      %mul3A_939 = arith.constant 2 : i32
      %mul3A_940 = arith.muli %mul3A_939, %scan3A_108 : i32
      %get3A_941 = arith.index_cast %mul3A_940 : i32 to index
      %get3A_942 = arith.constant 592 : index
      %get3A_943 = tpu.vector_load %arg9[%get3A_941, %get3A_942] {strides = array<i32>} : memref<32x768xf32, #tpu.memory_space<vmem>>, vector<1x16xf32>,
      %get3A_944 = vector.shape_cast %get3A_943 : vector<1x16xf32> to vector<16xf32>
      %mul3A_945 = arith.mulf %get3A_115, %get3A_944 : vector<16xf32>
      %mul3A_946 = arith.constant 2 : i32
      %mul3A_947 = arith.muli %mul3A_946, %scan3A_108 : i32
      %add3A_948 = arith.constant 1 : i32
      %add3A_949 = arith.addi %mul3A_947, %add3A_948 : i32
      %get3A_950 = arith.index_cast %add3A_949 : i32 to index
      %get3A_951 = arith.constant 592 : index
      %get3A_952 = tpu.vector_load %arg9[%get3A_950, %get3A_951] {strides = array<i32>} : memref<32x768xf32, #tpu.memory_space<vmem>>, vector<1x16xf32>,
      %get3A_953 = vector.shape_cast %get3A_952 : vector<1x16xf32> to vector<16xf32>
      %mul3A_954 = arith.mulf %get3A_125, %get3A_953 : vector<16xf32>
      %add3A_955 = arith.addf %mul3A_945, %mul3A_954 : vector<16xf32>
      %swap3A_956 = arith.index_cast %scan3A_108 : i32 to index
      %swap3A_957 = arith.constant 592 : index
      %swap3A_958 = tpu.vector_load %arg11[%swap3A_956, %swap3A_957] {strides = array<i32>} : memref<16x768xf32, #tpu.memory_space<vmem>>, vector<1x16xf32>,
      %swap3A_959 = vector.shape_cast %swap3A_958 : vector<1x16xf32> to vector<16xf32>
      %swap3A_960 = vector.shape_cast %add3A_955 : vector<16xf32> to vector<1x16xf32>
      tpu.vector_store %arg11[%swap3A_956, %swap3A_957], %swap3A_960 {strides = array<i32>} : memref<16x768xf32, #tpu.memory_space<vmem>>, vector<1x16xf32>,
      %mul3A_961 = arith.constant 2 : i32
      %mul3A_962 = arith.muli %mul3A_961, %scan3A_108 : i32
      %get3A_963 = arith.index_cast %mul3A_962 : i32 to index
      %get3A_964 = arith.constant 608 : index
      %get3A_965 = tpu.vector_load %arg9[%get3A_963, %get3A_964] {strides = array<i32>} : memref<32x768xf32, #tpu.memory_space<vmem>>, vector<1x16xf32>,
      %get3A_966 = vector.shape_cast %get3A_965 : vector<1x16xf32> to vector<16xf32>
      %mul3A_967 = arith.mulf %get3A_115, %get3A_966 : vector<16xf32>
      %mul3A_968 = arith.constant 2 : i32
      %mul3A_969 = arith.muli %mul3A_968, %scan3A_108 : i32
      %add3A_970 = arith.constant 1 : i32
      %add3A_971 = arith.addi %mul3A_969, %add3A_970 : i32
      %get3A_972 = arith.index_cast %add3A_971 : i32 to index
      %get3A_973 = arith.constant 608 : index
      %get3A_974 = tpu.vector_load %arg9[%get3A_972, %get3A_973] {strides = array<i32>} : memref<32x768xf32, #tpu.memory_space<vmem>>, vector<1x16xf32>,
      %get3A_975 = vector.shape_cast %get3A_974 : vector<1x16xf32> to vector<16xf32>
      %mul3A_976 = arith.mulf %get3A_125, %get3A_975 : vector<16xf32>
      %add3A_977 = arith.addf %mul3A_967, %mul3A_976 : vector<16xf32>
      %swap3A_978 = arith.index_cast %scan3A_108 : i32 to index
      %swap3A_979 = arith.constant 608 : index
      %swap3A_980 = tpu.vector_load %arg11[%swap3A_978, %swap3A_979] {strides = array<i32>} : memref<16x768xf32, #tpu.memory_space<vmem>>, vector<1x16xf32>,
      %swap3A_981 = vector.shape_cast %swap3A_980 : vector<1x16xf32> to vector<16xf32>
      %swap3A_982 = vector.shape_cast %add3A_977 : vector<16xf32> to vector<1x16xf32>
      tpu.vector_store %arg11[%swap3A_978, %swap3A_979], %swap3A_982 {strides = array<i32>} : memref<16x768xf32, #tpu.memory_space<vmem>>, vector<1x16xf32>,
      %mul3A_983 = arith.constant 2 : i32
      %mul3A_984 = arith.muli %mul3A_983, %scan3A_108 : i32
      %get3A_985 = arith.index_cast %mul3A_984 : i32 to index
      %get3A_986 = arith.constant 624 : index
      %get3A_987 = tpu.vector_load %arg9[%get3A_985, %get3A_986] {strides = array<i32>} : memref<32x768xf32, #tpu.memory_space<vmem>>, vector<1x16xf32>,
      %get3A_988 = vector.shape_cast %get3A_987 : vector<1x16xf32> to vector<16xf32>
      %mul3A_989 = arith.mulf %get3A_115, %get3A_988 : vector<16xf32>
      %mul3A_990 = arith.constant 2 : i32
      %mul3A_991 = arith.muli %mul3A_990, %scan3A_108 : i32
      %add3A_992 = arith.constant 1 : i32
      %add3A_993 = arith.addi %mul3A_991, %add3A_992 : i32
      %get3A_994 = arith.index_cast %add3A_993 : i32 to index
      %get3A_995 = arith.constant 624 : index
      %get3A_996 = tpu.vector_load %arg9[%get3A_994, %get3A_995] {strides = array<i32>} : memref<32x768xf32, #tpu.memory_space<vmem>>, vector<1x16xf32>,
      %get3A_997 = vector.shape_cast %get3A_996 : vector<1x16xf32> to vector<16xf32>
      %mul3A_998 = arith.mulf %get3A_125, %get3A_997 : vector<16xf32>
      %add3A_999 = arith.addf %mul3A_989, %mul3A_998 : vector<16xf32>
      %swap3A_1000 = arith.index_cast %scan3A_108 : i32 to index
      %swap3A_1001 = arith.constant 624 : index
      %swap3A_1002 = tpu.vector_load %arg11[%swap3A_1000, %swap3A_1001] {strides = array<i32>} : memref<16x768xf32, #tpu.memory_space<vmem>>, vector<1x16xf32>,
      %swap3A_1003 = vector.shape_cast %swap3A_1002 : vector<1x16xf32> to vector<16xf32>
      %swap3A_1004 = vector.shape_cast %add3A_999 : vector<16xf32> to vector<1x16xf32>
      tpu.vector_store %arg11[%swap3A_1000, %swap3A_1001], %swap3A_1004 {strides = array<i32>} : memref<16x768xf32, #tpu.memory_space<vmem>>, vector<1x16xf32>,
      %mul3A_1005 = arith.constant 2 : i32
      %mul3A_1006 = arith.muli %mul3A_1005, %scan3A_108 : i32
      %get3A_1007 = arith.index_cast %mul3A_1006 : i32 to index
      %get3A_1008 = arith.constant 640 : index
      %get3A_1009 = tpu.vector_load %arg9[%get3A_1007, %get3A_1008] {strides = array<i32>} : memref<32x768xf32, #tpu.memory_space<vmem>>, vector<1x16xf32>,
      %get3A_1010 = vector.shape_cast %get3A_1009 : vector<1x16xf32> to vector<16xf32>
      %mul3A_1011 = arith.mulf %get3A_115, %get3A_1010 : vector<16xf32>
      %mul3A_1012 = arith.constant 2 : i32
      %mul3A_1013 = arith.muli %mul3A_1012, %scan3A_108 : i32
      %add3A_1014 = arith.constant 1 : i32
      %add3A_1015 = arith.addi %mul3A_1013, %add3A_1014 : i32
      %get3A_1016 = arith.index_cast %add3A_1015 : i32 to index
      %get3A_1017 = arith.constant 640 : index
      %get3A_1018 = tpu.vector_load %arg9[%get3A_1016, %get3A_1017] {strides = array<i32>} : memref<32x768xf32, #tpu.memory_space<vmem>>, vector<1x16xf32>,
      %get3A_1019 = vector.shape_cast %get3A_1018 : vector<1x16xf32> to vector<16xf32>
      %mul3A_1020 = arith.mulf %get3A_125, %get3A_1019 : vector<16xf32>
      %add3A_1021 = arith.addf %mul3A_1011, %mul3A_1020 : vector<16xf32>
      %swap3A_1022 = arith.index_cast %scan3A_108 : i32 to index
      %swap3A_1023 = arith.constant 640 : index
      %swap3A_1024 = tpu.vector_load %arg11[%swap3A_1022, %swap3A_1023] {strides = array<i32>} : memref<16x768xf32, #tpu.memory_space<vmem>>, vector<1x16xf32>,
      %swap3A_1025 = vector.shape_cast %swap3A_1024 : vector<1x16xf32> to vector<16xf32>
      %swap3A_1026 = vector.shape_cast %add3A_1021 : vector<16xf32> to vector<1x16xf32>
      tpu.vector_store %arg11[%swap3A_1022, %swap3A_1023], %swap3A_1026 {strides = array<i32>} : memref<16x768xf32, #tpu.memory_space<vmem>>, vector<1x16xf32>,
      %mul3A_1027 = arith.constant 2 : i32
      %mul3A_1028 = arith.muli %mul3A_1027, %scan3A_108 : i32
      %get3A_1029 = arith.index_cast %mul3A_1028 : i32 to index
      %get3A_1030 = arith.constant 656 : index
      %get3A_1031 = tpu.vector_load %arg9[%get3A_1029, %get3A_1030] {strides = array<i32>} : memref<32x768xf32, #tpu.memory_space<vmem>>, vector<1x16xf32>,
      %get3A_1032 = vector.shape_cast %get3A_1031 : vector<1x16xf32> to vector<16xf32>
      %mul3A_1033 = arith.mulf %get3A_115, %get3A_1032 : vector<16xf32>
      %mul3A_1034 = arith.constant 2 : i32
      %mul3A_1035 = arith.muli %mul3A_1034, %scan3A_108 : i32
      %add3A_1036 = arith.constant 1 : i32
      %add3A_1037 = arith.addi %mul3A_1035, %add3A_1036 : i32
      %get3A_1038 = arith.index_cast %add3A_1037 : i32 to index
      %get3A_1039 = arith.constant 656 : index
      %get3A_1040 = tpu.vector_load %arg9[%get3A_1038, %get3A_1039] {strides = array<i32>} : memref<32x768xf32, #tpu.memory_space<vmem>>, vector<1x16xf32>,
      %get3A_1041 = vector.shape_cast %get3A_1040 : vector<1x16xf32> to vector<16xf32>
      %mul3A_1042 = arith.mulf %get3A_125, %get3A_1041 : vector<16xf32>
      %add3A_1043 = arith.addf %mul3A_1033, %mul3A_1042 : vector<16xf32>
      %swap3A_1044 = arith.index_cast %scan3A_108 : i32 to index
      %swap3A_1045 = arith.constant 656 : index
      %swap3A_1046 = tpu.vector_load %arg11[%swap3A_1044, %swap3A_1045] {strides = array<i32>} : memref<16x768xf32, #tpu.memory_space<vmem>>, vector<1x16xf32>,
      %swap3A_1047 = vector.shape_cast %swap3A_1046 : vector<1x16xf32> to vector<16xf32>
      %swap3A_1048 = vector.shape_cast %add3A_1043 : vector<16xf32> to vector<1x16xf32>
      tpu.vector_store %arg11[%swap3A_1044, %swap3A_1045], %swap3A_1048 {strides = array<i32>} : memref<16x768xf32, #tpu.memory_space<vmem>>, vector<1x16xf32>,
      %mul3A_1049 = arith.constant 2 : i32
      %mul3A_1050 = arith.muli %mul3A_1049, %scan3A_108 : i32
      %get3A_1051 = arith.index_cast %mul3A_1050 : i32 to index
      %get3A_1052 = arith.constant 672 : index
      %get3A_1053 = tpu.vector_load %arg9[%get3A_1051, %get3A_1052] {strides = array<i32>} : memref<32x768xf32, #tpu.memory_space<vmem>>, vector<1x16xf32>,
      %get3A_1054 = vector.shape_cast %get3A_1053 : vector<1x16xf32> to vector<16xf32>
      %mul3A_1055 = arith.mulf %get3A_115, %get3A_1054 : vector<16xf32>
      %mul3A_1056 = arith.constant 2 : i32
      %mul3A_1057 = arith.muli %mul3A_1056, %scan3A_108 : i32
      %add3A_1058 = arith.constant 1 : i32
      %add3A_1059 = arith.addi %mul3A_1057, %add3A_1058 : i32
      %get3A_1060 = arith.index_cast %add3A_1059 : i32 to index
      %get3A_1061 = arith.constant 672 : index
      %get3A_1062 = tpu.vector_load %arg9[%get3A_1060, %get3A_1061] {strides = array<i32>} : memref<32x768xf32, #tpu.memory_space<vmem>>, vector<1x16xf32>,
      %get3A_1063 = vector.shape_cast %get3A_1062 : vector<1x16xf32> to vector<16xf32>
      %mul3A_1064 = arith.mulf %get3A_125, %get3A_1063 : vector<16xf32>
      %add3A_1065 = arith.addf %mul3A_1055, %mul3A_1064 : vector<16xf32>
      %swap3A_1066 = arith.index_cast %scan3A_108 : i32 to index
      %swap3A_1067 = arith.constant 672 : index
      %swap3A_1068 = tpu.vector_load %arg11[%swap3A_1066, %swap3A_1067] {strides = array<i32>} : memref<16x768xf32, #tpu.memory_space<vmem>>, vector<1x16xf32>,
      %swap3A_1069 = vector.shape_cast %swap3A_1068 : vector<1x16xf32> to vector<16xf32>
      %swap3A_1070 = vector.shape_cast %add3A_1065 : vector<16xf32> to vector<1x16xf32>
      tpu.vector_store %arg11[%swap3A_1066, %swap3A_1067], %swap3A_1070 {strides = array<i32>} : memref<16x768xf32, #tpu.memory_space<vmem>>, vector<1x16xf32>,
      %mul3A_1071 = arith.constant 2 : i32
      %mul3A_1072 = arith.muli %mul3A_1071, %scan3A_108 : i32
      %get3A_1073 = arith.index_cast %mul3A_1072 : i32 to index
      %get3A_1074 = arith.constant 688 : index
      %get3A_1075 = tpu.vector_load %arg9[%get3A_1073, %get3A_1074] {strides = array<i32>} : memref<32x768xf32, #tpu.memory_space<vmem>>, vector<1x16xf32>,
      %get3A_1076 = vector.shape_cast %get3A_1075 : vector<1x16xf32> to vector<16xf32>
      %mul3A_1077 = arith.mulf %get3A_115, %get3A_1076 : vector<16xf32>
      %mul3A_1078 = arith.constant 2 : i32
      %mul3A_1079 = arith.muli %mul3A_1078, %scan3A_108 : i32
      %add3A_1080 = arith.constant 1 : i32
      %add3A_1081 = arith.addi %mul3A_1079, %add3A_1080 : i32
      %get3A_1082 = arith.index_cast %add3A_1081 : i32 to index
      %get3A_1083 = arith.constant 688 : index
      %get3A_1084 = tpu.vector_load %arg9[%get3A_1082, %get3A_1083] {strides = array<i32>} : memref<32x768xf32, #tpu.memory_space<vmem>>, vector<1x16xf32>,
      %get3A_1085 = vector.shape_cast %get3A_1084 : vector<1x16xf32> to vector<16xf32>
      %mul3A_1086 = arith.mulf %get3A_125, %get3A_1085 : vector<16xf32>
      %add3A_1087 = arith.addf %mul3A_1077, %mul3A_1086 : vector<16xf32>
      %swap3A_1088 = arith.index_cast %scan3A_108 : i32 to index
      %swap3A_1089 = arith.constant 688 : index
      %swap3A_1090 = tpu.vector_load %arg11[%swap3A_1088, %swap3A_1089] {strides = array<i32>} : memref<16x768xf32, #tpu.memory_space<vmem>>, vector<1x16xf32>,
      %swap3A_1091 = vector.shape_cast %swap3A_1090 : vector<1x16xf32> to vector<16xf32>
      %swap3A_1092 = vector.shape_cast %add3A_1087 : vector<16xf32> to vector<1x16xf32>
      tpu.vector_store %arg11[%swap3A_1088, %swap3A_1089], %swap3A_1092 {strides = array<i32>} : memref<16x768xf32, #tpu.memory_space<vmem>>, vector<1x16xf32>,
      %mul3A_1093 = arith.constant 2 : i32
      %mul3A_1094 = arith.muli %mul3A_1093, %scan3A_108 : i32
      %get3A_1095 = arith.index_cast %mul3A_1094 : i32 to index
      %get3A_1096 = arith.constant 704 : index
      %get3A_1097 = tpu.vector_load %arg9[%get3A_1095, %get3A_1096] {strides = array<i32>} : memref<32x768xf32, #tpu.memory_space<vmem>>, vector<1x16xf32>,
      %get3A_1098 = vector.shape_cast %get3A_1097 : vector<1x16xf32> to vector<16xf32>
      %mul3A_1099 = arith.mulf %get3A_115, %get3A_1098 : vector<16xf32>
      %mul3A_1100 = arith.constant 2 : i32
      %mul3A_1101 = arith.muli %mul3A_1100, %scan3A_108 : i32
      %add3A_1102 = arith.constant 1 : i32
      %add3A_1103 = arith.addi %mul3A_1101, %add3A_1102 : i32
      %get3A_1104 = arith.index_cast %add3A_1103 : i32 to index
      %get3A_1105 = arith.constant 704 : index
      %get3A_1106 = tpu.vector_load %arg9[%get3A_1104, %get3A_1105] {strides = array<i32>} : memref<32x768xf32, #tpu.memory_space<vmem>>, vector<1x16xf32>,
      %get3A_1107 = vector.shape_cast %get3A_1106 : vector<1x16xf32> to vector<16xf32>
      %mul3A_1108 = arith.mulf %get3A_125, %get3A_1107 : vector<16xf32>
      %add3A_1109 = arith.addf %mul3A_1099, %mul3A_1108 : vector<16xf32>
      %swap3A_1110 = arith.index_cast %scan3A_108 : i32 to index
      %swap3A_1111 = arith.constant 704 : index
      %swap3A_1112 = tpu.vector_load %arg11[%swap3A_1110, %swap3A_1111] {strides = array<i32>} : memref<16x768xf32, #tpu.memory_space<vmem>>, vector<1x16xf32>,
      %swap3A_1113 = vector.shape_cast %swap3A_1112 : vector<1x16xf32> to vector<16xf32>
      %swap3A_1114 = vector.shape_cast %add3A_1109 : vector<16xf32> to vector<1x16xf32>
      tpu.vector_store %arg11[%swap3A_1110, %swap3A_1111], %swap3A_1114 {strides = array<i32>} : memref<16x768xf32, #tpu.memory_space<vmem>>, vector<1x16xf32>,
      %mul3A_1115 = arith.constant 2 : i32
      %mul3A_1116 = arith.muli %mul3A_1115, %scan3A_108 : i32
      %get3A_1117 = arith.index_cast %mul3A_1116 : i32 to index
      %get3A_1118 = arith.constant 720 : index
      %get3A_1119 = tpu.vector_load %arg9[%get3A_1117, %get3A_1118] {strides = array<i32>} : memref<32x768xf32, #tpu.memory_space<vmem>>, vector<1x16xf32>,
      %get3A_1120 = vector.shape_cast %get3A_1119 : vector<1x16xf32> to vector<16xf32>
      %mul3A_1121 = arith.mulf %get3A_115, %get3A_1120 : vector<16xf32>
      %mul3A_1122 = arith.constant 2 : i32
      %mul3A_1123 = arith.muli %mul3A_1122, %scan3A_108 : i32
      %add3A_1124 = arith.constant 1 : i32
      %add3A_1125 = arith.addi %mul3A_1123, %add3A_1124 : i32
      %get3A_1126 = arith.index_cast %add3A_1125 : i32 to index
      %get3A_1127 = arith.constant 720 : index
      %get3A_1128 = tpu.vector_load %arg9[%get3A_1126, %get3A_1127] {strides = array<i32>} : memref<32x768xf32, #tpu.memory_space<vmem>>, vector<1x16xf32>,
      %get3A_1129 = vector.shape_cast %get3A_1128 : vector<1x16xf32> to vector<16xf32>
      %mul3A_1130 = arith.mulf %get3A_125, %get3A_1129 : vector<16xf32>
      %add3A_1131 = arith.addf %mul3A_1121, %mul3A_1130 : vector<16xf32>
      %swap3A_1132 = arith.index_cast %scan3A_108 : i32 to index
      %swap3A_1133 = arith.constant 720 : index
      %swap3A_1134 = tpu.vector_load %arg11[%swap3A_1132, %swap3A_1133] {strides = array<i32>} : memref<16x768xf32, #tpu.memory_space<vmem>>, vector<1x16xf32>,
      %swap3A_1135 = vector.shape_cast %swap3A_1134 : vector<1x16xf32> to vector<16xf32>
      %swap3A_1136 = vector.shape_cast %add3A_1131 : vector<16xf32> to vector<1x16xf32>
      tpu.vector_store %arg11[%swap3A_1132, %swap3A_1133], %swap3A_1136 {strides = array<i32>} : memref<16x768xf32, #tpu.memory_space<vmem>>, vector<1x16xf32>,
      %mul3A_1137 = arith.constant 2 : i32
      %mul3A_1138 = arith.muli %mul3A_1137, %scan3A_108 : i32
      %get3A_1139 = arith.index_cast %mul3A_1138 : i32 to index
      %get3A_1140 = arith.constant 736 : index
      %get3A_1141 = tpu.vector_load %arg9[%get3A_1139, %get3A_1140] {strides = array<i32>} : memref<32x768xf32, #tpu.memory_space<vmem>>, vector<1x16xf32>,
      %get3A_1142 = vector.shape_cast %get3A_1141 : vector<1x16xf32> to vector<16xf32>
      %mul3A_1143 = arith.mulf %get3A_115, %get3A_1142 : vector<16xf32>
      %mul3A_1144 = arith.constant 2 : i32
      %mul3A_1145 = arith.muli %mul3A_1144, %scan3A_108 : i32
      %add3A_1146 = arith.constant 1 : i32
      %add3A_1147 = arith.addi %mul3A_1145, %add3A_1146 : i32
      %get3A_1148 = arith.index_cast %add3A_1147 : i32 to index
      %get3A_1149 = arith.constant 736 : index
      %get3A_1150 = tpu.vector_load %arg9[%get3A_1148, %get3A_1149] {strides = array<i32>} : memref<32x768xf32, #tpu.memory_space<vmem>>, vector<1x16xf32>,
      %get3A_1151 = vector.shape_cast %get3A_1150 : vector<1x16xf32> to vector<16xf32>
      %mul3A_1152 = arith.mulf %get3A_125, %get3A_1151 : vector<16xf32>
      %add3A_1153 = arith.addf %mul3A_1143, %mul3A_1152 : vector<16xf32>
      %swap3A_1154 = arith.index_cast %scan3A_108 : i32 to index
      %swap3A_1155 = arith.constant 736 : index
      %swap3A_1156 = tpu.vector_load %arg11[%swap3A_1154, %swap3A_1155] {strides = array<i32>} : memref<16x768xf32, #tpu.memory_space<vmem>>, vector<1x16xf32>,
      %swap3A_1157 = vector.shape_cast %swap3A_1156 : vector<1x16xf32> to vector<16xf32>
      %swap3A_1158 = vector.shape_cast %add3A_1153 : vector<16xf32> to vector<1x16xf32>
      tpu.vector_store %arg11[%swap3A_1154, %swap3A_1155], %swap3A_1158 {strides = array<i32>} : memref<16x768xf32, #tpu.memory_space<vmem>>, vector<1x16xf32>,
      %mul3A_1159 = arith.constant 2 : i32
      %mul3A_1160 = arith.muli %mul3A_1159, %scan3A_108 : i32
      %get3A_1161 = arith.index_cast %mul3A_1160 : i32 to index
      %get3A_1162 = arith.constant 752 : index
      %get3A_1163 = tpu.vector_load %arg9[%get3A_1161, %get3A_1162] {strides = array<i32>} : memref<32x768xf32, #tpu.memory_space<vmem>>, vector<1x16xf32>,
      %get3A_1164 = vector.shape_cast %get3A_1163 : vector<1x16xf32> to vector<16xf32>
      %mul3A_1165 = arith.mulf %get3A_115, %get3A_1164 : vector<16xf32>
      %mul3A_1166 = arith.constant 2 : i32
      %mul3A_1167 = arith.muli %mul3A_1166, %scan3A_108 : i32
      %add3A_1168 = arith.constant 1 : i32
      %add3A_1169 = arith.addi %mul3A_1167, %add3A_1168 : i32
      %get3A_1170 = arith.index_cast %add3A_1169 : i32 to index
      %get3A_1171 = arith.constant 752 : index
      %get3A_1172 = tpu.vector_load %arg9[%get3A_1170, %get3A_1171] {strides = array<i32>} : memref<32x768xf32, #tpu.memory_space<vmem>>, vector<1x16xf32>,
      %get3A_1173 = vector.shape_cast %get3A_1172 : vector<1x16xf32> to vector<16xf32>
      %mul3A_1174 = arith.mulf %get3A_125, %get3A_1173 : vector<16xf32>
      %add3A_1175 = arith.addf %mul3A_1165, %mul3A_1174 : vector<16xf32>
      %swap3A_1176 = arith.index_cast %scan3A_108 : i32 to index
      %swap3A_1177 = arith.constant 752 : index
      %swap3A_1178 = tpu.vector_load %arg11[%swap3A_1176, %swap3A_1177] {strides = array<i32>} : memref<16x768xf32, #tpu.memory_space<vmem>>, vector<1x16xf32>,
      %swap3A_1179 = vector.shape_cast %swap3A_1178 : vector<1x16xf32> to vector<16xf32>
      %swap3A_1180 = vector.shape_cast %add3A_1175 : vector<16xf32> to vector<1x16xf32>
      tpu.vector_store %arg11[%swap3A_1176, %swap3A_1177], %swap3A_1180 {strides = array<i32>} : memref<16x768xf32, #tpu.memory_space<vmem>>, vector<1x16xf32>,
    }
    %scan3A_93 = arith.constant 16 : i32
    %add3A_94 = arith.constant 48 : i32
    %add3A_95 = arith.addi %mul3A_2, %add3A_94 : i32
    %dma_start3A_96 = arith.constant 0 : i32
    %dma_start3A_97 = tpu.memref_slice %arg5[%add3A_95, %dma_start3A_96] : memref<2048x768xf32, #tpu.memory_space<hbm>> -> memref<16x768xf32, #tpu.memory_space<hbm>>
    %dma_start3A_98 = arith.constant 0 : i32
    %dma_start3A_99 = tpu.memref_slice %arg5[%add3A_95, %dma_start3A_98] : memref<2048x768xf32, #tpu.memory_space<hbm>> -> memref<16x768xf32, #tpu.memory_space<hbm>>
    tpu.enqueue_dma source(%arg11 : memref<16x768xf32, #tpu.memory_space<vmem>>) target(%dma_start3A_99 : memref<16x768xf32, #tpu.memory_space<hbm>>) target_semaphore(%arg15 : memref<!tpu.dma_semaphore, #tpu.memory_space<semaphore_mem>>)
    %dma_wait3A_100 = arith.constant 0 : i32
    %dma_wait3A_101 = tpu.memref_slice %arg5[%add3A_74, %dma_wait3A_100] : memref<2048x768xf32, #tpu.memory_space<hbm>> -> memref<16x768xf32, #tpu.memory_space<hbm>>
    %dma_wait3A_102 = arith.constant 0 : i32
    %dma_wait3A_103 = tpu.memref_slice %arg5[%add3A_74, %dma_wait3A_102] : memref<2048x768xf32, #tpu.memory_space<hbm>> -> memref<16x768xf32, #tpu.memory_space<hbm>>
    tpu.wait_dma2 semaphore(%arg14 : memref<!tpu.dma_semaphore, #tpu.memory_space<semaphore_mem>>) src(%arg10 : memref<16x768xf32, #tpu.memory_space<vmem>>) dst(%dma_wait3A_103 : memref<16x768xf32, #tpu.memory_space<hbm>>)
    %dma_wait3A_104 = arith.constant 0 : i32
    %dma_wait3A_105 = tpu.memref_slice %arg5[%add3A_95, %dma_wait3A_104] : memref<2048x768xf32, #tpu.memory_space<hbm>> -> memref<16x768xf32, #tpu.memory_space<hbm>>
    %dma_wait3A_106 = arith.constant 0 : i32
    %dma_wait3A_107 = tpu.memref_slice %arg5[%add3A_95, %dma_wait3A_106] : memref<2048x768xf32, #tpu.memory_space<hbm>> -> memref<16x768xf32, #tpu.memory_space<hbm>>
    tpu.wait_dma2 semaphore(%arg15 : memref<!tpu.dma_semaphore, #tpu.memory_space<semaphore_mem>>) src(%arg11 : memref<16x768xf32, #tpu.memory_space<vmem>>) dst(%dma_wait3A_107 : memref<16x768xf32, #tpu.memory_space<hbm>>)
    return
  }
}

#map = affine_map<(d0, d1) -> (0, 0)>
#map1 = affine_map<(d0, d1) -> (0)>
module attributes {stable_mosaic.version = 14 : i64} {
  func.func @_dispatch_body(%arg0: i32, %arg1: i32, %arg2: memref<2048x384xi32, #tpu.memory_space<hbm>>, %arg3: memref<2048xi32, #tpu.memory_space<hbm>>, %arg4: memref<2048xi32, #tpu.memory_space<hbm>>, %arg5: memref<6144x384xi32, #tpu.memory_space<hbm>>, %arg6: memref<64xi32, #tpu.memory_space<vmem>>, %arg7: memref<64xi32, #tpu.memory_space<vmem>>, %arg8: memref<64x384xi32, #tpu.memory_space<vmem>>, %arg9: memref<!tpu.dma_semaphore, #tpu.memory_space<semaphore_mem>>, %arg10: memref<!tpu.dma_semaphore, #tpu.memory_space<semaphore_mem>>, %arg11: memref<!tpu.dma_semaphore, #tpu.memory_space<semaphore_mem>>) attributes {dimension_semantics = [#tpu.dimension_semantics<core_parallel>, #tpu.dimension_semantics<subcore_parallel>], iteration_bounds = array<i64: 2, 16>, scalar_prefetch = 0 : i64, scratch_operands = 6 : i64, tpu.core_type = #tpu.core_type<sc_vector_subcore>, window_params = [{transform_indices = #map}, {transform_indices = #map1}, {transform_indices = #map1}, {transform_indices = #map}]} {
    %mul3A = arith.constant 2 : i32
    %mul3A_0 = arith.muli %arg1, %mul3A : i32
    %add3A = arith.addi %mul3A_0, %arg0 : i32
    %mul3A_1 = arith.constant 64 : i32
    %mul3A_2 = arith.muli %add3A, %mul3A_1 : i32
    "tpu.region"() ({
      %run_scoped3A = tpu.sem_alloc : memref<!tpu.dma_semaphore, #tpu.memory_space<semaphore_mem>>
      %dma_start3A_21 = tpu.memref_slice %arg3[%mul3A_2] : memref<2048xi32, #tpu.memory_space<hbm>> -> memref<64xi32, #tpu.memory_space<hbm>>
      %dma_start3A_22 = tpu.memref_slice %arg3[%mul3A_2] : memref<2048xi32, #tpu.memory_space<hbm>> -> memref<64xi32, #tpu.memory_space<hbm>>
      tpu.enqueue_dma source(%dma_start3A_22 : memref<64xi32, #tpu.memory_space<hbm>>) target(%arg6 : memref<64xi32, #tpu.memory_space<vmem>>) target_semaphore(%run_scoped3A : memref<!tpu.dma_semaphore, #tpu.memory_space<semaphore_mem>>)
      %dma_wait3A_23 = tpu.memref_slice %arg3[%mul3A_2] : memref<2048xi32, #tpu.memory_space<hbm>> -> memref<64xi32, #tpu.memory_space<hbm>>
      %dma_wait3A_24 = tpu.memref_slice %arg3[%mul3A_2] : memref<2048xi32, #tpu.memory_space<hbm>> -> memref<64xi32, #tpu.memory_space<hbm>>
      tpu.wait_dma2 semaphore(%run_scoped3A : memref<!tpu.dma_semaphore, #tpu.memory_space<semaphore_mem>>) src(%dma_wait3A_24 : memref<64xi32, #tpu.memory_space<hbm>>) dst(%arg6 : memref<64xi32, #tpu.memory_space<vmem>>)
      tpu.yield
    }) : () -> ()
    "tpu.region"() ({
      %run_scoped3A = tpu.sem_alloc : memref<!tpu.dma_semaphore, #tpu.memory_space<semaphore_mem>>
      %dma_start3A_21 = tpu.memref_slice %arg4[%mul3A_2] : memref<2048xi32, #tpu.memory_space<hbm>> -> memref<64xi32, #tpu.memory_space<hbm>>
      %dma_start3A_22 = tpu.memref_slice %arg4[%mul3A_2] : memref<2048xi32, #tpu.memory_space<hbm>> -> memref<64xi32, #tpu.memory_space<hbm>>
      tpu.enqueue_dma source(%dma_start3A_22 : memref<64xi32, #tpu.memory_space<hbm>>) target(%arg7 : memref<64xi32, #tpu.memory_space<vmem>>) target_semaphore(%run_scoped3A : memref<!tpu.dma_semaphore, #tpu.memory_space<semaphore_mem>>)
      %dma_wait3A_23 = tpu.memref_slice %arg4[%mul3A_2] : memref<2048xi32, #tpu.memory_space<hbm>> -> memref<64xi32, #tpu.memory_space<hbm>>
      %dma_wait3A_24 = tpu.memref_slice %arg4[%mul3A_2] : memref<2048xi32, #tpu.memory_space<hbm>> -> memref<64xi32, #tpu.memory_space<hbm>>
      tpu.wait_dma2 semaphore(%run_scoped3A : memref<!tpu.dma_semaphore, #tpu.memory_space<semaphore_mem>>) src(%dma_wait3A_24 : memref<64xi32, #tpu.memory_space<hbm>>) dst(%arg7 : memref<64xi32, #tpu.memory_space<vmem>>)
      tpu.yield
    }) : () -> ()
    %dma_start3A = arith.constant 0 : i32
    %dma_start3A_3 = tpu.memref_slice %arg2[%mul3A_2, %dma_start3A] : memref<2048x384xi32, #tpu.memory_space<hbm>> -> memref<64x384xi32, #tpu.memory_space<hbm>>
    %dma_start3A_4 = arith.constant 0 : i32
    %dma_start3A_5 = tpu.memref_slice %arg2[%mul3A_2, %dma_start3A_4] : memref<2048x384xi32, #tpu.memory_space<hbm>> -> memref<64x384xi32, #tpu.memory_space<hbm>>
    tpu.enqueue_dma source(%dma_start3A_5 : memref<64x384xi32, #tpu.memory_space<hbm>>) target(%arg8 : memref<64x384xi32, #tpu.memory_space<vmem>>) target_semaphore(%arg9 : memref<!tpu.dma_semaphore, #tpu.memory_space<semaphore_mem>>)
    %dma_wait3A = arith.constant 0 : i32
    %dma_wait3A_6 = tpu.memref_slice %arg2[%mul3A_2, %dma_wait3A] : memref<2048x384xi32, #tpu.memory_space<hbm>> -> memref<64x384xi32, #tpu.memory_space<hbm>>
    %dma_wait3A_7 = arith.constant 0 : i32
    %dma_wait3A_8 = tpu.memref_slice %arg2[%mul3A_2, %dma_wait3A_7] : memref<2048x384xi32, #tpu.memory_space<hbm>> -> memref<64x384xi32, #tpu.memory_space<hbm>>
    tpu.wait_dma2 semaphore(%arg9 : memref<!tpu.dma_semaphore, #tpu.memory_space<semaphore_mem>>) src(%dma_wait3A_8 : memref<64x384xi32, #tpu.memory_space<hbm>>) dst(%arg8 : memref<64x384xi32, #tpu.memory_space<vmem>>)
    %dma_start3A_9 = arith.constant 0 : i32
    %dma_start3A_10 = arith.constant 0 : i32
    %dma_start3A_11 = tpu.memref_slice %arg5[%dma_start3A_9, %dma_start3A_10] : memref<6144x384xi32, #tpu.memory_space<hbm>> -> memref<6144x384xi32, #tpu.memory_space<hbm>>
    tpu.enqueue_indirect_dma source(%arg8 : memref<64x384xi32, #tpu.memory_space<vmem>>) target(%dma_start3A_11 : memref<6144x384xi32, #tpu.memory_space<hbm>>) offsets(%arg6 : memref<64xi32, #tpu.memory_space<vmem>>) semaphore(%arg10 : memref<!tpu.dma_semaphore, #tpu.memory_space<semaphore_mem>>)
    %dma_start3A_12 = arith.constant 0 : i32
    %dma_start3A_13 = arith.constant 0 : i32
    %dma_start3A_14 = tpu.memref_slice %arg5[%dma_start3A_12, %dma_start3A_13] : memref<6144x384xi32, #tpu.memory_space<hbm>> -> memref<6144x384xi32, #tpu.memory_space<hbm>>
    tpu.enqueue_indirect_dma source(%arg8 : memref<64x384xi32, #tpu.memory_space<vmem>>) target(%dma_start3A_14 : memref<6144x384xi32, #tpu.memory_space<hbm>>) offsets(%arg7 : memref<64xi32, #tpu.memory_space<vmem>>) semaphore(%arg11 : memref<!tpu.dma_semaphore, #tpu.memory_space<semaphore_mem>>)
    %dma_wait3A_15 = arith.constant 0 : i32
    %dma_wait3A_16 = arith.constant 0 : i32
    %dma_wait3A_17 = tpu.memref_slice %arg5[%dma_wait3A_15, %dma_wait3A_16] : memref<6144x384xi32, #tpu.memory_space<hbm>> -> memref<6144x384xi32, #tpu.memory_space<hbm>>
    tpu.wait_indirect_dma semaphore(%arg10 : memref<!tpu.dma_semaphore, #tpu.memory_space<semaphore_mem>>) src(%arg8 : memref<64x384xi32, #tpu.memory_space<vmem>>) dst(%dma_wait3A_17 : memref<6144x384xi32, #tpu.memory_space<hbm>>)
    %dma_wait3A_18 = arith.constant 0 : i32
    %dma_wait3A_19 = arith.constant 0 : i32
    %dma_wait3A_20 = tpu.memref_slice %arg5[%dma_wait3A_18, %dma_wait3A_19] : memref<6144x384xi32, #tpu.memory_space<hbm>> -> memref<6144x384xi32, #tpu.memory_space<hbm>>
    tpu.wait_indirect_dma semaphore(%arg11 : memref<!tpu.dma_semaphore, #tpu.memory_space<semaphore_mem>>) src(%arg8 : memref<64x384xi32, #tpu.memory_space<vmem>>) dst(%dma_wait3A_20 : memref<6144x384xi32, #tpu.memory_space<hbm>>)
    return
  }
}

module attributes {stable_mosaic.version = 14 : i64} {
  func.func @_router_body(%arg0: memref<2048x768xf32, #tpu.memory_space<vmem>>, %arg1: memref<768x8xf32, #tpu.memory_space<vmem>>, %arg2: memref<2048x2xi32, #tpu.memory_space<vmem>>, %arg3: memref<2048x2xf32, #tpu.memory_space<vmem>>, %arg4: memref<2048x384xi32, #tpu.memory_space<vmem>>) attributes {dimension_semantics = [], scalar_prefetch = 0 : i64, scratch_operands = 0 : i64, tpu.core_type = #tpu.core_type<tc>} {
    %get3A = arith.constant 0 : index
    %get3A_0 = arith.constant 0 : index
    %get3A_1 = vector.load %arg0[%get3A, %get3A_0] : memref<2048x768xf32, #tpu.memory_space<vmem>>, vector<2048x768xf32>
    %get3A_2 = arith.constant 0 : index
    %get3A_3 = arith.constant 0 : index
    %get3A_4 = vector.load %arg1[%get3A_2, %get3A_3] : memref<768x8xf32, #tpu.memory_space<vmem>>, vector<768x8xf32>
    %dot_general3A = arith.constant dense<0.000000e+00> : vector<2048x8xf32>
    %dot_general3A_5 = tpu.matmul %get3A_1, %get3A_4, %dot_general3A {dimension_numbers = #tpu.dot_dimension_numbers<[1], [0], [0], [1], [0, 0, 1, 1], [], []>, transpose_lhs_hint = false} : vector<2048x768xf32>, vector<768x8xf32>, vector<2048x8xf32> -> vector<2048x8xf32>
    %iota3A = tpu.iota {dimensions = array<i32: 1>} : vector<2048x8xi32>
    %reduce_max3A = arith.constant dense<0xFF800000> : vector<2048xf32>
    %reduce_max3A_6 = vector.multi_reduction <maximumf>, %dot_general3A_5, %reduce_max3A [1] : vector<2048x8xf32> to vector<2048xf32>
    %broadcast_in_dim3A = vector.shape_cast %reduce_max3A_6 : vector<2048xf32> to vector<2048x1xf32>
    %eq3A = vector.broadcast %broadcast_in_dim3A : vector<2048x1xf32> to vector<2048x8xf32>
    %eq3A_7 = arith.cmpf oeq, %dot_general3A_5, %eq3A : vector<2048x8xf32>
    %jit3A = arith.constant 8 : i32
    %broadcast_in_dim3A_8 = vector.broadcast %jit3A : i32 to vector<2048x8xi32>
    %select_n3A = arith.select %eq3A_7, %iota3A, %broadcast_in_dim3A_8 : vector<2048x8xi1>, vector<2048x8xi32>
    %reduce_min3A = arith.constant dense<2147483647> : vector<2048xi32>
    %reduce_min3A_9 = vector.multi_reduction <minsi>, %select_n3A, %reduce_min3A [1] : vector<2048x8xi32> to vector<2048xi32>
    %broadcast_in_dim3A_10 = vector.shape_cast %reduce_min3A_9 : vector<2048xi32> to vector<2048x1xi32>
    %eq3A_11 = vector.broadcast %broadcast_in_dim3A_10 : vector<2048x1xi32> to vector<2048x8xi32>
    %eq3A_12 = arith.cmpi eq, %iota3A, %eq3A_11 : vector<2048x8xi32>
    %jit3A_13 = arith.constant 0xFF800000 : f32
    %broadcast_in_dim3A_14 = vector.broadcast %jit3A_13 : f32 to vector<2048x8xf32>
    %select_n3A_15 = arith.select %eq3A_12, %broadcast_in_dim3A_14, %dot_general3A_5 : vector<2048x8xi1>, vector<2048x8xf32>
    %reduce_max3A_16 = arith.constant dense<0xFF800000> : vector<2048xf32>
    %reduce_max3A_17 = vector.multi_reduction <maximumf>, %select_n3A_15, %reduce_max3A_16 [1] : vector<2048x8xf32> to vector<2048xf32>
    %broadcast_in_dim3A_18 = vector.shape_cast %reduce_max3A_17 : vector<2048xf32> to vector<2048x1xf32>
    %eq3A_19 = vector.broadcast %broadcast_in_dim3A_18 : vector<2048x1xf32> to vector<2048x8xf32>
    %eq3A_20 = arith.cmpf oeq, %select_n3A_15, %eq3A_19 : vector<2048x8xf32>
    %jit3A_21 = arith.constant 8 : i32
    %broadcast_in_dim3A_22 = vector.broadcast %jit3A_21 : i32 to vector<2048x8xi32>
    %select_n3A_23 = arith.select %eq3A_20, %iota3A, %broadcast_in_dim3A_22 : vector<2048x8xi1>, vector<2048x8xi32>
    %reduce_min3A_24 = arith.constant dense<2147483647> : vector<2048xi32>
    %reduce_min3A_25 = vector.multi_reduction <minsi>, %select_n3A_23, %reduce_min3A_24 [1] : vector<2048x8xi32> to vector<2048xi32>
    %broadcast_in_dim3A_26 = vector.shape_cast %reduce_min3A_25 : vector<2048xi32> to vector<2048x1xi32>
    %sub3A = arith.subf %broadcast_in_dim3A_18, %broadcast_in_dim3A : vector<2048x1xf32>
    %exp3A = math.exp %sub3A : vector<2048x1xf32>
    %add3A = arith.constant 1.000000e+00 : f32
    %add3A_27 = vector.broadcast %add3A : f32 to vector<2048x1xf32>
    %add3A_28 = arith.addf %add3A_27, %exp3A : vector<2048x1xf32>
    %div3A = arith.constant 1.000000e+00 : f32
    %div3A_29 = vector.broadcast %div3A : f32 to vector<2048x1xf32>
    %div3A_30 = arith.divf %div3A_29, %add3A_28 : vector<2048x1xf32>
    %add3A_31 = arith.constant 1.000000e+00 : f32
    %add3A_32 = vector.broadcast %add3A_31 : f32 to vector<2048x1xf32>
    %add3A_33 = arith.addf %add3A_32, %exp3A : vector<2048x1xf32>
    %div3A_34 = arith.divf %exp3A, %add3A_33 : vector<2048x1xf32>
    %concatenate3A = tpu.concatenate %broadcast_in_dim3A_10, %broadcast_in_dim3A_26 in 1 : vector<2048x1xi32>, vector<2048x1xi32> -> vector<2048x2xi32>
    %swap3A = arith.constant 0 : index
    %swap3A_35 = arith.constant 0 : index
    %swap3A_36 = vector.load %arg2[%swap3A, %swap3A_35] : memref<2048x2xi32, #tpu.memory_space<vmem>>, vector<2048x2xi32>
    tpu.vector_store %arg2[%swap3A, %swap3A_35], %concatenate3A {strides = array<i32>} : memref<2048x2xi32, #tpu.memory_space<vmem>>, vector<2048x2xi32>,
    %concatenate3A_37 = tpu.concatenate %div3A_30, %div3A_34 in 1 : vector<2048x1xf32>, vector<2048x1xf32> -> vector<2048x2xf32>
    %swap3A_38 = arith.constant 0 : index
    %swap3A_39 = arith.constant 0 : index
    %swap3A_40 = vector.load %arg3[%swap3A_38, %swap3A_39] : memref<2048x2xf32, #tpu.memory_space<vmem>>, vector<2048x2xf32>
    tpu.vector_store %arg3[%swap3A_38, %swap3A_39], %concatenate3A_37 {strides = array<i32>} : memref<2048x2xf32, #tpu.memory_space<vmem>>, vector<2048x2xf32>,
    %convert_element_type3A = arith.truncf %get3A_1 : vector<2048x768xf32> to vector<2048x768xbf16>
    %slice3A = vector.extract_strided_slice %convert_element_type3A {offsets = [0, 0], sizes = [2048, 384], strides = [1, 1]} : vector<2048x768xbf16> to vector<2048x384xbf16>
    %bitcast_convert_type3A = tpu.bitcast %slice3A : vector<2048x384xbf16> -> vector<2048x384xi16>
    %convert_element_type3A_41 = arith.extui %bitcast_convert_type3A : vector<2048x384xi16> to vector<2048x384xi32>
    %slice3A_42 = vector.extract_strided_slice %convert_element_type3A {offsets = [0, 384], sizes = [2048, 384], strides = [1, 1]} : vector<2048x768xbf16> to vector<2048x384xbf16>
    %bitcast_convert_type3A_43 = tpu.bitcast %slice3A_42 : vector<2048x384xbf16> -> vector<2048x384xi16>
    %convert_element_type3A_44 = arith.extui %bitcast_convert_type3A_43 : vector<2048x384xi16> to vector<2048x384xi32>
    %shift_left3A = arith.constant 16 : i32
    %shift_left3A_45 = vector.broadcast %shift_left3A : i32 to vector<2048x384xi32>
    %shift_left3A_46 = arith.shli %convert_element_type3A_44, %shift_left3A_45 : vector<2048x384xi32>
    %or3A = arith.ori %shift_left3A_46, %convert_element_type3A_41 : vector<2048x384xi32>
    %bitcast3A = tpu.bitcast %or3A : vector<2048x384xi32> -> vector<2048x384xi32>
    %swap3A_47 = arith.constant 0 : index
    %swap3A_48 = arith.constant 0 : index
    %swap3A_49 = vector.load %arg4[%swap3A_47, %swap3A_48] : memref<2048x384xi32, #tpu.memory_space<vmem>>, vector<2048x384xi32>
    tpu.vector_store %arg4[%swap3A_47, %swap3A_48], %bitcast3A {strides = array<i32>} : memref<2048x384xi32, #tpu.memory_space<vmem>>, vector<2048x384xi32>,
    return
  }
}

module attributes {stable_mosaic.version = 14 : i64} {
  func.func @_gemm_body(%arg0: i32, %arg1: memref<24xi32, #tpu.memory_space<smem>>, %arg2: memref<256x384xi32, #tpu.memory_space<vmem>>, %arg3: memref<1x1536x768xf32, #tpu.memory_space<vmem>>, %arg4: memref<1x768x1536xf32, #tpu.memory_space<vmem>>, %arg5: memref<256x768xf32, #tpu.memory_space<vmem>>) attributes {dimension_semantics = [#tpu.dimension_semantics<arbitrary>], iteration_bounds = array<i64: 24>, scalar_prefetch = 1 : i64, scratch_operands = 0 : i64, tpu.core_type = #tpu.core_type<tc>, window_params = [{transform_indices = @transform_0, window_bounds = array<i64: 256, 384>}, {transform_indices = @transform_1, window_bounds = array<i64: 1, 1536, 768>}, {transform_indices = @transform_2, window_bounds = array<i64: 1, 768, 1536>}, {transform_indices = @transform_3, window_bounds = array<i64: 256, 768>}]} {
    %get3A = arith.constant 0 : index
    %get3A_0 = arith.constant 0 : index
    %get3A_1 = vector.load %arg2[%get3A, %get3A_0] : memref<256x384xi32, #tpu.memory_space<vmem>>, vector<256x384xi32>
    %bitcast3A = tpu.bitcast %get3A_1 : vector<256x384xi32> -> vector<256x384xi32>
    %and3A = arith.constant 65535 : i32
    %and3A_2 = vector.broadcast %and3A : i32 to vector<256x384xi32>
    %and3A_3 = arith.andi %bitcast3A, %and3A_2 : vector<256x384xi32>
    %convert_element_type3A = arith.trunci %and3A_3 : vector<256x384xi32> to vector<256x384xi16>
    %bitcast_convert_type3A = tpu.bitcast %convert_element_type3A : vector<256x384xi16> -> vector<256x384xbf16>
    %shift_right_logical3A = arith.constant 16 : i32
    %shift_right_logical3A_4 = vector.broadcast %shift_right_logical3A : i32 to vector<256x384xi32>
    %shift_right_logical3A_5 = arith.shrui %bitcast3A, %shift_right_logical3A_4 : vector<256x384xi32>
    %convert_element_type3A_6 = arith.trunci %shift_right_logical3A_5 : vector<256x384xi32> to vector<256x384xi16>
    %bitcast_convert_type3A_7 = tpu.bitcast %convert_element_type3A_6 : vector<256x384xi16> -> vector<256x384xbf16>
    %concatenate3A = tpu.concatenate %bitcast_convert_type3A, %bitcast_convert_type3A_7 in 1 : vector<256x384xbf16>, vector<256x384xbf16> -> vector<256x768xbf16>
    %get3A_8 = arith.constant 0 : index
    %get3A_9 = arith.constant 0 : index
    %get3A_10 = arith.constant 0 : index
    %get3A_11 = vector.load %arg3[%get3A_8, %get3A_9, %get3A_10] : memref<1x1536x768xf32, #tpu.memory_space<vmem>>, vector<1x1536x768xf32>
    %get3A_12 = vector.shape_cast %get3A_11 : vector<1x1536x768xf32> to vector<1536x768xf32>
    %convert_element_type3A_13 = arith.truncf %get3A_12 : vector<1536x768xf32> to vector<1536x768xbf16>
    %dot_general3A = arith.constant dense<0.000000e+00> : vector<256x1536xf32>
    %dot_general3A_14 = tpu.matmul %concatenate3A, %convert_element_type3A_13, %dot_general3A {dimension_numbers = #tpu.dot_dimension_numbers<[1], [1], [0], [0], [0, 0, 1, 0], [], []>, transpose_lhs_hint = false} : vector<256x768xbf16>, vector<1536x768xbf16>, vector<256x1536xf32> -> vector<256x1536xf32>
    %logistic3A = arith.negf %dot_general3A_14 : vector<256x1536xf32>
    %logistic3A_15 = math.exp %logistic3A : vector<256x1536xf32>
    %logistic3A_16 = arith.constant 1.000000e+00 : f32
    %logistic3A_17 = vector.broadcast %logistic3A_16 : f32 to vector<256x1536xf32>
    %logistic3A_18 = arith.addf %logistic3A_17, %logistic3A_15 : vector<256x1536xf32>
    %logistic3A_19 = arith.divf %logistic3A_17, %logistic3A_18 : vector<256x1536xf32>
    %mul3A = arith.mulf %dot_general3A_14, %logistic3A_19 : vector<256x1536xf32>
    %convert_element_type3A_20 = arith.truncf %mul3A : vector<256x1536xf32> to vector<256x1536xbf16>
    %get3A_21 = arith.constant 0 : index
    %get3A_22 = arith.constant 0 : index
    %get3A_23 = arith.constant 0 : index
    %get3A_24 = vector.load %arg4[%get3A_21, %get3A_22, %get3A_23] : memref<1x768x1536xf32, #tpu.memory_space<vmem>>, vector<1x768x1536xf32>
    %get3A_25 = vector.shape_cast %get3A_24 : vector<1x768x1536xf32> to vector<768x1536xf32>
    %convert_element_type3A_26 = arith.truncf %get3A_25 : vector<768x1536xf32> to vector<768x1536xbf16>
    %dot_general3A_27 = arith.constant dense<0.000000e+00> : vector<256x768xf32>
    %dot_general3A_28 = tpu.matmul %convert_element_type3A_20, %convert_element_type3A_26, %dot_general3A_27 {dimension_numbers = #tpu.dot_dimension_numbers<[1], [1], [0], [0], [0, 0, 1, 0], [], []>, transpose_lhs_hint = false} : vector<256x1536xbf16>, vector<768x1536xbf16>, vector<256x768xf32> -> vector<256x768xf32>
    %swap3A = arith.constant 0 : index
    %swap3A_29 = arith.constant 0 : index
    %swap3A_30 = vector.load %arg5[%swap3A, %swap3A_29] : memref<256x768xf32, #tpu.memory_space<vmem>>, vector<256x768xf32>
    tpu.vector_store %arg5[%swap3A, %swap3A_29], %dot_general3A_28 {strides = array<i32>} : memref<256x768xf32, #tpu.memory_space<vmem>>, vector<256x768xf32>,
    return
  }
  func.func @transform_0(%arg0: i32, %arg1: memref<24xi32, #tpu.memory_space<smem>>) -> (i32, i32) {
    %c0_i32 = arith.constant 0 : i32
    %c0_i32_0 = arith.constant 0 : i32
    return %arg0, %c0_i32 : i32, i32
  }
  func.func @transform_1(%arg0: i32, %arg1: memref<24xi32, #tpu.memory_space<smem>>) -> (i32, i32, i32) {
    %get3A = arith.index_cast %arg0 : i32 to index
    %get3A_0 = memref.load %arg1[%get3A] : memref<24xi32, #tpu.memory_space<smem>>
    %c0_i32 = arith.constant 0 : i32
    %c0_i32_1 = arith.constant 0 : i32
    %c0_i32_2 = arith.constant 0 : i32
    return %get3A_0, %c0_i32, %c0_i32_1 : i32, i32, i32
  }
  func.func @transform_2(%arg0: i32, %arg1: memref<24xi32, #tpu.memory_space<smem>>) -> (i32, i32, i32) {
    %get3A = arith.index_cast %arg0 : i32 to index
    %get3A_0 = memref.load %arg1[%get3A] : memref<24xi32, #tpu.memory_space<smem>>
    %c0_i32 = arith.constant 0 : i32
    %c0_i32_1 = arith.constant 0 : i32
    %c0_i32_2 = arith.constant 0 : i32
    return %get3A_0, %c0_i32, %c0_i32_1 : i32, i32, i32
  }
  func.func @transform_3(%arg0: i32, %arg1: memref<24xi32, #tpu.memory_space<smem>>) -> (i32, i32) {
    %c0_i32 = arith.constant 0 : i32
    %c0_i32_0 = arith.constant 0 : i32
    return %arg0, %c0_i32 : i32, i32
  }
}

</mosaic_0001>

<sc_bundles>
// kernel: kernel.6.cloned.1.call-start
scs
__scs_entry_jumppad:
0x0: {  	(pc) =	sbr.rel $0x88, $3  }
0x1: {  	(tag) =	ssettag $0x0;
	lr =	simm.s32 $0x1  }
0x2: {  	[smem:$0x3F9D] =	sst lr;
	_ =	strace $0xD0000000  }
0x3: {  	_ = 	snop  }
0x4: {  	_ = 	snop  }
0x5: {  	_ = 	snop  }
0x6: {  	_ = 	snop  }
0x7: {  	_ = 	snop  }
__scs_overlays_trampoline_lowered:
0x8: {  	[smem:$0x3FAC] =	sst s0  }
0x9: {  	[smem:$0x3FAD] =	sst s1  }
0xa: {  	[smem:$0x3FAE] =	sst s2  }
0xb: {  	[smem:$0x3FAF] =	sst s3  }
0xc: {  	[smem:$0x3FB0] =	sst s4  }
0xd: {  	[smem:$0x3FB1] =	sst s5  }
0xe: {  	[smem:$0x3FB2] =	sst s6  }
0xf: {  	[smem:$0x3FB3] =	sst s7  }
0x10: {  	[smem:$0x3FB4] =	sst s8  }
0x11: {  	[smem:$0x3FB5] =	sst s9;
	s0 =	simm.s32 @!p0 $0x0  }
0x12: {  	s1 =	sld [smem:$0x3F9B];
	s0 =	simm.s32 @p0 $0x1  }
0x13: {  	[smem:$0x3FB6] =	sst s0;
	s0 =	simm.s32 @!p1 $0x0  }
0x14: {  	s2 =	sld [smem:$0x3F9A];
	s0 =	simm.s32 @p1 $0x1  }
0x15: {  	[smem:$0x3FB7] =	sst s0;
	s0 =	simm.s32 @!p2 $0x0  }
0x16: {  	s3 =	sld [smem:$0x3FDB];
	s0 =	simm.s32 @p2 $0x1  }
0x17: {  	s4 =	simm.s32 $0x1BF5;
	[smem:$0x3FB9] =	sst s0  }
0x18: {  	s0 =	sld [smem:$0x3F9C];
	_ =	swait.ge [sflag:s4], $0x0  }
0x19: {  	s7 =	sld [smem:$0x3F9D]  }
0x1a: {  	s8 =	sadd.s32 $0xFFFFE003, lr  }
0x1b: {  	s9 =	sadd.s32 $0xFFFFFEF7, lr;
	s5 =	simm.s32 $0xFFFFFFFF;
	p2 =	slt.u32 s8, $0xFFFFF086  }
0x1c: {  	p1 =	slt.u32 s9, $0xF7A;
	s5 =	simm.s32 @!p2 $0x0  }
0x1d: {  	s5 =	simm.s32 @p1 $0x1;
	p0 =	seq.s32 s7, s2  }
0x1e: {  	s7 =	smul.u32 @!p0 $0xF7A, s2;
	p2 =	seq.s32 @!p0 s5, $0x0  }
0x1f: {  	s9 =	smul.u32 $0xF7A, s1;
	s8 =	simm.s32 @!p0 $0x1BF5;
	p2 =	por !p2, p0  }
0x20: {  	[sflag:s8] =	ssyncset.s32 @!p0 $0xFFFFF086;
	s6 =	sadd.s32 @!p0 s3, s7;
	s7 =	simm.s32 @!p0 $0x108  }
0x21: {  	s3 =	sadd.s32 s3, s9;
	s6 =	sadd.s32 @!p0 $0x88, s6;
	s7 =	simm.s32 @p2 $0x1082  }
0x22: {  	[simem:s7], [sflag:s8] =	dma.local @!p0 [hbm:s6], $0xF7A  }
0x23: {  	s9 =	sor.u32 $0xD0000000, s2;
	s6 =	simm.s32 $0x108;
	_ =	swait.ge @!p0 [sflag:s8], $0x0  }
0x24: {  	s3 =	sadd.s32 $0x88, s3;
	s6 =	simm.s32 @!p1 $0x1082;
	[sflag:s4] =	ssyncset.s32 $0xFFFFF086  }
0x25: {  	[simem:s6], [sflag:s4] =	dma.local [hbm:s3], $0xF7A  }
0x26: {  	[smem:$0x3F9D] =	sst s1;
	(tag) =	ssettag s2;
	_ =	strace s9  }
0x27: {  	s1 =	sld [smem:$0x3FAD]  }
0x28: {  	s2 =	sld [smem:$0x3FAE]  }
0x29: {  	s4 =	sld [smem:$0x3FB0]  }
0x2a: {  	p0 =	seq.s32 s5, $0x0;
	s5 =	sld [smem:$0x3FB1]  }
0x2b: {  	s6 =	sld [smem:$0x3FB2]  }
0x2c: {  	s7 =	sld [smem:$0x3FB3]  }
0x2d: {  	s3 =	simm.s32 $0x108;
	s8 =	sld [smem:$0x3FB4]  }
0x2e: {  	s3 =	simm.s32 @!p0 $0x1082;
	s9 =	sld [smem:$0x3FB5]  }
0x2f: {  	lr =	sadd.s32 s0, s3;
	s0 =	sld [smem:$0x3FAC]  }
0x30: {  	s3 =	sld [smem:$0x3FAF]  }
0x31: {  	[smem:$0x3FB8] =	sst s10  }
0x32: {  	s10 =	sld [smem:$0x3FB6];
	_ =	sdelay $0x3  }
0x33: {  	p0 =	seq.s32 s10, $0x1;
	s10 =	sld [smem:$0x3FB8];
	_ =	sdelay $0x3  }
0x34: {  	[smem:$0x3FB8] =	sst s10  }
0x35: {  	s10 =	sld [smem:$0x3FB7];
	_ =	sdelay $0x3  }
0x36: {  	p1 =	seq.s32 s10, $0x1;
	s10 =	sld [smem:$0x3FB8];
	_ =	sdelay $0x3  }
0x37: {  	[smem:$0x3FB8] =	sst s10  }
0x38: {  	s10 =	sld [smem:$0x3FB9]  }
0x39: {  	_ = 	snop;
	(pc) =	sbr.ind lr, $3  }
0x3a: {  	_ = 	snop  }
0x3b: {  	_ = 	snop  }
0x3c: {  	p2 =	seq.s32 s10, $0x1;
	s10 =	sld [smem:$0x3FB8]  }
0x3d: {  	_ =	shalt  }
0x3e: {  	_ =	shalt  }
0x3f: {  	_ =	shalt  }
0x40: {  	_ =	shalt  }
0x41: {  	_ =	shalt  }
0x42: {  	_ =	shalt  }
0x43: {  	_ =	shalt  }
0x44: {  	_ =	shalt  }
0x45: {  	_ =	shalt  }
0x46: {  	_ =	shalt  }
0x47: {  	_ =	shalt  }
0x48: {  	_ =	shalt  }
0x49: {  	_ =	shalt  }
0x4a: {  	_ =	shalt  }
0x4b: {  	_ =	shalt  }
0x4c: {  	_ =	shalt  }
0x4d: {  	_ =	shalt  }
0x4e: {  	_ =	shalt  }
0x4f: {  	_ =	shalt  }
0x50: {  	_ =	shalt  }
0x51: {  	_ =	shalt  }
0x52: {  	_ =	shalt  }
0x53: {  	_ =	shalt  }
0x54: {  	_ =	shalt  }
0x55: {  	_ =	shalt  }
0x56: {  	_ =	shalt  }
0x57: {  	_ =	shalt  }
0x58: {  	_ =	shalt  }
0x59: {  	_ =	shalt  }
0x5a: {  	_ =	shalt  }
0x5b: {  	_ =	shalt  }
0x5c: {  	_ =	shalt  }
0x5d: {  	_ =	shalt  }
0x5e: {  	_ =	shalt  }
0x5f: {  	_ =	shalt  }
0x60: {  	_ =	shalt  }
0x61: {  	_ =	shalt  }
0x62: {  	_ =	shalt  }
0x63: {  	_ =	shalt  }
0x64: {  	_ =	shalt  }
0x65: {  	_ =	shalt  }
0x66: {  	_ =	shalt  }
0x67: {  	_ =	shalt  }
0x68: {  	_ =	shalt  }
0x69: {  	_ =	shalt  }
0x6a: {  	_ =	shalt  }
0x6b: {  	_ =	shalt  }
0x6c: {  	_ =	shalt  }
0x6d: {  	_ =	shalt  }
0x6e: {  	_ =	shalt  }
0x6f: {  	_ =	shalt  }
0x70: {  	_ =	shalt  }
0x71: {  	_ =	shalt  }
0x72: {  	_ =	shalt  }
0x73: {  	_ =	shalt  }
0x74: {  	_ =	shalt  }
0x75: {  	_ =	shalt  }
0x76: {  	_ =	shalt  }
0x77: {  	_ =	shalt  }
0x78: {  	_ =	shalt  }
0x79: {  	_ =	shalt  }
0x7a: {  	_ =	shalt  }
0x7b: {  	_ =	shalt  }
0x7c: {  	_ =	shalt  }
0x7d: {  	_ =	shalt  }
0x7e: {  	_ =	shalt  }
0x7f: {  	_ =	shalt  }
0x80: {  	_ =	shalt  }
0x81: {  	_ =	shalt  }
0x82: {  	_ =	shalt  }
0x83: {  	_ =	shalt  }
0x84: {  	_ =	shalt  }
0x85: {  	_ =	shalt  }
0x86: {  	_ =	shalt  }
0x87: {  	_ =	shalt  }
.Lfunc_end0:
.L_simem_size_0:
called_computation_lowered:
.L_overlay_start_0:
0x88: {  	s2 =	sld [smem:$0x3FD9]  }
0x89: {  	s3 =	sld [smem:$0x3FFE];
	_ =	sdelay $0x1  }
0x8a: {  	s1 =	srdreg.scid  }
0x8b: {  	s0 =	sand.u32 $0x1, s1  }
0x8c: {  	s17 =	sshll.u32 s0, $0xA;
	s2 =	sadd.s32 s3, s2  }
0x8d: {  	s2 =	sadd.s32 s2, s17  }
0x8e: {  	[smem:$0x3FC4] =	sst s2  }
0x8f: {  	_ = 	snop  }
0x90: {  	s2 =	sld [smem:$0x3FD0];
	(tm) =	ssettm $0x1  }
0x91: {  	s18 =	sld [smem:$0x3FFB];
	_ =	sdelay $0x3  }
0x92: {  	_ =	strace s18  }
0x93: {  	s3 =	sld [smem:$0x3FFC];
	_ =	sdelay $0x3  }
0x94: {  	_ =	strace s3  }
0x95: {  	s3 =	sld [smem:$0x3FFD];
	_ =	sdelay $0x3  }
0x96: {  	_ =	strace s3  }
0x97: {  	_ =	strace $0x8FFFFFFF  }
0x98: {  	s19 =	sld [smem:$0x3FDB];
	_ =	sdelay $0x1  }
0x99: {  	s4 =	simm.s32 $_scs_section_size  }
0x9a: {  	s5 =	simm.s32 $_size__tile_overlayer_lowered;
	s6 =	simm.s32 $_tile_overlayer_lowered  }
0x9b: {  	s22 =	simm.s32 $0x1BFF;
	s21 =	sshll.u32 s6, $0x1;
	s3 =	sadd.s32 s4, s19  }
0x9c: {  	s7 =	simm.s32 $0x0;
	s20 =	sshll.u32 s5, $0x1;
	s5 =	sadd.s32 s21, s3  }
0x9d: {  	[timem:s7], [sflag:s22] =	dma.local [hbm:s5], s20  }
0x9e: {  	_ =	swait.ge [sflag:s22], s20  }
0x9f: {  	s4 =	ssub.s32 $0x0, s20;
	[sflag:s22] =	ssyncset.done $0x0  }
0xa0: {  	[sflag:s22] =	ssyncadd.s32 s4;
	_ =	sdelay $0x1  }
0xa1: {  	s23 =	simm.s32 $0x1B8B  }
0xa2: {  	_ =	swait.ge [sflag:s23], $0x1  }
0xa3: {  	[sflag:s23] =	ssyncset.done $0x0  }
0xa4: {  	s25 =	simm.s32 $0x1B8E;
	s24 =	sld [smem:$0x3FFE];
	[sflag:s23] =	ssyncadd.s32 $0xFFFFFFFF  }
0xa5: {  	s26 =	simm.s32 $execute0_lowered;
	[smem:$0x3FD2] =	sst s25  }
0xa6: {  	s5 =	sshll.u32 s26, $0x1;
	_ =	strace $0x80000046;
	[dreg:$0x1] =	wrdreg $0xFFFFFFFF  }
0xa7: {  	s28 =	simm.s32 $_size_execute0_lowered;
	s3 =	sadd.s32 s3, s5;
	[dreg:$0x0] =	wrdreg $0x0  }
0xa8: {  	s5 =	sshll.u32 s28, $0x1;
	[dreg:$0x2] =	wrdreg s3  }
0xa9: {  	[dreg:$0x3] =	wrdreg s5  }
0xaa: {  	[dreg:$0x4] =	wrdreg $0xC0  }
0xab: {  	_ =	task [dreg:s7], $0x5FFFF  }
0xac: {  	[dreg:$0x1] =	wrdreg $0xFFFFFFFF  }
0xad: {  	[dreg:$0x0] =	wrdreg $0x60  }
0xae: {  	[dreg:$0x2] =	wrdreg s2  }
0xaf: {  	[dreg:$0x3] =	wrdreg s24  }
0xb0: {  	[dreg:$0x4] =	wrdreg $0x9  }
0xb1: {  	_ =	task.clear_ibuf [dreg:s7], $0x5FFFF;
	_ =	strace $0x90000046  }
0xb2: {  	s29 =	simm.s32 $0x9;
	_ =	strace $0x80000048  }
0xb3: {  	_ =	swait.ge [sflag:s29], $0x1  }
0xb4: {  	[sflag:s29] =	ssyncadd.s32 $0xFFFFFFFF  }
0xb5: {  	_ =	strace $0x90000048  }
0xb6: {  	_ =	sfence  }
0xb7: {  	s30 =	sld [smem:$0x0];
	_ =	sdelay $0x2  }
0xb8: {  	s31 =	sshll.u32 s1, $0xD;
	s1 =	sshrl.u32 s1, $0x2  }
0xb9: {  	s3 =	sand.u32 $0x4000, s31;
	s1 =	sadd.s32 s1, s30  }
0xba: {  	s0 =	sor.u32 s3, s0;
	s1 =	sshll.u32 s1, $0x11  }
0xbb: {  	s0 =	sor.u32 s1, s0  }
0xbc: {  	s0 =	sadd.s32 $0x8F2B, s0  }
0xbd: {  	[sflag:s0] =	ssyncadd.remote.s32 $0x1  }
0xbe: {  	_ =	sfence.sel $0xFFFF  }
0xbf: {  	[dreg:$0x0] =	wrdreg $0xFFFFFFFF;
	(pc) =	sbr.abs _section_cstart, $3  }
0xc0: {  	[dreg:$0x1] =	wrdreg $0xFFFFFFFF  }
0xc1: {  	_ =	task.clear_ibuf [dreg:s7], $0x2FFFF;
	_ =	strace $0x9FFFFFFF  }
0xc2: {  	(tm) =	ssettm $0x7FFFFFFF  }
0xc3: {  	_ =	shalt  }
tec
execute0_lowered:
.L_overlay_start_1:
0x0: {  	(tag) =	ssettag $0x1  }
0x1: {  	s6 =	rddreg [dreg:$0x0]  }
0x2: {  	s7 =	rddreg [dreg:$0x1];
	s2 =	srdreg.scid  }
0x3: {  	s0 =	rddreg [dreg:$0x2];
	s1 =	stileid.u32  }
0x4: {  	s11 =	simm.s32 $0x100;
	s12 =	simm.s32 $0x1;
	s13 =	simm.s32 $0x900  }
0x5: {  	s14 =	simm.s32 $0xD00;
	s15 =	simm.s32 $0x1500;
	s16 =	simm.s32 $0x1900  }
0x6: {  	s17 =	simm.s32 $0x2100;
	s18 =	simm.s32 $0x2500;
	s19 =	simm.s32 $0x2D00  }
0x7: {  	s20 =	simm.s32 $0x3100;
	s21 =	simm.s32 $0x3900;
	s22 =	simm.s32 $0x3D00  }
0x8: {  	s23 =	simm.s32 $0x4500;
	s24 =	simm.s32 $0x4900;
	s25 =	simm.s32 $0x5100  }
0x9: {  	s26 =	simm.s32 $0x5500;
	s28 =	simm.s32 $0x5D00;
	s29 =	simm.s32 $0x2  }
0xa: {  	s30 =	simm.s32 $0x3;
	s3 =	sand.u32 $0x1, s2;
	s2 =	simm.s32 $0x0  }
0xb: {  	s4 =	sshll.u32 s1, $0x4;
	s5 =	sshll.u32 s3, $0x3;
	[smem:$0x7FF] =	sst s2  }
0xc: {  	s8 =	ssub.s32 $0x2, s3;
	s3 =	sadd.s32 $0x600, s7;
	s4 =	sor.u32 s5, s4  }
0xd: {  	_ =	strace $0x80000047;
	s9 =	sshrl.u32 s8, $0x1;
	s5 =	sadd.s32 s4, s7  }
0xe: {  	v2 =	vlaneseq.u32;
	s10 =	smul.u32 $0x180, s4;
	s8 =	ssub.s32 s8, s9;
	s7 =	sadd.s32 $0x700, s7  }
0xf: {  	vm0 =	vmmov $0xffff;
	vm1 =	vmmov $0xff;
	v1 =	vshrl.u32 v2, $0x3;
	s9 =	simm.s32 $0x4;
	s4 =	sadd.s32 $0x400, s5;
	s5 =	sadd.s32 $0x200, s5  }
0x10: {  	v0 =	vand.u32 $0x7, v2;
	v2 =	vor.u32 $0x8, v2;
	v1 =	vmul.u32 $0x8, v1;
	s8 =	smax.u32 s8, $0x1;
	s6 =	sadd.s32 s6, s10;
	s10 =	simm.s32 $0x80  }
.LBB2_1:
0x11: {  	[tilespmem:s2], [sflag:$0x4] =	stream.linear.gather [hbm4b:s4+s2], $0x40, $0x38;
	[tilespmem:$0x6100] =	vst v63  }
0x12: {  	_ =	swait.ge [sflag:s9], $0x40  }
0x13: {  	[sflag:s9] =	ssyncset.done $0x0  }
0x14: {  	[sflag:s9] =	ssyncadd.s32 $0xFFFFFFC0  }
0x15: {  	[tilespmem:s10], [sflag:$0x4] =	stream.linear.gather [hbm4b:s5+s2], $0x40, $0x38;
	[tilespmem:$0x6100] =	vst v63  }
0x16: {  	_ =	swait.ge [sflag:s9], $0x40  }
0x17: {  	[sflag:s9] =	ssyncset.done $0x0  }
0x18: {  	[sflag:s9] =	ssyncadd.s32 $0xFFFFFFC0  }
0x19: {  	[tilespmem:s11], [sflag:$0x1] =	stream.linear.gather [hbm4b:s6+s2], $0x6000, $0x38;
	[tilespmem:$0x6100] =	vst v63  }
0x1a: {  	_ =	swait.ge [sflag:s12], $0x6000  }
0x1b: {  	[sflag:s12] =	ssyncset.done $0x0  }
0x1c: {  	[sflag:s12] =	ssyncadd.s32 $0xFFFFA000  }
0x1d: {  	v3 =	vld [tilespmem:$0x0];
	_ =	sdelay $0x4  }
0x1e: {  	v4 =	vshrl.u32 v3, $0x3  }
0x1f: {  	v4 =	vmul.u32 $0x18, v4  }
0x20: {  	v3 =	vand.u32 $0x7, v3  }
0x21: {  	v3 =	vor.u32 v3, v4  }
0x22: {  	v4 =	vperm.xlane v3, v0;
	_ =	sdelay $0x1  }
0x23: {  	v4 =	vadd.s32 v1, v4;
	_ =	sdelay $0x1  }
0x24: {  	v3 =	vperm.xlane v3, v2;
	_ =	sdelay $0x1  }
0x25: {  	v3 =	vadd.s32 v1, v3  }
0x26: {  	[hbm4b:s3+s2] =	stream.indirect_vreg.scatter [tilespmem:s11], [sflag:$0x2], $0x80, v4, vm0, $0xb8;
	[tilespmem:$0x6100] =	vst v63  }
0x27: {  	_ = 	snop  }
0x28: {  	[hbm4b:s7+s2] =	stream.indirect_vreg.scatter [tilespmem:s13], [sflag:$0x2], $0x80, v4, vm1, $0xb8;
	[tilespmem:$0x6100] =	vst v63  }
0x29: {  	_ = 	snop  }
0x2a: {  	[hbm4b:s3+s2] =	stream.indirect_vreg.scatter [tilespmem:s14], [sflag:$0x2], $0x80, v3, vm0, $0xb8;
	[tilespmem:$0x6100] =	vst v63  }
0x2b: {  	_ = 	snop  }
0x2c: {  	[hbm4b:s7+s2] =	stream.indirect_vreg.scatter [tilespmem:s15], [sflag:$0x2], $0x80, v3, vm1, $0xb8;
	[tilespmem:$0x6100] =	vst v63  }
0x2d: {  	v3 =	vld [tilespmem:$0x10];
	_ =	sdelay $0x4  }
0x2e: {  	v57 =	vshrl.u32 v3, $0x3  }
0x2f: {  	v4 =	vmul.u32 $0x18, v57  }
0x30: {  	v3 =	vand.u32 $0x7, v3  }
0x31: {  	v3 =	vor.u32 v3, v4  }
0x32: {  	v4 =	vperm.xlane v3, v0;
	_ =	sdelay $0x1  }
0x33: {  	v4 =	vadd.s32 v1, v4;
	_ =	sdelay $0x1  }
0x34: {  	v3 =	vperm.xlane v3, v2;
	_ =	sdelay $0x1  }
0x35: {  	v3 =	vadd.s32 v1, v3  }
0x36: {  	[hbm4b:s3+s2] =	stream.indirect_vreg.scatter [tilespmem:s16], [sflag:$0x2], $0x80, v4, vm0, $0xb8;
	[tilespmem:$0x6100] =	vst v63  }
0x37: {  	_ = 	snop  }
0x38: {  	[hbm4b:s7+s2] =	stream.indirect_vreg.scatter [tilespmem:s17], [sflag:$0x2], $0x80, v4, vm1, $0xb8;
	[tilespmem:$0x6100] =	vst v63  }
0x39: {  	_ = 	snop  }
0x3a: {  	[hbm4b:s3+s2] =	stream.indirect_vreg.scatter [tilespmem:s18], [sflag:$0x2], $0x80, v3, vm0, $0xb8;
	[tilespmem:$0x6100] =	vst v63  }
0x3b: {  	_ = 	snop  }
0x3c: {  	[hbm4b:s7+s2] =	stream.indirect_vreg.scatter [tilespmem:s19], [sflag:$0x2], $0x80, v3, vm1, $0xb8;
	[tilespmem:$0x6100] =	vst v63  }
0x3d: {  	v3 =	vld [tilespmem:$0x20];
	_ =	sdelay $0x4  }
0x3e: {  	v58 =	vshrl.u32 v3, $0x3  }
0x3f: {  	v4 =	vmul.u32 $0x18, v58  }
0x40: {  	v3 =	vand.u32 $0x7, v3  }
0x41: {  	v3 =	vor.u32 v3, v4  }
0x42: {  	v4 =	vperm.xlane v3, v0;
	_ =	sdelay $0x1  }
0x43: {  	v4 =	vadd.s32 v1, v4;
	_ =	sdelay $0x1  }
0x44: {  	v3 =	vperm.xlane v3, v2;
	_ =	sdelay $0x1  }
0x45: {  	v3 =	vadd.s32 v1, v3  }
0x46: {  	[hbm4b:s3+s2] =	stream.indirect_vreg.scatter [tilespmem:s20], [sflag:$0x2], $0x80, v4, vm0, $0xb8;
	[tilespmem:$0x6100] =	vst v63  }
0x47: {  	_ = 	snop  }
0x48: {  	[hbm4b:s7+s2] =	stream.indirect_vreg.scatter [tilespmem:s21], [sflag:$0x2], $0x80, v4, vm1, $0xb8;
	[tilespmem:$0x6100] =	vst v63  }
0x49: {  	_ = 	snop  }
0x4a: {  	[hbm4b:s3+s2] =	stream.indirect_vreg.scatter [tilespmem:s22], [sflag:$0x2], $0x80, v3, vm0, $0xb8;
	[tilespmem:$0x6100] =	vst v63  }
0x4b: {  	_ = 	snop  }
0x4c: {  	[hbm4b:s7+s2] =	stream.indirect_vreg.scatter [tilespmem:s23], [sflag:$0x2], $0x80, v3, vm1, $0xb8;
	[tilespmem:$0x6100] =	vst v63  }
0x4d: {  	v3 =	vld [tilespmem:$0x30];
	_ =	sdelay $0x4  }
0x4e: {  	v59 =	vshrl.u32 v3, $0x3  }
0x4f: {  	v4 =	vmul.u32 $0x18, v59  }
0x50: {  	v3 =	vand.u32 $0x7, v3  }
0x51: {  	v3 =	vor.u32 v3, v4  }
0x52: {  	v4 =	vperm.xlane v3, v0;
	_ =	sdelay $0x1  }
0x53: {  	v4 =	vadd.s32 v1, v4;
	_ =	sdelay $0x1  }
0x54: {  	v3 =	vperm.xlane v3, v2;
	_ =	sdelay $0x1  }
0x55: {  	v3 =	vadd.s32 v1, v3  }
0x56: {  	[hbm4b:s3+s2] =	stream.indirect_vreg.scatter [tilespmem:s24], [sflag:$0x2], $0x80, v4, vm0, $0xb8;
	[tilespmem:$0x6100] =	vst v63  }
0x57: {  	_ = 	snop  }
0x58: {  	[hbm4b:s7+s2] =	stream.indirect_vreg.scatter [tilespmem:s25], [sflag:$0x2], $0x80, v4, vm1, $0xb8;
	[tilespmem:$0x6100] =	vst v63  }
0x59: {  	_ = 	snop  }
0x5a: {  	[hbm4b:s3+s2] =	stream.indirect_vreg.scatter [tilespmem:s26], [sflag:$0x2], $0x80, v3, vm0, $0xb8;
	[tilespmem:$0x6100] =	vst v63  }
0x5b: {  	_ = 	snop  }
0x5c: {  	[hbm4b:s7+s2] =	stream.indirect_vreg.scatter [tilespmem:s28], [sflag:$0x2], $0x80, v3, vm1, $0xb8;
	[tilespmem:$0x6100] =	vst v63  }
0x5d: {  	v3 =	vld [tilespmem:$0x80];
	_ =	sdelay $0x4  }
0x5e: {  	v60 =	vshrl.u32 v3, $0x3  }
0x5f: {  	v4 =	vmul.u32 $0x18, v60  }
0x60: {  	v3 =	vand.u32 $0x7, v3  }
0x61: {  	v3 =	vor.u32 v3, v4  }
0x62: {  	v4 =	vperm.xlane v3, v0;
	_ =	sdelay $0x1  }
0x63: {  	v4 =	vadd.s32 v1, v4;
	_ =	sdelay $0x1  }
0x64: {  	v3 =	vperm.xlane v3, v2;
	_ =	sdelay $0x1  }
0x65: {  	v3 =	vadd.s32 v1, v3  }
0x66: {  	[hbm4b:s3+s2] =	stream.indirect_vreg.scatter [tilespmem:s11], [sflag:$0x3], $0x80, v4, vm0, $0xb8;
	[tilespmem:$0x6100] =	vst v63  }
0x67: {  	_ = 	snop  }
0x68: {  	[hbm4b:s7+s2] =	stream.indirect_vreg.scatter [tilespmem:s13], [sflag:$0x3], $0x80, v4, vm1, $0xb8;
	[tilespmem:$0x6100] =	vst v63  }
0x69: {  	_ = 	snop  }
0x6a: {  	[hbm4b:s3+s2] =	stream.indirect_vreg.scatter [tilespmem:s14], [sflag:$0x3], $0x80, v3, vm0, $0xb8;
	[tilespmem:$0x6100] =	vst v63  }
0x6b: {  	_ = 	snop  }
0x6c: {  	[hbm4b:s7+s2] =	stream.indirect_vreg.scatter [tilespmem:s15], [sflag:$0x3], $0x80, v3, vm1, $0xb8;
	[tilespmem:$0x6100] =	vst v63  }
0x6d: {  	v3 =	vld [tilespmem:$0x90];
	_ =	sdelay $0x4  }
0x6e: {  	v61 =	vshrl.u32 v3, $0x3  }
0x6f: {  	v4 =	vmul.u32 $0x18, v61  }
0x70: {  	v3 =	vand.u32 $0x7, v3  }
0x71: {  	v3 =	vor.u32 v3, v4  }
0x72: {  	v4 =	vperm.xlane v3, v0;
	_ =	sdelay $0x1  }
0x73: {  	v4 =	vadd.s32 v1, v4;
	_ =	sdelay $0x1  }
0x74: {  	v3 =	vperm.xlane v3, v2;
	_ =	sdelay $0x1  }
0x75: {  	v3 =	vadd.s32 v1, v3  }
0x76: {  	[hbm4b:s3+s2] =	stream.indirect_vreg.scatter [tilespmem:s16], [sflag:$0x3], $0x80, v4, vm0, $0xb8;
	[tilespmem:$0x6100] =	vst v63  }
0x77: {  	_ = 	snop  }
0x78: {  	[hbm4b:s7+s2] =	stream.indirect_vreg.scatter [tilespmem:s17], [sflag:$0x3], $0x80, v4, vm1, $0xb8;
	[tilespmem:$0x6100] =	vst v63  }
0x79: {  	_ = 	snop  }
0x7a: {  	[hbm4b:s3+s2] =	stream.indirect_vreg.scatter [tilespmem:s18], [sflag:$0x3], $0x80, v3, vm0, $0xb8;
	[tilespmem:$0x6100] =	vst v63  }
0x7b: {  	_ = 	snop  }
0x7c: {  	[hbm4b:s7+s2] =	stream.indirect_vreg.scatter [tilespmem:s19], [sflag:$0x3], $0x80, v3, vm1, $0xb8;
	[tilespmem:$0x6100] =	vst v63  }
0x7d: {  	v3 =	vld [tilespmem:$0xA0];
	_ =	sdelay $0x4  }
0x7e: {  	v62 =	vshrl.u32 v3, $0x3  }
0x7f: {  	v4 =	vmul.u32 $0x18, v62  }
0x80: {  	v3 =	vand.u32 $0x7, v3  }
0x81: {  	v3 =	vor.u32 v3, v4  }
0x82: {  	v4 =	vperm.xlane v3, v0;
	_ =	sdelay $0x1  }
0x83: {  	v4 =	vadd.s32 v1, v4;
	_ =	sdelay $0x1  }
0x84: {  	v3 =	vperm.xlane v3, v2;
	_ =	sdelay $0x1  }
0x85: {  	v3 =	vadd.s32 v1, v3  }
0x86: {  	[hbm4b:s3+s2] =	stream.indirect_vreg.scatter [tilespmem:s20], [sflag:$0x3], $0x80, v4, vm0, $0xb8;
	[tilespmem:$0x6100] =	vst v63  }
0x87: {  	_ = 	snop  }
0x88: {  	[hbm4b:s7+s2] =	stream.indirect_vreg.scatter [tilespmem:s21], [sflag:$0x3], $0x80, v4, vm1, $0xb8;
	[tilespmem:$0x6100] =	vst v63  }
0x89: {  	_ = 	snop  }
0x8a: {  	[hbm4b:s3+s2] =	stream.indirect_vreg.scatter [tilespmem:s22], [sflag:$0x3], $0x80, v3, vm0, $0xb8;
	[tilespmem:$0x6100] =	vst v63  }
0x8b: {  	_ = 	snop  }
0x8c: {  	[hbm4b:s7+s2] =	stream.indirect_vreg.scatter [tilespmem:s23], [sflag:$0x3], $0x80, v3, vm1, $0xb8;
	[tilespmem:$0x6100] =	vst v63  }
0x8d: {  	v3 =	vld [tilespmem:$0xB0];
	_ =	sdelay $0x4  }
0x8e: {  	v63 =	vshrl.u32 v3, $0x3  }
0x8f: {  	v4 =	vmul.u32 $0x18, v63  }
0x90: {  	v3 =	vand.u32 $0x7, v3  }
0x91: {  	v3 =	vor.u32 v3, v4  }
0x92: {  	v4 =	vperm.xlane v3, v0;
	_ =	sdelay $0x1  }
0x93: {  	v4 =	vadd.s32 v1, v4;
	_ =	sdelay $0x1  }
0x94: {  	v3 =	vperm.xlane v3, v2;
	_ =	sdelay $0x1  }
0x95: {  	v3 =	vadd.s32 v1, v3  }
0x96: {  	[hbm4b:s3+s2] =	stream.indirect_vreg.scatter [tilespmem:s24], [sflag:$0x3], $0x80, v4, vm0, $0xb8;
	[tilespmem:$0x6100] =	vst v63  }
0x97: {  	_ = 	snop  }
0x98: {  	[hbm4b:s7+s2] =	stream.indirect_vreg.scatter [tilespmem:s25], [sflag:$0x3], $0x80, v4, vm1, $0xb8;
	[tilespmem:$0x6100] =	vst v63  }
0x99: {  	_ = 	snop  }
0x9a: {  	[hbm4b:s3+s2] =	stream.indirect_vreg.scatter [tilespmem:s26], [sflag:$0x3], $0x80, v3, vm0, $0xb8;
	[tilespmem:$0x6100] =	vst v63  }
0x9b: {  	_ = 	snop  }
0x9c: {  	[hbm4b:s7+s2] =	stream.indirect_vreg.scatter [tilespmem:s28], [sflag:$0x3], $0x80, v3, vm1, $0xb8;
	[tilespmem:$0x6100] =	vst v63  }
0x9d: {  	p0 =	sne.s32 s8, $0x1;
	_ =	swait.ge [sflag:s29], $0x6000  }
.Ltmp0:
0x9e: {  	[sflag:s29] =	ssyncset.done $0x0;
	(pc) =	sbr.rel @p0 .LBB2_1-.Ltmp0, $4  }
0x9f: {  	[sflag:s29] =	ssyncadd.s32 $0xFFFFA000  }
0xa0: {  	_ =	swait.ge [sflag:s30], $0x6000  }
0xa1: {  	[sflag:s30] =	ssyncset.done $0x0  }
0xa2: {  	s8 =	sadd.s32 $0xFFFFFFFF, s8;
	[sflag:s30] =	ssyncadd.s32 $0xFFFFA000  }
0xa3: {  	_ =	sfence.sel $0x180000  }
0xa4: {  	[bflag:$0x0] =	sbarrier.arrive $0xFFFF  }
0xa5: {  	p0 =	sne.s32 s1, $0x0;
	_ =	strace $0x90000047  }
0xa6: {  	s0 =	sadd.s32 @!p0 $0x100000, s0;
	[bflag:$0x2] =	sbarrier.arrive $0xFFFF  }
0xa7: {  	[sflag:s0] =	ssyncadd.tile.s32 @!p0 $0x1;
	_ =	shalt  }
.Lfunc_end2:
_tile_overlayer_lowered:
.L_overlay_start_2:
0xa8: {  	(tag) =	ssettag $0x2  }
0xa9: {  	s0 =	rddreg [dreg:$0x0];
	s2 =	stileid.u32  }
0xaa: {  	s1 =	rddreg [dreg:$0x1];
	p0 =	sne.s32 s2, $0x0  }
0xab: {  	s3 =	rddreg [dreg:$0x2];
	[bflag:$0x3] =	sbarrier.arrive $0xFFFF;
	s2 =	simm.s32 @!p0 $0x1C04  }
0xac: {  	[timem:s3], [sflag:s2] =	dma.local @!p0 [hbm:s0], s1  }
0xad: {  	s0 =	simm.s32 @!p0 $0x4  }
0xae: {  	_ =	swait.ge @!p0 [sflag:s0], s1  }
0xaf: {  	s1 =	ssub.s32 @!p0 $0x0, s1;
	[sflag:s0] =	ssyncset.done @!p0 $0x0  }
0xb0: {  	[sflag:s0] =	ssyncadd.s32 @!p0 s1  }
0xb1: {  	[bflag:$0x3] =	sbarrier.arrive $0xFFFF  }
0xb2: {  	_ =	shalt  }

// kernel: kernel.9.cloned.1.call-start
scs
__scs_entry_jumppad:
0x0: {  	(pc) =	sbr.rel $0x88, $3  }
0x1: {  	(tag) =	ssettag $0x0;
	lr =	simm.s32 $0x1  }
0x2: {  	[smem:$0x3F9D] =	sst lr;
	_ =	strace $0xD0000000  }
0x3: {  	_ = 	snop  }
0x4: {  	_ = 	snop  }
0x5: {  	_ = 	snop  }
0x6: {  	_ = 	snop  }
0x7: {  	_ = 	snop  }
__scs_overlays_trampoline_lowered:
0x8: {  	[smem:$0x3FAC] =	sst s0  }
0x9: {  	[smem:$0x3FAD] =	sst s1  }
0xa: {  	[smem:$0x3FAE] =	sst s2  }
0xb: {  	[smem:$0x3FAF] =	sst s3  }
0xc: {  	[smem:$0x3FB0] =	sst s4  }
0xd: {  	[smem:$0x3FB1] =	sst s5  }
0xe: {  	[smem:$0x3FB2] =	sst s6  }
0xf: {  	[smem:$0x3FB3] =	sst s7  }
0x10: {  	[smem:$0x3FB4] =	sst s8  }
0x11: {  	[smem:$0x3FB5] =	sst s9;
	s0 =	simm.s32 @!p0 $0x0  }
0x12: {  	s1 =	sld [smem:$0x3F9B];
	s0 =	simm.s32 @p0 $0x1  }
0x13: {  	[smem:$0x3FB6] =	sst s0;
	s0 =	simm.s32 @!p1 $0x0  }
0x14: {  	s2 =	sld [smem:$0x3F9A];
	s0 =	simm.s32 @p1 $0x1  }
0x15: {  	[smem:$0x3FB7] =	sst s0;
	s0 =	simm.s32 @!p2 $0x0  }
0x16: {  	s3 =	sld [smem:$0x3FDB];
	s0 =	simm.s32 @p2 $0x1  }
0x17: {  	s4 =	simm.s32 $0x1BF5;
	[smem:$0x3FB9] =	sst s0  }
0x18: {  	s0 =	sld [smem:$0x3F9C];
	_ =	swait.ge [sflag:s4], $0x0  }
0x19: {  	s7 =	sld [smem:$0x3F9D]  }
0x1a: {  	s8 =	sadd.s32 $0xFFFFE003, lr  }
0x1b: {  	s9 =	sadd.s32 $0xFFFFFEF7, lr;
	s5 =	simm.s32 $0xFFFFFFFF;
	p2 =	slt.u32 s8, $0xFFFFF086  }
0x1c: {  	p1 =	slt.u32 s9, $0xF7A;
	s5 =	simm.s32 @!p2 $0x0  }
0x1d: {  	s5 =	simm.s32 @p1 $0x1;
	p0 =	seq.s32 s7, s2  }
0x1e: {  	s7 =	smul.u32 @!p0 $0xF7A, s2;
	p2 =	seq.s32 @!p0 s5, $0x0  }
0x1f: {  	s9 =	smul.u32 $0xF7A, s1;
	s8 =	simm.s32 @!p0 $0x1BF5;
	p2 =	por !p2, p0  }
0x20: {  	[sflag:s8] =	ssyncset.s32 @!p0 $0xFFFFF086;
	s6 =	sadd.s32 @!p0 s3, s7;
	s7 =	simm.s32 @!p0 $0x108  }
0x21: {  	s3 =	sadd.s32 s3, s9;
	s6 =	sadd.s32 @!p0 $0x88, s6;
	s7 =	simm.s32 @p2 $0x1082  }
0x22: {  	[simem:s7], [sflag:s8] =	dma.local @!p0 [hbm:s6], $0xF7A  }
0x23: {  	s9 =	sor.u32 $0xD0000000, s2;
	s6 =	simm.s32 $0x108;
	_ =	swait.ge @!p0 [sflag:s8], $0x0  }
0x24: {  	s3 =	sadd.s32 $0x88, s3;
	s6 =	simm.s32 @!p1 $0x1082;
	[sflag:s4] =	ssyncset.s32 $0xFFFFF086  }
0x25: {  	[simem:s6], [sflag:s4] =	dma.local [hbm:s3], $0xF7A  }
0x26: {  	[smem:$0x3F9D] =	sst s1;
	(tag) =	ssettag s2;
	_ =	strace s9  }
0x27: {  	s1 =	sld [smem:$0x3FAD]  }
0x28: {  	s2 =	sld [smem:$0x3FAE]  }
0x29: {  	s4 =	sld [smem:$0x3FB0]  }
0x2a: {  	p0 =	seq.s32 s5, $0x0;
	s5 =	sld [smem:$0x3FB1]  }
0x2b: {  	s6 =	sld [smem:$0x3FB2]  }
0x2c: {  	s7 =	sld [smem:$0x3FB3]  }
0x2d: {  	s3 =	simm.s32 $0x108;
	s8 =	sld [smem:$0x3FB4]  }
0x2e: {  	s3 =	simm.s32 @!p0 $0x1082;
	s9 =	sld [smem:$0x3FB5]  }
0x2f: {  	lr =	sadd.s32 s0, s3;
	s0 =	sld [smem:$0x3FAC]  }
0x30: {  	s3 =	sld [smem:$0x3FAF]  }
0x31: {  	[smem:$0x3FB8] =	sst s10  }
0x32: {  	s10 =	sld [smem:$0x3FB6];
	_ =	sdelay $0x3  }
0x33: {  	p0 =	seq.s32 s10, $0x1;
	s10 =	sld [smem:$0x3FB8];
	_ =	sdelay $0x3  }
0x34: {  	[smem:$0x3FB8] =	sst s10  }
0x35: {  	s10 =	sld [smem:$0x3FB7];
	_ =	sdelay $0x3  }
0x36: {  	p1 =	seq.s32 s10, $0x1;
	s10 =	sld [smem:$0x3FB8];
	_ =	sdelay $0x3  }
0x37: {  	[smem:$0x3FB8] =	sst s10  }
0x38: {  	s10 =	sld [smem:$0x3FB9]  }
0x39: {  	_ = 	snop;
	(pc) =	sbr.ind lr, $3  }
0x3a: {  	_ = 	snop  }
0x3b: {  	_ = 	snop  }
0x3c: {  	p2 =	seq.s32 s10, $0x1;
	s10 =	sld [smem:$0x3FB8]  }
0x3d: {  	_ =	shalt  }
0x3e: {  	_ =	shalt  }
0x3f: {  	_ =	shalt  }
0x40: {  	_ =	shalt  }
0x41: {  	_ =	shalt  }
0x42: {  	_ =	shalt  }
0x43: {  	_ =	shalt  }
0x44: {  	_ =	shalt  }
0x45: {  	_ =	shalt  }
0x46: {  	_ =	shalt  }
0x47: {  	_ =	shalt  }
0x48: {  	_ =	shalt  }
0x49: {  	_ =	shalt  }
0x4a: {  	_ =	shalt  }
0x4b: {  	_ =	shalt  }
0x4c: {  	_ =	shalt  }
0x4d: {  	_ =	shalt  }
0x4e: {  	_ =	shalt  }
0x4f: {  	_ =	shalt  }
0x50: {  	_ =	shalt  }
0x51: {  	_ =	shalt  }
0x52: {  	_ =	shalt  }
0x53: {  	_ =	shalt  }
0x54: {  	_ =	shalt  }
0x55: {  	_ =	shalt  }
0x56: {  	_ =	shalt  }
0x57: {  	_ =	shalt  }
0x58: {  	_ =	shalt  }
0x59: {  	_ =	shalt  }
0x5a: {  	_ =	shalt  }
0x5b: {  	_ =	shalt  }
0x5c: {  	_ =	shalt  }
0x5d: {  	_ =	shalt  }
0x5e: {  	_ =	shalt  }
0x5f: {  	_ =	shalt  }
0x60: {  	_ =	shalt  }
0x61: {  	_ =	shalt  }
0x62: {  	_ =	shalt  }
0x63: {  	_ =	shalt  }
0x64: {  	_ =	shalt  }
0x65: {  	_ =	shalt  }
0x66: {  	_ =	shalt  }
0x67: {  	_ =	shalt  }
0x68: {  	_ =	shalt  }
0x69: {  	_ =	shalt  }
0x6a: {  	_ =	shalt  }
0x6b: {  	_ =	shalt  }
0x6c: {  	_ =	shalt  }
0x6d: {  	_ =	shalt  }
0x6e: {  	_ =	shalt  }
0x6f: {  	_ =	shalt  }
0x70: {  	_ =	shalt  }
0x71: {  	_ =	shalt  }
0x72: {  	_ =	shalt  }
0x73: {  	_ =	shalt  }
0x74: {  	_ =	shalt  }
0x75: {  	_ =	shalt  }
0x76: {  	_ =	shalt  }
0x77: {  	_ =	shalt  }
0x78: {  	_ =	shalt  }
0x79: {  	_ =	shalt  }
0x7a: {  	_ =	shalt  }
0x7b: {  	_ =	shalt  }
0x7c: {  	_ =	shalt  }
0x7d: {  	_ =	shalt  }
0x7e: {  	_ =	shalt  }
0x7f: {  	_ =	shalt  }
0x80: {  	_ =	shalt  }
0x81: {  	_ =	shalt  }
0x82: {  	_ =	shalt  }
0x83: {  	_ =	shalt  }
0x84: {  	_ =	shalt  }
0x85: {  	_ =	shalt  }
0x86: {  	_ =	shalt  }
0x87: {  	_ =	shalt  }
.Lfunc_end0:
.L_simem_size_0:
called_computation.1_lowered:
.L_overlay_start_0:
0x88: {  	s2 =	sld [smem:$0x3FD9]  }
0x89: {  	s3 =	sld [smem:$0x3FFE];
	_ =	sdelay $0x1  }
0x8a: {  	s1 =	srdreg.scid  }
0x8b: {  	s0 =	sand.u32 $0x1, s1  }
0x8c: {  	s17 =	sshll.u32 s0, $0xA;
	s2 =	sadd.s32 s3, s2  }
0x8d: {  	s2 =	sadd.s32 s2, s17  }
0x8e: {  	[smem:$0x3FC4] =	sst s2  }
0x8f: {  	_ = 	snop  }
0x90: {  	s2 =	sld [smem:$0x3FD0];
	(tm) =	ssettm $0x1  }
0x91: {  	s18 =	sld [smem:$0x3FFB];
	_ =	sdelay $0x3  }
0x92: {  	_ =	strace s18  }
0x93: {  	s3 =	sld [smem:$0x3FFC];
	_ =	sdelay $0x3  }
0x94: {  	_ =	strace s3  }
0x95: {  	s3 =	sld [smem:$0x3FFD];
	_ =	sdelay $0x3  }
0x96: {  	_ =	strace s3  }
0x97: {  	_ =	strace $0x8FFFFFFF  }
0x98: {  	s19 =	sld [smem:$0x3FDB];
	_ =	sdelay $0x1  }
0x99: {  	s4 =	simm.s32 $_scs_section_size  }
0x9a: {  	s5 =	simm.s32 $_size__tile_overlayer_lowered;
	s6 =	simm.s32 $_tile_overlayer_lowered  }
0x9b: {  	s22 =	simm.s32 $0x1BFF;
	s21 =	sshll.u32 s6, $0x1;
	s3 =	sadd.s32 s4, s19  }
0x9c: {  	s7 =	simm.s32 $0x0;
	s20 =	sshll.u32 s5, $0x1;
	s5 =	sadd.s32 s21, s3  }
0x9d: {  	[timem:s7], [sflag:s22] =	dma.local [hbm:s5], s20  }
0x9e: {  	_ =	swait.ge [sflag:s22], s20  }
0x9f: {  	s4 =	ssub.s32 $0x0, s20;
	[sflag:s22] =	ssyncset.done $0x0  }
0xa0: {  	[sflag:s22] =	ssyncadd.s32 s4;
	_ =	sdelay $0x1  }
0xa1: {  	s23 =	simm.s32 $0x1B8B  }
0xa2: {  	_ =	swait.ge [sflag:s23], $0x1  }
0xa3: {  	[sflag:s23] =	ssyncset.done $0x0  }
0xa4: {  	s25 =	simm.s32 $0x1B8E;
	s24 =	sld [smem:$0x3FFE];
	[sflag:s23] =	ssyncadd.s32 $0xFFFFFFFF  }
0xa5: {  	s26 =	simm.s32 $execute0_lowered;
	[smem:$0x3FD2] =	sst s25  }
0xa6: {  	s5 =	sshll.u32 s26, $0x1;
	_ =	strace $0x80000049;
	[dreg:$0x1] =	wrdreg $0xFFFFFFFF  }
0xa7: {  	s28 =	simm.s32 $_size_execute0_lowered;
	s3 =	sadd.s32 s3, s5;
	[dreg:$0x0] =	wrdreg $0x0  }
0xa8: {  	s5 =	sshll.u32 s28, $0x1;
	[dreg:$0x2] =	wrdreg s3  }
0xa9: {  	[dreg:$0x3] =	wrdreg s5  }
0xaa: {  	[dreg:$0x4] =	wrdreg $0xC0  }
0xab: {  	_ =	task [dreg:s7], $0x5FFFF  }
0xac: {  	[dreg:$0x1] =	wrdreg $0xFFFFFFFF  }
0xad: {  	[dreg:$0x0] =	wrdreg $0x60  }
0xae: {  	[dreg:$0x2] =	wrdreg s24  }
0xaf: {  	[dreg:$0x3] =	wrdreg s2  }
0xb0: {  	[dreg:$0x4] =	wrdreg $0x9  }
0xb1: {  	_ =	task.clear_ibuf [dreg:s7], $0x5FFFF;
	_ =	strace $0x90000049  }
0xb2: {  	s29 =	simm.s32 $0x9;
	_ =	strace $0x8000004B  }
0xb3: {  	_ =	swait.ge [sflag:s29], $0x1  }
0xb4: {  	[sflag:s29] =	ssyncadd.s32 $0xFFFFFFFF  }
0xb5: {  	_ =	strace $0x9000004B  }
0xb6: {  	_ =	sfence  }
0xb7: {  	s30 =	sld [smem:$0x0];
	_ =	sdelay $0x2  }
0xb8: {  	s31 =	sshll.u32 s1, $0xD;
	s1 =	sshrl.u32 s1, $0x2  }
0xb9: {  	s3 =	sand.u32 $0x4000, s31;
	s1 =	sadd.s32 s1, s30  }
0xba: {  	s0 =	sor.u32 s3, s0;
	s1 =	sshll.u32 s1, $0x11  }
0xbb: {  	s0 =	sor.u32 s1, s0  }
0xbc: {  	s0 =	sadd.s32 $0x8F2B, s0  }
0xbd: {  	[sflag:s0] =	ssyncadd.remote.s32 $0x1  }
0xbe: {  	_ =	sfence.sel $0xFFFF  }
0xbf: {  	[dreg:$0x0] =	wrdreg $0xFFFFFFFF;
	(pc) =	sbr.abs _section_cstart, $3  }
0xc0: {  	[dreg:$0x1] =	wrdreg $0xFFFFFFFF  }
0xc1: {  	_ =	task.clear_ibuf [dreg:s7], $0x2FFFF;
	_ =	strace $0x9FFFFFFF  }
0xc2: {  	(tm) =	ssettm $0x7FFFFFFF  }
0xc3: {  	_ =	shalt  }
tec
execute0_lowered:
.L_overlay_start_1:
0x0: {  	(tag) =	ssettag $0x1  }
0x1: {  	s0 =	rddreg [dreg:$0x0]  }
0x2: {  	s1 =	rddreg [dreg:$0x1]  }
0x3: {  	s3 =	srdreg.scid;
	s5 =	stileid.u32;
	s2 =	simm.s32 $0x0  }
0x4: {  	s13 =	simm.s32 $0x5;
	s15 =	simm.s32 $0xD880;
	s16 =	simm.s32 $0xE080  }
0x5: {  	s17 =	simm.s32 $0xE880;
	s18 =	simm.s32 $0xF080;
	s19 =	simm.s32 $0xF880  }
0x6: {  	s20 =	simm.s32 $0x1;
	s21 =	simm.s32 $0x10080;
	s22 =	simm.s32 $0x2  }
0x7: {  	s23 =	simm.s32 $0x13080;
	s24 =	simm.s32 $0x3;
	s25 =	simm.s32 $0x4  }
0x8: {  	s4 =	sand.u32 $0x1, s3;
	s28 =	sshll.u32 s5, $0x1;
	[smem:$0x7FF] =	sst s2  }
0x9: {  	s3 =	sadd.s32 $0x200, s0;
	s5 =	sor.u32 s4, s28;
	_ =	strace $0x8000004A  }
0xa: {  	s4 =	ssub.s32 $0x2, s4;
	s6 =	sshll.u32 s5, $0xB;
	s7 =	smul.u32 $0x1800, s5  }
0xb: {  	s8 =	sshrl.u32 s4, $0x1;
	s9 =	sshll.u32 s5, $0x4;
	s5 =	smul.u32 $0xC000, s5  }
0xc: {  	s6 =	sadd.s32 s6, s0;
	s4 =	ssub.s32 s4, s8;
	s29 =	sadd.s32 s0, s9  }
0xd: {  	s8 =	sadd.s32 $0x400, s0;
	[dreg:$0x3] =	wrdreg s29;
	s6 =	sadd.s32 $0x90200, s6  }
0xe: {  	s7 =	sadd.s32 s1, s7;
	s5 =	sshrl.u32 s5, $0x3;
	s12 =	smax.u32 s4, $0x1  }
0xf: {  	v2 =	vlaneseq.u32;
	[dreg:$0x4] =	wrdreg s6;
	s30 =	sadd.s32 $0x600, s7;
	s31 =	sadd.s32 s1, s5  }
0x10: {  	vm0 =	vmmov $0xffff;
	v1 =	vshrl.u32 v2, $0x3;
	s4 =	simm.s32 $0x0;
	[dreg:$0x5] =	wrdreg s30;
	s1 =	sadd.s32 $0xC00, s31  }
0x11: {  	v0 =	vand.u32 $0x7, v2;
	v2 =	vor.u32 $0x8, v2;
	v1 =	vmul.u32 $0x8, v1;
	s6 =	sadd.s32 $0x300, s0;
	s11 =	sadd.s32 $0x1200, s31;
	[dreg:$0x6] =	wrdreg s1  }
.LBB2_1:
0x12: {  	s0 =	rddreg [dreg:$0x3]  }
0x13: {  	[tilespmem:s2], [sflag:$0x5] =	stream.linear.gather [hbm4b:s0+s2], $0x80, $0x38;
	[tilespmem:$0x16080] =	vst v63  }
0x14: {  	_ =	swait.ge [sflag:s13], $0x80  }
0x15: {  	[sflag:s13] =	ssyncset.done $0x0  }
0x16: {  	s1 =	simm.s32 $0x80;
	s14 =	rddreg [dreg:$0x4];
	[sflag:s13] =	ssyncadd.s32 $0xFFFFFF80  }
0x17: {  	[tilespmem:s1], [sflag:$0x5] =	stream.linear.gather [hbm4b:s14+s2], $0x4000, $0x38;
	[tilespmem:$0x16080] =	vst v63  }
0x18: {  	_ =	swait.ge [sflag:s13], $0x4000  }
0x19: {  	[sflag:s13] =	ssyncset.done $0x0  }
0x1a: {  	[sflag:s13] =	ssyncadd.s32 $0xFFFFC000  }
0x1b: {  	v3 =	vld [tilespmem:$0x0];
	_ =	sdelay $0x4  }
0x1c: {  	v4 =	vshrl.u32 v3, $0x3  }
0x1d: {  	v4 =	vmul.u32 $0x30, v4  }
0x1e: {  	v3 =	vand.u32 $0x7, v3  }
0x1f: {  	v3 =	vor.u32 v3, v4  }
0x20: {  	v4 =	vperm.xlane v3, v0;
	_ =	sdelay $0x1  }
0x21: {  	v4 =	vadd.s32 v1, v4;
	_ =	sdelay $0x3  }
0x22: {  	s26 =	simm.s32 $0x4080;
	v3 =	vperm.xlane v3, v2  }
0x23: {  	[tilespmem:s26], [sflag:$0x1] =	stream.indirect_vreg.gather [hbm4b:s3+s2], $0x80, v4, vm0, $0xb8;
	[tilespmem:$0x16080] =	vst v63  }
0x24: {  	s30 =	simm.s32 $0x4880;
	v3 =	vadd.s32 v1, v3  }
0x25: {  	[tilespmem:s30], [sflag:$0x1] =	stream.indirect_vreg.gather [hbm4b:s6+s2], $0x80, v4, vm0, $0xb8;
	[tilespmem:$0x16080] =	vst v63  }
0x26: {  	s31 =	simm.s32 $0x5080  }
0x27: {  	[tilespmem:s31], [sflag:$0x1] =	stream.indirect_vreg.gather [hbm4b:s8+s2], $0x80, v4, vm0, $0xb8;
	[tilespmem:$0x16080] =	vst v63  }
0x28: {  	s1 =	simm.s32 $0x5880  }
0x29: {  	[tilespmem:s1], [sflag:$0x1] =	stream.indirect_vreg.gather [hbm4b:s3+s2], $0x80, v3, vm0, $0xb8;
	[tilespmem:$0x16080] =	vst v63  }
0x2a: {  	s5 =	simm.s32 $0x6080  }
0x2b: {  	[tilespmem:s5], [sflag:$0x1] =	stream.indirect_vreg.gather [hbm4b:s6+s2], $0x80, v3, vm0, $0xb8;
	[tilespmem:$0x16080] =	vst v63  }
0x2c: {  	s9 =	simm.s32 $0x6880  }
0x2d: {  	[tilespmem:s9], [sflag:$0x1] =	stream.indirect_vreg.gather [hbm4b:s8+s2], $0x80, v3, vm0, $0xb8;
	[tilespmem:$0x16080] =	vst v63  }
0x2e: {  	v3 =	vld [tilespmem:$0x10];
	_ =	sdelay $0x4  }
0x2f: {  	v61 =	vshrl.u32 v3, $0x3  }
0x30: {  	v4 =	vmul.u32 $0x30, v61  }
0x31: {  	v3 =	vand.u32 $0x7, v3  }
0x32: {  	v3 =	vor.u32 v3, v4  }
0x33: {  	v4 =	vperm.xlane v3, v0;
	_ =	sdelay $0x1  }
0x34: {  	v4 =	vadd.s32 v1, v4;
	_ =	sdelay $0x3  }
0x35: {  	s10 =	simm.s32 $0x7080;
	v3 =	vperm.xlane v3, v2  }
0x36: {  	[tilespmem:s10], [sflag:$0x1] =	stream.indirect_vreg.gather [hbm4b:s3+s2], $0x80, v4, vm0, $0xb8;
	[tilespmem:$0x16080] =	vst v63  }
0x37: {  	s14 =	simm.s32 $0x7880;
	v3 =	vadd.s32 v1, v3  }
0x38: {  	[tilespmem:s14], [sflag:$0x1] =	stream.indirect_vreg.gather [hbm4b:s6+s2], $0x80, v4, vm0, $0xb8;
	[tilespmem:$0x16080] =	vst v63  }
0x39: {  	s26 =	simm.s32 $0x8080  }
0x3a: {  	[tilespmem:s26], [sflag:$0x1] =	stream.indirect_vreg.gather [hbm4b:s8+s2], $0x80, v4, vm0, $0xb8;
	[tilespmem:$0x16080] =	vst v63  }
0x3b: {  	s30 =	simm.s32 $0x8880  }
0x3c: {  	[tilespmem:s30], [sflag:$0x1] =	stream.indirect_vreg.gather [hbm4b:s3+s2], $0x80, v3, vm0, $0xb8;
	[tilespmem:$0x16080] =	vst v63  }
0x3d: {  	s31 =	simm.s32 $0x9080  }
0x3e: {  	[tilespmem:s31], [sflag:$0x1] =	stream.indirect_vreg.gather [hbm4b:s6+s2], $0x80, v3, vm0, $0xb8;
	[tilespmem:$0x16080] =	vst v63  }
0x3f: {  	s1 =	simm.s32 $0x9880  }
0x40: {  	[tilespmem:s1], [sflag:$0x1] =	stream.indirect_vreg.gather [hbm4b:s8+s2], $0x80, v3, vm0, $0xb8;
	[tilespmem:$0x16080] =	vst v63  }
0x41: {  	v3 =	vld [tilespmem:$0x20];
	_ =	sdelay $0x4  }
0x42: {  	v62 =	vshrl.u32 v3, $0x3  }
0x43: {  	v4 =	vmul.u32 $0x30, v62  }
0x44: {  	v3 =	vand.u32 $0x7, v3  }
0x45: {  	v3 =	vor.u32 v3, v4  }
0x46: {  	v4 =	vperm.xlane v3, v0;
	_ =	sdelay $0x1  }
0x47: {  	v4 =	vadd.s32 v1, v4;
	_ =	sdelay $0x3  }
0x48: {  	s5 =	simm.s32 $0xA080;
	v3 =	vperm.xlane v3, v2  }
0x49: {  	[tilespmem:s5], [sflag:$0x2] =	stream.indirect_vreg.gather [hbm4b:s3+s2], $0x80, v4, vm0, $0xb8;
	[tilespmem:$0x16080] =	vst v63  }
0x4a: {  	s9 =	simm.s32 $0xA880;
	v3 =	vadd.s32 v1, v3  }
0x4b: {  	[tilespmem:s9], [sflag:$0x2] =	stream.indirect_vreg.gather [hbm4b:s6+s2], $0x80, v4, vm0, $0xb8;
	[tilespmem:$0x16080] =	vst v63  }
0x4c: {  	s10 =	simm.s32 $0xB080  }
0x4d: {  	[tilespmem:s10], [sflag:$0x2] =	stream.indirect_vreg.gather [hbm4b:s8+s2], $0x80, v4, vm0, $0xb8;
	[tilespmem:$0x16080] =	vst v63  }
0x4e: {  	s14 =	simm.s32 $0xB880  }
0x4f: {  	[tilespmem:s14], [sflag:$0x2] =	stream.indirect_vreg.gather [hbm4b:s3+s2], $0x80, v3, vm0, $0xb8;
	[tilespmem:$0x16080] =	vst v63  }
0x50: {  	s26 =	simm.s32 $0xC080  }
0x51: {  	[tilespmem:s26], [sflag:$0x2] =	stream.indirect_vreg.gather [hbm4b:s6+s2], $0x80, v3, vm0, $0xb8;
	[tilespmem:$0x16080] =	vst v63  }
0x52: {  	s30 =	simm.s32 $0xC880  }
0x53: {  	[tilespmem:s30], [sflag:$0x2] =	stream.indirect_vreg.gather [hbm4b:s8+s2], $0x80, v3, vm0, $0xb8;
	[tilespmem:$0x16080] =	vst v63  }
0x54: {  	v3 =	vld [tilespmem:$0x30];
	_ =	sdelay $0x4  }
0x55: {  	v63 =	vshrl.u32 v3, $0x3  }
0x56: {  	v4 =	vmul.u32 $0x30, v63  }
0x57: {  	v3 =	vand.u32 $0x7, v3  }
0x58: {  	v3 =	vor.u32 v3, v4  }
0x59: {  	v4 =	vperm.xlane v3, v0;
	_ =	sdelay $0x1  }
0x5a: {  	v4 =	vadd.s32 v1, v4;
	_ =	sdelay $0x3  }
0x5b: {  	s31 =	simm.s32 $0xD080;
	v3 =	vperm.xlane v3, v2  }
0x5c: {  	[tilespmem:s31], [sflag:$0x2] =	stream.indirect_vreg.gather [hbm4b:s3+s2], $0x80, v4, vm0, $0xb8;
	[tilespmem:$0x16080] =	vst v63  }
0x5d: {  	v3 =	vadd.s32 v1, v3  }
0x5e: {  	[tilespmem:s15], [sflag:$0x2] =	stream.indirect_vreg.gather [hbm4b:s6+s2], $0x80, v4, vm0, $0xb8;
	[tilespmem:$0x16080] =	vst v63  }
0x5f: {  	_ = 	snop  }
0x60: {  	[tilespmem:s16], [sflag:$0x2] =	stream.indirect_vreg.gather [hbm4b:s8+s2], $0x80, v4, vm0, $0xb8;
	[tilespmem:$0x16080] =	vst v63  }
0x61: {  	_ = 	snop  }
0x62: {  	[tilespmem:s17], [sflag:$0x2] =	stream.indirect_vreg.gather [hbm4b:s3+s2], $0x80, v3, vm0, $0xb8;
	[tilespmem:$0x16080] =	vst v63  }
0x63: {  	_ = 	snop  }
0x64: {  	[tilespmem:s18], [sflag:$0x2] =	stream.indirect_vreg.gather [hbm4b:s6+s2], $0x80, v3, vm0, $0xb8;
	[tilespmem:$0x16080] =	vst v63  }
0x65: {  	_ = 	snop  }
0x66: {  	[tilespmem:s19], [sflag:$0x2] =	stream.indirect_vreg.gather [hbm4b:s8+s2], $0x80, v3, vm0, $0xb8;
	[tilespmem:$0x16080] =	vst v63  }
0x67: {  	_ =	swait.ge [sflag:s20], $0x6000  }
0x68: {  	s28 =	simm.s32 $0x0;
	s29 =	simm.s32 $0x0;
	[sflag:s20] =	ssyncset.done $0x0  }
0x69: {  	s5 =	simm.s32 $0x0;
	s26 =	simm.s32 $0x100;
	[sflag:s20] =	ssyncadd.s32 $0xFFFFA000  }
.LBB2_2:
0x6a: {  	s0 =	sshrl.u32 s29, $0x2  }
0x6b: {  	s0 =	smul.u32 $0x6000, s0;
	_ =	sdelay $0x1  }
0x6c: {  	s31 =	sshra.s32 s0, $0x2  }
0x6d: {  	v3 =	vld [tilespmem:s26+$0xFFFFFF80];
	s30 =	sand.u32 $0x300, s5;
	s14 =	sadd.s32 $0x80, s5;
	s9 =	sadd.s32 $0x4080, s31  }
0x6e: {  	v4 =	vld [tilespmem:s26+$0x0];
	s0 =	sand.u32 $0x380, s14;
	s1 =	sor.u32 s30, s9  }
0x6f: {  	s14 =	sadd.s32 s0, s9;
	v5 =	vld [tilespmem:s1+$0x0]  }
0x70: {  	v6 =	vld [tilespmem:s14+$0x0];
	_ =	sdelay $0x3  }
0x71: {  	s10 =	sshrl.u32 s29, $0x3  }
0x72: {  	s9 =	smul.u32 $0x6000, s10;
	v5 =	vmul.f32 v5, v3;
	v6 =	vmul.f32 v6, v4;
	_ =	sdelay $0x1  }
0x73: {  	s10 =	sand.u32 $0x380, s28;
	s9 =	sshra.s32 s9, $0x2;
	v5 =	vadd.f32 v6, v5  }
0x74: {  	s9 =	sor.u32 s10, s9  }
0x75: {  	[tilespmem:s9+$0x10080] =	vst v5  }
0x76: {  	v5 =	vld [tilespmem:s1+$0x10]  }
0x77: {  	v17 =	vld [tilespmem:s14+$0x10];
	_ =	sdelay $0x4  }
0x78: {  	v5 =	vmul.f32 v5, v3;
	v6 =	vmul.f32 v17, v4;
	_ =	sdelay $0x1  }
0x79: {  	v5 =	vadd.f32 v6, v5  }
0x7a: {  	s10 =	sadd.s32 $0x10080, s9  }
0x7b: {  	[tilespmem:s10+$0x10] =	vst v5  }
0x7c: {  	v5 =	vld [tilespmem:s1+$0x20]  }
0x7d: {  	v18 =	vld [tilespmem:s14+$0x20];
	_ =	sdelay $0x4  }
0x7e: {  	v5 =	vmul.f32 v5, v3;
	v6 =	vmul.f32 v18, v4;
	_ =	sdelay $0x1  }
0x7f: {  	v5 =	vadd.f32 v6, v5;
	_ =	sdelay $0x1  }
0x80: {  	[tilespmem:s10+$0x20] =	vst v5  }
0x81: {  	v5 =	vld [tilespmem:s1+$0x30]  }
0x82: {  	v19 =	vld [tilespmem:s14+$0x30];
	_ =	sdelay $0x4  }
0x83: {  	v5 =	vmul.f32 v5, v3;
	v6 =	vmul.f32 v19, v4;
	_ =	sdelay $0x1  }
0x84: {  	v5 =	vadd.f32 v6, v5;
	_ =	sdelay $0x1  }
0x85: {  	[tilespmem:s10+$0x30] =	vst v5  }
0x86: {  	v5 =	vld [tilespmem:s1+$0x40]  }
0x87: {  	v20 =	vld [tilespmem:s14+$0x40];
	_ =	sdelay $0x4  }
0x88: {  	v5 =	vmul.f32 v5, v3;
	v6 =	vmul.f32 v20, v4;
	_ =	sdelay $0x1  }
0x89: {  	v5 =	vadd.f32 v6, v5;
	_ =	sdelay $0x1  }
0x8a: {  	[tilespmem:s10+$0x40] =	vst v5  }
0x8b: {  	v5 =	vld [tilespmem:s1+$0x50]  }
0x8c: {  	v21 =	vld [tilespmem:s14+$0x50];
	_ =	sdelay $0x4  }
0x8d: {  	v5 =	vmul.f32 v5, v3;
	v6 =	vmul.f32 v21, v4;
	_ =	sdelay $0x1  }
0x8e: {  	v5 =	vadd.f32 v6, v5;
	_ =	sdelay $0x1  }
0x8f: {  	[tilespmem:s10+$0x50] =	vst v5  }
0x90: {  	v5 =	vld [tilespmem:s1+$0x60]  }
0x91: {  	v22 =	vld [tilespmem:s14+$0x60];
	_ =	sdelay $0x4  }
0x92: {  	v5 =	vmul.f32 v5, v3;
	v6 =	vmul.f32 v22, v4;
	_ =	sdelay $0x1  }
0x93: {  	v5 =	vadd.f32 v6, v5;
	_ =	sdelay $0x1  }
0x94: {  	[tilespmem:s10+$0x60] =	vst v5  }
0x95: {  	v5 =	vld [tilespmem:s1+$0x70]  }
0x96: {  	v23 =	vld [tilespmem:s14+$0x70];
	_ =	sdelay $0x4  }
0x97: {  	v5 =	vmul.f32 v5, v3;
	v6 =	vmul.f32 v23, v4;
	_ =	sdelay $0x1  }
0x98: {  	v5 =	vadd.f32 v6, v5;
	_ =	sdelay $0x1  }
0x99: {  	[tilespmem:s10+$0x70] =	vst v5  }
0x9a: {  	v5 =	vld [tilespmem:s1+$0x400]  }
0x9b: {  	v24 =	vld [tilespmem:s14+$0x400];
	_ =	sdelay $0x4  }
0x9c: {  	v5 =	vmul.f32 v5, v3;
	v6 =	vmul.f32 v24, v4;
	_ =	sdelay $0x1  }
0x9d: {  	v5 =	vadd.f32 v6, v5;
	_ =	sdelay $0x1  }
0x9e: {  	[tilespmem:s10+$0x400] =	vst v5  }
0x9f: {  	v5 =	vld [tilespmem:s1+$0x410]  }
0xa0: {  	v25 =	vld [tilespmem:s14+$0x410];
	_ =	sdelay $0x4  }
0xa1: {  	v5 =	vmul.f32 v5, v3;
	v6 =	vmul.f32 v25, v4;
	_ =	sdelay $0x1  }
0xa2: {  	v5 =	vadd.f32 v6, v5;
	_ =	sdelay $0x1  }
0xa3: {  	[tilespmem:s10+$0x410] =	vst v5  }
0xa4: {  	v5 =	vld [tilespmem:s1+$0x420]  }
0xa5: {  	v26 =	vld [tilespmem:s14+$0x420];
	_ =	sdelay $0x4  }
0xa6: {  	v5 =	vmul.f32 v5, v3;
	v6 =	vmul.f32 v26, v4;
	_ =	sdelay $0x1  }
0xa7: {  	v5 =	vadd.f32 v6, v5;
	_ =	sdelay $0x1  }
0xa8: {  	[tilespmem:s10+$0x420] =	vst v5  }
0xa9: {  	v5 =	vld [tilespmem:s1+$0x430]  }
0xaa: {  	v27 =	vld [tilespmem:s14+$0x430];
	_ =	sdelay $0x4  }
0xab: {  	v5 =	vmul.f32 v5, v3;
	v6 =	vmul.f32 v27, v4;
	_ =	sdelay $0x1  }
0xac: {  	v5 =	vadd.f32 v6, v5;
	_ =	sdelay $0x1  }
0xad: {  	[tilespmem:s10+$0x430] =	vst v5  }
0xae: {  	v5 =	vld [tilespmem:s1+$0x440]  }
0xaf: {  	v28 =	vld [tilespmem:s14+$0x440];
	_ =	sdelay $0x4  }
0xb0: {  	v5 =	vmul.f32 v5, v3;
	v6 =	vmul.f32 v28, v4;
	_ =	sdelay $0x1  }
0xb1: {  	v5 =	vadd.f32 v6, v5;
	_ =	sdelay $0x1  }
0xb2: {  	[tilespmem:s10+$0x440] =	vst v5  }
0xb3: {  	v5 =	vld [tilespmem:s1+$0x450]  }
0xb4: {  	v29 =	vld [tilespmem:s14+$0x450];
	_ =	sdelay $0x4  }
0xb5: {  	v5 =	vmul.f32 v5, v3;
	v6 =	vmul.f32 v29, v4;
	_ =	sdelay $0x1  }
0xb6: {  	v5 =	vadd.f32 v6, v5;
	_ =	sdelay $0x1  }
0xb7: {  	[tilespmem:s10+$0x450] =	vst v5  }
0xb8: {  	v5 =	vld [tilespmem:s1+$0x460]  }
0xb9: {  	v30 =	vld [tilespmem:s14+$0x460];
	_ =	sdelay $0x4  }
0xba: {  	v5 =	vmul.f32 v5, v3;
	v6 =	vmul.f32 v30, v4;
	_ =	sdelay $0x1  }
0xbb: {  	v5 =	vadd.f32 v6, v5;
	_ =	sdelay $0x1  }
0xbc: {  	[tilespmem:s10+$0x460] =	vst v5  }
0xbd: {  	v5 =	vld [tilespmem:s1+$0x470]  }
0xbe: {  	v31 =	vld [tilespmem:s14+$0x470];
	_ =	sdelay $0x4  }
0xbf: {  	v5 =	vmul.f32 v5, v3;
	v6 =	vmul.f32 v31, v4;
	_ =	sdelay $0x1  }
0xc0: {  	v5 =	vadd.f32 v6, v5  }
0xc1: {  	s14 =	sadd.s32 $0x4880, s31  }
0xc2: {  	[tilespmem:s10+$0x470] =	vst v5;
	s10 =	sor.u32 s30, s14  }
0xc3: {  	s1 =	sadd.s32 s0, s14;
	v5 =	vld [tilespmem:s10+$0x0]  }
0xc4: {  	v32 =	vld [tilespmem:s1+$0x0];
	_ =	sdelay $0x4  }
0xc5: {  	v5 =	vmul.f32 v5, v3;
	v6 =	vmul.f32 v32, v4;
	_ =	sdelay $0x1  }
0xc6: {  	v5 =	vadd.f32 v6, v5;
	_ =	sdelay $0x1  }
0xc7: {  	[tilespmem:s9+$0x10880] =	vst v5  }
0xc8: {  	v5 =	vld [tilespmem:s10+$0x10]  }
0xc9: {  	v33 =	vld [tilespmem:s1+$0x10];
	_ =	sdelay $0x4  }
0xca: {  	v5 =	vmul.f32 v5, v3;
	v6 =	vmul.f32 v33, v4;
	_ =	sdelay $0x1  }
0xcb: {  	v5 =	vadd.f32 v6, v5  }
0xcc: {  	s14 =	sadd.s32 $0x10880, s9  }
0xcd: {  	[tilespmem:s14+$0x10] =	vst v5  }
0xce: {  	v5 =	vld [tilespmem:s10+$0x20]  }
0xcf: {  	v34 =	vld [tilespmem:s1+$0x20];
	_ =	sdelay $0x4  }
0xd0: {  	v5 =	vmul.f32 v5, v3;
	v6 =	vmul.f32 v34, v4;
	_ =	sdelay $0x1  }
0xd1: {  	v5 =	vadd.f32 v6, v5;
	_ =	sdelay $0x1  }
0xd2: {  	[tilespmem:s14+$0x20] =	vst v5  }
0xd3: {  	v5 =	vld [tilespmem:s10+$0x30]  }
0xd4: {  	v35 =	vld [tilespmem:s1+$0x30];
	_ =	sdelay $0x4  }
0xd5: {  	v5 =	vmul.f32 v5, v3;
	v6 =	vmul.f32 v35, v4;
	_ =	sdelay $0x1  }
0xd6: {  	v5 =	vadd.f32 v6, v5;
	_ =	sdelay $0x1  }
0xd7: {  	[tilespmem:s14+$0x30] =	vst v5  }
0xd8: {  	v5 =	vld [tilespmem:s10+$0x40]  }
0xd9: {  	v36 =	vld [tilespmem:s1+$0x40];
	_ =	sdelay $0x4  }
0xda: {  	v5 =	vmul.f32 v5, v3;
	v6 =	vmul.f32 v36, v4;
	_ =	sdelay $0x1  }
0xdb: {  	v5 =	vadd.f32 v6, v5;
	_ =	sdelay $0x1  }
0xdc: {  	[tilespmem:s14+$0x40] =	vst v5  }
0xdd: {  	v5 =	vld [tilespmem:s10+$0x50]  }
0xde: {  	v37 =	vld [tilespmem:s1+$0x50];
	_ =	sdelay $0x4  }
0xdf: {  	v5 =	vmul.f32 v5, v3;
	v6 =	vmul.f32 v37, v4;
	_ =	sdelay $0x1  }
0xe0: {  	v5 =	vadd.f32 v6, v5;
	_ =	sdelay $0x1  }
0xe1: {  	[tilespmem:s14+$0x50] =	vst v5  }
0xe2: {  	v5 =	vld [tilespmem:s10+$0x60]  }
0xe3: {  	v38 =	vld [tilespmem:s1+$0x60];
	_ =	sdelay $0x4  }
0xe4: {  	v5 =	vmul.f32 v5, v3;
	v6 =	vmul.f32 v38, v4;
	_ =	sdelay $0x1  }
0xe5: {  	v5 =	vadd.f32 v6, v5;
	_ =	sdelay $0x1  }
0xe6: {  	[tilespmem:s14+$0x60] =	vst v5  }
0xe7: {  	v5 =	vld [tilespmem:s10+$0x70]  }
0xe8: {  	v39 =	vld [tilespmem:s1+$0x70];
	_ =	sdelay $0x4  }
0xe9: {  	v5 =	vmul.f32 v5, v3;
	v6 =	vmul.f32 v39, v4;
	_ =	sdelay $0x1  }
0xea: {  	v5 =	vadd.f32 v6, v5  }
0xeb: {  	s1 =	sadd.s32 $0x4C80, s31  }
0xec: {  	s10 =	sor.u32 s30, s1;
	[tilespmem:s14+$0x70] =	vst v5  }
0xed: {  	s1 =	sadd.s32 s0, s1;
	v5 =	vld [tilespmem:s10+$0x0]  }
0xee: {  	v40 =	vld [tilespmem:s1+$0x0];
	_ =	sdelay $0x4  }
0xef: {  	v5 =	vmul.f32 v5, v3;
	v6 =	vmul.f32 v40, v4;
	_ =	sdelay $0x1  }
0xf0: {  	v5 =	vadd.f32 v6, v5;
	_ =	sdelay $0x1  }
0xf1: {  	[tilespmem:s9+$0x10C80] =	vst v5  }
0xf2: {  	v5 =	vld [tilespmem:s10+$0x10]  }
0xf3: {  	v41 =	vld [tilespmem:s1+$0x10];
	_ =	sdelay $0x4  }
0xf4: {  	v5 =	vmul.f32 v5, v3;
	v6 =	vmul.f32 v41, v4;
	_ =	sdelay $0x1  }
0xf5: {  	v5 =	vadd.f32 v6, v5  }
0xf6: {  	s14 =	sadd.s32 $0x10C80, s9  }
0xf7: {  	[tilespmem:s14+$0x10] =	vst v5  }
0xf8: {  	v5 =	vld [tilespmem:s10+$0x20]  }
0xf9: {  	v42 =	vld [tilespmem:s1+$0x20];
	_ =	sdelay $0x4  }
0xfa: {  	v5 =	vmul.f32 v5, v3;
	v6 =	vmul.f32 v42, v4;
	_ =	sdelay $0x1  }
0xfb: {  	v5 =	vadd.f32 v6, v5;
	_ =	sdelay $0x1  }
0xfc: {  	[tilespmem:s14+$0x20] =	vst v5  }
0xfd: {  	v5 =	vld [tilespmem:s10+$0x30]  }
0xfe: {  	v43 =	vld [tilespmem:s1+$0x30];
	_ =	sdelay $0x4  }
0xff: {  	v5 =	vmul.f32 v5, v3;
	v6 =	vmul.f32 v43, v4;
	_ =	sdelay $0x1  }
0x100: {  	v5 =	vadd.f32 v6, v5;
	_ =	sdelay $0x1  }
0x101: {  	[tilespmem:s14+$0x30] =	vst v5  }
0x102: {  	v5 =	vld [tilespmem:s10+$0x40]  }
0x103: {  	v44 =	vld [tilespmem:s1+$0x40];
	_ =	sdelay $0x4  }
0x104: {  	v5 =	vmul.f32 v5, v3;
	v6 =	vmul.f32 v44, v4;
	_ =	sdelay $0x1  }
0x105: {  	v5 =	vadd.f32 v6, v5;
	_ =	sdelay $0x1  }
0x106: {  	[tilespmem:s14+$0x40] =	vst v5  }
0x107: {  	v5 =	vld [tilespmem:s10+$0x50]  }
0x108: {  	v45 =	vld [tilespmem:s1+$0x50];
	_ =	sdelay $0x4  }
0x109: {  	v5 =	vmul.f32 v5, v3;
	v6 =	vmul.f32 v45, v4;
	_ =	sdelay $0x1  }
0x10a: {  	v5 =	vadd.f32 v6, v5;
	_ =	sdelay $0x1  }
0x10b: {  	[tilespmem:s14+$0x50] =	vst v5  }
0x10c: {  	v5 =	vld [tilespmem:s10+$0x60]  }
0x10d: {  	v46 =	vld [tilespmem:s1+$0x60];
	_ =	sdelay $0x4  }
0x10e: {  	v5 =	vmul.f32 v5, v3;
	v6 =	vmul.f32 v46, v4;
	_ =	sdelay $0x1  }
0x10f: {  	v5 =	vadd.f32 v6, v5;
	_ =	sdelay $0x1  }
0x110: {  	[tilespmem:s14+$0x60] =	vst v5  }
0x111: {  	v5 =	vld [tilespmem:s10+$0x70]  }
0x112: {  	v47 =	vld [tilespmem:s1+$0x70];
	_ =	sdelay $0x4  }
0x113: {  	v5 =	vmul.f32 v5, v3;
	v6 =	vmul.f32 v47, v4;
	_ =	sdelay $0x1  }
0x114: {  	v5 =	vadd.f32 v6, v5  }
0x115: {  	s1 =	sadd.s32 $0x5080, s31  }
0x116: {  	s10 =	sor.u32 s30, s1;
	[tilespmem:s14+$0x70] =	vst v5  }
0x117: {  	s1 =	sadd.s32 s0, s1;
	v5 =	vld [tilespmem:s10+$0x0]  }
0x118: {  	v48 =	vld [tilespmem:s1+$0x0];
	_ =	sdelay $0x4  }
0x119: {  	v5 =	vmul.f32 v5, v3;
	v6 =	vmul.f32 v48, v4;
	_ =	sdelay $0x1  }
0x11a: {  	v5 =	vadd.f32 v6, v5;
	_ =	sdelay $0x1  }
0x11b: {  	[tilespmem:s9+$0x11080] =	vst v5  }
0x11c: {  	v5 =	vld [tilespmem:s10+$0x10]  }
0x11d: {  	v49 =	vld [tilespmem:s1+$0x10];
	_ =	sdelay $0x4  }
0x11e: {  	v5 =	vmul.f32 v5, v3;
	v6 =	vmul.f32 v49, v4;
	_ =	sdelay $0x1  }
0x11f: {  	v5 =	vadd.f32 v6, v5  }
0x120: {  	s14 =	sadd.s32 $0x11080, s9  }
0x121: {  	[tilespmem:s14+$0x10] =	vst v5  }
0x122: {  	v5 =	vld [tilespmem:s10+$0x20]  }
0x123: {  	v50 =	vld [tilespmem:s1+$0x20];
	_ =	sdelay $0x4  }
0x124: {  	v5 =	vmul.f32 v5, v3;
	v6 =	vmul.f32 v50, v4;
	_ =	sdelay $0x1  }
0x125: {  	v5 =	vadd.f32 v6, v5;
	_ =	sdelay $0x1  }
0x126: {  	[tilespmem:s14+$0x20] =	vst v5  }
0x127: {  	v5 =	vld [tilespmem:s10+$0x30]  }
0x128: {  	v51 =	vld [tilespmem:s1+$0x30];
	_ =	sdelay $0x4  }
0x129: {  	v5 =	vmul.f32 v5, v3;
	v6 =	vmul.f32 v51, v4;
	_ =	sdelay $0x1  }
0x12a: {  	v5 =	vadd.f32 v6, v5;
	_ =	sdelay $0x1  }
0x12b: {  	[tilespmem:s14+$0x30] =	vst v5  }
0x12c: {  	v5 =	vld [tilespmem:s10+$0x40]  }
0x12d: {  	v52 =	vld [tilespmem:s1+$0x40];
	_ =	sdelay $0x4  }
0x12e: {  	v5 =	vmul.f32 v5, v3;
	v6 =	vmul.f32 v52, v4;
	_ =	sdelay $0x1  }
0x12f: {  	v5 =	vadd.f32 v6, v5;
	_ =	sdelay $0x1  }
0x130: {  	[tilespmem:s14+$0x40] =	vst v5  }
0x131: {  	v5 =	vld [tilespmem:s10+$0x50]  }
0x132: {  	v53 =	vld [tilespmem:s1+$0x50];
	_ =	sdelay $0x4  }
0x133: {  	v5 =	vmul.f32 v5, v3;
	v6 =	vmul.f32 v53, v4;
	_ =	sdelay $0x1  }
0x134: {  	v5 =	vadd.f32 v6, v5;
	_ =	sdelay $0x1  }
0x135: {  	[tilespmem:s14+$0x50] =	vst v5  }
0x136: {  	v5 =	vld [tilespmem:s10+$0x60]  }
0x137: {  	v54 =	vld [tilespmem:s1+$0x60];
	_ =	sdelay $0x4  }
0x138: {  	v5 =	vmul.f32 v5, v3;
	v6 =	vmul.f32 v54, v4;
	_ =	sdelay $0x1  }
0x139: {  	v5 =	vadd.f32 v6, v5;
	_ =	sdelay $0x1  }
0x13a: {  	[tilespmem:s14+$0x60] =	vst v5  }
0x13b: {  	v5 =	vld [tilespmem:s10+$0x70]  }
0x13c: {  	v55 =	vld [tilespmem:s1+$0x70];
	_ =	sdelay $0x4  }
0x13d: {  	v5 =	vmul.f32 v5, v3;
	v6 =	vmul.f32 v55, v4;
	_ =	sdelay $0x1  }
0x13e: {  	v5 =	vadd.f32 v6, v5  }
0x13f: {  	s10 =	sadd.s32 $0x5480, s31  }
0x140: {  	s30 =	sor.u32 s30, s10;
	[tilespmem:s14+$0x70] =	vst v5  }
0x141: {  	s0 =	sadd.s32 s0, s10;
	v5 =	vld [tilespmem:s30+$0x0]  }
0x142: {  	v56 =	vld [tilespmem:s0+$0x0];
	_ =	sdelay $0x4  }
0x143: {  	v5 =	vmul.f32 v5, v3;
	v6 =	vmul.f32 v56, v4;
	_ =	sdelay $0x1  }
0x144: {  	v5 =	vadd.f32 v6, v5;
	_ =	sdelay $0x1  }
0x145: {  	[tilespmem:s9+$0x11480] =	vst v5  }
0x146: {  	v5 =	vld [tilespmem:s30+$0x10]  }
0x147: {  	v57 =	vld [tilespmem:s0+$0x10];
	_ =	sdelay $0x4  }
0x148: {  	v5 =	vmul.f32 v5, v3;
	v6 =	vmul.f32 v57, v4;
	_ =	sdelay $0x1  }
0x149: {  	v5 =	vadd.f32 v6, v5  }
0x14a: {  	s31 =	sadd.s32 $0x11480, s9  }
0x14b: {  	[tilespmem:s31+$0x10] =	vst v5  }
0x14c: {  	v5 =	vld [tilespmem:s30+$0x20]  }
0x14d: {  	v58 =	vld [tilespmem:s0+$0x20];
	_ =	sdelay $0x4  }
0x14e: {  	v5 =	vmul.f32 v5, v3;
	v6 =	vmul.f32 v58, v4;
	_ =	sdelay $0x1  }
0x14f: {  	v5 =	vadd.f32 v6, v5;
	_ =	sdelay $0x1  }
0x150: {  	[tilespmem:s31+$0x20] =	vst v5  }
0x151: {  	v5 =	vld [tilespmem:s30+$0x30]  }
0x152: {  	v59 =	vld [tilespmem:s0+$0x30];
	_ =	sdelay $0x4  }
0x153: {  	v5 =	vmul.f32 v5, v3;
	v6 =	vmul.f32 v59, v4;
	_ =	sdelay $0x1  }
0x154: {  	v5 =	vadd.f32 v6, v5;
	_ =	sdelay $0x1  }
0x155: {  	[tilespmem:s31+$0x30] =	vst v5  }
0x156: {  	v5 =	vld [tilespmem:s30+$0x40]  }
0x157: {  	v60 =	vld [tilespmem:s0+$0x40];
	_ =	sdelay $0x4  }
0x158: {  	v5 =	vmul.f32 v5, v3;
	v6 =	vmul.f32 v60, v4;
	_ =	sdelay $0x1  }
0x159: {  	v5 =	vadd.f32 v6, v5;
	_ =	sdelay $0x1  }
0x15a: {  	[tilespmem:s31+$0x40] =	vst v5  }
0x15b: {  	v5 =	vld [tilespmem:s30+$0x50]  }
0x15c: {  	v61 =	vld [tilespmem:s0+$0x50];
	_ =	sdelay $0x4  }
0x15d: {  	v5 =	vmul.f32 v5, v3;
	v6 =	vmul.f32 v61, v4;
	_ =	sdelay $0x1  }
0x15e: {  	v5 =	vadd.f32 v6, v5;
	_ =	sdelay $0x1  }
0x15f: {  	[tilespmem:s31+$0x50] =	vst v5  }
0x160: {  	v5 =	vld [tilespmem:s30+$0x60]  }
0x161: {  	v62 =	vld [tilespmem:s0+$0x60];
	_ =	sdelay $0x4  }
0x162: {  	v5 =	vmul.f32 v5, v3;
	v6 =	vmul.f32 v62, v4;
	_ =	sdelay $0x1  }
0x163: {  	v5 =	vadd.f32 v6, v5;
	_ =	sdelay $0x1  }
0x164: {  	[tilespmem:s31+$0x60] =	vst v5  }
0x165: {  	v5 =	vld [tilespmem:s30+$0x70]  }
0x166: {  	v63 =	vld [tilespmem:s0+$0x70];
	_ =	sdelay $0x3  }
0x167: {  	p0 =	sne.s32 s29, $0xF  }
.Ltmp0:
0x168: {  	v3 =	vmul.f32 v5, v3;
	v4 =	vmul.f32 v63, v4;
	(pc) =	sbr.rel @p0 .LBB2_2-.Ltmp0, $4  }
0x169: {  	_ = 	snop  }
0x16a: {  	v3 =	vadd.f32 v4, v3  }
0x16b: {  	s5 =	sadd.s32 $0x100, s5  }
0x16c: {  	s26 =	sadd.s32 $0x100, s26;
	s29 =	sadd.s32 $0x1, s29;
	s28 =	sadd.s32 $0x80, s28;
	[tilespmem:s31+$0x70] =	vst v3  }
0x16d: {  	s26 =	simm.s32 $0x0  }
0x16e: {  	[hbm4b:s7+s26] =	stream.linear.scatter [tilespmem:s21], [sflag:$0x3], $0x3000, $0x38;
	[tilespmem:$0x16080] =	vst v63  }
0x16f: {  	v3 =	vld [tilespmem:$0x40];
	_ =	sdelay $0x4  }
0x170: {  	v4 =	vshrl.u32 v3, $0x3  }
0x171: {  	v4 =	vmul.u32 $0x30, v4  }
0x172: {  	v3 =	vand.u32 $0x7, v3  }
0x173: {  	v3 =	vor.u32 v3, v4  }
0x174: {  	v4 =	vperm.xlane v3, v0;
	_ =	sdelay $0x1  }
0x175: {  	v4 =	vadd.s32 v1, v4;
	_ =	sdelay $0x3  }
0x176: {  	s0 =	simm.s32 $0x4080;
	v3 =	vperm.xlane v3, v2  }
0x177: {  	[tilespmem:s0], [sflag:$0x1] =	stream.indirect_vreg.gather [hbm4b:s3+s26], $0x80, v4, vm0, $0xb8;
	[tilespmem:$0x16080] =	vst v63  }
0x178: {  	s10 =	simm.s32 $0x4880;
	v3 =	vadd.s32 v1, v3  }
0x179: {  	[tilespmem:s10], [sflag:$0x1] =	stream.indirect_vreg.gather [hbm4b:s6+s26], $0x80, v4, vm0, $0xb8;
	[tilespmem:$0x16080] =	vst v63  }
0x17a: {  	s14 =	simm.s32 $0x5080  }
0x17b: {  	[tilespmem:s14], [sflag:$0x1] =	stream.indirect_vreg.gather [hbm4b:s8+s26], $0x80, v4, vm0, $0xb8;
	[tilespmem:$0x16080] =	vst v63  }
0x17c: {  	s30 =	simm.s32 $0x5880  }
0x17d: {  	[tilespmem:s30], [sflag:$0x1] =	stream.indirect_vreg.gather [hbm4b:s3+s26], $0x80, v3, vm0, $0xb8;
	[tilespmem:$0x16080] =	vst v63  }
0x17e: {  	s31 =	simm.s32 $0x6080  }
0x17f: {  	[tilespmem:s31], [sflag:$0x1] =	stream.indirect_vreg.gather [hbm4b:s6+s26], $0x80, v3, vm0, $0xb8;
	[tilespmem:$0x16080] =	vst v63  }
0x180: {  	s1 =	simm.s32 $0x6880  }
0x181: {  	[tilespmem:s1], [sflag:$0x1] =	stream.indirect_vreg.gather [hbm4b:s8+s26], $0x80, v3, vm0, $0xb8;
	[tilespmem:$0x16080] =	vst v63  }
0x182: {  	v3 =	vld [tilespmem:$0x50];
	_ =	sdelay $0x4  }
0x183: {  	v63 =	vshrl.u32 v3, $0x3  }
0x184: {  	v4 =	vmul.u32 $0x30, v63  }
0x185: {  	v3 =	vand.u32 $0x7, v3  }
0x186: {  	v3 =	vor.u32 v3, v4  }
0x187: {  	v4 =	vperm.xlane v3, v0;
	_ =	sdelay $0x1  }
0x188: {  	v4 =	vadd.s32 v1, v4;
	_ =	sdelay $0x3  }
0x189: {  	s5 =	simm.s32 $0x7080;
	v3 =	vperm.xlane v3, v2  }
0x18a: {  	[tilespmem:s5], [sflag:$0x1] =	stream.indirect_vreg.gather [hbm4b:s3+s26], $0x80, v4, vm0, $0xb8;
	[tilespmem:$0x16080] =	vst v63  }
0x18b: {  	s9 =	simm.s32 $0x7880;
	v3 =	vadd.s32 v1, v3  }
0x18c: {  	[tilespmem:s9], [sflag:$0x1] =	stream.indirect_vreg.gather [hbm4b:s6+s26], $0x80, v4, vm0, $0xb8;
	[tilespmem:$0x16080] =	vst v63  }
0x18d: {  	s10 =	simm.s32 $0x8080  }
0x18e: {  	[tilespmem:s10], [sflag:$0x1] =	stream.indirect_vreg.gather [hbm4b:s8+s26], $0x80, v4, vm0, $0xb8;
	[tilespmem:$0x16080] =	vst v63  }
0x18f: {  	s14 =	simm.s32 $0x8880  }
0x190: {  	[tilespmem:s14], [sflag:$0x1] =	stream.indirect_vreg.gather [hbm4b:s3+s26], $0x80, v3, vm0, $0xb8;
	[tilespmem:$0x16080] =	vst v63  }
0x191: {  	s30 =	simm.s32 $0x9080  }
0x192: {  	[tilespmem:s30], [sflag:$0x1] =	stream.indirect_vreg.gather [hbm4b:s6+s26], $0x80, v3, vm0, $0xb8;
	[tilespmem:$0x16080] =	vst v63  }
0x193: {  	s31 =	simm.s32 $0x9880  }
0x194: {  	[tilespmem:s31], [sflag:$0x1] =	stream.indirect_vreg.gather [hbm4b:s8+s26], $0x80, v3, vm0, $0xb8;
	[tilespmem:$0x16080] =	vst v63  }
0x195: {  	_ =	swait.ge [sflag:s22], $0x6000  }
0x196: {  	s28 =	simm.s32 $0x0;
	[sflag:s22] =	ssyncset.done $0x0  }
0x197: {  	s29 =	simm.s32 $0x0;
	s5 =	simm.s32 $0x1100;
	[sflag:s22] =	ssyncadd.s32 $0xFFFFA000  }
.LBB2_4:
0x198: {  	s0 =	sshrl.u32 s29, $0x2  }
0x199: {  	s0 =	smul.u32 $0x6000, s0;
	_ =	sdelay $0x1  }
0x19a: {  	s31 =	sshra.s32 s0, $0x2  }
0x19b: {  	v3 =	vld [tilespmem:s5+$0xFFFFFF80];
	s30 =	sand.u32 $0x300, s26;
	s9 =	sadd.s32 $0xA080, s31  }
0x19c: {  	v4 =	vld [tilespmem:s5+$0x0];
	s0 =	sor.u32 $0x80, s30;
	s1 =	sor.u32 s30, s9  }
0x19d: {  	s14 =	sadd.s32 s0, s9;
	v5 =	vld [tilespmem:s1+$0x0]  }
0x19e: {  	v6 =	vld [tilespmem:s14+$0x0];
	_ =	sdelay $0x3  }
0x19f: {  	s10 =	sshrl.u32 s29, $0x3  }
0x1a0: {  	s9 =	smul.u32 $0x6000, s10;
	v5 =	vmul.f32 v5, v3;
	v6 =	vmul.f32 v6, v4;
	_ =	sdelay $0x1  }
0x1a1: {  	s10 =	sand.u32 $0x380, s28;
	s9 =	sshra.s32 s9, $0x2;
	v5 =	vadd.f32 v6, v5  }
0x1a2: {  	s9 =	sor.u32 s10, s9  }
0x1a3: {  	[tilespmem:s9+$0x13080] =	vst v5  }
0x1a4: {  	v5 =	vld [tilespmem:s1+$0x10]  }
0x1a5: {  	v17 =	vld [tilespmem:s14+$0x10];
	_ =	sdelay $0x4  }
0x1a6: {  	v5 =	vmul.f32 v5, v3;
	v6 =	vmul.f32 v17, v4;
	_ =	sdelay $0x1  }
0x1a7: {  	v5 =	vadd.f32 v6, v5  }
0x1a8: {  	s10 =	sadd.s32 $0x13080, s9  }
0x1a9: {  	[tilespmem:s10+$0x10] =	vst v5  }
0x1aa: {  	v5 =	vld [tilespmem:s1+$0x20]  }
0x1ab: {  	v18 =	vld [tilespmem:s14+$0x20];
	_ =	sdelay $0x4  }
0x1ac: {  	v5 =	vmul.f32 v5, v3;
	v6 =	vmul.f32 v18, v4;
	_ =	sdelay $0x1  }
0x1ad: {  	v5 =	vadd.f32 v6, v5;
	_ =	sdelay $0x1  }
0x1ae: {  	[tilespmem:s10+$0x20] =	vst v5  }
0x1af: {  	v5 =	vld [tilespmem:s1+$0x30]  }
0x1b0: {  	v19 =	vld [tilespmem:s14+$0x30];
	_ =	sdelay $0x4  }
0x1b1: {  	v5 =	vmul.f32 v5, v3;
	v6 =	vmul.f32 v19, v4;
	_ =	sdelay $0x1  }
0x1b2: {  	v5 =	vadd.f32 v6, v5;
	_ =	sdelay $0x1  }
0x1b3: {  	[tilespmem:s10+$0x30] =	vst v5  }
0x1b4: {  	v5 =	vld [tilespmem:s1+$0x40]  }
0x1b5: {  	v20 =	vld [tilespmem:s14+$0x40];
	_ =	sdelay $0x4  }
0x1b6: {  	v5 =	vmul.f32 v5, v3;
	v6 =	vmul.f32 v20, v4;
	_ =	sdelay $0x1  }
0x1b7: {  	v5 =	vadd.f32 v6, v5;
	_ =	sdelay $0x1  }
0x1b8: {  	[tilespmem:s10+$0x40] =	vst v5  }
0x1b9: {  	v5 =	vld [tilespmem:s1+$0x50]  }
0x1ba: {  	v21 =	vld [tilespmem:s14+$0x50];
	_ =	sdelay $0x4  }
0x1bb: {  	v5 =	vmul.f32 v5, v3;
	v6 =	vmul.f32 v21, v4;
	_ =	sdelay $0x1  }
0x1bc: {  	v5 =	vadd.f32 v6, v5;
	_ =	sdelay $0x1  }
0x1bd: {  	[tilespmem:s10+$0x50] =	vst v5  }
0x1be: {  	v5 =	vld [tilespmem:s1+$0x60]  }
0x1bf: {  	v22 =	vld [tilespmem:s14+$0x60];
	_ =	sdelay $0x4  }
0x1c0: {  	v5 =	vmul.f32 v5, v3;
	v6 =	vmul.f32 v22, v4;
	_ =	sdelay $0x1  }
0x1c1: {  	v5 =	vadd.f32 v6, v5;
	_ =	sdelay $0x1  }
0x1c2: {  	[tilespmem:s10+$0x60] =	vst v5  }
0x1c3: {  	v5 =	vld [tilespmem:s1+$0x70]  }
0x1c4: {  	v23 =	vld [tilespmem:s14+$0x70];
	_ =	sdelay $0x4  }
0x1c5: {  	v5 =	vmul.f32 v5, v3;
	v6 =	vmul.f32 v23, v4;
	_ =	sdelay $0x1  }
0x1c6: {  	v5 =	vadd.f32 v6, v5;
	_ =	sdelay $0x1  }
0x1c7: {  	[tilespmem:s10+$0x70] =	vst v5  }
0x1c8: {  	v5 =	vld [tilespmem:s1+$0x400]  }
0x1c9: {  	v24 =	vld [tilespmem:s14+$0x400];
	_ =	sdelay $0x4  }
0x1ca: {  	v5 =	vmul.f32 v5, v3;
	v6 =	vmul.f32 v24, v4;
	_ =	sdelay $0x1  }
0x1cb: {  	v5 =	vadd.f32 v6, v5;
	_ =	sdelay $0x1  }
0x1cc: {  	[tilespmem:s10+$0x400] =	vst v5  }
0x1cd: {  	v5 =	vld [tilespmem:s1+$0x410]  }
0x1ce: {  	v25 =	vld [tilespmem:s14+$0x410];
	_ =	sdelay $0x4  }
0x1cf: {  	v5 =	vmul.f32 v5, v3;
	v6 =	vmul.f32 v25, v4;
	_ =	sdelay $0x1  }
0x1d0: {  	v5 =	vadd.f32 v6, v5;
	_ =	sdelay $0x1  }
0x1d1: {  	[tilespmem:s10+$0x410] =	vst v5  }
0x1d2: {  	v5 =	vld [tilespmem:s1+$0x420]  }
0x1d3: {  	v26 =	vld [tilespmem:s14+$0x420];
	_ =	sdelay $0x4  }
0x1d4: {  	v5 =	vmul.f32 v5, v3;
	v6 =	vmul.f32 v26, v4;
	_ =	sdelay $0x1  }
0x1d5: {  	v5 =	vadd.f32 v6, v5;
	_ =	sdelay $0x1  }
0x1d6: {  	[tilespmem:s10+$0x420] =	vst v5  }
0x1d7: {  	v5 =	vld [tilespmem:s1+$0x430]  }
0x1d8: {  	v27 =	vld [tilespmem:s14+$0x430];
	_ =	sdelay $0x4  }
0x1d9: {  	v5 =	vmul.f32 v5, v3;
	v6 =	vmul.f32 v27, v4;
	_ =	sdelay $0x1  }
0x1da: {  	v5 =	vadd.f32 v6, v5;
	_ =	sdelay $0x1  }
0x1db: {  	[tilespmem:s10+$0x430] =	vst v5  }
0x1dc: {  	v5 =	vld [tilespmem:s1+$0x440]  }
0x1dd: {  	v28 =	vld [tilespmem:s14+$0x440];
	_ =	sdelay $0x4  }
0x1de: {  	v5 =	vmul.f32 v5, v3;
	v6 =	vmul.f32 v28, v4;
	_ =	sdelay $0x1  }
0x1df: {  	v5 =	vadd.f32 v6, v5;
	_ =	sdelay $0x1  }
0x1e0: {  	[tilespmem:s10+$0x440] =	vst v5  }
0x1e1: {  	v5 =	vld [tilespmem:s1+$0x450]  }
0x1e2: {  	v29 =	vld [tilespmem:s14+$0x450];
	_ =	sdelay $0x4  }
0x1e3: {  	v5 =	vmul.f32 v5, v3;
	v6 =	vmul.f32 v29, v4;
	_ =	sdelay $0x1  }
0x1e4: {  	v5 =	vadd.f32 v6, v5;
	_ =	sdelay $0x1  }
0x1e5: {  	[tilespmem:s10+$0x450] =	vst v5  }
0x1e6: {  	v5 =	vld [tilespmem:s1+$0x460]  }
0x1e7: {  	v30 =	vld [tilespmem:s14+$0x460];
	_ =	sdelay $0x4  }
0x1e8: {  	v5 =	vmul.f32 v5, v3;
	v6 =	vmul.f32 v30, v4;
	_ =	sdelay $0x1  }
0x1e9: {  	v5 =	vadd.f32 v6, v5;
	_ =	sdelay $0x1  }
0x1ea: {  	[tilespmem:s10+$0x460] =	vst v5  }
0x1eb: {  	v5 =	vld [tilespmem:s1+$0x470]  }
0x1ec: {  	v31 =	vld [tilespmem:s14+$0x470];
	_ =	sdelay $0x4  }
0x1ed: {  	v5 =	vmul.f32 v5, v3;
	v6 =	vmul.f32 v31, v4;
	_ =	sdelay $0x1  }
0x1ee: {  	v5 =	vadd.f32 v6, v5  }
0x1ef: {  	s14 =	sadd.s32 $0xA880, s31  }
0x1f0: {  	[tilespmem:s10+$0x470] =	vst v5;
	s10 =	sor.u32 s30, s14  }
0x1f1: {  	s1 =	sadd.s32 s0, s14;
	v5 =	vld [tilespmem:s10+$0x0]  }
0x1f2: {  	v32 =	vld [tilespmem:s1+$0x0];
	_ =	sdelay $0x4  }
0x1f3: {  	v5 =	vmul.f32 v5, v3;
	v6 =	vmul.f32 v32, v4;
	_ =	sdelay $0x1  }
0x1f4: {  	v5 =	vadd.f32 v6, v5;
	_ =	sdelay $0x1  }
0x1f5: {  	[tilespmem:s9+$0x13880] =	vst v5  }
0x1f6: {  	v5 =	vld [tilespmem:s10+$0x10]  }
0x1f7: {  	v33 =	vld [tilespmem:s1+$0x10];
	_ =	sdelay $0x4  }
0x1f8: {  	v5 =	vmul.f32 v5, v3;
	v6 =	vmul.f32 v33, v4;
	_ =	sdelay $0x1  }
0x1f9: {  	v5 =	vadd.f32 v6, v5  }
0x1fa: {  	s14 =	sadd.s32 $0x13880, s9  }
0x1fb: {  	[tilespmem:s14+$0x10] =	vst v5  }
0x1fc: {  	v5 =	vld [tilespmem:s10+$0x20]  }
0x1fd: {  	v34 =	vld [tilespmem:s1+$0x20];
	_ =	sdelay $0x4  }
0x1fe: {  	v5 =	vmul.f32 v5, v3;
	v6 =	vmul.f32 v34, v4;
	_ =	sdelay $0x1  }
0x1ff: {  	v5 =	vadd.f32 v6, v5;
	_ =	sdelay $0x1  }
0x200: {  	[tilespmem:s14+$0x20] =	vst v5  }
0x201: {  	v5 =	vld [tilespmem:s10+$0x30]  }
0x202: {  	v35 =	vld [tilespmem:s1+$0x30];
	_ =	sdelay $0x4  }
0x203: {  	v5 =	vmul.f32 v5, v3;
	v6 =	vmul.f32 v35, v4;
	_ =	sdelay $0x1  }
0x204: {  	v5 =	vadd.f32 v6, v5;
	_ =	sdelay $0x1  }
0x205: {  	[tilespmem:s14+$0x30] =	vst v5  }
0x206: {  	v5 =	vld [tilespmem:s10+$0x40]  }
0x207: {  	v36 =	vld [tilespmem:s1+$0x40];
	_ =	sdelay $0x4  }
0x208: {  	v5 =	vmul.f32 v5, v3;
	v6 =	vmul.f32 v36, v4;
	_ =	sdelay $0x1  }
0x209: {  	v5 =	vadd.f32 v6, v5;
	_ =	sdelay $0x1  }
0x20a: {  	[tilespmem:s14+$0x40] =	vst v5  }
0x20b: {  	v5 =	vld [tilespmem:s10+$0x50]  }
0x20c: {  	v37 =	vld [tilespmem:s1+$0x50];
	_ =	sdelay $0x4  }
0x20d: {  	v5 =	vmul.f32 v5, v3;
	v6 =	vmul.f32 v37, v4;
	_ =	sdelay $0x1  }
0x20e: {  	v5 =	vadd.f32 v6, v5;
	_ =	sdelay $0x1  }
0x20f: {  	[tilespmem:s14+$0x50] =	vst v5  }
0x210: {  	v5 =	vld [tilespmem:s10+$0x60]  }
0x211: {  	v38 =	vld [tilespmem:s1+$0x60];
	_ =	sdelay $0x4  }
0x212: {  	v5 =	vmul.f32 v5, v3;
	v6 =	vmul.f32 v38, v4;
	_ =	sdelay $0x1  }
0x213: {  	v5 =	vadd.f32 v6, v5;
	_ =	sdelay $0x1  }
0x214: {  	[tilespmem:s14+$0x60] =	vst v5  }
0x215: {  	v5 =	vld [tilespmem:s10+$0x70]  }
0x216: {  	v39 =	vld [tilespmem:s1+$0x70];
	_ =	sdelay $0x4  }
0x217: {  	v5 =	vmul.f32 v5, v3;
	v6 =	vmul.f32 v39, v4;
	_ =	sdelay $0x1  }
0x218: {  	v5 =	vadd.f32 v6, v5  }
0x219: {  	s1 =	sadd.s32 $0xAC80, s31  }
0x21a: {  	s10 =	sor.u32 s30, s1;
	[tilespmem:s14+$0x70] =	vst v5  }
0x21b: {  	s1 =	sadd.s32 s0, s1;
	v5 =	vld [tilespmem:s10+$0x0]  }
0x21c: {  	v40 =	vld [tilespmem:s1+$0x0];
	_ =	sdelay $0x4  }
0x21d: {  	v5 =	vmul.f32 v5, v3;
	v6 =	vmul.f32 v40, v4;
	_ =	sdelay $0x1  }
0x21e: {  	v5 =	vadd.f32 v6, v5;
	_ =	sdelay $0x1  }
0x21f: {  	[tilespmem:s9+$0x13C80] =	vst v5  }
0x220: {  	v5 =	vld [tilespmem:s10+$0x10]  }
0x221: {  	v41 =	vld [tilespmem:s1+$0x10];
	_ =	sdelay $0x4  }
0x222: {  	v5 =	vmul.f32 v5, v3;
	v6 =	vmul.f32 v41, v4;
	_ =	sdelay $0x1  }
0x223: {  	v5 =	vadd.f32 v6, v5  }
0x224: {  	s14 =	sadd.s32 $0x13C80, s9  }
0x225: {  	[tilespmem:s14+$0x10] =	vst v5  }
0x226: {  	v5 =	vld [tilespmem:s10+$0x20]  }
0x227: {  	v42 =	vld [tilespmem:s1+$0x20];
	_ =	sdelay $0x4  }
0x228: {  	v5 =	vmul.f32 v5, v3;
	v6 =	vmul.f32 v42, v4;
	_ =	sdelay $0x1  }
0x229: {  	v5 =	vadd.f32 v6, v5;
	_ =	sdelay $0x1  }
0x22a: {  	[tilespmem:s14+$0x20] =	vst v5  }
0x22b: {  	v5 =	vld [tilespmem:s10+$0x30]  }
0x22c: {  	v43 =	vld [tilespmem:s1+$0x30];
	_ =	sdelay $0x4  }
0x22d: {  	v5 =	vmul.f32 v5, v3;
	v6 =	vmul.f32 v43, v4;
	_ =	sdelay $0x1  }
0x22e: {  	v5 =	vadd.f32 v6, v5;
	_ =	sdelay $0x1  }
0x22f: {  	[tilespmem:s14+$0x30] =	vst v5  }
0x230: {  	v5 =	vld [tilespmem:s10+$0x40]  }
0x231: {  	v44 =	vld [tilespmem:s1+$0x40];
	_ =	sdelay $0x4  }
0x232: {  	v5 =	vmul.f32 v5, v3;
	v6 =	vmul.f32 v44, v4;
	_ =	sdelay $0x1  }
0x233: {  	v5 =	vadd.f32 v6, v5;
	_ =	sdelay $0x1  }
0x234: {  	[tilespmem:s14+$0x40] =	vst v5  }
0x235: {  	v5 =	vld [tilespmem:s10+$0x50]  }
0x236: {  	v45 =	vld [tilespmem:s1+$0x50];
	_ =	sdelay $0x4  }
0x237: {  	v5 =	vmul.f32 v5, v3;
	v6 =	vmul.f32 v45, v4;
	_ =	sdelay $0x1  }
0x238: {  	v5 =	vadd.f32 v6, v5;
	_ =	sdelay $0x1  }
0x239: {  	[tilespmem:s14+$0x50] =	vst v5  }
0x23a: {  	v5 =	vld [tilespmem:s10+$0x60]  }
0x23b: {  	v46 =	vld [tilespmem:s1+$0x60];
	_ =	sdelay $0x4  }
0x23c: {  	v5 =	vmul.f32 v5, v3;
	v6 =	vmul.f32 v46, v4;
	_ =	sdelay $0x1  }
0x23d: {  	v5 =	vadd.f32 v6, v5;
	_ =	sdelay $0x1  }
0x23e: {  	[tilespmem:s14+$0x60] =	vst v5  }
0x23f: {  	v5 =	vld [tilespmem:s10+$0x70]  }
0x240: {  	v47 =	vld [tilespmem:s1+$0x70];
	_ =	sdelay $0x4  }
0x241: {  	v5 =	vmul.f32 v5, v3;
	v6 =	vmul.f32 v47, v4;
	_ =	sdelay $0x1  }
0x242: {  	v5 =	vadd.f32 v6, v5  }
0x243: {  	s1 =	sadd.s32 $0xB080, s31  }
0x244: {  	s10 =	sor.u32 s30, s1;
	[tilespmem:s14+$0x70] =	vst v5  }
0x245: {  	s1 =	sadd.s32 s0, s1;
	v5 =	vld [tilespmem:s10+$0x0]  }
0x246: {  	v48 =	vld [tilespmem:s1+$0x0];
	_ =	sdelay $0x4  }
0x247: {  	v5 =	vmul.f32 v5, v3;
	v6 =	vmul.f32 v48, v4;
	_ =	sdelay $0x1  }
0x248: {  	v5 =	vadd.f32 v6, v5;
	_ =	sdelay $0x1  }
0x249: {  	[tilespmem:s9+$0x14080] =	vst v5  }
0x24a: {  	v5 =	vld [tilespmem:s10+$0x10]  }
0x24b: {  	v49 =	vld [tilespmem:s1+$0x10];
	_ =	sdelay $0x4  }
0x24c: {  	v5 =	vmul.f32 v5, v3;
	v6 =	vmul.f32 v49, v4;
	_ =	sdelay $0x1  }
0x24d: {  	v5 =	vadd.f32 v6, v5  }
0x24e: {  	s14 =	sadd.s32 $0x14080, s9  }
0x24f: {  	[tilespmem:s14+$0x10] =	vst v5  }
0x250: {  	v5 =	vld [tilespmem:s10+$0x20]  }
0x251: {  	v50 =	vld [tilespmem:s1+$0x20];
	_ =	sdelay $0x4  }
0x252: {  	v5 =	vmul.f32 v5, v3;
	v6 =	vmul.f32 v50, v4;
	_ =	sdelay $0x1  }
0x253: {  	v5 =	vadd.f32 v6, v5;
	_ =	sdelay $0x1  }
0x254: {  	[tilespmem:s14+$0x20] =	vst v5  }
0x255: {  	v5 =	vld [tilespmem:s10+$0x30]  }
0x256: {  	v51 =	vld [tilespmem:s1+$0x30];
	_ =	sdelay $0x4  }
0x257: {  	v5 =	vmul.f32 v5, v3;
	v6 =	vmul.f32 v51, v4;
	_ =	sdelay $0x1  }
0x258: {  	v5 =	vadd.f32 v6, v5;
	_ =	sdelay $0x1  }
0x259: {  	[tilespmem:s14+$0x30] =	vst v5  }
0x25a: {  	v5 =	vld [tilespmem:s10+$0x40]  }
0x25b: {  	v52 =	vld [tilespmem:s1+$0x40];
	_ =	sdelay $0x4  }
0x25c: {  	v5 =	vmul.f32 v5, v3;
	v6 =	vmul.f32 v52, v4;
	_ =	sdelay $0x1  }
0x25d: {  	v5 =	vadd.f32 v6, v5;
	_ =	sdelay $0x1  }
0x25e: {  	[tilespmem:s14+$0x40] =	vst v5  }
0x25f: {  	v5 =	vld [tilespmem:s10+$0x50]  }
0x260: {  	v53 =	vld [tilespmem:s1+$0x50];
	_ =	sdelay $0x4  }
0x261: {  	v5 =	vmul.f32 v5, v3;
	v6 =	vmul.f32 v53, v4;
	_ =	sdelay $0x1  }
0x262: {  	v5 =	vadd.f32 v6, v5;
	_ =	sdelay $0x1  }
0x263: {  	[tilespmem:s14+$0x50] =	vst v5  }
0x264: {  	v5 =	vld [tilespmem:s10+$0x60]  }
0x265: {  	v54 =	vld [tilespmem:s1+$0x60];
	_ =	sdelay $0x4  }
0x266: {  	v5 =	vmul.f32 v5, v3;
	v6 =	vmul.f32 v54, v4;
	_ =	sdelay $0x1  }
0x267: {  	v5 =	vadd.f32 v6, v5;
	_ =	sdelay $0x1  }
0x268: {  	[tilespmem:s14+$0x60] =	vst v5  }
0x269: {  	v5 =	vld [tilespmem:s10+$0x70]  }
0x26a: {  	v55 =	vld [tilespmem:s1+$0x70];
	_ =	sdelay $0x4  }
0x26b: {  	v5 =	vmul.f32 v5, v3;
	v6 =	vmul.f32 v55, v4;
	_ =	sdelay $0x1  }
0x26c: {  	v5 =	vadd.f32 v6, v5  }
0x26d: {  	s10 =	sadd.s32 $0xB480, s31  }
0x26e: {  	s30 =	sor.u32 s30, s10;
	[tilespmem:s14+$0x70] =	vst v5  }
0x26f: {  	s0 =	sadd.s32 s0, s10;
	v5 =	vld [tilespmem:s30+$0x0]  }
0x270: {  	v56 =	vld [tilespmem:s0+$0x0];
	_ =	sdelay $0x4  }
0x271: {  	v5 =	vmul.f32 v5, v3;
	v6 =	vmul.f32 v56, v4;
	_ =	sdelay $0x1  }
0x272: {  	v5 =	vadd.f32 v6, v5;
	_ =	sdelay $0x1  }
0x273: {  	[tilespmem:s9+$0x14480] =	vst v5  }
0x274: {  	v5 =	vld [tilespmem:s30+$0x10]  }
0x275: {  	v57 =	vld [tilespmem:s0+$0x10];
	_ =	sdelay $0x4  }
0x276: {  	v5 =	vmul.f32 v5, v3;
	v6 =	vmul.f32 v57, v4;
	_ =	sdelay $0x1  }
0x277: {  	v5 =	vadd.f32 v6, v5  }
0x278: {  	s31 =	sadd.s32 $0x14480, s9  }
0x279: {  	[tilespmem:s31+$0x10] =	vst v5  }
0x27a: {  	v5 =	vld [tilespmem:s30+$0x20]  }
0x27b: {  	v58 =	vld [tilespmem:s0+$0x20];
	_ =	sdelay $0x4  }
0x27c: {  	v5 =	vmul.f32 v5, v3;
	v6 =	vmul.f32 v58, v4;
	_ =	sdelay $0x1  }
0x27d: {  	v5 =	vadd.f32 v6, v5;
	_ =	sdelay $0x1  }
0x27e: {  	[tilespmem:s31+$0x20] =	vst v5  }
0x27f: {  	v5 =	vld [tilespmem:s30+$0x30]  }
0x280: {  	v59 =	vld [tilespmem:s0+$0x30];
	_ =	sdelay $0x4  }
0x281: {  	v5 =	vmul.f32 v5, v3;
	v6 =	vmul.f32 v59, v4;
	_ =	sdelay $0x1  }
0x282: {  	v5 =	vadd.f32 v6, v5;
	_ =	sdelay $0x1  }
0x283: {  	[tilespmem:s31+$0x30] =	vst v5  }
0x284: {  	v5 =	vld [tilespmem:s30+$0x40]  }
0x285: {  	v60 =	vld [tilespmem:s0+$0x40];
	_ =	sdelay $0x4  }
0x286: {  	v5 =	vmul.f32 v5, v3;
	v6 =	vmul.f32 v60, v4;
	_ =	sdelay $0x1  }
0x287: {  	v5 =	vadd.f32 v6, v5;
	_ =	sdelay $0x1  }
0x288: {  	[tilespmem:s31+$0x40] =	vst v5  }
0x289: {  	v5 =	vld [tilespmem:s30+$0x50]  }
0x28a: {  	v61 =	vld [tilespmem:s0+$0x50];
	_ =	sdelay $0x4  }
0x28b: {  	v5 =	vmul.f32 v5, v3;
	v6 =	vmul.f32 v61, v4;
	_ =	sdelay $0x1  }
0x28c: {  	v5 =	vadd.f32 v6, v5;
	_ =	sdelay $0x1  }
0x28d: {  	[tilespmem:s31+$0x50] =	vst v5  }
0x28e: {  	v5 =	vld [tilespmem:s30+$0x60]  }
0x28f: {  	v62 =	vld [tilespmem:s0+$0x60];
	_ =	sdelay $0x4  }
0x290: {  	v5 =	vmul.f32 v5, v3;
	v6 =	vmul.f32 v62, v4;
	_ =	sdelay $0x1  }
0x291: {  	v5 =	vadd.f32 v6, v5;
	_ =	sdelay $0x1  }
0x292: {  	[tilespmem:s31+$0x60] =	vst v5  }
0x293: {  	v5 =	vld [tilespmem:s30+$0x70]  }
0x294: {  	v63 =	vld [tilespmem:s0+$0x70];
	_ =	sdelay $0x3  }
0x295: {  	p0 =	sne.s32 s29, $0xF  }
.Ltmp1:
0x296: {  	v3 =	vmul.f32 v5, v3;
	v4 =	vmul.f32 v63, v4;
	(pc) =	sbr.rel @p0 .LBB2_4-.Ltmp1, $4  }
0x297: {  	_ = 	snop  }
0x298: {  	v3 =	vadd.f32 v4, v3  }
0x299: {  	s26 =	sadd.s32 $0x100, s26  }
0x29a: {  	s5 =	sadd.s32 $0x100, s5;
	s29 =	sadd.s32 $0x1, s29;
	s28 =	sadd.s32 $0x80, s28;
	[tilespmem:s31+$0x70] =	vst v3  }
0x29b: {  	s26 =	simm.s32 $0x0;
	s0 =	rddreg [dreg:$0x5]  }
0x29c: {  	[hbm4b:s0+s26] =	stream.linear.scatter [tilespmem:s23], [sflag:$0x4], $0x3000, $0x38;
	[tilespmem:$0x16080] =	vst v63  }
0x29d: {  	v3 =	vld [tilespmem:$0x60];
	_ =	sdelay $0x4  }
0x29e: {  	v4 =	vshrl.u32 v3, $0x3  }
0x29f: {  	v4 =	vmul.u32 $0x30, v4  }
0x2a0: {  	v3 =	vand.u32 $0x7, v3  }
0x2a1: {  	v3 =	vor.u32 v3, v4  }
0x2a2: {  	v4 =	vperm.xlane v3, v0;
	_ =	sdelay $0x1  }
0x2a3: {  	v4 =	vadd.s32 v1, v4;
	_ =	sdelay $0x3  }
0x2a4: {  	s1 =	simm.s32 $0xA080;
	v3 =	vperm.xlane v3, v2  }
0x2a5: {  	[tilespmem:s1], [sflag:$0x2] =	stream.indirect_vreg.gather [hbm4b:s3+s26], $0x80, v4, vm0, $0xb8;
	[tilespmem:$0x16080] =	vst v63  }
0x2a6: {  	s5 =	simm.s32 $0xA880;
	v3 =	vadd.s32 v1, v3  }
0x2a7: {  	[tilespmem:s5], [sflag:$0x2] =	stream.indirect_vreg.gather [hbm4b:s6+s26], $0x80, v4, vm0, $0xb8;
	[tilespmem:$0x16080] =	vst v63  }
0x2a8: {  	s9 =	simm.s32 $0xB080  }
0x2a9: {  	[tilespmem:s9], [sflag:$0x2] =	stream.indirect_vreg.gather [hbm4b:s8+s26], $0x80, v4, vm0, $0xb8;
	[tilespmem:$0x16080] =	vst v63  }
0x2aa: {  	s10 =	simm.s32 $0xB880  }
0x2ab: {  	[tilespmem:s10], [sflag:$0x2] =	stream.indirect_vreg.gather [hbm4b:s3+s26], $0x80, v3, vm0, $0xb8;
	[tilespmem:$0x16080] =	vst v63  }
0x2ac: {  	s14 =	simm.s32 $0xC080  }
0x2ad: {  	[tilespmem:s14], [sflag:$0x2] =	stream.indirect_vreg.gather [hbm4b:s6+s26], $0x80, v3, vm0, $0xb8;
	[tilespmem:$0x16080] =	vst v63  }
0x2ae: {  	s30 =	simm.s32 $0xC880  }
0x2af: {  	[tilespmem:s30], [sflag:$0x2] =	stream.indirect_vreg.gather [hbm4b:s8+s26], $0x80, v3, vm0, $0xb8;
	[tilespmem:$0x16080] =	vst v63  }
0x2b0: {  	v3 =	vld [tilespmem:$0x70];
	_ =	sdelay $0x4  }
0x2b1: {  	v63 =	vshrl.u32 v3, $0x3  }
0x2b2: {  	v4 =	vmul.u32 $0x30, v63  }
0x2b3: {  	v3 =	vand.u32 $0x7, v3  }
0x2b4: {  	v3 =	vor.u32 v3, v4  }
0x2b5: {  	v4 =	vperm.xlane v3, v0;
	_ =	sdelay $0x1  }
0x2b6: {  	v4 =	vadd.s32 v1, v4;
	_ =	sdelay $0x3  }
0x2b7: {  	s31 =	simm.s32 $0xD080;
	v3 =	vperm.xlane v3, v2  }
0x2b8: {  	[tilespmem:s31], [sflag:$0x2] =	stream.indirect_vreg.gather [hbm4b:s3+s26], $0x80, v4, vm0, $0xb8;
	[tilespmem:$0x16080] =	vst v63  }
0x2b9: {  	v3 =	vadd.s32 v1, v3  }
0x2ba: {  	[tilespmem:s15], [sflag:$0x2] =	stream.indirect_vreg.gather [hbm4b:s6+s26], $0x80, v4, vm0, $0xb8;
	[tilespmem:$0x16080] =	vst v63  }
0x2bb: {  	_ = 	snop  }
0x2bc: {  	[tilespmem:s16], [sflag:$0x2] =	stream.indirect_vreg.gather [hbm4b:s8+s26], $0x80, v4, vm0, $0xb8;
	[tilespmem:$0x16080] =	vst v63  }
0x2bd: {  	_ = 	snop  }
0x2be: {  	[tilespmem:s17], [sflag:$0x2] =	stream.indirect_vreg.gather [hbm4b:s3+s26], $0x80, v3, vm0, $0xb8;
	[tilespmem:$0x16080] =	vst v63  }
0x2bf: {  	_ = 	snop  }
0x2c0: {  	[tilespmem:s18], [sflag:$0x2] =	stream.indirect_vreg.gather [hbm4b:s6+s26], $0x80, v3, vm0, $0xb8;
	[tilespmem:$0x16080] =	vst v63  }
0x2c1: {  	_ = 	snop  }
0x2c2: {  	[tilespmem:s19], [sflag:$0x2] =	stream.indirect_vreg.gather [hbm4b:s8+s26], $0x80, v3, vm0, $0xb8;
	[tilespmem:$0x16080] =	vst v63  }
0x2c3: {  	_ =	swait.ge [sflag:s20], $0x6000  }
0x2c4: {  	[sflag:s20] =	ssyncset.done $0x0  }
0x2c5: {  	[sflag:s20] =	ssyncadd.s32 $0xFFFFA000  }
0x2c6: {  	_ =	swait.ge [sflag:s24], $0x3000  }
0x2c7: {  	s28 =	simm.s32 $0x0;
	[sflag:s24] =	ssyncset.done $0x0  }
0x2c8: {  	s29 =	simm.s32 $0x0;
	s5 =	simm.s32 $0x2100;
	[sflag:s24] =	ssyncadd.s32 $0xFFFFD000  }
.LBB2_6:
0x2c9: {  	s0 =	sshrl.u32 s29, $0x2  }
0x2ca: {  	s0 =	smul.u32 $0x6000, s0;
	_ =	sdelay $0x1  }
0x2cb: {  	s31 =	sshra.s32 s0, $0x2  }
0x2cc: {  	v3 =	vld [tilespmem:s5+$0xFFFFFF80];
	s30 =	sand.u32 $0x300, s26;
	s9 =	sadd.s32 $0x4080, s31  }
0x2cd: {  	v4 =	vld [tilespmem:s5+$0x0];
	s0 =	sor.u32 $0x80, s30;
	s1 =	sor.u32 s30, s9  }
0x2ce: {  	s14 =	sadd.s32 s0, s9;
	v5 =	vld [tilespmem:s1+$0x0]  }
0x2cf: {  	v6 =	vld [tilespmem:s14+$0x0];
	_ =	sdelay $0x3  }
0x2d0: {  	s10 =	sshrl.u32 s29, $0x3  }
0x2d1: {  	s9 =	smul.u32 $0x6000, s10;
	v5 =	vmul.f32 v5, v3;
	v6 =	vmul.f32 v6, v4;
	_ =	sdelay $0x1  }
0x2d2: {  	s10 =	sand.u32 $0x380, s28;
	s9 =	sshra.s32 s9, $0x2;
	v5 =	vadd.f32 v6, v5  }
0x2d3: {  	s9 =	sor.u32 s10, s9  }
0x2d4: {  	[tilespmem:s9+$0x10080] =	vst v5  }
0x2d5: {  	v5 =	vld [tilespmem:s1+$0x10]  }
0x2d6: {  	v17 =	vld [tilespmem:s14+$0x10];
	_ =	sdelay $0x4  }
0x2d7: {  	v5 =	vmul.f32 v5, v3;
	v6 =	vmul.f32 v17, v4;
	_ =	sdelay $0x1  }
0x2d8: {  	v5 =	vadd.f32 v6, v5  }
0x2d9: {  	s10 =	sadd.s32 $0x10080, s9  }
0x2da: {  	[tilespmem:s10+$0x10] =	vst v5  }
0x2db: {  	v5 =	vld [tilespmem:s1+$0x20]  }
0x2dc: {  	v18 =	vld [tilespmem:s14+$0x20];
	_ =	sdelay $0x4  }
0x2dd: {  	v5 =	vmul.f32 v5, v3;
	v6 =	vmul.f32 v18, v4;
	_ =	sdelay $0x1  }
0x2de: {  	v5 =	vadd.f32 v6, v5;
	_ =	sdelay $0x1  }
0x2df: {  	[tilespmem:s10+$0x20] =	vst v5  }
0x2e0: {  	v5 =	vld [tilespmem:s1+$0x30]  }
0x2e1: {  	v19 =	vld [tilespmem:s14+$0x30];
	_ =	sdelay $0x4  }
0x2e2: {  	v5 =	vmul.f32 v5, v3;
	v6 =	vmul.f32 v19, v4;
	_ =	sdelay $0x1  }
0x2e3: {  	v5 =	vadd.f32 v6, v5;
	_ =	sdelay $0x1  }
0x2e4: {  	[tilespmem:s10+$0x30] =	vst v5  }
0x2e5: {  	v5 =	vld [tilespmem:s1+$0x40]  }
0x2e6: {  	v20 =	vld [tilespmem:s14+$0x40];
	_ =	sdelay $0x4  }
0x2e7: {  	v5 =	vmul.f32 v5, v3;
	v6 =	vmul.f32 v20, v4;
	_ =	sdelay $0x1  }
0x2e8: {  	v5 =	vadd.f32 v6, v5;
	_ =	sdelay $0x1  }
0x2e9: {  	[tilespmem:s10+$0x40] =	vst v5  }
0x2ea: {  	v5 =	vld [tilespmem:s1+$0x50]  }
0x2eb: {  	v21 =	vld [tilespmem:s14+$0x50];
	_ =	sdelay $0x4  }
0x2ec: {  	v5 =	vmul.f32 v5, v3;
	v6 =	vmul.f32 v21, v4;
	_ =	sdelay $0x1  }
0x2ed: {  	v5 =	vadd.f32 v6, v5;
	_ =	sdelay $0x1  }
0x2ee: {  	[tilespmem:s10+$0x50] =	vst v5  }
0x2ef: {  	v5 =	vld [tilespmem:s1+$0x60]  }
0x2f0: {  	v22 =	vld [tilespmem:s14+$0x60];
	_ =	sdelay $0x4  }
0x2f1: {  	v5 =	vmul.f32 v5, v3;
	v6 =	vmul.f32 v22, v4;
	_ =	sdelay $0x1  }
0x2f2: {  	v5 =	vadd.f32 v6, v5;
	_ =	sdelay $0x1  }
0x2f3: {  	[tilespmem:s10+$0x60] =	vst v5  }
0x2f4: {  	v5 =	vld [tilespmem:s1+$0x70]  }
0x2f5: {  	v23 =	vld [tilespmem:s14+$0x70];
	_ =	sdelay $0x4  }
0x2f6: {  	v5 =	vmul.f32 v5, v3;
	v6 =	vmul.f32 v23, v4;
	_ =	sdelay $0x1  }
0x2f7: {  	v5 =	vadd.f32 v6, v5;
	_ =	sdelay $0x1  }
0x2f8: {  	[tilespmem:s10+$0x70] =	vst v5  }
0x2f9: {  	v5 =	vld [tilespmem:s1+$0x400]  }
0x2fa: {  	v24 =	vld [tilespmem:s14+$0x400];
	_ =	sdelay $0x4  }
0x2fb: {  	v5 =	vmul.f32 v5, v3;
	v6 =	vmul.f32 v24, v4;
	_ =	sdelay $0x1  }
0x2fc: {  	v5 =	vadd.f32 v6, v5;
	_ =	sdelay $0x1  }
0x2fd: {  	[tilespmem:s10+$0x400] =	vst v5  }
0x2fe: {  	v5 =	vld [tilespmem:s1+$0x410]  }
0x2ff: {  	v25 =	vld [tilespmem:s14+$0x410];
	_ =	sdelay $0x4  }
0x300: {  	v5 =	vmul.f32 v5, v3;
	v6 =	vmul.f32 v25, v4;
	_ =	sdelay $0x1  }
0x301: {  	v5 =	vadd.f32 v6, v5;
	_ =	sdelay $0x1  }
0x302: {  	[tilespmem:s10+$0x410] =	vst v5  }
0x303: {  	v5 =	vld [tilespmem:s1+$0x420]  }
0x304: {  	v26 =	vld [tilespmem:s14+$0x420];
	_ =	sdelay $0x4  }
0x305: {  	v5 =	vmul.f32 v5, v3;
	v6 =	vmul.f32 v26, v4;
	_ =	sdelay $0x1  }
0x306: {  	v5 =	vadd.f32 v6, v5;
	_ =	sdelay $0x1  }
0x307: {  	[tilespmem:s10+$0x420] =	vst v5  }
0x308: {  	v5 =	vld [tilespmem:s1+$0x430]  }
0x309: {  	v27 =	vld [tilespmem:s14+$0x430];
	_ =	sdelay $0x4  }
0x30a: {  	v5 =	vmul.f32 v5, v3;
	v6 =	vmul.f32 v27, v4;
	_ =	sdelay $0x1  }
0x30b: {  	v5 =	vadd.f32 v6, v5;
	_ =	sdelay $0x1  }
0x30c: {  	[tilespmem:s10+$0x430] =	vst v5  }
0x30d: {  	v5 =	vld [tilespmem:s1+$0x440]  }
0x30e: {  	v28 =	vld [tilespmem:s14+$0x440];
	_ =	sdelay $0x4  }
0x30f: {  	v5 =	vmul.f32 v5, v3;
	v6 =	vmul.f32 v28, v4;
	_ =	sdelay $0x1  }
0x310: {  	v5 =	vadd.f32 v6, v5;
	_ =	sdelay $0x1  }
0x311: {  	[tilespmem:s10+$0x440] =	vst v5  }
0x312: {  	v5 =	vld [tilespmem:s1+$0x450]  }
0x313: {  	v29 =	vld [tilespmem:s14+$0x450];
	_ =	sdelay $0x4  }
0x314: {  	v5 =	vmul.f32 v5, v3;
	v6 =	vmul.f32 v29, v4;
	_ =	sdelay $0x1  }
0x315: {  	v5 =	vadd.f32 v6, v5;
	_ =	sdelay $0x1  }
0x316: {  	[tilespmem:s10+$0x450] =	vst v5  }
0x317: {  	v5 =	vld [tilespmem:s1+$0x460]  }
0x318: {  	v30 =	vld [tilespmem:s14+$0x460];
	_ =	sdelay $0x4  }
0x319: {  	v5 =	vmul.f32 v5, v3;
	v6 =	vmul.f32 v30, v4;
	_ =	sdelay $0x1  }
0x31a: {  	v5 =	vadd.f32 v6, v5;
	_ =	sdelay $0x1  }
0x31b: {  	[tilespmem:s10+$0x460] =	vst v5  }
0x31c: {  	v5 =	vld [tilespmem:s1+$0x470]  }
0x31d: {  	v31 =	vld [tilespmem:s14+$0x470];
	_ =	sdelay $0x4  }
0x31e: {  	v5 =	vmul.f32 v5, v3;
	v6 =	vmul.f32 v31, v4;
	_ =	sdelay $0x1  }
0x31f: {  	v5 =	vadd.f32 v6, v5  }
0x320: {  	s14 =	sadd.s32 $0x4880, s31  }
0x321: {  	[tilespmem:s10+$0x470] =	vst v5;
	s10 =	sor.u32 s30, s14  }
0x322: {  	s1 =	sadd.s32 s0, s14;
	v5 =	vld [tilespmem:s10+$0x0]  }
0x323: {  	v32 =	vld [tilespmem:s1+$0x0];
	_ =	sdelay $0x4  }
0x324: {  	v5 =	vmul.f32 v5, v3;
	v6 =	vmul.f32 v32, v4;
	_ =	sdelay $0x1  }
0x325: {  	v5 =	vadd.f32 v6, v5;
	_ =	sdelay $0x1  }
0x326: {  	[tilespmem:s9+$0x10880] =	vst v5  }
0x327: {  	v5 =	vld [tilespmem:s10+$0x10]  }
0x328: {  	v33 =	vld [tilespmem:s1+$0x10];
	_ =	sdelay $0x4  }
0x329: {  	v5 =	vmul.f32 v5, v3;
	v6 =	vmul.f32 v33, v4;
	_ =	sdelay $0x1  }
0x32a: {  	v5 =	vadd.f32 v6, v5  }
0x32b: {  	s14 =	sadd.s32 $0x10880, s9  }
0x32c: {  	[tilespmem:s14+$0x10] =	vst v5  }
0x32d: {  	v5 =	vld [tilespmem:s10+$0x20]  }
0x32e: {  	v34 =	vld [tilespmem:s1+$0x20];
	_ =	sdelay $0x4  }
0x32f: {  	v5 =	vmul.f32 v5, v3;
	v6 =	vmul.f32 v34, v4;
	_ =	sdelay $0x1  }
0x330: {  	v5 =	vadd.f32 v6, v5;
	_ =	sdelay $0x1  }
0x331: {  	[tilespmem:s14+$0x20] =	vst v5  }
0x332: {  	v5 =	vld [tilespmem:s10+$0x30]  }
0x333: {  	v35 =	vld [tilespmem:s1+$0x30];
	_ =	sdelay $0x4  }
0x334: {  	v5 =	vmul.f32 v5, v3;
	v6 =	vmul.f32 v35, v4;
	_ =	sdelay $0x1  }
0x335: {  	v5 =	vadd.f32 v6, v5;
	_ =	sdelay $0x1  }
0x336: {  	[tilespmem:s14+$0x30] =	vst v5  }
0x337: {  	v5 =	vld [tilespmem:s10+$0x40]  }
0x338: {  	v36 =	vld [tilespmem:s1+$0x40];
	_ =	sdelay $0x4  }
0x339: {  	v5 =	vmul.f32 v5, v3;
	v6 =	vmul.f32 v36, v4;
	_ =	sdelay $0x1  }
0x33a: {  	v5 =	vadd.f32 v6, v5;
	_ =	sdelay $0x1  }
0x33b: {  	[tilespmem:s14+$0x40] =	vst v5  }
0x33c: {  	v5 =	vld [tilespmem:s10+$0x50]  }
0x33d: {  	v37 =	vld [tilespmem:s1+$0x50];
	_ =	sdelay $0x4  }
0x33e: {  	v5 =	vmul.f32 v5, v3;
	v6 =	vmul.f32 v37, v4;
	_ =	sdelay $0x1  }
0x33f: {  	v5 =	vadd.f32 v6, v5;
	_ =	sdelay $0x1  }
0x340: {  	[tilespmem:s14+$0x50] =	vst v5  }
0x341: {  	v5 =	vld [tilespmem:s10+$0x60]  }
0x342: {  	v38 =	vld [tilespmem:s1+$0x60];
	_ =	sdelay $0x4  }
0x343: {  	v5 =	vmul.f32 v5, v3;
	v6 =	vmul.f32 v38, v4;
	_ =	sdelay $0x1  }
0x344: {  	v5 =	vadd.f32 v6, v5;
	_ =	sdelay $0x1  }
0x345: {  	[tilespmem:s14+$0x60] =	vst v5  }
0x346: {  	v5 =	vld [tilespmem:s10+$0x70]  }
0x347: {  	v39 =	vld [tilespmem:s1+$0x70];
	_ =	sdelay $0x4  }
0x348: {  	v5 =	vmul.f32 v5, v3;
	v6 =	vmul.f32 v39, v4;
	_ =	sdelay $0x1  }
0x349: {  	v5 =	vadd.f32 v6, v5  }
0x34a: {  	s1 =	sadd.s32 $0x4C80, s31  }
0x34b: {  	s10 =	sor.u32 s30, s1;
	[tilespmem:s14+$0x70] =	vst v5  }
0x34c: {  	s1 =	sadd.s32 s0, s1;
	v5 =	vld [tilespmem:s10+$0x0]  }
0x34d: {  	v40 =	vld [tilespmem:s1+$0x0];
	_ =	sdelay $0x4  }
0x34e: {  	v5 =	vmul.f32 v5, v3;
	v6 =	vmul.f32 v40, v4;
	_ =	sdelay $0x1  }
0x34f: {  	v5 =	vadd.f32 v6, v5;
	_ =	sdelay $0x1  }
0x350: {  	[tilespmem:s9+$0x10C80] =	vst v5  }
0x351: {  	v5 =	vld [tilespmem:s10+$0x10]  }
0x352: {  	v41 =	vld [tilespmem:s1+$0x10];
	_ =	sdelay $0x4  }
0x353: {  	v5 =	vmul.f32 v5, v3;
	v6 =	vmul.f32 v41, v4;
	_ =	sdelay $0x1  }
0x354: {  	v5 =	vadd.f32 v6, v5  }
0x355: {  	s14 =	sadd.s32 $0x10C80, s9  }
0x356: {  	[tilespmem:s14+$0x10] =	vst v5  }
0x357: {  	v5 =	vld [tilespmem:s10+$0x20]  }
0x358: {  	v42 =	vld [tilespmem:s1+$0x20];
	_ =	sdelay $0x4  }
0x359: {  	v5 =	vmul.f32 v5, v3;
	v6 =	vmul.f32 v42, v4;
	_ =	sdelay $0x1  }
0x35a: {  	v5 =	vadd.f32 v6, v5;
	_ =	sdelay $0x1  }
0x35b: {  	[tilespmem:s14+$0x20] =	vst v5  }
0x35c: {  	v5 =	vld [tilespmem:s10+$0x30]  }
0x35d: {  	v43 =	vld [tilespmem:s1+$0x30];
	_ =	sdelay $0x4  }
0x35e: {  	v5 =	vmul.f32 v5, v3;
	v6 =	vmul.f32 v43, v4;
	_ =	sdelay $0x1  }
0x35f: {  	v5 =	vadd.f32 v6, v5;
	_ =	sdelay $0x1  }
0x360: {  	[tilespmem:s14+$0x30] =	vst v5  }
0x361: {  	v5 =	vld [tilespmem:s10+$0x40]  }
0x362: {  	v44 =	vld [tilespmem:s1+$0x40];
	_ =	sdelay $0x4  }
0x363: {  	v5 =	vmul.f32 v5, v3;
	v6 =	vmul.f32 v44, v4;
	_ =	sdelay $0x1  }
0x364: {  	v5 =	vadd.f32 v6, v5;
	_ =	sdelay $0x1  }
0x365: {  	[tilespmem:s14+$0x40] =	vst v5  }
0x366: {  	v5 =	vld [tilespmem:s10+$0x50]  }
0x367: {  	v45 =	vld [tilespmem:s1+$0x50];
	_ =	sdelay $0x4  }
0x368: {  	v5 =	vmul.f32 v5, v3;
	v6 =	vmul.f32 v45, v4;
	_ =	sdelay $0x1  }
0x369: {  	v5 =	vadd.f32 v6, v5;
	_ =	sdelay $0x1  }
0x36a: {  	[tilespmem:s14+$0x50] =	vst v5  }
0x36b: {  	v5 =	vld [tilespmem:s10+$0x60]  }
0x36c: {  	v46 =	vld [tilespmem:s1+$0x60];
	_ =	sdelay $0x4  }
0x36d: {  	v5 =	vmul.f32 v5, v3;
	v6 =	vmul.f32 v46, v4;
	_ =	sdelay $0x1  }
0x36e: {  	v5 =	vadd.f32 v6, v5;
	_ =	sdelay $0x1  }
0x36f: {  	[tilespmem:s14+$0x60] =	vst v5  }
0x370: {  	v5 =	vld [tilespmem:s10+$0x70]  }
0x371: {  	v47 =	vld [tilespmem:s1+$0x70];
	_ =	sdelay $0x4  }
0x372: {  	v5 =	vmul.f32 v5, v3;
	v6 =	vmul.f32 v47, v4;
	_ =	sdelay $0x1  }
0x373: {  	v5 =	vadd.f32 v6, v5  }
0x374: {  	s1 =	sadd.s32 $0x5080, s31  }
0x375: {  	s10 =	sor.u32 s30, s1;
	[tilespmem:s14+$0x70] =	vst v5  }
0x376: {  	s1 =	sadd.s32 s0, s1;
	v5 =	vld [tilespmem:s10+$0x0]  }
0x377: {  	v48 =	vld [tilespmem:s1+$0x0];
	_ =	sdelay $0x4  }
0x378: {  	v5 =	vmul.f32 v5, v3;
	v6 =	vmul.f32 v48, v4;
	_ =	sdelay $0x1  }
0x379: {  	v5 =	vadd.f32 v6, v5;
	_ =	sdelay $0x1  }
0x37a: {  	[tilespmem:s9+$0x11080] =	vst v5  }
0x37b: {  	v5 =	vld [tilespmem:s10+$0x10]  }
0x37c: {  	v49 =	vld [tilespmem:s1+$0x10];
	_ =	sdelay $0x4  }
0x37d: {  	v5 =	vmul.f32 v5, v3;
	v6 =	vmul.f32 v49, v4;
	_ =	sdelay $0x1  }
0x37e: {  	v5 =	vadd.f32 v6, v5  }
0x37f: {  	s14 =	sadd.s32 $0x11080, s9  }
0x380: {  	[tilespmem:s14+$0x10] =	vst v5  }
0x381: {  	v5 =	vld [tilespmem:s10+$0x20]  }
0x382: {  	v50 =	vld [tilespmem:s1+$0x20];
	_ =	sdelay $0x4  }
0x383: {  	v5 =	vmul.f32 v5, v3;
	v6 =	vmul.f32 v50, v4;
	_ =	sdelay $0x1  }
0x384: {  	v5 =	vadd.f32 v6, v5;
	_ =	sdelay $0x1  }
0x385: {  	[tilespmem:s14+$0x20] =	vst v5  }
0x386: {  	v5 =	vld [tilespmem:s10+$0x30]  }
0x387: {  	v51 =	vld [tilespmem:s1+$0x30];
	_ =	sdelay $0x4  }
0x388: {  	v5 =	vmul.f32 v5, v3;
	v6 =	vmul.f32 v51, v4;
	_ =	sdelay $0x1  }
0x389: {  	v5 =	vadd.f32 v6, v5;
	_ =	sdelay $0x1  }
0x38a: {  	[tilespmem:s14+$0x30] =	vst v5  }
0x38b: {  	v5 =	vld [tilespmem:s10+$0x40]  }
0x38c: {  	v52 =	vld [tilespmem:s1+$0x40];
	_ =	sdelay $0x4  }
0x38d: {  	v5 =	vmul.f32 v5, v3;
	v6 =	vmul.f32 v52, v4;
	_ =	sdelay $0x1  }
0x38e: {  	v5 =	vadd.f32 v6, v5;
	_ =	sdelay $0x1  }
0x38f: {  	[tilespmem:s14+$0x40] =	vst v5  }
0x390: {  	v5 =	vld [tilespmem:s10+$0x50]  }
0x391: {  	v53 =	vld [tilespmem:s1+$0x50];
	_ =	sdelay $0x4  }
0x392: {  	v5 =	vmul.f32 v5, v3;
	v6 =	vmul.f32 v53, v4;
	_ =	sdelay $0x1  }
0x393: {  	v5 =	vadd.f32 v6, v5;
	_ =	sdelay $0x1  }
0x394: {  	[tilespmem:s14+$0x50] =	vst v5  }
0x395: {  	v5 =	vld [tilespmem:s10+$0x60]  }
0x396: {  	v54 =	vld [tilespmem:s1+$0x60];
	_ =	sdelay $0x4  }
0x397: {  	v5 =	vmul.f32 v5, v3;
	v6 =	vmul.f32 v54, v4;
	_ =	sdelay $0x1  }
0x398: {  	v5 =	vadd.f32 v6, v5;
	_ =	sdelay $0x1  }
0x399: {  	[tilespmem:s14+$0x60] =	vst v5  }
0x39a: {  	v5 =	vld [tilespmem:s10+$0x70]  }
0x39b: {  	v55 =	vld [tilespmem:s1+$0x70];
	_ =	sdelay $0x4  }
0x39c: {  	v5 =	vmul.f32 v5, v3;
	v6 =	vmul.f32 v55, v4;
	_ =	sdelay $0x1  }
0x39d: {  	v5 =	vadd.f32 v6, v5  }
0x39e: {  	s10 =	sadd.s32 $0x5480, s31  }
0x39f: {  	s30 =	sor.u32 s30, s10;
	[tilespmem:s14+$0x70] =	vst v5  }
0x3a0: {  	s0 =	sadd.s32 s0, s10;
	v5 =	vld [tilespmem:s30+$0x0]  }
0x3a1: {  	v56 =	vld [tilespmem:s0+$0x0];
	_ =	sdelay $0x4  }
0x3a2: {  	v5 =	vmul.f32 v5, v3;
	v6 =	vmul.f32 v56, v4;
	_ =	sdelay $0x1  }
0x3a3: {  	v5 =	vadd.f32 v6, v5;
	_ =	sdelay $0x1  }
0x3a4: {  	[tilespmem:s9+$0x11480] =	vst v5  }
0x3a5: {  	v5 =	vld [tilespmem:s30+$0x10]  }
0x3a6: {  	v57 =	vld [tilespmem:s0+$0x10];
	_ =	sdelay $0x4  }
0x3a7: {  	v5 =	vmul.f32 v5, v3;
	v6 =	vmul.f32 v57, v4;
	_ =	sdelay $0x1  }
0x3a8: {  	v5 =	vadd.f32 v6, v5  }
0x3a9: {  	s31 =	sadd.s32 $0x11480, s9  }
0x3aa: {  	[tilespmem:s31+$0x10] =	vst v5  }
0x3ab: {  	v5 =	vld [tilespmem:s30+$0x20]  }
0x3ac: {  	v58 =	vld [tilespmem:s0+$0x20];
	_ =	sdelay $0x4  }
0x3ad: {  	v5 =	vmul.f32 v5, v3;
	v6 =	vmul.f32 v58, v4;
	_ =	sdelay $0x1  }
0x3ae: {  	v5 =	vadd.f32 v6, v5;
	_ =	sdelay $0x1  }
0x3af: {  	[tilespmem:s31+$0x20] =	vst v5  }
0x3b0: {  	v5 =	vld [tilespmem:s30+$0x30]  }
0x3b1: {  	v59 =	vld [tilespmem:s0+$0x30];
	_ =	sdelay $0x4  }
0x3b2: {  	v5 =	vmul.f32 v5, v3;
	v6 =	vmul.f32 v59, v4;
	_ =	sdelay $0x1  }
0x3b3: {  	v5 =	vadd.f32 v6, v5;
	_ =	sdelay $0x1  }
0x3b4: {  	[tilespmem:s31+$0x30] =	vst v5  }
0x3b5: {  	v5 =	vld [tilespmem:s30+$0x40]  }
0x3b6: {  	v60 =	vld [tilespmem:s0+$0x40];
	_ =	sdelay $0x4  }
0x3b7: {  	v5 =	vmul.f32 v5, v3;
	v6 =	vmul.f32 v60, v4;
	_ =	sdelay $0x1  }
0x3b8: {  	v5 =	vadd.f32 v6, v5;
	_ =	sdelay $0x1  }
0x3b9: {  	[tilespmem:s31+$0x40] =	vst v5  }
0x3ba: {  	v5 =	vld [tilespmem:s30+$0x50]  }
0x3bb: {  	v61 =	vld [tilespmem:s0+$0x50];
	_ =	sdelay $0x4  }
0x3bc: {  	v5 =	vmul.f32 v5, v3;
	v6 =	vmul.f32 v61, v4;
	_ =	sdelay $0x1  }
0x3bd: {  	v5 =	vadd.f32 v6, v5;
	_ =	sdelay $0x1  }
0x3be: {  	[tilespmem:s31+$0x50] =	vst v5  }
0x3bf: {  	v5 =	vld [tilespmem:s30+$0x60]  }
0x3c0: {  	v62 =	vld [tilespmem:s0+$0x60];
	_ =	sdelay $0x4  }
0x3c1: {  	v5 =	vmul.f32 v5, v3;
	v6 =	vmul.f32 v62, v4;
	_ =	sdelay $0x1  }
0x3c2: {  	v5 =	vadd.f32 v6, v5;
	_ =	sdelay $0x1  }
0x3c3: {  	[tilespmem:s31+$0x60] =	vst v5  }
0x3c4: {  	v5 =	vld [tilespmem:s30+$0x70]  }
0x3c5: {  	v63 =	vld [tilespmem:s0+$0x70];
	_ =	sdelay $0x3  }
0x3c6: {  	p0 =	sne.s32 s29, $0xF  }
.Ltmp2:
0x3c7: {  	v3 =	vmul.f32 v5, v3;
	v4 =	vmul.f32 v63, v4;
	(pc) =	sbr.rel @p0 .LBB2_6-.Ltmp2, $4  }
0x3c8: {  	_ = 	snop  }
0x3c9: {  	v3 =	vadd.f32 v4, v3  }
0x3ca: {  	s26 =	sadd.s32 $0x100, s26  }
0x3cb: {  	s5 =	sadd.s32 $0x100, s5;
	s29 =	sadd.s32 $0x1, s29;
	s28 =	sadd.s32 $0x80, s28;
	[tilespmem:s31+$0x70] =	vst v3  }
0x3cc: {  	s26 =	simm.s32 $0x0;
	s0 =	rddreg [dreg:$0x6]  }
0x3cd: {  	[hbm4b:s0+s26] =	stream.linear.scatter [tilespmem:s21], [sflag:$0x3], $0x3000, $0x38;
	[tilespmem:$0x16080] =	vst v63  }
0x3ce: {  	_ =	swait.ge [sflag:s22], $0x6000  }
0x3cf: {  	[sflag:s22] =	ssyncset.done $0x0  }
0x3d0: {  	[sflag:s22] =	ssyncadd.s32 $0xFFFFA000  }
0x3d1: {  	_ =	swait.ge [sflag:s25], $0x3000  }
0x3d2: {  	s5 =	simm.s32 $0x3100;
	[sflag:s25] =	ssyncset.done $0x0  }
0x3d3: {  	s28 =	simm.s32 $0x0;
	s29 =	simm.s32 $0x0;
	[sflag:s25] =	ssyncadd.s32 $0xFFFFD000  }
.LBB2_8:
0x3d4: {  	s0 =	sshrl.u32 s29, $0x2  }
0x3d5: {  	s0 =	smul.u32 $0x6000, s0;
	_ =	sdelay $0x1  }
0x3d6: {  	s31 =	sshra.s32 s0, $0x2  }
0x3d7: {  	v3 =	vld [tilespmem:s5+$0xFFFFFF80];
	s30 =	sand.u32 $0x300, s26;
	s9 =	sadd.s32 $0xA080, s31  }
0x3d8: {  	v4 =	vld [tilespmem:s5+$0x0];
	s0 =	sor.u32 $0x80, s30;
	s1 =	sor.u32 s30, s9  }
0x3d9: {  	s14 =	sadd.s32 s0, s9;
	v5 =	vld [tilespmem:s1+$0x0]  }
0x3da: {  	v6 =	vld [tilespmem:s14+$0x0];
	_ =	sdelay $0x3  }
0x3db: {  	s10 =	sshrl.u32 s29, $0x3  }
0x3dc: {  	s9 =	smul.u32 $0x6000, s10;
	v5 =	vmul.f32 v5, v3;
	v6 =	vmul.f32 v6, v4;
	_ =	sdelay $0x1  }
0x3dd: {  	s10 =	sand.u32 $0x380, s28;
	s9 =	sshra.s32 s9, $0x2;
	v5 =	vadd.f32 v6, v5  }
0x3de: {  	s9 =	sor.u32 s10, s9  }
0x3df: {  	[tilespmem:s9+$0x13080] =	vst v5  }
0x3e0: {  	v5 =	vld [tilespmem:s1+$0x10]  }
0x3e1: {  	v17 =	vld [tilespmem:s14+$0x10];
	_ =	sdelay $0x4  }
0x3e2: {  	v5 =	vmul.f32 v5, v3;
	v6 =	vmul.f32 v17, v4;
	_ =	sdelay $0x1  }
0x3e3: {  	v5 =	vadd.f32 v6, v5  }
0x3e4: {  	s10 =	sadd.s32 $0x13080, s9  }
0x3e5: {  	[tilespmem:s10+$0x10] =	vst v5  }
0x3e6: {  	v5 =	vld [tilespmem:s1+$0x20]  }
0x3e7: {  	v18 =	vld [tilespmem:s14+$0x20];
	_ =	sdelay $0x4  }
0x3e8: {  	v5 =	vmul.f32 v5, v3;
	v6 =	vmul.f32 v18, v4;
	_ =	sdelay $0x1  }
0x3e9: {  	v5 =	vadd.f32 v6, v5;
	_ =	sdelay $0x1  }
0x3ea: {  	[tilespmem:s10+$0x20] =	vst v5  }
0x3eb: {  	v5 =	vld [tilespmem:s1+$0x30]  }
0x3ec: {  	v19 =	vld [tilespmem:s14+$0x30];
	_ =	sdelay $0x4  }
0x3ed: {  	v5 =	vmul.f32 v5, v3;
	v6 =	vmul.f32 v19, v4;
	_ =	sdelay $0x1  }
0x3ee: {  	v5 =	vadd.f32 v6, v5;
	_ =	sdelay $0x1  }
0x3ef: {  	[tilespmem:s10+$0x30] =	vst v5  }
0x3f0: {  	v5 =	vld [tilespmem:s1+$0x40]  }
0x3f1: {  	v20 =	vld [tilespmem:s14+$0x40];
	_ =	sdelay $0x4  }
0x3f2: {  	v5 =	vmul.f32 v5, v3;
	v6 =	vmul.f32 v20, v4;
	_ =	sdelay $0x1  }
0x3f3: {  	v5 =	vadd.f32 v6, v5;
	_ =	sdelay $0x1  }
0x3f4: {  	[tilespmem:s10+$0x40] =	vst v5  }
0x3f5: {  	v5 =	vld [tilespmem:s1+$0x50]  }
0x3f6: {  	v21 =	vld [tilespmem:s14+$0x50];
	_ =	sdelay $0x4  }
0x3f7: {  	v5 =	vmul.f32 v5, v3;
	v6 =	vmul.f32 v21, v4;
	_ =	sdelay $0x1  }
0x3f8: {  	v5 =	vadd.f32 v6, v5;
	_ =	sdelay $0x1  }
0x3f9: {  	[tilespmem:s10+$0x50] =	vst v5  }
0x3fa: {  	v5 =	vld [tilespmem:s1+$0x60]  }
0x3fb: {  	v22 =	vld [tilespmem:s14+$0x60];
	_ =	sdelay $0x4  }
0x3fc: {  	v5 =	vmul.f32 v5, v3;
	v6 =	vmul.f32 v22, v4;
	_ =	sdelay $0x1  }
0x3fd: {  	v5 =	vadd.f32 v6, v5;
	_ =	sdelay $0x1  }
0x3fe: {  	[tilespmem:s10+$0x60] =	vst v5  }
0x3ff: {  	v5 =	vld [tilespmem:s1+$0x70]  }
0x400: {  	v23 =	vld [tilespmem:s14+$0x70];
	_ =	sdelay $0x4  }
0x401: {  	v5 =	vmul.f32 v5, v3;
	v6 =	vmul.f32 v23, v4;
	_ =	sdelay $0x1  }
0x402: {  	v5 =	vadd.f32 v6, v5;
	_ =	sdelay $0x1  }
0x403: {  	[tilespmem:s10+$0x70] =	vst v5  }
0x404: {  	v5 =	vld [tilespmem:s1+$0x400]  }
0x405: {  	v24 =	vld [tilespmem:s14+$0x400];
	_ =	sdelay $0x4  }
0x406: {  	v5 =	vmul.f32 v5, v3;
	v6 =	vmul.f32 v24, v4;
	_ =	sdelay $0x1  }
0x407: {  	v5 =	vadd.f32 v6, v5;
	_ =	sdelay $0x1  }
0x408: {  	[tilespmem:s10+$0x400] =	vst v5  }
0x409: {  	v5 =	vld [tilespmem:s1+$0x410]  }
0x40a: {  	v25 =	vld [tilespmem:s14+$0x410];
	_ =	sdelay $0x4  }
0x40b: {  	v5 =	vmul.f32 v5, v3;
	v6 =	vmul.f32 v25, v4;
	_ =	sdelay $0x1  }
0x40c: {  	v5 =	vadd.f32 v6, v5;
	_ =	sdelay $0x1  }
0x40d: {  	[tilespmem:s10+$0x410] =	vst v5  }
0x40e: {  	v5 =	vld [tilespmem:s1+$0x420]  }
0x40f: {  	v26 =	vld [tilespmem:s14+$0x420];
	_ =	sdelay $0x4  }
0x410: {  	v5 =	vmul.f32 v5, v3;
	v6 =	vmul.f32 v26, v4;
	_ =	sdelay $0x1  }
0x411: {  	v5 =	vadd.f32 v6, v5;
	_ =	sdelay $0x1  }
0x412: {  	[tilespmem:s10+$0x420] =	vst v5  }
0x413: {  	v5 =	vld [tilespmem:s1+$0x430]  }
0x414: {  	v27 =	vld [tilespmem:s14+$0x430];
	_ =	sdelay $0x4  }
0x415: {  	v5 =	vmul.f32 v5, v3;
	v6 =	vmul.f32 v27, v4;
	_ =	sdelay $0x1  }
0x416: {  	v5 =	vadd.f32 v6, v5;
	_ =	sdelay $0x1  }
0x417: {  	[tilespmem:s10+$0x430] =	vst v5  }
0x418: {  	v5 =	vld [tilespmem:s1+$0x440]  }
0x419: {  	v28 =	vld [tilespmem:s14+$0x440];
	_ =	sdelay $0x4  }
0x41a: {  	v5 =	vmul.f32 v5, v3;
	v6 =	vmul.f32 v28, v4;
	_ =	sdelay $0x1  }
0x41b: {  	v5 =	vadd.f32 v6, v5;
	_ =	sdelay $0x1  }
0x41c: {  	[tilespmem:s10+$0x440] =	vst v5  }
0x41d: {  	v5 =	vld [tilespmem:s1+$0x450]  }
0x41e: {  	v29 =	vld [tilespmem:s14+$0x450];
	_ =	sdelay $0x4  }
0x41f: {  	v5 =	vmul.f32 v5, v3;
	v6 =	vmul.f32 v29, v4;
	_ =	sdelay $0x1  }
0x420: {  	v5 =	vadd.f32 v6, v5;
	_ =	sdelay $0x1  }
0x421: {  	[tilespmem:s10+$0x450] =	vst v5  }
0x422: {  	v5 =	vld [tilespmem:s1+$0x460]  }
0x423: {  	v30 =	vld [tilespmem:s14+$0x460];
	_ =	sdelay $0x4  }
0x424: {  	v5 =	vmul.f32 v5, v3;
	v6 =	vmul.f32 v30, v4;
	_ =	sdelay $0x1  }
0x425: {  	v5 =	vadd.f32 v6, v5;
	_ =	sdelay $0x1  }
0x426: {  	[tilespmem:s10+$0x460] =	vst v5  }
0x427: {  	v5 =	vld [tilespmem:s1+$0x470]  }
0x428: {  	v31 =	vld [tilespmem:s14+$0x470];
	_ =	sdelay $0x4  }
0x429: {  	v5 =	vmul.f32 v5, v3;
	v6 =	vmul.f32 v31, v4;
	_ =	sdelay $0x1  }
0x42a: {  	v5 =	vadd.f32 v6, v5  }
0x42b: {  	s14 =	sadd.s32 $0xA880, s31  }
0x42c: {  	[tilespmem:s10+$0x470] =	vst v5;
	s10 =	sor.u32 s30, s14  }
0x42d: {  	s1 =	sadd.s32 s0, s14;
	v5 =	vld [tilespmem:s10+$0x0]  }
0x42e: {  	v32 =	vld [tilespmem:s1+$0x0];
	_ =	sdelay $0x4  }
0x42f: {  	v5 =	vmul.f32 v5, v3;
	v6 =	vmul.f32 v32, v4;
	_ =	sdelay $0x1  }
0x430: {  	v5 =	vadd.f32 v6, v5;
	_ =	sdelay $0x1  }
0x431: {  	[tilespmem:s9+$0x13880] =	vst v5  }
0x432: {  	v5 =	vld [tilespmem:s10+$0x10]  }
0x433: {  	v33 =	vld [tilespmem:s1+$0x10];
	_ =	sdelay $0x4  }
0x434: {  	v5 =	vmul.f32 v5, v3;
	v6 =	vmul.f32 v33, v4;
	_ =	sdelay $0x1  }
0x435: {  	v5 =	vadd.f32 v6, v5  }
0x436: {  	s14 =	sadd.s32 $0x13880, s9  }
0x437: {  	[tilespmem:s14+$0x10] =	vst v5  }
0x438: {  	v5 =	vld [tilespmem:s10+$0x20]  }
0x439: {  	v34 =	vld [tilespmem:s1+$0x20];
	_ =	sdelay $0x4  }
0x43a: {  	v5 =	vmul.f32 v5, v3;
	v6 =	vmul.f32 v34, v4;
	_ =	sdelay $0x1  }
0x43b: {  	v5 =	vadd.f32 v6, v5;
	_ =	sdelay $0x1  }
0x43c: {  	[tilespmem:s14+$0x20] =	vst v5  }
0x43d: {  	v5 =	vld [tilespmem:s10+$0x30]  }
0x43e: {  	v35 =	vld [tilespmem:s1+$0x30];
	_ =	sdelay $0x4  }
0x43f: {  	v5 =	vmul.f32 v5, v3;
	v6 =	vmul.f32 v35, v4;
	_ =	sdelay $0x1  }
0x440: {  	v5 =	vadd.f32 v6, v5;
	_ =	sdelay $0x1  }
0x441: {  	[tilespmem:s14+$0x30] =	vst v5  }
0x442: {  	v5 =	vld [tilespmem:s10+$0x40]  }
0x443: {  	v36 =	vld [tilespmem:s1+$0x40];
	_ =	sdelay $0x4  }
0x444: {  	v5 =	vmul.f32 v5, v3;
	v6 =	vmul.f32 v36, v4;
	_ =	sdelay $0x1  }
0x445: {  	v5 =	vadd.f32 v6, v5;
	_ =	sdelay $0x1  }
0x446: {  	[tilespmem:s14+$0x40] =	vst v5  }
0x447: {  	v5 =	vld [tilespmem:s10+$0x50]  }
0x448: {  	v37 =	vld [tilespmem:s1+$0x50];
	_ =	sdelay $0x4  }
0x449: {  	v5 =	vmul.f32 v5, v3;
	v6 =	vmul.f32 v37, v4;
	_ =	sdelay $0x1  }
0x44a: {  	v5 =	vadd.f32 v6, v5;
	_ =	sdelay $0x1  }
0x44b: {  	[tilespmem:s14+$0x50] =	vst v5  }
0x44c: {  	v5 =	vld [tilespmem:s10+$0x60]  }
0x44d: {  	v38 =	vld [tilespmem:s1+$0x60];
	_ =	sdelay $0x4  }
0x44e: {  	v5 =	vmul.f32 v5, v3;
	v6 =	vmul.f32 v38, v4;
	_ =	sdelay $0x1  }
0x44f: {  	v5 =	vadd.f32 v6, v5;
	_ =	sdelay $0x1  }
0x450: {  	[tilespmem:s14+$0x60] =	vst v5  }
0x451: {  	v5 =	vld [tilespmem:s10+$0x70]  }
0x452: {  	v39 =	vld [tilespmem:s1+$0x70];
	_ =	sdelay $0x4  }
0x453: {  	v5 =	vmul.f32 v5, v3;
	v6 =	vmul.f32 v39, v4;
	_ =	sdelay $0x1  }
0x454: {  	v5 =	vadd.f32 v6, v5  }
0x455: {  	s1 =	sadd.s32 $0xAC80, s31  }
0x456: {  	s10 =	sor.u32 s30, s1;
	[tilespmem:s14+$0x70] =	vst v5  }
0x457: {  	s1 =	sadd.s32 s0, s1;
	v5 =	vld [tilespmem:s10+$0x0]  }
0x458: {  	v40 =	vld [tilespmem:s1+$0x0];
	_ =	sdelay $0x4  }
0x459: {  	v5 =	vmul.f32 v5, v3;
	v6 =	vmul.f32 v40, v4;
	_ =	sdelay $0x1  }
0x45a: {  	v5 =	vadd.f32 v6, v5;
	_ =	sdelay $0x1  }
0x45b: {  	[tilespmem:s9+$0x13C80] =	vst v5  }
0x45c: {  	v5 =	vld [tilespmem:s10+$0x10]  }
0x45d: {  	v41 =	vld [tilespmem:s1+$0x10];
	_ =	sdelay $0x4  }
0x45e: {  	v5 =	vmul.f32 v5, v3;
	v6 =	vmul.f32 v41, v4;
	_ =	sdelay $0x1  }
0x45f: {  	v5 =	vadd.f32 v6, v5  }
0x460: {  	s14 =	sadd.s32 $0x13C80, s9  }
0x461: {  	[tilespmem:s14+$0x10] =	vst v5  }
0x462: {  	v5 =	vld [tilespmem:s10+$0x20]  }
0x463: {  	v42 =	vld [tilespmem:s1+$0x20];
	_ =	sdelay $0x4  }
0x464: {  	v5 =	vmul.f32 v5, v3;
	v6 =	vmul.f32 v42, v4;
	_ =	sdelay $0x1  }
0x465: {  	v5 =	vadd.f32 v6, v5;
	_ =	sdelay $0x1  }
0x466: {  	[tilespmem:s14+$0x20] =	vst v5  }
0x467: {  	v5 =	vld [tilespmem:s10+$0x30]  }
0x468: {  	v43 =	vld [tilespmem:s1+$0x30];
	_ =	sdelay $0x4  }
0x469: {  	v5 =	vmul.f32 v5, v3;
	v6 =	vmul.f32 v43, v4;
	_ =	sdelay $0x1  }
0x46a: {  	v5 =	vadd.f32 v6, v5;
	_ =	sdelay $0x1  }
0x46b: {  	[tilespmem:s14+$0x30] =	vst v5  }
0x46c: {  	v5 =	vld [tilespmem:s10+$0x40]  }
0x46d: {  	v44 =	vld [tilespmem:s1+$0x40];
	_ =	sdelay $0x4  }
0x46e: {  	v5 =	vmul.f32 v5, v3;
	v6 =	vmul.f32 v44, v4;
	_ =	sdelay $0x1  }
0x46f: {  	v5 =	vadd.f32 v6, v5;
	_ =	sdelay $0x1  }
0x470: {  	[tilespmem:s14+$0x40] =	vst v5  }
0x471: {  	v5 =	vld [tilespmem:s10+$0x50]  }
0x472: {  	v45 =	vld [tilespmem:s1+$0x50];
	_ =	sdelay $0x4  }
0x473: {  	v5 =	vmul.f32 v5, v3;
	v6 =	vmul.f32 v45, v4;
	_ =	sdelay $0x1  }
0x474: {  	v5 =	vadd.f32 v6, v5;
	_ =	sdelay $0x1  }
0x475: {  	[tilespmem:s14+$0x50] =	vst v5  }
0x476: {  	v5 =	vld [tilespmem:s10+$0x60]  }
0x477: {  	v46 =	vld [tilespmem:s1+$0x60];
	_ =	sdelay $0x4  }
0x478: {  	v5 =	vmul.f32 v5, v3;
	v6 =	vmul.f32 v46, v4;
	_ =	sdelay $0x1  }
0x479: {  	v5 =	vadd.f32 v6, v5;
	_ =	sdelay $0x1  }
0x47a: {  	[tilespmem:s14+$0x60] =	vst v5  }
0x47b: {  	v5 =	vld [tilespmem:s10+$0x70]  }
0x47c: {  	v47 =	vld [tilespmem:s1+$0x70];
	_ =	sdelay $0x4  }
0x47d: {  	v5 =	vmul.f32 v5, v3;
	v6 =	vmul.f32 v47, v4;
	_ =	sdelay $0x1  }
0x47e: {  	v5 =	vadd.f32 v6, v5  }
0x47f: {  	s1 =	sadd.s32 $0xB080, s31  }
0x480: {  	s10 =	sor.u32 s30, s1;
	[tilespmem:s14+$0x70] =	vst v5  }
0x481: {  	s1 =	sadd.s32 s0, s1;
	v5 =	vld [tilespmem:s10+$0x0]  }
0x482: {  	v48 =	vld [tilespmem:s1+$0x0];
	_ =	sdelay $0x4  }
0x483: {  	v5 =	vmul.f32 v5, v3;
	v6 =	vmul.f32 v48, v4;
	_ =	sdelay $0x1  }
0x484: {  	v5 =	vadd.f32 v6, v5;
	_ =	sdelay $0x1  }
0x485: {  	[tilespmem:s9+$0x14080] =	vst v5  }
0x486: {  	v5 =	vld [tilespmem:s10+$0x10]  }
0x487: {  	v49 =	vld [tilespmem:s1+$0x10];
	_ =	sdelay $0x4  }
0x488: {  	v5 =	vmul.f32 v5, v3;
	v6 =	vmul.f32 v49, v4;
	_ =	sdelay $0x1  }
0x489: {  	v5 =	vadd.f32 v6, v5  }
0x48a: {  	s14 =	sadd.s32 $0x14080, s9  }
0x48b: {  	[tilespmem:s14+$0x10] =	vst v5  }
0x48c: {  	v5 =	vld [tilespmem:s10+$0x20]  }
0x48d: {  	v50 =	vld [tilespmem:s1+$0x20];
	_ =	sdelay $0x4  }
0x48e: {  	v5 =	vmul.f32 v5, v3;
	v6 =	vmul.f32 v50, v4;
	_ =	sdelay $0x1  }
0x48f: {  	v5 =	vadd.f32 v6, v5;
	_ =	sdelay $0x1  }
0x490: {  	[tilespmem:s14+$0x20] =	vst v5  }
0x491: {  	v5 =	vld [tilespmem:s10+$0x30]  }
0x492: {  	v51 =	vld [tilespmem:s1+$0x30];
	_ =	sdelay $0x4  }
0x493: {  	v5 =	vmul.f32 v5, v3;
	v6 =	vmul.f32 v51, v4;
	_ =	sdelay $0x1  }
0x494: {  	v5 =	vadd.f32 v6, v5;
	_ =	sdelay $0x1  }
0x495: {  	[tilespmem:s14+$0x30] =	vst v5  }
0x496: {  	v5 =	vld [tilespmem:s10+$0x40]  }
0x497: {  	v52 =	vld [tilespmem:s1+$0x40];
	_ =	sdelay $0x4  }
0x498: {  	v5 =	vmul.f32 v5, v3;
	v6 =	vmul.f32 v52, v4;
	_ =	sdelay $0x1  }
0x499: {  	v5 =	vadd.f32 v6, v5;
	_ =	sdelay $0x1  }
0x49a: {  	[tilespmem:s14+$0x40] =	vst v5  }
0x49b: {  	v5 =	vld [tilespmem:s10+$0x50]  }
0x49c: {  	v53 =	vld [tilespmem:s1+$0x50];
	_ =	sdelay $0x4  }
0x49d: {  	v5 =	vmul.f32 v5, v3;
	v6 =	vmul.f32 v53, v4;
	_ =	sdelay $0x1  }
0x49e: {  	v5 =	vadd.f32 v6, v5;
	_ =	sdelay $0x1  }
0x49f: {  	[tilespmem:s14+$0x50] =	vst v5  }
0x4a0: {  	v5 =	vld [tilespmem:s10+$0x60]  }
0x4a1: {  	v54 =	vld [tilespmem:s1+$0x60];
	_ =	sdelay $0x4  }
0x4a2: {  	v5 =	vmul.f32 v5, v3;
	v6 =	vmul.f32 v54, v4;
	_ =	sdelay $0x1  }
0x4a3: {  	v5 =	vadd.f32 v6, v5;
	_ =	sdelay $0x1  }
0x4a4: {  	[tilespmem:s14+$0x60] =	vst v5  }
0x4a5: {  	v5 =	vld [tilespmem:s10+$0x70]  }
0x4a6: {  	v55 =	vld [tilespmem:s1+$0x70];
	_ =	sdelay $0x4  }
0x4a7: {  	v5 =	vmul.f32 v5, v3;
	v6 =	vmul.f32 v55, v4;
	_ =	sdelay $0x1  }
0x4a8: {  	v5 =	vadd.f32 v6, v5  }
0x4a9: {  	s10 =	sadd.s32 $0xB480, s31  }
0x4aa: {  	s30 =	sor.u32 s30, s10;
	[tilespmem:s14+$0x70] =	vst v5  }
0x4ab: {  	s0 =	sadd.s32 s0, s10;
	v5 =	vld [tilespmem:s30+$0x0]  }
0x4ac: {  	v56 =	vld [tilespmem:s0+$0x0];
	_ =	sdelay $0x4  }
0x4ad: {  	v5 =	vmul.f32 v5, v3;
	v6 =	vmul.f32 v56, v4;
	_ =	sdelay $0x1  }
0x4ae: {  	v5 =	vadd.f32 v6, v5;
	_ =	sdelay $0x1  }
0x4af: {  	[tilespmem:s9+$0x14480] =	vst v5  }
0x4b0: {  	v5 =	vld [tilespmem:s30+$0x10]  }
0x4b1: {  	v57 =	vld [tilespmem:s0+$0x10];
	_ =	sdelay $0x4  }
0x4b2: {  	v5 =	vmul.f32 v5, v3;
	v6 =	vmul.f32 v57, v4;
	_ =	sdelay $0x1  }
0x4b3: {  	v5 =	vadd.f32 v6, v5  }
0x4b4: {  	s31 =	sadd.s32 $0x14480, s9  }
0x4b5: {  	[tilespmem:s31+$0x10] =	vst v5  }
0x4b6: {  	v5 =	vld [tilespmem:s30+$0x20]  }
0x4b7: {  	v58 =	vld [tilespmem:s0+$0x20];
	_ =	sdelay $0x4  }
0x4b8: {  	v5 =	vmul.f32 v5, v3;
	v6 =	vmul.f32 v58, v4;
	_ =	sdelay $0x1  }
0x4b9: {  	v5 =	vadd.f32 v6, v5;
	_ =	sdelay $0x1  }
0x4ba: {  	[tilespmem:s31+$0x20] =	vst v5  }
0x4bb: {  	v5 =	vld [tilespmem:s30+$0x30]  }
0x4bc: {  	v59 =	vld [tilespmem:s0+$0x30];
	_ =	sdelay $0x4  }
0x4bd: {  	v5 =	vmul.f32 v5, v3;
	v6 =	vmul.f32 v59, v4;
	_ =	sdelay $0x1  }
0x4be: {  	v5 =	vadd.f32 v6, v5;
	_ =	sdelay $0x1  }
0x4bf: {  	[tilespmem:s31+$0x30] =	vst v5  }
0x4c0: {  	v5 =	vld [tilespmem:s30+$0x40]  }
0x4c1: {  	v60 =	vld [tilespmem:s0+$0x40];
	_ =	sdelay $0x4  }
0x4c2: {  	v5 =	vmul.f32 v5, v3;
	v6 =	vmul.f32 v60, v4;
	_ =	sdelay $0x1  }
0x4c3: {  	v5 =	vadd.f32 v6, v5;
	_ =	sdelay $0x1  }
0x4c4: {  	[tilespmem:s31+$0x40] =	vst v5  }
0x4c5: {  	v5 =	vld [tilespmem:s30+$0x50]  }
0x4c6: {  	v61 =	vld [tilespmem:s0+$0x50];
	_ =	sdelay $0x4  }
0x4c7: {  	v5 =	vmul.f32 v5, v3;
	v6 =	vmul.f32 v61, v4;
	_ =	sdelay $0x1  }
0x4c8: {  	v5 =	vadd.f32 v6, v5;
	_ =	sdelay $0x1  }
0x4c9: {  	[tilespmem:s31+$0x50] =	vst v5  }
0x4ca: {  	v5 =	vld [tilespmem:s30+$0x60]  }
0x4cb: {  	v62 =	vld [tilespmem:s0+$0x60];
	_ =	sdelay $0x4  }
0x4cc: {  	v5 =	vmul.f32 v5, v3;
	v6 =	vmul.f32 v62, v4;
	_ =	sdelay $0x1  }
0x4cd: {  	v5 =	vadd.f32 v6, v5;
	_ =	sdelay $0x1  }
0x4ce: {  	[tilespmem:s31+$0x60] =	vst v5  }
0x4cf: {  	v5 =	vld [tilespmem:s30+$0x70]  }
0x4d0: {  	v63 =	vld [tilespmem:s0+$0x70];
	_ =	sdelay $0x3  }
0x4d1: {  	p0 =	sne.s32 s29, $0xF  }
.Ltmp3:
0x4d2: {  	v3 =	vmul.f32 v5, v3;
	v4 =	vmul.f32 v63, v4;
	(pc) =	sbr.rel @p0 .LBB2_8-.Ltmp3, $4  }
0x4d3: {  	_ = 	snop  }
0x4d4: {  	v3 =	vadd.f32 v4, v3  }
0x4d5: {  	s26 =	sadd.s32 $0x100, s26  }
0x4d6: {  	s5 =	sadd.s32 $0x100, s5;
	s29 =	sadd.s32 $0x1, s29;
	s28 =	sadd.s32 $0x80, s28;
	[tilespmem:s31+$0x70] =	vst v3  }
0x4d7: {  	[hbm4b:s11+s2] =	stream.linear.scatter [tilespmem:s23], [sflag:$0x4], $0x3000, $0x38;
	[tilespmem:$0x16080] =	vst v63  }
0x4d8: {  	s4 =	sadd.s32 $0x1, s4  }
0x4d9: {  	_ =	swait.ge [sflag:s24], $0x3000;
	p0 =	sne.s32 s4, s12  }
.Ltmp4:
0x4da: {  	[sflag:s24] =	ssyncset.done $0x0;
	(pc) =	sbr.rel @p0 .LBB2_1-.Ltmp4, $4  }
0x4db: {  	[sflag:s24] =	ssyncadd.s32 $0xFFFFD000  }
0x4dc: {  	_ =	swait.ge [sflag:s25], $0x3000  }
0x4dd: {  	[sflag:s25] =	ssyncset.done $0x0  }
0x4de: {  	[sflag:s25] =	ssyncadd.s32 $0xFFFFD000  }
0x4df: {  	_ =	sfence.sel $0x180000  }
0x4e0: {  	[bflag:$0x0] =	sbarrier.arrive $0xFFFF  }
0x4e1: {  	_ =	strace $0x9000004A  }
0x4e2: {  	s0 =	stileid.u32;
	[bflag:$0x2] =	sbarrier.arrive $0xFFFF  }
0x4e3: {  	p0 =	sne.s32 s0, $0x0;
	s0 =	rddreg [dreg:$0x2]  }
0x4e4: {  	s0 =	sadd.s32 @!p0 $0x100000, s0  }
0x4e5: {  	[sflag:s0] =	ssyncadd.tile.s32 @!p0 $0x1;
	_ =	shalt  }
.Lfunc_end2:
_tile_overlayer_lowered:
.L_overlay_start_2:
0x4e6: {  	(tag) =	ssettag $0x2  }
0x4e7: {  	s0 =	rddreg [dreg:$0x0];
	s2 =	stileid.u32  }
0x4e8: {  	s1 =	rddreg [dreg:$0x1];
	p0 =	sne.s32 s2, $0x0  }
0x4e9: {  	s3 =	rddreg [dreg:$0x2];
	[bflag:$0x3] =	sbarrier.arrive $0xFFFF;
	s2 =	simm.s32 @!p0 $0x1C05  }
0x4ea: {  	[timem:s3], [sflag:s2] =	dma.local @!p0 [hbm:s0], s1  }
0x4eb: {  	s0 =	simm.s32 @!p0 $0x5  }
0x4ec: {  	_ =	swait.ge @!p0 [sflag:s0], s1  }
0x4ed: {  	s1 =	ssub.s32 @!p0 $0x0, s1;
	[sflag:s0] =	ssyncset.done @!p0 $0x0  }
0x4ee: {  	[sflag:s0] =	ssyncadd.s32 @!p0 s1  }
0x4ef: {  	[bflag:$0x3] =	sbarrier.arrive $0xFFFF  }
0x4f0: {  	_ =	shalt  }

</sc_bundles>
